<compile_context>
chip_gen: v7x
topology: tpu7x:2x2x1
jax: 0.10.2.dev20260603
libtpu: 0.0.44.dev20260713+nightly
codegen_flags: <defaults>
</compile_context>

<pallas_src>
import functools

import jax
import jax.numpy as jnp
from jax import lax
from jax.experimental import pallas as pl
from jax.experimental.pallas import tpu as pltpu
from jax.experimental.pallas import tpu_sc as plsc

NSEG = 500
NC = 2
NS = 16
NW = NC * NS
LANES = 16
SEG_PT = 16

N_TOTAL = 6400000
CHUNK = 40000
NSAMP = 1280
SSTRIDE = N_TOTAL // NSAMP
WWIN = 336
UNROLL = 8


def _make_sc_kernel():
  mesh = plsc.VectorSubcoreMesh(core_axis_name="c", subcore_axis_name="s")

  @functools.partial(
      pl.kernel,
      out_type=jax.ShapeDtypeStruct((NW, SEG_PT), jnp.float32),
      mesh=mesh,
      compiler_params=pltpu.CompilerParams(needs_layout_passes=False),
      scratch_types=[
          pltpu.VMEM((CHUNK,), jnp.float32),
          pltpu.VMEM((CHUNK,), jnp.float32),
          pltpu.VMEM((NSAMP,), jnp.int32),
          pltpu.VMEM((NSAMP,), jnp.int32),
          pltpu.VMEM((256,), jnp.int32),
          pltpu.VMEM((256,), jnp.int32),
          pltpu.VMEM((17 * WWIN,), jnp.int32),
          pltpu.VMEM((SEG_PT * LANES,), jnp.float32),
          pltpu.VMEM((SEG_PT,), jnp.float32),
          pltpu.SemaphoreType.DMA,
          pltpu.SemaphoreType.DMA,
          pltpu.SemaphoreType.DMA,
      ],
  )
  def seg_sum(in_hbm, lab_hbm, out_hbm, in0, in1, idxw, sbuf, pidx, pg,
              wbuf, acc, part, sem0, sem1, gsem):
    cid = lax.axis_index("c")
    sid = lax.axis_index("s")
    wid = sid * NC + cid
    lane = lax.iota(jnp.int32, LANES)
    zf = jnp.zeros((LANES,), jnp.float32)

    for s in range(SEG_PT):
      acc[pl.ds(s * LANES, LANES)] = zf

    c_a = wid * SEG_PT + lane
    c_b = jnp.full((LANES,), wid * SEG_PT + SEG_PT, jnp.int32)

    def widx_body(i, carry):
      idxw[pl.ds(i * LANES, LANES)] = (i * LANES + lane) * SSTRIDE
      return carry

    lax.fori_loop(0, NSAMP // LANES, widx_body, 0)
    whs = []
    for j in range(NSAMP // 128):
      whs.append(pltpu.async_copy(
          lab_hbm.at[idxw.at[pl.ds(j * 128, 128)]],
          sbuf.at[pl.ds(j * 128, 128)], gsem))
    for h in whs:
      h.wait()

    def sbin_body(r, carry):
      lo_a, hi_a, lo_b, hi_b = carry

      def step(lo, hi, c):
        mid = (lo + hi) // 2
        sv = plsc.load_gather(sbuf, [jnp.minimum(mid, NSAMP - 1)])
        sel = sv < c
        return jnp.where(sel, mid + 1, lo), jnp.where(sel, hi, mid)

      lo_a, hi_a = step(lo_a, hi_a, c_a)
      lo_b, hi_b = step(lo_b, hi_b, c_b)
      return lo_a, hi_a, lo_b, hi_b

    zi = jnp.zeros((LANES,), jnp.int32)
    mi = jnp.full((LANES,), NSAMP, jnp.int32)
    k_a, _, k_b, _ = lax.fori_loop(0, 11, sbin_body, (zi, mi, zi, mi))
    blo_a = jnp.maximum(k_a - 1, 0) * SSTRIDE
    bhi_a = jnp.minimum(k_a * SSTRIDE, N_TOTAL)
    blo_b = jnp.maximum(k_b - 1, 0) * SSTRIDE
    bhi_b = jnp.minimum(k_b * SSTRIDE, N_TOTAL)

    w_a = bhi_a - blo_a
    w_b = bhi_b - blo_b
    for k in range(1, 16):
      p_a = blo_a + (w_a * k) // 16
      pidx[pl.ds((k - 1) * LANES, LANES)] = jnp.minimum(p_a, N_TOTAL - 1)
    p_b = blo_b + (w_b * (lane + 1)) // 16
    pidx[pl.ds(240, LANES)] = jnp.minimum(p_b, N_TOTAL - 1)
    h1 = pltpu.async_copy(lab_hbm.at[pidx.at[pl.ds(0, 128)]],
                          pg.at[pl.ds(0, 128)], gsem)
    h2 = pltpu.async_copy(lab_hbm.at[pidx.at[pl.ds(128, 128)]],
                          pg.at[pl.ds(128, 128)], gsem)
    h1.wait()
    h2.wait()
    cnt_a = jnp.zeros((LANES,), jnp.int32)
    for k in range(1, 16):
      cnt_a += jnp.where(pg[pl.ds((k - 1) * LANES, LANES)] < c_a, 1, 0)
    selb = (pg[pl.ds(240, LANES)] < c_b) & (lane < 15)
    cnt_b = plsc.all_reduce_population_count(selb)

    def upd16(lo, hi, w, cnt):
      nlo = jnp.where(cnt == 0, lo, lo + (w * cnt) // 16 + 1)
      nhi = jnp.where(cnt == 15, hi, lo + (w * (cnt + 1)) // 16)
      return jnp.where(w > 0, nlo, lo), jnp.where(w > 0, nhi, hi)

    blo_a, bhi_a = upd16(blo_a, bhi_a, w_a, cnt_a)
    blo_b, bhi_b = upd16(blo_b, bhi_b, w_b, cnt_b)

    flo_a = jnp.minimum((blo_a // 8) * 8, N_TOTAL - WWIN)
    flo_b = jnp.minimum((blo_b // 8) * 8, N_TOTAL - WWIN)
    whs = []
    for t in range(16):
      whs.append(pltpu.async_copy(
          lab_hbm.at[pl.ds(pl.multiple_of(flo_a[t], 8), WWIN)],
          wbuf.at[pl.ds(t * WWIN, WWIN)], gsem))
    whs.append(pltpu.async_copy(
        lab_hbm.at[pl.ds(pl.multiple_of(flo_b[0], 8), WWIN)],
        wbuf.at[pl.ds(16 * WWIN, WWIN)], gsem))
    for h in whs:
      h.wait()

    def wcount(t, c_scalar):
      cv = jnp.full((LANES,), c_scalar, jnp.int32)

      def cbody(i, cnt):
        sv = wbuf[pl.ds(t * WWIN + i * LANES, LANES)]
        return cnt + jnp.where(sv < cv, 1, 0)

      cnt = lax.fori_loop(0, WWIN // LANES, cbody, zi)
      return jnp.sum(cnt)

    b_list = []
    for t in range(16):
      b_list.append(flo_a[t] + wcount(t, wid * SEG_PT + t))
    b_end = flo_b[0] + wcount(16, wid * SEG_PT + SEG_PT)

    bn = jnp.where(lane == 15, b_end, 0)
    for t in range(1, 16):
      bn = bn + jnp.where(lane == t - 1, b_list[t], 0)
    estart = b_list[0]
    eend = b_end

    astart = (estart // LANES) * LANES
    aend = jnp.minimum(((eend + LANES - 1) // LANES) * LANES, N_TOTAL)
    nch = (aend - astart + CHUNK - 1) // CHUNK

    bufs = ((in0, sem0), (in1, sem1))

    def cstart(k, sl):
      buf, sem = bufs[sl]
      off = jnp.minimum(astart + k * CHUNK, N_TOTAL - CHUNK)
      pltpu.async_copy(in_hbm.at[pl.ds(off, CHUNK)], buf, sem)

    def cdrain(sl):
      buf, sem = bufs[sl]
      pltpu.make_async_copy(in_hbm.at[pl.ds(0, CHUNK)], buf, sem).wait()

    @pl.when(nch > 0)
    def _():
      cstart(0, 0)

    @pl.when(nch > 1)
    def _():
      cstart(1, 1)

    def process(k, sl):
      buf, _ = bufs[sl]
      plo = astart + k * CHUNK
      chunk_lo = jnp.minimum(plo, N_TOTAL - CHUNK)
      pend = jnp.minimum(plo + CHUNK, eend)
      pos0 = jnp.maximum(estart, plo)

      def run_cond(pos):
        return pos < pend

      def run_body(pos):
        s = plsc.all_reduce_population_count(bn <= pos)[0]
        rend = jnp.minimum(jnp.min(jnp.where(bn > pos, bn, N_TOTAL)), pend)
        arow = acc.at[pl.ds(s * LANES, LANES)]
        q0 = pos - chunk_lo
        q1 = rend - chunk_lo
        hbase = (q0 // LANES) * LANES
        hpos = hbase + lane
        hm = (hpos >= q0) & (hpos < q1)
        plsc.addupdate(arow, jnp.where(hm, buf[pl.ds(hbase, LANES)], 0.0))
        m0 = hbase + LANES
        a1 = (q1 // LANES) * LANES

        @pl.when(m0 < a1)
        def _():
          @plsc.parallel_loop(m0 // LANES, a1 // LANES, unroll=UNROLL)
          def _(i):
            plsc.addupdate(arow, buf[pl.ds(i * LANES, LANES)])

        @pl.when((a1 < q1) & (a1 >= m0))
        def _():
          tm = (a1 + lane) < q1
          plsc.addupdate(arow, jnp.where(tm, buf[pl.ds(a1, LANES)], 0.0))

        return rend

      lax.while_loop(run_cond, run_body, pos0)

    def outer_cond(k):
      return k < nch

    def outer_body(k):
      cdrain(0)
      process(k, 0)

      @pl.when(k + 2 < nch)
      def _():
        cstart(k + 2, 0)

      @pl.when(k + 1 < nch)
      def _():
        cdrain(1)
        process(k + 1, 1)

      @pl.when(k + 3 < nch)
      def _():
        cstart(k + 3, 1)

      return k + 2

    lax.while_loop(outer_cond, outer_body, jnp.int32(0))

    tot = zf
    for s in range(SEG_PT):
      ts = jnp.sum(acc[pl.ds(s * LANES, LANES)])
      tot = tot + jnp.where(lane == s, ts, 0.0)
    part[...] = tot
    pltpu.sync_copy(part, out_hbm.at[wid])

  return seg_sum


_SEG_SUM = _make_sc_kernel()


@jax.jit
def kernel(inputs, labels):
  partials = _SEG_SUM(inputs, labels)
  return partials.reshape(-1)[:NSEG]

# --- scband reference (transcript-rebuilt; emitter-appended) ---
"""Pipeline reference for scband-model-geo-9053791060590 (READ-ONLY COPY).

The authoritative reference and input builder live on the scoring server;
editing this copy changes nothing except your own understanding.
"""

import jax, jax.numpy as jnp
import numpy as np

N = 6400000
C = 500

def setup_inputs(seed: int = 0) -> dict:
    key = jax.random.key(seed)
    k1, k2 = jax.random.split(key)
    inputs = jax.random.normal(k1, (N,), dtype=jnp.float32)
    labels = jnp.sort(jax.random.randint(k2, (N,), 0, C, dtype=jnp.int32))
    return {"inputs": inputs, "labels": labels}

def reference(inputs, labels):
    # Original TF: scatter_nd(inputs by (label, idx)) into (C, N) then reduce_sum over axis=1.
    # Mathematically identical to a segment-sum over the labels.
    out = jax.ops.segment_sum(inputs, labels, num_segments=C)
    return out

if __name__ == "__main__":
    import jax
    _d = setup_inputs()
    print(jax.jit(kernel)(*tuple(_d.values())))

</pallas_src>

<mosaic_0001>
#map = affine_map<(d0, d1) -> (0)>
#map1 = affine_map<(d0, d1) -> (0, 0)>
module attributes {stable_mosaic.version = 14 : i64} {
  func.func @seg_sum(%arg0: i32, %arg1: i32, %arg2: memref<6400000xf32, #tpu.memory_space<hbm>>, %arg3: memref<6400000xi32, #tpu.memory_space<hbm>>, %arg4: memref<32x16xf32, #tpu.memory_space<hbm>>, %arg5: memref<40000xf32, #tpu.memory_space<vmem>>, %arg6: memref<40000xf32, #tpu.memory_space<vmem>>, %arg7: memref<1280xi32, #tpu.memory_space<vmem>>, %arg8: memref<1280xi32, #tpu.memory_space<vmem>>, %arg9: memref<256xi32, #tpu.memory_space<vmem>>, %arg10: memref<256xi32, #tpu.memory_space<vmem>>, %arg11: memref<5712xi32, #tpu.memory_space<vmem>>, %arg12: memref<256xf32, #tpu.memory_space<vmem>>, %arg13: memref<16xf32, #tpu.memory_space<vmem>>, %arg14: memref<!tpu.dma_semaphore, #tpu.memory_space<semaphore_mem>>, %arg15: memref<!tpu.dma_semaphore, #tpu.memory_space<semaphore_mem>>, %arg16: memref<!tpu.dma_semaphore, #tpu.memory_space<semaphore_mem>>) attributes {dimension_semantics = [#tpu.dimension_semantics<core_parallel>, #tpu.dimension_semantics<subcore_parallel>], iteration_bounds = array<i64: 2, 16>, scalar_prefetch = 0 : i64, scratch_operands = 12 : i64, tpu.core_type = #tpu.core_type<sc_vector_subcore>, window_params = [{transform_indices = #map}, {transform_indices = #map}, {transform_indices = #map1}]} {
    %mul3A = arith.constant 2 : i32
    %mul3A_0 = arith.muli %arg1, %mul3A : i32
    %add3A = arith.addi %mul3A_0, %arg0 : i32
    %iota3A = tpu.iota {dimensions = array<i32: 0>} : vector<16xi32>
    %broadcast_in_dim3A = arith.constant 0.000000e+00 : f32
    %broadcast_in_dim3A_1 = vector.broadcast %broadcast_in_dim3A : f32 to vector<16xf32>
    %swap3A = arith.constant 0 : index
    %swap3A_2 = tpu.vector_load %arg12[%swap3A] {strides = array<i32>} : memref<256xf32, #tpu.memory_space<vmem>>, vector<16xf32>,
    tpu.vector_store %arg12[%swap3A], %broadcast_in_dim3A_1 {strides = array<i32>} : memref<256xf32, #tpu.memory_space<vmem>>, vector<16xf32>,
    %swap3A_3 = arith.constant 16 : index
    %swap3A_4 = tpu.vector_load %arg12[%swap3A_3] {strides = array<i32>} : memref<256xf32, #tpu.memory_space<vmem>>, vector<16xf32>,
    tpu.vector_store %arg12[%swap3A_3], %broadcast_in_dim3A_1 {strides = array<i32>} : memref<256xf32, #tpu.memory_space<vmem>>, vector<16xf32>,
    %swap3A_5 = arith.constant 32 : index
    %swap3A_6 = tpu.vector_load %arg12[%swap3A_5] {strides = array<i32>} : memref<256xf32, #tpu.memory_space<vmem>>, vector<16xf32>,
    tpu.vector_store %arg12[%swap3A_5], %broadcast_in_dim3A_1 {strides = array<i32>} : memref<256xf32, #tpu.memory_space<vmem>>, vector<16xf32>,
    %swap3A_7 = arith.constant 48 : index
    %swap3A_8 = tpu.vector_load %arg12[%swap3A_7] {strides = array<i32>} : memref<256xf32, #tpu.memory_space<vmem>>, vector<16xf32>,
    tpu.vector_store %arg12[%swap3A_7], %broadcast_in_dim3A_1 {strides = array<i32>} : memref<256xf32, #tpu.memory_space<vmem>>, vector<16xf32>,
    %swap3A_9 = arith.constant 64 : index
    %swap3A_10 = tpu.vector_load %arg12[%swap3A_9] {strides = array<i32>} : memref<256xf32, #tpu.memory_space<vmem>>, vector<16xf32>,
    tpu.vector_store %arg12[%swap3A_9], %broadcast_in_dim3A_1 {strides = array<i32>} : memref<256xf32, #tpu.memory_space<vmem>>, vector<16xf32>,
    %swap3A_11 = arith.constant 80 : index
    %swap3A_12 = tpu.vector_load %arg12[%swap3A_11] {strides = array<i32>} : memref<256xf32, #tpu.memory_space<vmem>>, vector<16xf32>,
    tpu.vector_store %arg12[%swap3A_11], %broadcast_in_dim3A_1 {strides = array<i32>} : memref<256xf32, #tpu.memory_space<vmem>>, vector<16xf32>,
    %swap3A_13 = arith.constant 96 : index
    %swap3A_14 = tpu.vector_load %arg12[%swap3A_13] {strides = array<i32>} : memref<256xf32, #tpu.memory_space<vmem>>, vector<16xf32>,
    tpu.vector_store %arg12[%swap3A_13], %broadcast_in_dim3A_1 {strides = array<i32>} : memref<256xf32, #tpu.memory_space<vmem>>, vector<16xf32>,
    %swap3A_15 = arith.constant 112 : index
    %swap3A_16 = tpu.vector_load %arg12[%swap3A_15] {strides = array<i32>} : memref<256xf32, #tpu.memory_space<vmem>>, vector<16xf32>,
    tpu.vector_store %arg12[%swap3A_15], %broadcast_in_dim3A_1 {strides = array<i32>} : memref<256xf32, #tpu.memory_space<vmem>>, vector<16xf32>,
    %swap3A_17 = arith.constant 128 : index
    %swap3A_18 = tpu.vector_load %arg12[%swap3A_17] {strides = array<i32>} : memref<256xf32, #tpu.memory_space<vmem>>, vector<16xf32>,
    tpu.vector_store %arg12[%swap3A_17], %broadcast_in_dim3A_1 {strides = array<i32>} : memref<256xf32, #tpu.memory_space<vmem>>, vector<16xf32>,
    %swap3A_19 = arith.constant 144 : index
    %swap3A_20 = tpu.vector_load %arg12[%swap3A_19] {strides = array<i32>} : memref<256xf32, #tpu.memory_space<vmem>>, vector<16xf32>,
    tpu.vector_store %arg12[%swap3A_19], %broadcast_in_dim3A_1 {strides = array<i32>} : memref<256xf32, #tpu.memory_space<vmem>>, vector<16xf32>,
    %swap3A_21 = arith.constant 160 : index
    %swap3A_22 = tpu.vector_load %arg12[%swap3A_21] {strides = array<i32>} : memref<256xf32, #tpu.memory_space<vmem>>, vector<16xf32>,
    tpu.vector_store %arg12[%swap3A_21], %broadcast_in_dim3A_1 {strides = array<i32>} : memref<256xf32, #tpu.memory_space<vmem>>, vector<16xf32>,
    %swap3A_23 = arith.constant 176 : index
    %swap3A_24 = tpu.vector_load %arg12[%swap3A_23] {strides = array<i32>} : memref<256xf32, #tpu.memory_space<vmem>>, vector<16xf32>,
    tpu.vector_store %arg12[%swap3A_23], %broadcast_in_dim3A_1 {strides = array<i32>} : memref<256xf32, #tpu.memory_space<vmem>>, vector<16xf32>,
    %swap3A_25 = arith.constant 192 : index
    %swap3A_26 = tpu.vector_load %arg12[%swap3A_25] {strides = array<i32>} : memref<256xf32, #tpu.memory_space<vmem>>, vector<16xf32>,
    tpu.vector_store %arg12[%swap3A_25], %broadcast_in_dim3A_1 {strides = array<i32>} : memref<256xf32, #tpu.memory_space<vmem>>, vector<16xf32>,
    %swap3A_27 = arith.constant 208 : index
    %swap3A_28 = tpu.vector_load %arg12[%swap3A_27] {strides = array<i32>} : memref<256xf32, #tpu.memory_space<vmem>>, vector<16xf32>,
    tpu.vector_store %arg12[%swap3A_27], %broadcast_in_dim3A_1 {strides = array<i32>} : memref<256xf32, #tpu.memory_space<vmem>>, vector<16xf32>,
    %swap3A_29 = arith.constant 224 : index
    %swap3A_30 = tpu.vector_load %arg12[%swap3A_29] {strides = array<i32>} : memref<256xf32, #tpu.memory_space<vmem>>, vector<16xf32>,
    tpu.vector_store %arg12[%swap3A_29], %broadcast_in_dim3A_1 {strides = array<i32>} : memref<256xf32, #tpu.memory_space<vmem>>, vector<16xf32>,
    %swap3A_31 = arith.constant 240 : index
    %swap3A_32 = tpu.vector_load %arg12[%swap3A_31] {strides = array<i32>} : memref<256xf32, #tpu.memory_space<vmem>>, vector<16xf32>,
    tpu.vector_store %arg12[%swap3A_31], %broadcast_in_dim3A_1 {strides = array<i32>} : memref<256xf32, #tpu.memory_space<vmem>>, vector<16xf32>,
    %mul3A_33 = arith.constant 16 : i32
    %mul3A_34 = arith.muli %add3A, %mul3A_33 : i32
    %add3A_35 = vector.broadcast %mul3A_34 : i32 to vector<16xi32>
    %add3A_36 = arith.addi %add3A_35, %iota3A : vector<16xi32>
    %mul3A_37 = arith.constant 16 : i32
    %mul3A_38 = arith.muli %add3A, %mul3A_37 : i32
    %add3A_39 = arith.constant 16 : i32
    %add3A_40 = arith.addi %mul3A_38, %add3A_39 : i32
    %broadcast_in_dim3A_41 = vector.broadcast %add3A_40 : i32 to vector<16xi32>
    %scan3A = arith.constant 0 : i32
    %scan3A_42 = arith.constant 0 : i32
    %scan3A_43 = arith.constant 80 : i32
    %scan3A_44 = arith.addi %scan3A_42, %scan3A_43 : i32
    %scan3A_45 = arith.constant 1 : i32
    scf.for %scan3A_2258 = %scan3A_42 to %scan3A_44 step %scan3A_45  : i32 {
      %mul3A_2259 = arith.constant 16 : i32
      %mul3A_2260 = arith.muli %scan3A_2258, %mul3A_2259 : i32
      %add3A_2261 = vector.broadcast %mul3A_2260 : i32 to vector<16xi32>
      %add3A_2262 = arith.addi %add3A_2261, %iota3A : vector<16xi32>
      %mul3A_2263 = arith.constant 5000 : i32
      %mul3A_2264 = vector.broadcast %mul3A_2263 : i32 to vector<16xi32>
      %mul3A_2265 = arith.muli %add3A_2262, %mul3A_2264 : vector<16xi32>
      %mul3A_2266 = arith.constant 16 : i32
      %mul3A_2267 = arith.muli %scan3A_2258, %mul3A_2266 : i32
      %swap3A_2268 = arith.index_cast %mul3A_2267 : i32 to index
      %swap3A_2269 = tpu.vector_load %arg7[%swap3A_2268] {strides = array<i32>} : memref<1280xi32, #tpu.memory_space<vmem>>, vector<16xi32>,
      tpu.vector_store %arg7[%swap3A_2268], %mul3A_2265 {strides = array<i32>} : memref<1280xi32, #tpu.memory_space<vmem>>, vector<16xi32>,
    }
    %scan3A_46 = arith.constant 80 : i32
    %dma_start3A = arith.constant 0 : i32
    %dma_start3A_47 = tpu.memref_slice %arg8[%dma_start3A] : memref<1280xi32, #tpu.memory_space<vmem>> -> memref<128xi32, #tpu.memory_space<vmem>>
    %dma_start3A_48 = arith.constant 0 : i32
    %dma_start3A_49 = tpu.memref_slice %arg7[%dma_start3A_48] : memref<1280xi32, #tpu.memory_space<vmem>> -> memref<128xi32, #tpu.memory_space<vmem>>
    %dma_start3A_50 = arith.constant 0 : i32
    %dma_start3A_51 = tpu.memref_slice %arg3[%dma_start3A_50] : memref<6400000xi32, #tpu.memory_space<hbm>> -> memref<6400000xi32, #tpu.memory_space<hbm>>
    tpu.enqueue_indirect_dma source(%dma_start3A_51 : memref<6400000xi32, #tpu.memory_space<hbm>>) target(%dma_start3A_47 : memref<128xi32, #tpu.memory_space<vmem>>) offsets(%dma_start3A_49 : memref<128xi32, #tpu.memory_space<vmem>>) semaphore(%arg16 : memref<!tpu.dma_semaphore, #tpu.memory_space<semaphore_mem>>)
    %dma_start3A_52 = arith.constant 128 : i32
    %dma_start3A_53 = tpu.memref_slice %arg8[%dma_start3A_52] : memref<1280xi32, #tpu.memory_space<vmem>> -> memref<128xi32, #tpu.memory_space<vmem>>
    %dma_start3A_54 = arith.constant 128 : i32
    %dma_start3A_55 = tpu.memref_slice %arg7[%dma_start3A_54] : memref<1280xi32, #tpu.memory_space<vmem>> -> memref<128xi32, #tpu.memory_space<vmem>>
    %dma_start3A_56 = arith.constant 0 : i32
    %dma_start3A_57 = tpu.memref_slice %arg3[%dma_start3A_56] : memref<6400000xi32, #tpu.memory_space<hbm>> -> memref<6400000xi32, #tpu.memory_space<hbm>>
    tpu.enqueue_indirect_dma source(%dma_start3A_57 : memref<6400000xi32, #tpu.memory_space<hbm>>) target(%dma_start3A_53 : memref<128xi32, #tpu.memory_space<vmem>>) offsets(%dma_start3A_55 : memref<128xi32, #tpu.memory_space<vmem>>) semaphore(%arg16 : memref<!tpu.dma_semaphore, #tpu.memory_space<semaphore_mem>>)
    %dma_start3A_58 = arith.constant 256 : i32
    %dma_start3A_59 = tpu.memref_slice %arg8[%dma_start3A_58] : memref<1280xi32, #tpu.memory_space<vmem>> -> memref<128xi32, #tpu.memory_space<vmem>>
    %dma_start3A_60 = arith.constant 256 : i32
    %dma_start3A_61 = tpu.memref_slice %arg7[%dma_start3A_60] : memref<1280xi32, #tpu.memory_space<vmem>> -> memref<128xi32, #tpu.memory_space<vmem>>
    %dma_start3A_62 = arith.constant 0 : i32
    %dma_start3A_63 = tpu.memref_slice %arg3[%dma_start3A_62] : memref<6400000xi32, #tpu.memory_space<hbm>> -> memref<6400000xi32, #tpu.memory_space<hbm>>
    tpu.enqueue_indirect_dma source(%dma_start3A_63 : memref<6400000xi32, #tpu.memory_space<hbm>>) target(%dma_start3A_59 : memref<128xi32, #tpu.memory_space<vmem>>) offsets(%dma_start3A_61 : memref<128xi32, #tpu.memory_space<vmem>>) semaphore(%arg16 : memref<!tpu.dma_semaphore, #tpu.memory_space<semaphore_mem>>)
    %dma_start3A_64 = arith.constant 384 : i32
    %dma_start3A_65 = tpu.memref_slice %arg8[%dma_start3A_64] : memref<1280xi32, #tpu.memory_space<vmem>> -> memref<128xi32, #tpu.memory_space<vmem>>
    %dma_start3A_66 = arith.constant 384 : i32
    %dma_start3A_67 = tpu.memref_slice %arg7[%dma_start3A_66] : memref<1280xi32, #tpu.memory_space<vmem>> -> memref<128xi32, #tpu.memory_space<vmem>>
    %dma_start3A_68 = arith.constant 0 : i32
    %dma_start3A_69 = tpu.memref_slice %arg3[%dma_start3A_68] : memref<6400000xi32, #tpu.memory_space<hbm>> -> memref<6400000xi32, #tpu.memory_space<hbm>>
    tpu.enqueue_indirect_dma source(%dma_start3A_69 : memref<6400000xi32, #tpu.memory_space<hbm>>) target(%dma_start3A_65 : memref<128xi32, #tpu.memory_space<vmem>>) offsets(%dma_start3A_67 : memref<128xi32, #tpu.memory_space<vmem>>) semaphore(%arg16 : memref<!tpu.dma_semaphore, #tpu.memory_space<semaphore_mem>>)
    %dma_start3A_70 = arith.constant 512 : i32
    %dma_start3A_71 = tpu.memref_slice %arg8[%dma_start3A_70] : memref<1280xi32, #tpu.memory_space<vmem>> -> memref<128xi32, #tpu.memory_space<vmem>>
    %dma_start3A_72 = arith.constant 512 : i32
    %dma_start3A_73 = tpu.memref_slice %arg7[%dma_start3A_72] : memref<1280xi32, #tpu.memory_space<vmem>> -> memref<128xi32, #tpu.memory_space<vmem>>
    %dma_start3A_74 = arith.constant 0 : i32
    %dma_start3A_75 = tpu.memref_slice %arg3[%dma_start3A_74] : memref<6400000xi32, #tpu.memory_space<hbm>> -> memref<6400000xi32, #tpu.memory_space<hbm>>
    tpu.enqueue_indirect_dma source(%dma_start3A_75 : memref<6400000xi32, #tpu.memory_space<hbm>>) target(%dma_start3A_71 : memref<128xi32, #tpu.memory_space<vmem>>) offsets(%dma_start3A_73 : memref<128xi32, #tpu.memory_space<vmem>>) semaphore(%arg16 : memref<!tpu.dma_semaphore, #tpu.memory_space<semaphore_mem>>)
    %dma_start3A_76 = arith.constant 640 : i32
    %dma_start3A_77 = tpu.memref_slice %arg8[%dma_start3A_76] : memref<1280xi32, #tpu.memory_space<vmem>> -> memref<128xi32, #tpu.memory_space<vmem>>
    %dma_start3A_78 = arith.constant 640 : i32
    %dma_start3A_79 = tpu.memref_slice %arg7[%dma_start3A_78] : memref<1280xi32, #tpu.memory_space<vmem>> -> memref<128xi32, #tpu.memory_space<vmem>>
    %dma_start3A_80 = arith.constant 0 : i32
    %dma_start3A_81 = tpu.memref_slice %arg3[%dma_start3A_80] : memref<6400000xi32, #tpu.memory_space<hbm>> -> memref<6400000xi32, #tpu.memory_space<hbm>>
    tpu.enqueue_indirect_dma source(%dma_start3A_81 : memref<6400000xi32, #tpu.memory_space<hbm>>) target(%dma_start3A_77 : memref<128xi32, #tpu.memory_space<vmem>>) offsets(%dma_start3A_79 : memref<128xi32, #tpu.memory_space<vmem>>) semaphore(%arg16 : memref<!tpu.dma_semaphore, #tpu.memory_space<semaphore_mem>>)
    %dma_start3A_82 = arith.constant 768 : i32
    %dma_start3A_83 = tpu.memref_slice %arg8[%dma_start3A_82] : memref<1280xi32, #tpu.memory_space<vmem>> -> memref<128xi32, #tpu.memory_space<vmem>>
    %dma_start3A_84 = arith.constant 768 : i32
    %dma_start3A_85 = tpu.memref_slice %arg7[%dma_start3A_84] : memref<1280xi32, #tpu.memory_space<vmem>> -> memref<128xi32, #tpu.memory_space<vmem>>
    %dma_start3A_86 = arith.constant 0 : i32
    %dma_start3A_87 = tpu.memref_slice %arg3[%dma_start3A_86] : memref<6400000xi32, #tpu.memory_space<hbm>> -> memref<6400000xi32, #tpu.memory_space<hbm>>
    tpu.enqueue_indirect_dma source(%dma_start3A_87 : memref<6400000xi32, #tpu.memory_space<hbm>>) target(%dma_start3A_83 : memref<128xi32, #tpu.memory_space<vmem>>) offsets(%dma_start3A_85 : memref<128xi32, #tpu.memory_space<vmem>>) semaphore(%arg16 : memref<!tpu.dma_semaphore, #tpu.memory_space<semaphore_mem>>)
    %dma_start3A_88 = arith.constant 896 : i32
    %dma_start3A_89 = tpu.memref_slice %arg8[%dma_start3A_88] : memref<1280xi32, #tpu.memory_space<vmem>> -> memref<128xi32, #tpu.memory_space<vmem>>
    %dma_start3A_90 = arith.constant 896 : i32
    %dma_start3A_91 = tpu.memref_slice %arg7[%dma_start3A_90] : memref<1280xi32, #tpu.memory_space<vmem>> -> memref<128xi32, #tpu.memory_space<vmem>>
    %dma_start3A_92 = arith.constant 0 : i32
    %dma_start3A_93 = tpu.memref_slice %arg3[%dma_start3A_92] : memref<6400000xi32, #tpu.memory_space<hbm>> -> memref<6400000xi32, #tpu.memory_space<hbm>>
    tpu.enqueue_indirect_dma source(%dma_start3A_93 : memref<6400000xi32, #tpu.memory_space<hbm>>) target(%dma_start3A_89 : memref<128xi32, #tpu.memory_space<vmem>>) offsets(%dma_start3A_91 : memref<128xi32, #tpu.memory_space<vmem>>) semaphore(%arg16 : memref<!tpu.dma_semaphore, #tpu.memory_space<semaphore_mem>>)
    %dma_start3A_94 = arith.constant 1024 : i32
    %dma_start3A_95 = tpu.memref_slice %arg8[%dma_start3A_94] : memref<1280xi32, #tpu.memory_space<vmem>> -> memref<128xi32, #tpu.memory_space<vmem>>
    %dma_start3A_96 = arith.constant 1024 : i32
    %dma_start3A_97 = tpu.memref_slice %arg7[%dma_start3A_96] : memref<1280xi32, #tpu.memory_space<vmem>> -> memref<128xi32, #tpu.memory_space<vmem>>
    %dma_start3A_98 = arith.constant 0 : i32
    %dma_start3A_99 = tpu.memref_slice %arg3[%dma_start3A_98] : memref<6400000xi32, #tpu.memory_space<hbm>> -> memref<6400000xi32, #tpu.memory_space<hbm>>
    tpu.enqueue_indirect_dma source(%dma_start3A_99 : memref<6400000xi32, #tpu.memory_space<hbm>>) target(%dma_start3A_95 : memref<128xi32, #tpu.memory_space<vmem>>) offsets(%dma_start3A_97 : memref<128xi32, #tpu.memory_space<vmem>>) semaphore(%arg16 : memref<!tpu.dma_semaphore, #tpu.memory_space<semaphore_mem>>)
    %dma_start3A_100 = arith.constant 1152 : i32
    %dma_start3A_101 = tpu.memref_slice %arg8[%dma_start3A_100] : memref<1280xi32, #tpu.memory_space<vmem>> -> memref<128xi32, #tpu.memory_space<vmem>>
    %dma_start3A_102 = arith.constant 1152 : i32
    %dma_start3A_103 = tpu.memref_slice %arg7[%dma_start3A_102] : memref<1280xi32, #tpu.memory_space<vmem>> -> memref<128xi32, #tpu.memory_space<vmem>>
    %dma_start3A_104 = arith.constant 0 : i32
    %dma_start3A_105 = tpu.memref_slice %arg3[%dma_start3A_104] : memref<6400000xi32, #tpu.memory_space<hbm>> -> memref<6400000xi32, #tpu.memory_space<hbm>>
    tpu.enqueue_indirect_dma source(%dma_start3A_105 : memref<6400000xi32, #tpu.memory_space<hbm>>) target(%dma_start3A_101 : memref<128xi32, #tpu.memory_space<vmem>>) offsets(%dma_start3A_103 : memref<128xi32, #tpu.memory_space<vmem>>) semaphore(%arg16 : memref<!tpu.dma_semaphore, #tpu.memory_space<semaphore_mem>>)
    %dma_wait3A = arith.constant 0 : i32
    %dma_wait3A_106 = tpu.memref_slice %arg8[%dma_wait3A] : memref<1280xi32, #tpu.memory_space<vmem>> -> memref<128xi32, #tpu.memory_space<vmem>>
    %dma_wait3A_107 = arith.constant 0 : i32
    %dma_wait3A_108 = tpu.memref_slice %arg7[%dma_wait3A_107] : memref<1280xi32, #tpu.memory_space<vmem>> -> memref<128xi32, #tpu.memory_space<vmem>>
    %dma_wait3A_109 = arith.constant 0 : i32
    %dma_wait3A_110 = tpu.memref_slice %arg3[%dma_wait3A_109] : memref<6400000xi32, #tpu.memory_space<hbm>> -> memref<6400000xi32, #tpu.memory_space<hbm>>
    tpu.wait_indirect_dma semaphore(%arg16 : memref<!tpu.dma_semaphore, #tpu.memory_space<semaphore_mem>>) src(%dma_wait3A_110 : memref<6400000xi32, #tpu.memory_space<hbm>>) dst(%dma_wait3A_106 : memref<128xi32, #tpu.memory_space<vmem>>)
    %dma_wait3A_111 = arith.constant 128 : i32
    %dma_wait3A_112 = tpu.memref_slice %arg8[%dma_wait3A_111] : memref<1280xi32, #tpu.memory_space<vmem>> -> memref<128xi32, #tpu.memory_space<vmem>>
    %dma_wait3A_113 = arith.constant 128 : i32
    %dma_wait3A_114 = tpu.memref_slice %arg7[%dma_wait3A_113] : memref<1280xi32, #tpu.memory_space<vmem>> -> memref<128xi32, #tpu.memory_space<vmem>>
    %dma_wait3A_115 = arith.constant 0 : i32
    %dma_wait3A_116 = tpu.memref_slice %arg3[%dma_wait3A_115] : memref<6400000xi32, #tpu.memory_space<hbm>> -> memref<6400000xi32, #tpu.memory_space<hbm>>
    tpu.wait_indirect_dma semaphore(%arg16 : memref<!tpu.dma_semaphore, #tpu.memory_space<semaphore_mem>>) src(%dma_wait3A_116 : memref<6400000xi32, #tpu.memory_space<hbm>>) dst(%dma_wait3A_112 : memref<128xi32, #tpu.memory_space<vmem>>)
    %dma_wait3A_117 = arith.constant 256 : i32
    %dma_wait3A_118 = tpu.memref_slice %arg8[%dma_wait3A_117] : memref<1280xi32, #tpu.memory_space<vmem>> -> memref<128xi32, #tpu.memory_space<vmem>>
    %dma_wait3A_119 = arith.constant 256 : i32
    %dma_wait3A_120 = tpu.memref_slice %arg7[%dma_wait3A_119] : memref<1280xi32, #tpu.memory_space<vmem>> -> memref<128xi32, #tpu.memory_space<vmem>>
    %dma_wait3A_121 = arith.constant 0 : i32
    %dma_wait3A_122 = tpu.memref_slice %arg3[%dma_wait3A_121] : memref<6400000xi32, #tpu.memory_space<hbm>> -> memref<6400000xi32, #tpu.memory_space<hbm>>
    tpu.wait_indirect_dma semaphore(%arg16 : memref<!tpu.dma_semaphore, #tpu.memory_space<semaphore_mem>>) src(%dma_wait3A_122 : memref<6400000xi32, #tpu.memory_space<hbm>>) dst(%dma_wait3A_118 : memref<128xi32, #tpu.memory_space<vmem>>)
    %dma_wait3A_123 = arith.constant 384 : i32
    %dma_wait3A_124 = tpu.memref_slice %arg8[%dma_wait3A_123] : memref<1280xi32, #tpu.memory_space<vmem>> -> memref<128xi32, #tpu.memory_space<vmem>>
    %dma_wait3A_125 = arith.constant 384 : i32
    %dma_wait3A_126 = tpu.memref_slice %arg7[%dma_wait3A_125] : memref<1280xi32, #tpu.memory_space<vmem>> -> memref<128xi32, #tpu.memory_space<vmem>>
    %dma_wait3A_127 = arith.constant 0 : i32
    %dma_wait3A_128 = tpu.memref_slice %arg3[%dma_wait3A_127] : memref<6400000xi32, #tpu.memory_space<hbm>> -> memref<6400000xi32, #tpu.memory_space<hbm>>
    tpu.wait_indirect_dma semaphore(%arg16 : memref<!tpu.dma_semaphore, #tpu.memory_space<semaphore_mem>>) src(%dma_wait3A_128 : memref<6400000xi32, #tpu.memory_space<hbm>>) dst(%dma_wait3A_124 : memref<128xi32, #tpu.memory_space<vmem>>)
    %dma_wait3A_129 = arith.constant 512 : i32
    %dma_wait3A_130 = tpu.memref_slice %arg8[%dma_wait3A_129] : memref<1280xi32, #tpu.memory_space<vmem>> -> memref<128xi32, #tpu.memory_space<vmem>>
    %dma_wait3A_131 = arith.constant 512 : i32
    %dma_wait3A_132 = tpu.memref_slice %arg7[%dma_wait3A_131] : memref<1280xi32, #tpu.memory_space<vmem>> -> memref<128xi32, #tpu.memory_space<vmem>>
    %dma_wait3A_133 = arith.constant 0 : i32
    %dma_wait3A_134 = tpu.memref_slice %arg3[%dma_wait3A_133] : memref<6400000xi32, #tpu.memory_space<hbm>> -> memref<6400000xi32, #tpu.memory_space<hbm>>
    tpu.wait_indirect_dma semaphore(%arg16 : memref<!tpu.dma_semaphore, #tpu.memory_space<semaphore_mem>>) src(%dma_wait3A_134 : memref<6400000xi32, #tpu.memory_space<hbm>>) dst(%dma_wait3A_130 : memref<128xi32, #tpu.memory_space<vmem>>)
    %dma_wait3A_135 = arith.constant 640 : i32
    %dma_wait3A_136 = tpu.memref_slice %arg8[%dma_wait3A_135] : memref<1280xi32, #tpu.memory_space<vmem>> -> memref<128xi32, #tpu.memory_space<vmem>>
    %dma_wait3A_137 = arith.constant 640 : i32
    %dma_wait3A_138 = tpu.memref_slice %arg7[%dma_wait3A_137] : memref<1280xi32, #tpu.memory_space<vmem>> -> memref<128xi32, #tpu.memory_space<vmem>>
    %dma_wait3A_139 = arith.constant 0 : i32
    %dma_wait3A_140 = tpu.memref_slice %arg3[%dma_wait3A_139] : memref<6400000xi32, #tpu.memory_space<hbm>> -> memref<6400000xi32, #tpu.memory_space<hbm>>
    tpu.wait_indirect_dma semaphore(%arg16 : memref<!tpu.dma_semaphore, #tpu.memory_space<semaphore_mem>>) src(%dma_wait3A_140 : memref<6400000xi32, #tpu.memory_space<hbm>>) dst(%dma_wait3A_136 : memref<128xi32, #tpu.memory_space<vmem>>)
    %dma_wait3A_141 = arith.constant 768 : i32
    %dma_wait3A_142 = tpu.memref_slice %arg8[%dma_wait3A_141] : memref<1280xi32, #tpu.memory_space<vmem>> -> memref<128xi32, #tpu.memory_space<vmem>>
    %dma_wait3A_143 = arith.constant 768 : i32
    %dma_wait3A_144 = tpu.memref_slice %arg7[%dma_wait3A_143] : memref<1280xi32, #tpu.memory_space<vmem>> -> memref<128xi32, #tpu.memory_space<vmem>>
    %dma_wait3A_145 = arith.constant 0 : i32
    %dma_wait3A_146 = tpu.memref_slice %arg3[%dma_wait3A_145] : memref<6400000xi32, #tpu.memory_space<hbm>> -> memref<6400000xi32, #tpu.memory_space<hbm>>
    tpu.wait_indirect_dma semaphore(%arg16 : memref<!tpu.dma_semaphore, #tpu.memory_space<semaphore_mem>>) src(%dma_wait3A_146 : memref<6400000xi32, #tpu.memory_space<hbm>>) dst(%dma_wait3A_142 : memref<128xi32, #tpu.memory_space<vmem>>)
    %dma_wait3A_147 = arith.constant 896 : i32
    %dma_wait3A_148 = tpu.memref_slice %arg8[%dma_wait3A_147] : memref<1280xi32, #tpu.memory_space<vmem>> -> memref<128xi32, #tpu.memory_space<vmem>>
    %dma_wait3A_149 = arith.constant 896 : i32
    %dma_wait3A_150 = tpu.memref_slice %arg7[%dma_wait3A_149] : memref<1280xi32, #tpu.memory_space<vmem>> -> memref<128xi32, #tpu.memory_space<vmem>>
    %dma_wait3A_151 = arith.constant 0 : i32
    %dma_wait3A_152 = tpu.memref_slice %arg3[%dma_wait3A_151] : memref<6400000xi32, #tpu.memory_space<hbm>> -> memref<6400000xi32, #tpu.memory_space<hbm>>
    tpu.wait_indirect_dma semaphore(%arg16 : memref<!tpu.dma_semaphore, #tpu.memory_space<semaphore_mem>>) src(%dma_wait3A_152 : memref<6400000xi32, #tpu.memory_space<hbm>>) dst(%dma_wait3A_148 : memref<128xi32, #tpu.memory_space<vmem>>)
    %dma_wait3A_153 = arith.constant 1024 : i32
    %dma_wait3A_154 = tpu.memref_slice %arg8[%dma_wait3A_153] : memref<1280xi32, #tpu.memory_space<vmem>> -> memref<128xi32, #tpu.memory_space<vmem>>
    %dma_wait3A_155 = arith.constant 1024 : i32
    %dma_wait3A_156 = tpu.memref_slice %arg7[%dma_wait3A_155] : memref<1280xi32, #tpu.memory_space<vmem>> -> memref<128xi32, #tpu.memory_space<vmem>>
    %dma_wait3A_157 = arith.constant 0 : i32
    %dma_wait3A_158 = tpu.memref_slice %arg3[%dma_wait3A_157] : memref<6400000xi32, #tpu.memory_space<hbm>> -> memref<6400000xi32, #tpu.memory_space<hbm>>
    tpu.wait_indirect_dma semaphore(%arg16 : memref<!tpu.dma_semaphore, #tpu.memory_space<semaphore_mem>>) src(%dma_wait3A_158 : memref<6400000xi32, #tpu.memory_space<hbm>>) dst(%dma_wait3A_154 : memref<128xi32, #tpu.memory_space<vmem>>)
    %dma_wait3A_159 = arith.constant 1152 : i32
    %dma_wait3A_160 = tpu.memref_slice %arg8[%dma_wait3A_159] : memref<1280xi32, #tpu.memory_space<vmem>> -> memref<128xi32, #tpu.memory_space<vmem>>
    %dma_wait3A_161 = arith.constant 1152 : i32
    %dma_wait3A_162 = tpu.memref_slice %arg7[%dma_wait3A_161] : memref<1280xi32, #tpu.memory_space<vmem>> -> memref<128xi32, #tpu.memory_space<vmem>>
    %dma_wait3A_163 = arith.constant 0 : i32
    %dma_wait3A_164 = tpu.memref_slice %arg3[%dma_wait3A_163] : memref<6400000xi32, #tpu.memory_space<hbm>> -> memref<6400000xi32, #tpu.memory_space<hbm>>
    tpu.wait_indirect_dma semaphore(%arg16 : memref<!tpu.dma_semaphore, #tpu.memory_space<semaphore_mem>>) src(%dma_wait3A_164 : memref<6400000xi32, #tpu.memory_space<hbm>>) dst(%dma_wait3A_160 : memref<128xi32, #tpu.memory_space<vmem>>)
    %broadcast_in_dim3A_165 = arith.constant 0 : i32
    %broadcast_in_dim3A_166 = vector.broadcast %broadcast_in_dim3A_165 : i32 to vector<16xi32>
    %broadcast_in_dim3A_167 = arith.constant 1280 : i32
    %broadcast_in_dim3A_168 = vector.broadcast %broadcast_in_dim3A_167 : i32 to vector<16xi32>
    %scan3A_169 = arith.constant 0 : i32
    %scan3A_170 = arith.constant 11 : i32
    %scan3A_171 = arith.addi %scan3A_169, %scan3A_170 : i32
    %scan3A_172 = arith.constant 1 : i32
    %scan3A_173:4 = scf.for %scan3A_2258 = %scan3A_169 to %scan3A_171 step %scan3A_172 iter_args(%scan3A_2259 = %broadcast_in_dim3A_166, %scan3A_2260 = %broadcast_in_dim3A_168, %scan3A_2261 = %broadcast_in_dim3A_166, %scan3A_2262 = %broadcast_in_dim3A_168) -> (vector<16xi32>, vector<16xi32>, vector<16xi32>, vector<16xi32>)  : i32 {
      %add3A_2263 = arith.addi %scan3A_2259, %scan3A_2260 : vector<16xi32>
      %jit3A_2264 = arith.constant 2 : i32
      %div3A_2265 = vector.broadcast %jit3A_2264 : i32 to vector<16xi32>
      %div3A_2266 = arith.divsi %add3A_2263, %div3A_2265 : vector<16xi32>
      %sign3A_2267 = arith.constant 0 : i32
      %sign3A_2268 = vector.broadcast %sign3A_2267 : i32 to vector<16xi32>
      %sign3A_2269 = arith.cmpi sgt, %add3A_2263, %sign3A_2268 : vector<16xi32>
      %sign3A_2270 = arith.extui %sign3A_2269 : vector<16xi1> to vector<16xi32>
      %sign3A_2271 = arith.constant 0 : i32
      %sign3A_2272 = vector.broadcast %sign3A_2271 : i32 to vector<16xi32>
      %sign3A_2273 = arith.cmpi slt, %add3A_2263, %sign3A_2272 : vector<16xi32>
      %sign3A_2274 = arith.extui %sign3A_2273 : vector<16xi1> to vector<16xi32>
      %sign3A_2275 = arith.subi %sign3A_2270, %sign3A_2274 : vector<16xi32>
      %sign3A_2276 = arith.constant 0 : i32
      %sign3A_2277 = arith.cmpi sgt, %jit3A_2264, %sign3A_2276 : i32
      %sign3A_2278 = arith.extui %sign3A_2277 : i1 to i32
      %sign3A_2279 = arith.constant 0 : i32
      %sign3A_2280 = arith.cmpi slt, %jit3A_2264, %sign3A_2279 : i32
      %sign3A_2281 = arith.extui %sign3A_2280 : i1 to i32
      %sign3A_2282 = arith.subi %sign3A_2278, %sign3A_2281 : i32
      %ne3A_2283 = vector.broadcast %sign3A_2282 : i32 to vector<16xi32>
      %ne3A_2284 = arith.cmpi ne, %sign3A_2275, %ne3A_2283 : vector<16xi32>
      %rem3A_2285 = vector.broadcast %jit3A_2264 : i32 to vector<16xi32>
      %rem3A_2286 = arith.remsi %add3A_2263, %rem3A_2285 : vector<16xi32>
      %ne3A_2287 = arith.constant 0 : i32
      %ne3A_2288 = vector.broadcast %ne3A_2287 : i32 to vector<16xi32>
      %ne3A_2289 = arith.cmpi ne, %rem3A_2286, %ne3A_2288 : vector<16xi32>
      %and3A_2290 = arith.andi %ne3A_2284, %ne3A_2289 : vector<16xi1>
      %sub3A_2291 = arith.constant 1 : i32
      %sub3A_2292 = vector.broadcast %sub3A_2291 : i32 to vector<16xi32>
      %sub3A_2293 = arith.subi %div3A_2266, %sub3A_2292 : vector<16xi32>
      %select_n3A_2294 = arith.select %and3A_2290, %sub3A_2293, %div3A_2266 : vector<16xi1>, vector<16xi32>
      %min3A_2295 = arith.constant 1279 : i32
      %min3A_2296 = vector.broadcast %min3A_2295 : i32 to vector<16xi32>
      %min3A_2297 = arith.minsi %select_n3A_2294, %min3A_2296 : vector<16xi32>
      %gather3A = tpu.vector_load_idx %arg8[%min3A_2297] : memref<1280xi32, #tpu.memory_space<vmem>>[vector<16xi32>], vector<16xi32>,
      %lt3A_2298 = arith.cmpi slt, %gather3A, %add3A_36 : vector<16xi32>
      %add3A_2299 = arith.constant 1 : i32
      %add3A_2300 = vector.broadcast %add3A_2299 : i32 to vector<16xi32>
      %add3A_2301 = arith.addi %select_n3A_2294, %add3A_2300 : vector<16xi32>
      %select_n3A_2302 = arith.select %lt3A_2298, %add3A_2301, %scan3A_2259 : vector<16xi1>, vector<16xi32>
      %select_n3A_2303 = arith.select %lt3A_2298, %scan3A_2260, %select_n3A_2294 : vector<16xi1>, vector<16xi32>
      %add3A_2304 = arith.addi %scan3A_2261, %scan3A_2262 : vector<16xi32>
      %jit3A_2305 = arith.constant 2 : i32
      %div3A_2306 = vector.broadcast %jit3A_2305 : i32 to vector<16xi32>
      %div3A_2307 = arith.divsi %add3A_2304, %div3A_2306 : vector<16xi32>
      %sign3A_2308 = arith.constant 0 : i32
      %sign3A_2309 = vector.broadcast %sign3A_2308 : i32 to vector<16xi32>
      %sign3A_2310 = arith.cmpi sgt, %add3A_2304, %sign3A_2309 : vector<16xi32>
      %sign3A_2311 = arith.extui %sign3A_2310 : vector<16xi1> to vector<16xi32>
      %sign3A_2312 = arith.constant 0 : i32
      %sign3A_2313 = vector.broadcast %sign3A_2312 : i32 to vector<16xi32>
      %sign3A_2314 = arith.cmpi slt, %add3A_2304, %sign3A_2313 : vector<16xi32>
      %sign3A_2315 = arith.extui %sign3A_2314 : vector<16xi1> to vector<16xi32>
      %sign3A_2316 = arith.subi %sign3A_2311, %sign3A_2315 : vector<16xi32>
      %sign3A_2317 = arith.constant 0 : i32
      %sign3A_2318 = arith.cmpi sgt, %jit3A_2305, %sign3A_2317 : i32
      %sign3A_2319 = arith.extui %sign3A_2318 : i1 to i32
      %sign3A_2320 = arith.constant 0 : i32
      %sign3A_2321 = arith.cmpi slt, %jit3A_2305, %sign3A_2320 : i32
      %sign3A_2322 = arith.extui %sign3A_2321 : i1 to i32
      %sign3A_2323 = arith.subi %sign3A_2319, %sign3A_2322 : i32
      %ne3A_2324 = vector.broadcast %sign3A_2323 : i32 to vector<16xi32>
      %ne3A_2325 = arith.cmpi ne, %sign3A_2316, %ne3A_2324 : vector<16xi32>
      %rem3A_2326 = vector.broadcast %jit3A_2305 : i32 to vector<16xi32>
      %rem3A_2327 = arith.remsi %add3A_2304, %rem3A_2326 : vector<16xi32>
      %ne3A_2328 = arith.constant 0 : i32
      %ne3A_2329 = vector.broadcast %ne3A_2328 : i32 to vector<16xi32>
      %ne3A_2330 = arith.cmpi ne, %rem3A_2327, %ne3A_2329 : vector<16xi32>
      %and3A_2331 = arith.andi %ne3A_2325, %ne3A_2330 : vector<16xi1>
      %sub3A_2332 = arith.constant 1 : i32
      %sub3A_2333 = vector.broadcast %sub3A_2332 : i32 to vector<16xi32>
      %sub3A_2334 = arith.subi %div3A_2307, %sub3A_2333 : vector<16xi32>
      %select_n3A_2335 = arith.select %and3A_2331, %sub3A_2334, %div3A_2307 : vector<16xi1>, vector<16xi32>
      %min3A_2336 = arith.constant 1279 : i32
      %min3A_2337 = vector.broadcast %min3A_2336 : i32 to vector<16xi32>
      %min3A_2338 = arith.minsi %select_n3A_2335, %min3A_2337 : vector<16xi32>
      %gather3A_2339 = tpu.vector_load_idx %arg8[%min3A_2338] : memref<1280xi32, #tpu.memory_space<vmem>>[vector<16xi32>], vector<16xi32>,
      %lt3A_2340 = arith.cmpi slt, %gather3A_2339, %broadcast_in_dim3A_41 : vector<16xi32>
      %add3A_2341 = arith.constant 1 : i32
      %add3A_2342 = vector.broadcast %add3A_2341 : i32 to vector<16xi32>
      %add3A_2343 = arith.addi %select_n3A_2335, %add3A_2342 : vector<16xi32>
      %select_n3A_2344 = arith.select %lt3A_2340, %add3A_2343, %scan3A_2261 : vector<16xi1>, vector<16xi32>
      %select_n3A_2345 = arith.select %lt3A_2340, %scan3A_2262, %select_n3A_2335 : vector<16xi1>, vector<16xi32>
      scf.yield %select_n3A_2302, %select_n3A_2303, %select_n3A_2344, %select_n3A_2345 : vector<16xi32>, vector<16xi32>, vector<16xi32>, vector<16xi32>
    }
    %scan3A_174 = arith.constant 11 : i32
    %sub3A = arith.constant 1 : i32
    %sub3A_175 = vector.broadcast %sub3A : i32 to vector<16xi32>
    %sub3A_176 = arith.subi %scan3A_173#0, %sub3A_175 : vector<16xi32>
    %max3A = arith.constant 0 : i32
    %max3A_177 = vector.broadcast %max3A : i32 to vector<16xi32>
    %max3A_178 = arith.maxsi %sub3A_176, %max3A_177 : vector<16xi32>
    %mul3A_179 = arith.constant 5000 : i32
    %mul3A_180 = vector.broadcast %mul3A_179 : i32 to vector<16xi32>
    %mul3A_181 = arith.muli %max3A_178, %mul3A_180 : vector<16xi32>
    %mul3A_182 = arith.constant 5000 : i32
    %mul3A_183 = vector.broadcast %mul3A_182 : i32 to vector<16xi32>
    %mul3A_184 = arith.muli %scan3A_173#0, %mul3A_183 : vector<16xi32>
    %min3A = arith.constant 6400000 : i32
    %min3A_185 = vector.broadcast %min3A : i32 to vector<16xi32>
    %min3A_186 = arith.minsi %mul3A_184, %min3A_185 : vector<16xi32>
    %sub3A_187 = arith.constant 1 : i32
    %sub3A_188 = vector.broadcast %sub3A_187 : i32 to vector<16xi32>
    %sub3A_189 = arith.subi %scan3A_173#2, %sub3A_188 : vector<16xi32>
    %max3A_190 = arith.constant 0 : i32
    %max3A_191 = vector.broadcast %max3A_190 : i32 to vector<16xi32>
    %max3A_192 = arith.maxsi %sub3A_189, %max3A_191 : vector<16xi32>
    %mul3A_193 = arith.constant 5000 : i32
    %mul3A_194 = vector.broadcast %mul3A_193 : i32 to vector<16xi32>
    %mul3A_195 = arith.muli %max3A_192, %mul3A_194 : vector<16xi32>
    %mul3A_196 = arith.constant 5000 : i32
    %mul3A_197 = vector.broadcast %mul3A_196 : i32 to vector<16xi32>
    %mul3A_198 = arith.muli %scan3A_173#2, %mul3A_197 : vector<16xi32>
    %min3A_199 = arith.constant 6400000 : i32
    %min3A_200 = vector.broadcast %min3A_199 : i32 to vector<16xi32>
    %min3A_201 = arith.minsi %mul3A_198, %min3A_200 : vector<16xi32>
    %sub3A_202 = arith.subi %min3A_186, %mul3A_181 : vector<16xi32>
    %sub3A_203 = arith.subi %min3A_201, %mul3A_195 : vector<16xi32>
    %mul3A_204 = arith.constant 1 : i32
    %mul3A_205 = vector.broadcast %mul3A_204 : i32 to vector<16xi32>
    %mul3A_206 = arith.muli %sub3A_202, %mul3A_205 : vector<16xi32>
    %jit3A = arith.constant 16 : i32
    %div3A = vector.broadcast %jit3A : i32 to vector<16xi32>
    %div3A_207 = arith.divsi %mul3A_206, %div3A : vector<16xi32>
    %sign3A = arith.constant 0 : i32
    %sign3A_208 = vector.broadcast %sign3A : i32 to vector<16xi32>
    %sign3A_209 = arith.cmpi sgt, %mul3A_206, %sign3A_208 : vector<16xi32>
    %sign3A_210 = arith.extui %sign3A_209 : vector<16xi1> to vector<16xi32>
    %sign3A_211 = arith.constant 0 : i32
    %sign3A_212 = vector.broadcast %sign3A_211 : i32 to vector<16xi32>
    %sign3A_213 = arith.cmpi slt, %mul3A_206, %sign3A_212 : vector<16xi32>
    %sign3A_214 = arith.extui %sign3A_213 : vector<16xi1> to vector<16xi32>
    %sign3A_215 = arith.subi %sign3A_210, %sign3A_214 : vector<16xi32>
    %sign3A_216 = arith.constant 0 : i32
    %sign3A_217 = arith.cmpi sgt, %jit3A, %sign3A_216 : i32
    %sign3A_218 = arith.extui %sign3A_217 : i1 to i32
    %sign3A_219 = arith.constant 0 : i32
    %sign3A_220 = arith.cmpi slt, %jit3A, %sign3A_219 : i32
    %sign3A_221 = arith.extui %sign3A_220 : i1 to i32
    %sign3A_222 = arith.subi %sign3A_218, %sign3A_221 : i32
    %ne3A = vector.broadcast %sign3A_222 : i32 to vector<16xi32>
    %ne3A_223 = arith.cmpi ne, %sign3A_215, %ne3A : vector<16xi32>
    %rem3A = vector.broadcast %jit3A : i32 to vector<16xi32>
    %rem3A_224 = arith.remsi %mul3A_206, %rem3A : vector<16xi32>
    %ne3A_225 = arith.constant 0 : i32
    %ne3A_226 = vector.broadcast %ne3A_225 : i32 to vector<16xi32>
    %ne3A_227 = arith.cmpi ne, %rem3A_224, %ne3A_226 : vector<16xi32>
    %and3A = arith.andi %ne3A_223, %ne3A_227 : vector<16xi1>
    %sub3A_228 = arith.constant 1 : i32
    %sub3A_229 = vector.broadcast %sub3A_228 : i32 to vector<16xi32>
    %sub3A_230 = arith.subi %div3A_207, %sub3A_229 : vector<16xi32>
    %select_n3A = arith.select %and3A, %sub3A_230, %div3A_207 : vector<16xi1>, vector<16xi32>
    %add3A_231 = arith.addi %mul3A_181, %select_n3A : vector<16xi32>
    %min3A_232 = arith.constant 6399999 : i32
    %min3A_233 = vector.broadcast %min3A_232 : i32 to vector<16xi32>
    %min3A_234 = arith.minsi %add3A_231, %min3A_233 : vector<16xi32>
    %swap3A_235 = arith.constant 0 : index
    %swap3A_236 = tpu.vector_load %arg9[%swap3A_235] {strides = array<i32>} : memref<256xi32, #tpu.memory_space<vmem>>, vector<16xi32>,
    tpu.vector_store %arg9[%swap3A_235], %min3A_234 {strides = array<i32>} : memref<256xi32, #tpu.memory_space<vmem>>, vector<16xi32>,
    %mul3A_237 = arith.constant 2 : i32
    %mul3A_238 = vector.broadcast %mul3A_237 : i32 to vector<16xi32>
    %mul3A_239 = arith.muli %sub3A_202, %mul3A_238 : vector<16xi32>
    %jit3A_240 = arith.constant 16 : i32
    %div3A_241 = vector.broadcast %jit3A_240 : i32 to vector<16xi32>
    %div3A_242 = arith.divsi %mul3A_239, %div3A_241 : vector<16xi32>
    %sign3A_243 = arith.constant 0 : i32
    %sign3A_244 = vector.broadcast %sign3A_243 : i32 to vector<16xi32>
    %sign3A_245 = arith.cmpi sgt, %mul3A_239, %sign3A_244 : vector<16xi32>
    %sign3A_246 = arith.extui %sign3A_245 : vector<16xi1> to vector<16xi32>
    %sign3A_247 = arith.constant 0 : i32
    %sign3A_248 = vector.broadcast %sign3A_247 : i32 to vector<16xi32>
    %sign3A_249 = arith.cmpi slt, %mul3A_239, %sign3A_248 : vector<16xi32>
    %sign3A_250 = arith.extui %sign3A_249 : vector<16xi1> to vector<16xi32>
    %sign3A_251 = arith.subi %sign3A_246, %sign3A_250 : vector<16xi32>
    %sign3A_252 = arith.constant 0 : i32
    %sign3A_253 = arith.cmpi sgt, %jit3A_240, %sign3A_252 : i32
    %sign3A_254 = arith.extui %sign3A_253 : i1 to i32
    %sign3A_255 = arith.constant 0 : i32
    %sign3A_256 = arith.cmpi slt, %jit3A_240, %sign3A_255 : i32
    %sign3A_257 = arith.extui %sign3A_256 : i1 to i32
    %sign3A_258 = arith.subi %sign3A_254, %sign3A_257 : i32
    %ne3A_259 = vector.broadcast %sign3A_258 : i32 to vector<16xi32>
    %ne3A_260 = arith.cmpi ne, %sign3A_251, %ne3A_259 : vector<16xi32>
    %rem3A_261 = vector.broadcast %jit3A_240 : i32 to vector<16xi32>
    %rem3A_262 = arith.remsi %mul3A_239, %rem3A_261 : vector<16xi32>
    %ne3A_263 = arith.constant 0 : i32
    %ne3A_264 = vector.broadcast %ne3A_263 : i32 to vector<16xi32>
    %ne3A_265 = arith.cmpi ne, %rem3A_262, %ne3A_264 : vector<16xi32>
    %and3A_266 = arith.andi %ne3A_260, %ne3A_265 : vector<16xi1>
    %sub3A_267 = arith.constant 1 : i32
    %sub3A_268 = vector.broadcast %sub3A_267 : i32 to vector<16xi32>
    %sub3A_269 = arith.subi %div3A_242, %sub3A_268 : vector<16xi32>
    %select_n3A_270 = arith.select %and3A_266, %sub3A_269, %div3A_242 : vector<16xi1>, vector<16xi32>
    %add3A_271 = arith.addi %mul3A_181, %select_n3A_270 : vector<16xi32>
    %min3A_272 = arith.constant 6399999 : i32
    %min3A_273 = vector.broadcast %min3A_272 : i32 to vector<16xi32>
    %min3A_274 = arith.minsi %add3A_271, %min3A_273 : vector<16xi32>
    %swap3A_275 = arith.constant 16 : index
    %swap3A_276 = tpu.vector_load %arg9[%swap3A_275] {strides = array<i32>} : memref<256xi32, #tpu.memory_space<vmem>>, vector<16xi32>,
    tpu.vector_store %arg9[%swap3A_275], %min3A_274 {strides = array<i32>} : memref<256xi32, #tpu.memory_space<vmem>>, vector<16xi32>,
    %mul3A_277 = arith.constant 3 : i32
    %mul3A_278 = vector.broadcast %mul3A_277 : i32 to vector<16xi32>
    %mul3A_279 = arith.muli %sub3A_202, %mul3A_278 : vector<16xi32>
    %jit3A_280 = arith.constant 16 : i32
    %div3A_281 = vector.broadcast %jit3A_280 : i32 to vector<16xi32>
    %div3A_282 = arith.divsi %mul3A_279, %div3A_281 : vector<16xi32>
    %sign3A_283 = arith.constant 0 : i32
    %sign3A_284 = vector.broadcast %sign3A_283 : i32 to vector<16xi32>
    %sign3A_285 = arith.cmpi sgt, %mul3A_279, %sign3A_284 : vector<16xi32>
    %sign3A_286 = arith.extui %sign3A_285 : vector<16xi1> to vector<16xi32>
    %sign3A_287 = arith.constant 0 : i32
    %sign3A_288 = vector.broadcast %sign3A_287 : i32 to vector<16xi32>
    %sign3A_289 = arith.cmpi slt, %mul3A_279, %sign3A_288 : vector<16xi32>
    %sign3A_290 = arith.extui %sign3A_289 : vector<16xi1> to vector<16xi32>
    %sign3A_291 = arith.subi %sign3A_286, %sign3A_290 : vector<16xi32>
    %sign3A_292 = arith.constant 0 : i32
    %sign3A_293 = arith.cmpi sgt, %jit3A_280, %sign3A_292 : i32
    %sign3A_294 = arith.extui %sign3A_293 : i1 to i32
    %sign3A_295 = arith.constant 0 : i32
    %sign3A_296 = arith.cmpi slt, %jit3A_280, %sign3A_295 : i32
    %sign3A_297 = arith.extui %sign3A_296 : i1 to i32
    %sign3A_298 = arith.subi %sign3A_294, %sign3A_297 : i32
    %ne3A_299 = vector.broadcast %sign3A_298 : i32 to vector<16xi32>
    %ne3A_300 = arith.cmpi ne, %sign3A_291, %ne3A_299 : vector<16xi32>
    %rem3A_301 = vector.broadcast %jit3A_280 : i32 to vector<16xi32>
    %rem3A_302 = arith.remsi %mul3A_279, %rem3A_301 : vector<16xi32>
    %ne3A_303 = arith.constant 0 : i32
    %ne3A_304 = vector.broadcast %ne3A_303 : i32 to vector<16xi32>
    %ne3A_305 = arith.cmpi ne, %rem3A_302, %ne3A_304 : vector<16xi32>
    %and3A_306 = arith.andi %ne3A_300, %ne3A_305 : vector<16xi1>
    %sub3A_307 = arith.constant 1 : i32
    %sub3A_308 = vector.broadcast %sub3A_307 : i32 to vector<16xi32>
    %sub3A_309 = arith.subi %div3A_282, %sub3A_308 : vector<16xi32>
    %select_n3A_310 = arith.select %and3A_306, %sub3A_309, %div3A_282 : vector<16xi1>, vector<16xi32>
    %add3A_311 = arith.addi %mul3A_181, %select_n3A_310 : vector<16xi32>
    %min3A_312 = arith.constant 6399999 : i32
    %min3A_313 = vector.broadcast %min3A_312 : i32 to vector<16xi32>
    %min3A_314 = arith.minsi %add3A_311, %min3A_313 : vector<16xi32>
    %swap3A_315 = arith.constant 32 : index
    %swap3A_316 = tpu.vector_load %arg9[%swap3A_315] {strides = array<i32>} : memref<256xi32, #tpu.memory_space<vmem>>, vector<16xi32>,
    tpu.vector_store %arg9[%swap3A_315], %min3A_314 {strides = array<i32>} : memref<256xi32, #tpu.memory_space<vmem>>, vector<16xi32>,
    %mul3A_317 = arith.constant 4 : i32
    %mul3A_318 = vector.broadcast %mul3A_317 : i32 to vector<16xi32>
    %mul3A_319 = arith.muli %sub3A_202, %mul3A_318 : vector<16xi32>
    %jit3A_320 = arith.constant 16 : i32
    %div3A_321 = vector.broadcast %jit3A_320 : i32 to vector<16xi32>
    %div3A_322 = arith.divsi %mul3A_319, %div3A_321 : vector<16xi32>
    %sign3A_323 = arith.constant 0 : i32
    %sign3A_324 = vector.broadcast %sign3A_323 : i32 to vector<16xi32>
    %sign3A_325 = arith.cmpi sgt, %mul3A_319, %sign3A_324 : vector<16xi32>
    %sign3A_326 = arith.extui %sign3A_325 : vector<16xi1> to vector<16xi32>
    %sign3A_327 = arith.constant 0 : i32
    %sign3A_328 = vector.broadcast %sign3A_327 : i32 to vector<16xi32>
    %sign3A_329 = arith.cmpi slt, %mul3A_319, %sign3A_328 : vector<16xi32>
    %sign3A_330 = arith.extui %sign3A_329 : vector<16xi1> to vector<16xi32>
    %sign3A_331 = arith.subi %sign3A_326, %sign3A_330 : vector<16xi32>
    %sign3A_332 = arith.constant 0 : i32
    %sign3A_333 = arith.cmpi sgt, %jit3A_320, %sign3A_332 : i32
    %sign3A_334 = arith.extui %sign3A_333 : i1 to i32
    %sign3A_335 = arith.constant 0 : i32
    %sign3A_336 = arith.cmpi slt, %jit3A_320, %sign3A_335 : i32
    %sign3A_337 = arith.extui %sign3A_336 : i1 to i32
    %sign3A_338 = arith.subi %sign3A_334, %sign3A_337 : i32
    %ne3A_339 = vector.broadcast %sign3A_338 : i32 to vector<16xi32>
    %ne3A_340 = arith.cmpi ne, %sign3A_331, %ne3A_339 : vector<16xi32>
    %rem3A_341 = vector.broadcast %jit3A_320 : i32 to vector<16xi32>
    %rem3A_342 = arith.remsi %mul3A_319, %rem3A_341 : vector<16xi32>
    %ne3A_343 = arith.constant 0 : i32
    %ne3A_344 = vector.broadcast %ne3A_343 : i32 to vector<16xi32>
    %ne3A_345 = arith.cmpi ne, %rem3A_342, %ne3A_344 : vector<16xi32>
    %and3A_346 = arith.andi %ne3A_340, %ne3A_345 : vector<16xi1>
    %sub3A_347 = arith.constant 1 : i32
    %sub3A_348 = vector.broadcast %sub3A_347 : i32 to vector<16xi32>
    %sub3A_349 = arith.subi %div3A_322, %sub3A_348 : vector<16xi32>
    %select_n3A_350 = arith.select %and3A_346, %sub3A_349, %div3A_322 : vector<16xi1>, vector<16xi32>
    %add3A_351 = arith.addi %mul3A_181, %select_n3A_350 : vector<16xi32>
    %min3A_352 = arith.constant 6399999 : i32
    %min3A_353 = vector.broadcast %min3A_352 : i32 to vector<16xi32>
    %min3A_354 = arith.minsi %add3A_351, %min3A_353 : vector<16xi32>
    %swap3A_355 = arith.constant 48 : index
    %swap3A_356 = tpu.vector_load %arg9[%swap3A_355] {strides = array<i32>} : memref<256xi32, #tpu.memory_space<vmem>>, vector<16xi32>,
    tpu.vector_store %arg9[%swap3A_355], %min3A_354 {strides = array<i32>} : memref<256xi32, #tpu.memory_space<vmem>>, vector<16xi32>,
    %mul3A_357 = arith.constant 5 : i32
    %mul3A_358 = vector.broadcast %mul3A_357 : i32 to vector<16xi32>
    %mul3A_359 = arith.muli %sub3A_202, %mul3A_358 : vector<16xi32>
    %jit3A_360 = arith.constant 16 : i32
    %div3A_361 = vector.broadcast %jit3A_360 : i32 to vector<16xi32>
    %div3A_362 = arith.divsi %mul3A_359, %div3A_361 : vector<16xi32>
    %sign3A_363 = arith.constant 0 : i32
    %sign3A_364 = vector.broadcast %sign3A_363 : i32 to vector<16xi32>
    %sign3A_365 = arith.cmpi sgt, %mul3A_359, %sign3A_364 : vector<16xi32>
    %sign3A_366 = arith.extui %sign3A_365 : vector<16xi1> to vector<16xi32>
    %sign3A_367 = arith.constant 0 : i32
    %sign3A_368 = vector.broadcast %sign3A_367 : i32 to vector<16xi32>
    %sign3A_369 = arith.cmpi slt, %mul3A_359, %sign3A_368 : vector<16xi32>
    %sign3A_370 = arith.extui %sign3A_369 : vector<16xi1> to vector<16xi32>
    %sign3A_371 = arith.subi %sign3A_366, %sign3A_370 : vector<16xi32>
    %sign3A_372 = arith.constant 0 : i32
    %sign3A_373 = arith.cmpi sgt, %jit3A_360, %sign3A_372 : i32
    %sign3A_374 = arith.extui %sign3A_373 : i1 to i32
    %sign3A_375 = arith.constant 0 : i32
    %sign3A_376 = arith.cmpi slt, %jit3A_360, %sign3A_375 : i32
    %sign3A_377 = arith.extui %sign3A_376 : i1 to i32
    %sign3A_378 = arith.subi %sign3A_374, %sign3A_377 : i32
    %ne3A_379 = vector.broadcast %sign3A_378 : i32 to vector<16xi32>
    %ne3A_380 = arith.cmpi ne, %sign3A_371, %ne3A_379 : vector<16xi32>
    %rem3A_381 = vector.broadcast %jit3A_360 : i32 to vector<16xi32>
    %rem3A_382 = arith.remsi %mul3A_359, %rem3A_381 : vector<16xi32>
    %ne3A_383 = arith.constant 0 : i32
    %ne3A_384 = vector.broadcast %ne3A_383 : i32 to vector<16xi32>
    %ne3A_385 = arith.cmpi ne, %rem3A_382, %ne3A_384 : vector<16xi32>
    %and3A_386 = arith.andi %ne3A_380, %ne3A_385 : vector<16xi1>
    %sub3A_387 = arith.constant 1 : i32
    %sub3A_388 = vector.broadcast %sub3A_387 : i32 to vector<16xi32>
    %sub3A_389 = arith.subi %div3A_362, %sub3A_388 : vector<16xi32>
    %select_n3A_390 = arith.select %and3A_386, %sub3A_389, %div3A_362 : vector<16xi1>, vector<16xi32>
    %add3A_391 = arith.addi %mul3A_181, %select_n3A_390 : vector<16xi32>
    %min3A_392 = arith.constant 6399999 : i32
    %min3A_393 = vector.broadcast %min3A_392 : i32 to vector<16xi32>
    %min3A_394 = arith.minsi %add3A_391, %min3A_393 : vector<16xi32>
    %swap3A_395 = arith.constant 64 : index
    %swap3A_396 = tpu.vector_load %arg9[%swap3A_395] {strides = array<i32>} : memref<256xi32, #tpu.memory_space<vmem>>, vector<16xi32>,
    tpu.vector_store %arg9[%swap3A_395], %min3A_394 {strides = array<i32>} : memref<256xi32, #tpu.memory_space<vmem>>, vector<16xi32>,
    %mul3A_397 = arith.constant 6 : i32
    %mul3A_398 = vector.broadcast %mul3A_397 : i32 to vector<16xi32>
    %mul3A_399 = arith.muli %sub3A_202, %mul3A_398 : vector<16xi32>
    %jit3A_400 = arith.constant 16 : i32
    %div3A_401 = vector.broadcast %jit3A_400 : i32 to vector<16xi32>
    %div3A_402 = arith.divsi %mul3A_399, %div3A_401 : vector<16xi32>
    %sign3A_403 = arith.constant 0 : i32
    %sign3A_404 = vector.broadcast %sign3A_403 : i32 to vector<16xi32>
    %sign3A_405 = arith.cmpi sgt, %mul3A_399, %sign3A_404 : vector<16xi32>
    %sign3A_406 = arith.extui %sign3A_405 : vector<16xi1> to vector<16xi32>
    %sign3A_407 = arith.constant 0 : i32
    %sign3A_408 = vector.broadcast %sign3A_407 : i32 to vector<16xi32>
    %sign3A_409 = arith.cmpi slt, %mul3A_399, %sign3A_408 : vector<16xi32>
    %sign3A_410 = arith.extui %sign3A_409 : vector<16xi1> to vector<16xi32>
    %sign3A_411 = arith.subi %sign3A_406, %sign3A_410 : vector<16xi32>
    %sign3A_412 = arith.constant 0 : i32
    %sign3A_413 = arith.cmpi sgt, %jit3A_400, %sign3A_412 : i32
    %sign3A_414 = arith.extui %sign3A_413 : i1 to i32
    %sign3A_415 = arith.constant 0 : i32
    %sign3A_416 = arith.cmpi slt, %jit3A_400, %sign3A_415 : i32
    %sign3A_417 = arith.extui %sign3A_416 : i1 to i32
    %sign3A_418 = arith.subi %sign3A_414, %sign3A_417 : i32
    %ne3A_419 = vector.broadcast %sign3A_418 : i32 to vector<16xi32>
    %ne3A_420 = arith.cmpi ne, %sign3A_411, %ne3A_419 : vector<16xi32>
    %rem3A_421 = vector.broadcast %jit3A_400 : i32 to vector<16xi32>
    %rem3A_422 = arith.remsi %mul3A_399, %rem3A_421 : vector<16xi32>
    %ne3A_423 = arith.constant 0 : i32
    %ne3A_424 = vector.broadcast %ne3A_423 : i32 to vector<16xi32>
    %ne3A_425 = arith.cmpi ne, %rem3A_422, %ne3A_424 : vector<16xi32>
    %and3A_426 = arith.andi %ne3A_420, %ne3A_425 : vector<16xi1>
    %sub3A_427 = arith.constant 1 : i32
    %sub3A_428 = vector.broadcast %sub3A_427 : i32 to vector<16xi32>
    %sub3A_429 = arith.subi %div3A_402, %sub3A_428 : vector<16xi32>
    %select_n3A_430 = arith.select %and3A_426, %sub3A_429, %div3A_402 : vector<16xi1>, vector<16xi32>
    %add3A_431 = arith.addi %mul3A_181, %select_n3A_430 : vector<16xi32>
    %min3A_432 = arith.constant 6399999 : i32
    %min3A_433 = vector.broadcast %min3A_432 : i32 to vector<16xi32>
    %min3A_434 = arith.minsi %add3A_431, %min3A_433 : vector<16xi32>
    %swap3A_435 = arith.constant 80 : index
    %swap3A_436 = tpu.vector_load %arg9[%swap3A_435] {strides = array<i32>} : memref<256xi32, #tpu.memory_space<vmem>>, vector<16xi32>,
    tpu.vector_store %arg9[%swap3A_435], %min3A_434 {strides = array<i32>} : memref<256xi32, #tpu.memory_space<vmem>>, vector<16xi32>,
    %mul3A_437 = arith.constant 7 : i32
    %mul3A_438 = vector.broadcast %mul3A_437 : i32 to vector<16xi32>
    %mul3A_439 = arith.muli %sub3A_202, %mul3A_438 : vector<16xi32>
    %jit3A_440 = arith.constant 16 : i32
    %div3A_441 = vector.broadcast %jit3A_440 : i32 to vector<16xi32>
    %div3A_442 = arith.divsi %mul3A_439, %div3A_441 : vector<16xi32>
    %sign3A_443 = arith.constant 0 : i32
    %sign3A_444 = vector.broadcast %sign3A_443 : i32 to vector<16xi32>
    %sign3A_445 = arith.cmpi sgt, %mul3A_439, %sign3A_444 : vector<16xi32>
    %sign3A_446 = arith.extui %sign3A_445 : vector<16xi1> to vector<16xi32>
    %sign3A_447 = arith.constant 0 : i32
    %sign3A_448 = vector.broadcast %sign3A_447 : i32 to vector<16xi32>
    %sign3A_449 = arith.cmpi slt, %mul3A_439, %sign3A_448 : vector<16xi32>
    %sign3A_450 = arith.extui %sign3A_449 : vector<16xi1> to vector<16xi32>
    %sign3A_451 = arith.subi %sign3A_446, %sign3A_450 : vector<16xi32>
    %sign3A_452 = arith.constant 0 : i32
    %sign3A_453 = arith.cmpi sgt, %jit3A_440, %sign3A_452 : i32
    %sign3A_454 = arith.extui %sign3A_453 : i1 to i32
    %sign3A_455 = arith.constant 0 : i32
    %sign3A_456 = arith.cmpi slt, %jit3A_440, %sign3A_455 : i32
    %sign3A_457 = arith.extui %sign3A_456 : i1 to i32
    %sign3A_458 = arith.subi %sign3A_454, %sign3A_457 : i32
    %ne3A_459 = vector.broadcast %sign3A_458 : i32 to vector<16xi32>
    %ne3A_460 = arith.cmpi ne, %sign3A_451, %ne3A_459 : vector<16xi32>
    %rem3A_461 = vector.broadcast %jit3A_440 : i32 to vector<16xi32>
    %rem3A_462 = arith.remsi %mul3A_439, %rem3A_461 : vector<16xi32>
    %ne3A_463 = arith.constant 0 : i32
    %ne3A_464 = vector.broadcast %ne3A_463 : i32 to vector<16xi32>
    %ne3A_465 = arith.cmpi ne, %rem3A_462, %ne3A_464 : vector<16xi32>
    %and3A_466 = arith.andi %ne3A_460, %ne3A_465 : vector<16xi1>
    %sub3A_467 = arith.constant 1 : i32
    %sub3A_468 = vector.broadcast %sub3A_467 : i32 to vector<16xi32>
    %sub3A_469 = arith.subi %div3A_442, %sub3A_468 : vector<16xi32>
    %select_n3A_470 = arith.select %and3A_466, %sub3A_469, %div3A_442 : vector<16xi1>, vector<16xi32>
    %add3A_471 = arith.addi %mul3A_181, %select_n3A_470 : vector<16xi32>
    %min3A_472 = arith.constant 6399999 : i32
    %min3A_473 = vector.broadcast %min3A_472 : i32 to vector<16xi32>
    %min3A_474 = arith.minsi %add3A_471, %min3A_473 : vector<16xi32>
    %swap3A_475 = arith.constant 96 : index
    %swap3A_476 = tpu.vector_load %arg9[%swap3A_475] {strides = array<i32>} : memref<256xi32, #tpu.memory_space<vmem>>, vector<16xi32>,
    tpu.vector_store %arg9[%swap3A_475], %min3A_474 {strides = array<i32>} : memref<256xi32, #tpu.memory_space<vmem>>, vector<16xi32>,
    %mul3A_477 = arith.constant 8 : i32
    %mul3A_478 = vector.broadcast %mul3A_477 : i32 to vector<16xi32>
    %mul3A_479 = arith.muli %sub3A_202, %mul3A_478 : vector<16xi32>
    %jit3A_480 = arith.constant 16 : i32
    %div3A_481 = vector.broadcast %jit3A_480 : i32 to vector<16xi32>
    %div3A_482 = arith.divsi %mul3A_479, %div3A_481 : vector<16xi32>
    %sign3A_483 = arith.constant 0 : i32
    %sign3A_484 = vector.broadcast %sign3A_483 : i32 to vector<16xi32>
    %sign3A_485 = arith.cmpi sgt, %mul3A_479, %sign3A_484 : vector<16xi32>
    %sign3A_486 = arith.extui %sign3A_485 : vector<16xi1> to vector<16xi32>
    %sign3A_487 = arith.constant 0 : i32
    %sign3A_488 = vector.broadcast %sign3A_487 : i32 to vector<16xi32>
    %sign3A_489 = arith.cmpi slt, %mul3A_479, %sign3A_488 : vector<16xi32>
    %sign3A_490 = arith.extui %sign3A_489 : vector<16xi1> to vector<16xi32>
    %sign3A_491 = arith.subi %sign3A_486, %sign3A_490 : vector<16xi32>
    %sign3A_492 = arith.constant 0 : i32
    %sign3A_493 = arith.cmpi sgt, %jit3A_480, %sign3A_492 : i32
    %sign3A_494 = arith.extui %sign3A_493 : i1 to i32
    %sign3A_495 = arith.constant 0 : i32
    %sign3A_496 = arith.cmpi slt, %jit3A_480, %sign3A_495 : i32
    %sign3A_497 = arith.extui %sign3A_496 : i1 to i32
    %sign3A_498 = arith.subi %sign3A_494, %sign3A_497 : i32
    %ne3A_499 = vector.broadcast %sign3A_498 : i32 to vector<16xi32>
    %ne3A_500 = arith.cmpi ne, %sign3A_491, %ne3A_499 : vector<16xi32>
    %rem3A_501 = vector.broadcast %jit3A_480 : i32 to vector<16xi32>
    %rem3A_502 = arith.remsi %mul3A_479, %rem3A_501 : vector<16xi32>
    %ne3A_503 = arith.constant 0 : i32
    %ne3A_504 = vector.broadcast %ne3A_503 : i32 to vector<16xi32>
    %ne3A_505 = arith.cmpi ne, %rem3A_502, %ne3A_504 : vector<16xi32>
    %and3A_506 = arith.andi %ne3A_500, %ne3A_505 : vector<16xi1>
    %sub3A_507 = arith.constant 1 : i32
    %sub3A_508 = vector.broadcast %sub3A_507 : i32 to vector<16xi32>
    %sub3A_509 = arith.subi %div3A_482, %sub3A_508 : vector<16xi32>
    %select_n3A_510 = arith.select %and3A_506, %sub3A_509, %div3A_482 : vector<16xi1>, vector<16xi32>
    %add3A_511 = arith.addi %mul3A_181, %select_n3A_510 : vector<16xi32>
    %min3A_512 = arith.constant 6399999 : i32
    %min3A_513 = vector.broadcast %min3A_512 : i32 to vector<16xi32>
    %min3A_514 = arith.minsi %add3A_511, %min3A_513 : vector<16xi32>
    %swap3A_515 = arith.constant 112 : index
    %swap3A_516 = tpu.vector_load %arg9[%swap3A_515] {strides = array<i32>} : memref<256xi32, #tpu.memory_space<vmem>>, vector<16xi32>,
    tpu.vector_store %arg9[%swap3A_515], %min3A_514 {strides = array<i32>} : memref<256xi32, #tpu.memory_space<vmem>>, vector<16xi32>,
    %mul3A_517 = arith.constant 9 : i32
    %mul3A_518 = vector.broadcast %mul3A_517 : i32 to vector<16xi32>
    %mul3A_519 = arith.muli %sub3A_202, %mul3A_518 : vector<16xi32>
    %jit3A_520 = arith.constant 16 : i32
    %div3A_521 = vector.broadcast %jit3A_520 : i32 to vector<16xi32>
    %div3A_522 = arith.divsi %mul3A_519, %div3A_521 : vector<16xi32>
    %sign3A_523 = arith.constant 0 : i32
    %sign3A_524 = vector.broadcast %sign3A_523 : i32 to vector<16xi32>
    %sign3A_525 = arith.cmpi sgt, %mul3A_519, %sign3A_524 : vector<16xi32>
    %sign3A_526 = arith.extui %sign3A_525 : vector<16xi1> to vector<16xi32>
    %sign3A_527 = arith.constant 0 : i32
    %sign3A_528 = vector.broadcast %sign3A_527 : i32 to vector<16xi32>
    %sign3A_529 = arith.cmpi slt, %mul3A_519, %sign3A_528 : vector<16xi32>
    %sign3A_530 = arith.extui %sign3A_529 : vector<16xi1> to vector<16xi32>
    %sign3A_531 = arith.subi %sign3A_526, %sign3A_530 : vector<16xi32>
    %sign3A_532 = arith.constant 0 : i32
    %sign3A_533 = arith.cmpi sgt, %jit3A_520, %sign3A_532 : i32
    %sign3A_534 = arith.extui %sign3A_533 : i1 to i32
    %sign3A_535 = arith.constant 0 : i32
    %sign3A_536 = arith.cmpi slt, %jit3A_520, %sign3A_535 : i32
    %sign3A_537 = arith.extui %sign3A_536 : i1 to i32
    %sign3A_538 = arith.subi %sign3A_534, %sign3A_537 : i32
    %ne3A_539 = vector.broadcast %sign3A_538 : i32 to vector<16xi32>
    %ne3A_540 = arith.cmpi ne, %sign3A_531, %ne3A_539 : vector<16xi32>
    %rem3A_541 = vector.broadcast %jit3A_520 : i32 to vector<16xi32>
    %rem3A_542 = arith.remsi %mul3A_519, %rem3A_541 : vector<16xi32>
    %ne3A_543 = arith.constant 0 : i32
    %ne3A_544 = vector.broadcast %ne3A_543 : i32 to vector<16xi32>
    %ne3A_545 = arith.cmpi ne, %rem3A_542, %ne3A_544 : vector<16xi32>
    %and3A_546 = arith.andi %ne3A_540, %ne3A_545 : vector<16xi1>
    %sub3A_547 = arith.constant 1 : i32
    %sub3A_548 = vector.broadcast %sub3A_547 : i32 to vector<16xi32>
    %sub3A_549 = arith.subi %div3A_522, %sub3A_548 : vector<16xi32>
    %select_n3A_550 = arith.select %and3A_546, %sub3A_549, %div3A_522 : vector<16xi1>, vector<16xi32>
    %add3A_551 = arith.addi %mul3A_181, %select_n3A_550 : vector<16xi32>
    %min3A_552 = arith.constant 6399999 : i32
    %min3A_553 = vector.broadcast %min3A_552 : i32 to vector<16xi32>
    %min3A_554 = arith.minsi %add3A_551, %min3A_553 : vector<16xi32>
    %swap3A_555 = arith.constant 128 : index
    %swap3A_556 = tpu.vector_load %arg9[%swap3A_555] {strides = array<i32>} : memref<256xi32, #tpu.memory_space<vmem>>, vector<16xi32>,
    tpu.vector_store %arg9[%swap3A_555], %min3A_554 {strides = array<i32>} : memref<256xi32, #tpu.memory_space<vmem>>, vector<16xi32>,
    %mul3A_557 = arith.constant 10 : i32
    %mul3A_558 = vector.broadcast %mul3A_557 : i32 to vector<16xi32>
    %mul3A_559 = arith.muli %sub3A_202, %mul3A_558 : vector<16xi32>
    %jit3A_560 = arith.constant 16 : i32
    %div3A_561 = vector.broadcast %jit3A_560 : i32 to vector<16xi32>
    %div3A_562 = arith.divsi %mul3A_559, %div3A_561 : vector<16xi32>
    %sign3A_563 = arith.constant 0 : i32
    %sign3A_564 = vector.broadcast %sign3A_563 : i32 to vector<16xi32>
    %sign3A_565 = arith.cmpi sgt, %mul3A_559, %sign3A_564 : vector<16xi32>
    %sign3A_566 = arith.extui %sign3A_565 : vector<16xi1> to vector<16xi32>
    %sign3A_567 = arith.constant 0 : i32
    %sign3A_568 = vector.broadcast %sign3A_567 : i32 to vector<16xi32>
    %sign3A_569 = arith.cmpi slt, %mul3A_559, %sign3A_568 : vector<16xi32>
    %sign3A_570 = arith.extui %sign3A_569 : vector<16xi1> to vector<16xi32>
    %sign3A_571 = arith.subi %sign3A_566, %sign3A_570 : vector<16xi32>
    %sign3A_572 = arith.constant 0 : i32
    %sign3A_573 = arith.cmpi sgt, %jit3A_560, %sign3A_572 : i32
    %sign3A_574 = arith.extui %sign3A_573 : i1 to i32
    %sign3A_575 = arith.constant 0 : i32
    %sign3A_576 = arith.cmpi slt, %jit3A_560, %sign3A_575 : i32
    %sign3A_577 = arith.extui %sign3A_576 : i1 to i32
    %sign3A_578 = arith.subi %sign3A_574, %sign3A_577 : i32
    %ne3A_579 = vector.broadcast %sign3A_578 : i32 to vector<16xi32>
    %ne3A_580 = arith.cmpi ne, %sign3A_571, %ne3A_579 : vector<16xi32>
    %rem3A_581 = vector.broadcast %jit3A_560 : i32 to vector<16xi32>
    %rem3A_582 = arith.remsi %mul3A_559, %rem3A_581 : vector<16xi32>
    %ne3A_583 = arith.constant 0 : i32
    %ne3A_584 = vector.broadcast %ne3A_583 : i32 to vector<16xi32>
    %ne3A_585 = arith.cmpi ne, %rem3A_582, %ne3A_584 : vector<16xi32>
    %and3A_586 = arith.andi %ne3A_580, %ne3A_585 : vector<16xi1>
    %sub3A_587 = arith.constant 1 : i32
    %sub3A_588 = vector.broadcast %sub3A_587 : i32 to vector<16xi32>
    %sub3A_589 = arith.subi %div3A_562, %sub3A_588 : vector<16xi32>
    %select_n3A_590 = arith.select %and3A_586, %sub3A_589, %div3A_562 : vector<16xi1>, vector<16xi32>
    %add3A_591 = arith.addi %mul3A_181, %select_n3A_590 : vector<16xi32>
    %min3A_592 = arith.constant 6399999 : i32
    %min3A_593 = vector.broadcast %min3A_592 : i32 to vector<16xi32>
    %min3A_594 = arith.minsi %add3A_591, %min3A_593 : vector<16xi32>
    %swap3A_595 = arith.constant 144 : index
    %swap3A_596 = tpu.vector_load %arg9[%swap3A_595] {strides = array<i32>} : memref<256xi32, #tpu.memory_space<vmem>>, vector<16xi32>,
    tpu.vector_store %arg9[%swap3A_595], %min3A_594 {strides = array<i32>} : memref<256xi32, #tpu.memory_space<vmem>>, vector<16xi32>,
    %mul3A_597 = arith.constant 11 : i32
    %mul3A_598 = vector.broadcast %mul3A_597 : i32 to vector<16xi32>
    %mul3A_599 = arith.muli %sub3A_202, %mul3A_598 : vector<16xi32>
    %jit3A_600 = arith.constant 16 : i32
    %div3A_601 = vector.broadcast %jit3A_600 : i32 to vector<16xi32>
    %div3A_602 = arith.divsi %mul3A_599, %div3A_601 : vector<16xi32>
    %sign3A_603 = arith.constant 0 : i32
    %sign3A_604 = vector.broadcast %sign3A_603 : i32 to vector<16xi32>
    %sign3A_605 = arith.cmpi sgt, %mul3A_599, %sign3A_604 : vector<16xi32>
    %sign3A_606 = arith.extui %sign3A_605 : vector<16xi1> to vector<16xi32>
    %sign3A_607 = arith.constant 0 : i32
    %sign3A_608 = vector.broadcast %sign3A_607 : i32 to vector<16xi32>
    %sign3A_609 = arith.cmpi slt, %mul3A_599, %sign3A_608 : vector<16xi32>
    %sign3A_610 = arith.extui %sign3A_609 : vector<16xi1> to vector<16xi32>
    %sign3A_611 = arith.subi %sign3A_606, %sign3A_610 : vector<16xi32>
    %sign3A_612 = arith.constant 0 : i32
    %sign3A_613 = arith.cmpi sgt, %jit3A_600, %sign3A_612 : i32
    %sign3A_614 = arith.extui %sign3A_613 : i1 to i32
    %sign3A_615 = arith.constant 0 : i32
    %sign3A_616 = arith.cmpi slt, %jit3A_600, %sign3A_615 : i32
    %sign3A_617 = arith.extui %sign3A_616 : i1 to i32
    %sign3A_618 = arith.subi %sign3A_614, %sign3A_617 : i32
    %ne3A_619 = vector.broadcast %sign3A_618 : i32 to vector<16xi32>
    %ne3A_620 = arith.cmpi ne, %sign3A_611, %ne3A_619 : vector<16xi32>
    %rem3A_621 = vector.broadcast %jit3A_600 : i32 to vector<16xi32>
    %rem3A_622 = arith.remsi %mul3A_599, %rem3A_621 : vector<16xi32>
    %ne3A_623 = arith.constant 0 : i32
    %ne3A_624 = vector.broadcast %ne3A_623 : i32 to vector<16xi32>
    %ne3A_625 = arith.cmpi ne, %rem3A_622, %ne3A_624 : vector<16xi32>
    %and3A_626 = arith.andi %ne3A_620, %ne3A_625 : vector<16xi1>
    %sub3A_627 = arith.constant 1 : i32
    %sub3A_628 = vector.broadcast %sub3A_627 : i32 to vector<16xi32>
    %sub3A_629 = arith.subi %div3A_602, %sub3A_628 : vector<16xi32>
    %select_n3A_630 = arith.select %and3A_626, %sub3A_629, %div3A_602 : vector<16xi1>, vector<16xi32>
    %add3A_631 = arith.addi %mul3A_181, %select_n3A_630 : vector<16xi32>
    %min3A_632 = arith.constant 6399999 : i32
    %min3A_633 = vector.broadcast %min3A_632 : i32 to vector<16xi32>
    %min3A_634 = arith.minsi %add3A_631, %min3A_633 : vector<16xi32>
    %swap3A_635 = arith.constant 160 : index
    %swap3A_636 = tpu.vector_load %arg9[%swap3A_635] {strides = array<i32>} : memref<256xi32, #tpu.memory_space<vmem>>, vector<16xi32>,
    tpu.vector_store %arg9[%swap3A_635], %min3A_634 {strides = array<i32>} : memref<256xi32, #tpu.memory_space<vmem>>, vector<16xi32>,
    %mul3A_637 = arith.constant 12 : i32
    %mul3A_638 = vector.broadcast %mul3A_637 : i32 to vector<16xi32>
    %mul3A_639 = arith.muli %sub3A_202, %mul3A_638 : vector<16xi32>
    %jit3A_640 = arith.constant 16 : i32
    %div3A_641 = vector.broadcast %jit3A_640 : i32 to vector<16xi32>
    %div3A_642 = arith.divsi %mul3A_639, %div3A_641 : vector<16xi32>
    %sign3A_643 = arith.constant 0 : i32
    %sign3A_644 = vector.broadcast %sign3A_643 : i32 to vector<16xi32>
    %sign3A_645 = arith.cmpi sgt, %mul3A_639, %sign3A_644 : vector<16xi32>
    %sign3A_646 = arith.extui %sign3A_645 : vector<16xi1> to vector<16xi32>
    %sign3A_647 = arith.constant 0 : i32
    %sign3A_648 = vector.broadcast %sign3A_647 : i32 to vector<16xi32>
    %sign3A_649 = arith.cmpi slt, %mul3A_639, %sign3A_648 : vector<16xi32>
    %sign3A_650 = arith.extui %sign3A_649 : vector<16xi1> to vector<16xi32>
    %sign3A_651 = arith.subi %sign3A_646, %sign3A_650 : vector<16xi32>
    %sign3A_652 = arith.constant 0 : i32
    %sign3A_653 = arith.cmpi sgt, %jit3A_640, %sign3A_652 : i32
    %sign3A_654 = arith.extui %sign3A_653 : i1 to i32
    %sign3A_655 = arith.constant 0 : i32
    %sign3A_656 = arith.cmpi slt, %jit3A_640, %sign3A_655 : i32
    %sign3A_657 = arith.extui %sign3A_656 : i1 to i32
    %sign3A_658 = arith.subi %sign3A_654, %sign3A_657 : i32
    %ne3A_659 = vector.broadcast %sign3A_658 : i32 to vector<16xi32>
    %ne3A_660 = arith.cmpi ne, %sign3A_651, %ne3A_659 : vector<16xi32>
    %rem3A_661 = vector.broadcast %jit3A_640 : i32 to vector<16xi32>
    %rem3A_662 = arith.remsi %mul3A_639, %rem3A_661 : vector<16xi32>
    %ne3A_663 = arith.constant 0 : i32
    %ne3A_664 = vector.broadcast %ne3A_663 : i32 to vector<16xi32>
    %ne3A_665 = arith.cmpi ne, %rem3A_662, %ne3A_664 : vector<16xi32>
    %and3A_666 = arith.andi %ne3A_660, %ne3A_665 : vector<16xi1>
    %sub3A_667 = arith.constant 1 : i32
    %sub3A_668 = vector.broadcast %sub3A_667 : i32 to vector<16xi32>
    %sub3A_669 = arith.subi %div3A_642, %sub3A_668 : vector<16xi32>
    %select_n3A_670 = arith.select %and3A_666, %sub3A_669, %div3A_642 : vector<16xi1>, vector<16xi32>
    %add3A_671 = arith.addi %mul3A_181, %select_n3A_670 : vector<16xi32>
    %min3A_672 = arith.constant 6399999 : i32
    %min3A_673 = vector.broadcast %min3A_672 : i32 to vector<16xi32>
    %min3A_674 = arith.minsi %add3A_671, %min3A_673 : vector<16xi32>
    %swap3A_675 = arith.constant 176 : index
    %swap3A_676 = tpu.vector_load %arg9[%swap3A_675] {strides = array<i32>} : memref<256xi32, #tpu.memory_space<vmem>>, vector<16xi32>,
    tpu.vector_store %arg9[%swap3A_675], %min3A_674 {strides = array<i32>} : memref<256xi32, #tpu.memory_space<vmem>>, vector<16xi32>,
    %mul3A_677 = arith.constant 13 : i32
    %mul3A_678 = vector.broadcast %mul3A_677 : i32 to vector<16xi32>
    %mul3A_679 = arith.muli %sub3A_202, %mul3A_678 : vector<16xi32>
    %jit3A_680 = arith.constant 16 : i32
    %div3A_681 = vector.broadcast %jit3A_680 : i32 to vector<16xi32>
    %div3A_682 = arith.divsi %mul3A_679, %div3A_681 : vector<16xi32>
    %sign3A_683 = arith.constant 0 : i32
    %sign3A_684 = vector.broadcast %sign3A_683 : i32 to vector<16xi32>
    %sign3A_685 = arith.cmpi sgt, %mul3A_679, %sign3A_684 : vector<16xi32>
    %sign3A_686 = arith.extui %sign3A_685 : vector<16xi1> to vector<16xi32>
    %sign3A_687 = arith.constant 0 : i32
    %sign3A_688 = vector.broadcast %sign3A_687 : i32 to vector<16xi32>
    %sign3A_689 = arith.cmpi slt, %mul3A_679, %sign3A_688 : vector<16xi32>
    %sign3A_690 = arith.extui %sign3A_689 : vector<16xi1> to vector<16xi32>
    %sign3A_691 = arith.subi %sign3A_686, %sign3A_690 : vector<16xi32>
    %sign3A_692 = arith.constant 0 : i32
    %sign3A_693 = arith.cmpi sgt, %jit3A_680, %sign3A_692 : i32
    %sign3A_694 = arith.extui %sign3A_693 : i1 to i32
    %sign3A_695 = arith.constant 0 : i32
    %sign3A_696 = arith.cmpi slt, %jit3A_680, %sign3A_695 : i32
    %sign3A_697 = arith.extui %sign3A_696 : i1 to i32
    %sign3A_698 = arith.subi %sign3A_694, %sign3A_697 : i32
    %ne3A_699 = vector.broadcast %sign3A_698 : i32 to vector<16xi32>
    %ne3A_700 = arith.cmpi ne, %sign3A_691, %ne3A_699 : vector<16xi32>
    %rem3A_701 = vector.broadcast %jit3A_680 : i32 to vector<16xi32>
    %rem3A_702 = arith.remsi %mul3A_679, %rem3A_701 : vector<16xi32>
    %ne3A_703 = arith.constant 0 : i32
    %ne3A_704 = vector.broadcast %ne3A_703 : i32 to vector<16xi32>
    %ne3A_705 = arith.cmpi ne, %rem3A_702, %ne3A_704 : vector<16xi32>
    %and3A_706 = arith.andi %ne3A_700, %ne3A_705 : vector<16xi1>
    %sub3A_707 = arith.constant 1 : i32
    %sub3A_708 = vector.broadcast %sub3A_707 : i32 to vector<16xi32>
    %sub3A_709 = arith.subi %div3A_682, %sub3A_708 : vector<16xi32>
    %select_n3A_710 = arith.select %and3A_706, %sub3A_709, %div3A_682 : vector<16xi1>, vector<16xi32>
    %add3A_711 = arith.addi %mul3A_181, %select_n3A_710 : vector<16xi32>
    %min3A_712 = arith.constant 6399999 : i32
    %min3A_713 = vector.broadcast %min3A_712 : i32 to vector<16xi32>
    %min3A_714 = arith.minsi %add3A_711, %min3A_713 : vector<16xi32>
    %swap3A_715 = arith.constant 192 : index
    %swap3A_716 = tpu.vector_load %arg9[%swap3A_715] {strides = array<i32>} : memref<256xi32, #tpu.memory_space<vmem>>, vector<16xi32>,
    tpu.vector_store %arg9[%swap3A_715], %min3A_714 {strides = array<i32>} : memref<256xi32, #tpu.memory_space<vmem>>, vector<16xi32>,
    %mul3A_717 = arith.constant 14 : i32
    %mul3A_718 = vector.broadcast %mul3A_717 : i32 to vector<16xi32>
    %mul3A_719 = arith.muli %sub3A_202, %mul3A_718 : vector<16xi32>
    %jit3A_720 = arith.constant 16 : i32
    %div3A_721 = vector.broadcast %jit3A_720 : i32 to vector<16xi32>
    %div3A_722 = arith.divsi %mul3A_719, %div3A_721 : vector<16xi32>
    %sign3A_723 = arith.constant 0 : i32
    %sign3A_724 = vector.broadcast %sign3A_723 : i32 to vector<16xi32>
    %sign3A_725 = arith.cmpi sgt, %mul3A_719, %sign3A_724 : vector<16xi32>
    %sign3A_726 = arith.extui %sign3A_725 : vector<16xi1> to vector<16xi32>
    %sign3A_727 = arith.constant 0 : i32
    %sign3A_728 = vector.broadcast %sign3A_727 : i32 to vector<16xi32>
    %sign3A_729 = arith.cmpi slt, %mul3A_719, %sign3A_728 : vector<16xi32>
    %sign3A_730 = arith.extui %sign3A_729 : vector<16xi1> to vector<16xi32>
    %sign3A_731 = arith.subi %sign3A_726, %sign3A_730 : vector<16xi32>
    %sign3A_732 = arith.constant 0 : i32
    %sign3A_733 = arith.cmpi sgt, %jit3A_720, %sign3A_732 : i32
    %sign3A_734 = arith.extui %sign3A_733 : i1 to i32
    %sign3A_735 = arith.constant 0 : i32
    %sign3A_736 = arith.cmpi slt, %jit3A_720, %sign3A_735 : i32
    %sign3A_737 = arith.extui %sign3A_736 : i1 to i32
    %sign3A_738 = arith.subi %sign3A_734, %sign3A_737 : i32
    %ne3A_739 = vector.broadcast %sign3A_738 : i32 to vector<16xi32>
    %ne3A_740 = arith.cmpi ne, %sign3A_731, %ne3A_739 : vector<16xi32>
    %rem3A_741 = vector.broadcast %jit3A_720 : i32 to vector<16xi32>
    %rem3A_742 = arith.remsi %mul3A_719, %rem3A_741 : vector<16xi32>
    %ne3A_743 = arith.constant 0 : i32
    %ne3A_744 = vector.broadcast %ne3A_743 : i32 to vector<16xi32>
    %ne3A_745 = arith.cmpi ne, %rem3A_742, %ne3A_744 : vector<16xi32>
    %and3A_746 = arith.andi %ne3A_740, %ne3A_745 : vector<16xi1>
    %sub3A_747 = arith.constant 1 : i32
    %sub3A_748 = vector.broadcast %sub3A_747 : i32 to vector<16xi32>
    %sub3A_749 = arith.subi %div3A_722, %sub3A_748 : vector<16xi32>
    %select_n3A_750 = arith.select %and3A_746, %sub3A_749, %div3A_722 : vector<16xi1>, vector<16xi32>
    %add3A_751 = arith.addi %mul3A_181, %select_n3A_750 : vector<16xi32>
    %min3A_752 = arith.constant 6399999 : i32
    %min3A_753 = vector.broadcast %min3A_752 : i32 to vector<16xi32>
    %min3A_754 = arith.minsi %add3A_751, %min3A_753 : vector<16xi32>
    %swap3A_755 = arith.constant 208 : index
    %swap3A_756 = tpu.vector_load %arg9[%swap3A_755] {strides = array<i32>} : memref<256xi32, #tpu.memory_space<vmem>>, vector<16xi32>,
    tpu.vector_store %arg9[%swap3A_755], %min3A_754 {strides = array<i32>} : memref<256xi32, #tpu.memory_space<vmem>>, vector<16xi32>,
    %mul3A_757 = arith.constant 15 : i32
    %mul3A_758 = vector.broadcast %mul3A_757 : i32 to vector<16xi32>
    %mul3A_759 = arith.muli %sub3A_202, %mul3A_758 : vector<16xi32>
    %jit3A_760 = arith.constant 16 : i32
    %div3A_761 = vector.broadcast %jit3A_760 : i32 to vector<16xi32>
    %div3A_762 = arith.divsi %mul3A_759, %div3A_761 : vector<16xi32>
    %sign3A_763 = arith.constant 0 : i32
    %sign3A_764 = vector.broadcast %sign3A_763 : i32 to vector<16xi32>
    %sign3A_765 = arith.cmpi sgt, %mul3A_759, %sign3A_764 : vector<16xi32>
    %sign3A_766 = arith.extui %sign3A_765 : vector<16xi1> to vector<16xi32>
    %sign3A_767 = arith.constant 0 : i32
    %sign3A_768 = vector.broadcast %sign3A_767 : i32 to vector<16xi32>
    %sign3A_769 = arith.cmpi slt, %mul3A_759, %sign3A_768 : vector<16xi32>
    %sign3A_770 = arith.extui %sign3A_769 : vector<16xi1> to vector<16xi32>
    %sign3A_771 = arith.subi %sign3A_766, %sign3A_770 : vector<16xi32>
    %sign3A_772 = arith.constant 0 : i32
    %sign3A_773 = arith.cmpi sgt, %jit3A_760, %sign3A_772 : i32
    %sign3A_774 = arith.extui %sign3A_773 : i1 to i32
    %sign3A_775 = arith.constant 0 : i32
    %sign3A_776 = arith.cmpi slt, %jit3A_760, %sign3A_775 : i32
    %sign3A_777 = arith.extui %sign3A_776 : i1 to i32
    %sign3A_778 = arith.subi %sign3A_774, %sign3A_777 : i32
    %ne3A_779 = vector.broadcast %sign3A_778 : i32 to vector<16xi32>
    %ne3A_780 = arith.cmpi ne, %sign3A_771, %ne3A_779 : vector<16xi32>
    %rem3A_781 = vector.broadcast %jit3A_760 : i32 to vector<16xi32>
    %rem3A_782 = arith.remsi %mul3A_759, %rem3A_781 : vector<16xi32>
    %ne3A_783 = arith.constant 0 : i32
    %ne3A_784 = vector.broadcast %ne3A_783 : i32 to vector<16xi32>
    %ne3A_785 = arith.cmpi ne, %rem3A_782, %ne3A_784 : vector<16xi32>
    %and3A_786 = arith.andi %ne3A_780, %ne3A_785 : vector<16xi1>
    %sub3A_787 = arith.constant 1 : i32
    %sub3A_788 = vector.broadcast %sub3A_787 : i32 to vector<16xi32>
    %sub3A_789 = arith.subi %div3A_762, %sub3A_788 : vector<16xi32>
    %select_n3A_790 = arith.select %and3A_786, %sub3A_789, %div3A_762 : vector<16xi1>, vector<16xi32>
    %add3A_791 = arith.addi %mul3A_181, %select_n3A_790 : vector<16xi32>
    %min3A_792 = arith.constant 6399999 : i32
    %min3A_793 = vector.broadcast %min3A_792 : i32 to vector<16xi32>
    %min3A_794 = arith.minsi %add3A_791, %min3A_793 : vector<16xi32>
    %swap3A_795 = arith.constant 224 : index
    %swap3A_796 = tpu.vector_load %arg9[%swap3A_795] {strides = array<i32>} : memref<256xi32, #tpu.memory_space<vmem>>, vector<16xi32>,
    tpu.vector_store %arg9[%swap3A_795], %min3A_794 {strides = array<i32>} : memref<256xi32, #tpu.memory_space<vmem>>, vector<16xi32>,
    %add3A_797 = arith.constant 1 : i32
    %add3A_798 = vector.broadcast %add3A_797 : i32 to vector<16xi32>
    %add3A_799 = arith.addi %iota3A, %add3A_798 : vector<16xi32>
    %mul3A_800 = arith.muli %sub3A_203, %add3A_799 : vector<16xi32>
    %jit3A_801 = arith.constant 16 : i32
    %div3A_802 = vector.broadcast %jit3A_801 : i32 to vector<16xi32>
    %div3A_803 = arith.divsi %mul3A_800, %div3A_802 : vector<16xi32>
    %sign3A_804 = arith.constant 0 : i32
    %sign3A_805 = vector.broadcast %sign3A_804 : i32 to vector<16xi32>
    %sign3A_806 = arith.cmpi sgt, %mul3A_800, %sign3A_805 : vector<16xi32>
    %sign3A_807 = arith.extui %sign3A_806 : vector<16xi1> to vector<16xi32>
    %sign3A_808 = arith.constant 0 : i32
    %sign3A_809 = vector.broadcast %sign3A_808 : i32 to vector<16xi32>
    %sign3A_810 = arith.cmpi slt, %mul3A_800, %sign3A_809 : vector<16xi32>
    %sign3A_811 = arith.extui %sign3A_810 : vector<16xi1> to vector<16xi32>
    %sign3A_812 = arith.subi %sign3A_807, %sign3A_811 : vector<16xi32>
    %sign3A_813 = arith.constant 0 : i32
    %sign3A_814 = arith.cmpi sgt, %jit3A_801, %sign3A_813 : i32
    %sign3A_815 = arith.extui %sign3A_814 : i1 to i32
    %sign3A_816 = arith.constant 0 : i32
    %sign3A_817 = arith.cmpi slt, %jit3A_801, %sign3A_816 : i32
    %sign3A_818 = arith.extui %sign3A_817 : i1 to i32
    %sign3A_819 = arith.subi %sign3A_815, %sign3A_818 : i32
    %ne3A_820 = vector.broadcast %sign3A_819 : i32 to vector<16xi32>
    %ne3A_821 = arith.cmpi ne, %sign3A_812, %ne3A_820 : vector<16xi32>
    %rem3A_822 = vector.broadcast %jit3A_801 : i32 to vector<16xi32>
    %rem3A_823 = arith.remsi %mul3A_800, %rem3A_822 : vector<16xi32>
    %ne3A_824 = arith.constant 0 : i32
    %ne3A_825 = vector.broadcast %ne3A_824 : i32 to vector<16xi32>
    %ne3A_826 = arith.cmpi ne, %rem3A_823, %ne3A_825 : vector<16xi32>
    %and3A_827 = arith.andi %ne3A_821, %ne3A_826 : vector<16xi1>
    %sub3A_828 = arith.constant 1 : i32
    %sub3A_829 = vector.broadcast %sub3A_828 : i32 to vector<16xi32>
    %sub3A_830 = arith.subi %div3A_803, %sub3A_829 : vector<16xi32>
    %select_n3A_831 = arith.select %and3A_827, %sub3A_830, %div3A_803 : vector<16xi1>, vector<16xi32>
    %add3A_832 = arith.addi %mul3A_195, %select_n3A_831 : vector<16xi32>
    %min3A_833 = arith.constant 6399999 : i32
    %min3A_834 = vector.broadcast %min3A_833 : i32 to vector<16xi32>
    %min3A_835 = arith.minsi %add3A_832, %min3A_834 : vector<16xi32>
    %swap3A_836 = arith.constant 240 : index
    %swap3A_837 = tpu.vector_load %arg9[%swap3A_836] {strides = array<i32>} : memref<256xi32, #tpu.memory_space<vmem>>, vector<16xi32>,
    tpu.vector_store %arg9[%swap3A_836], %min3A_835 {strides = array<i32>} : memref<256xi32, #tpu.memory_space<vmem>>, vector<16xi32>,
    %dma_start3A_838 = arith.constant 0 : i32
    %dma_start3A_839 = tpu.memref_slice %arg10[%dma_start3A_838] : memref<256xi32, #tpu.memory_space<vmem>> -> memref<128xi32, #tpu.memory_space<vmem>>
    %dma_start3A_840 = arith.constant 0 : i32
    %dma_start3A_841 = tpu.memref_slice %arg9[%dma_start3A_840] : memref<256xi32, #tpu.memory_space<vmem>> -> memref<128xi32, #tpu.memory_space<vmem>>
    %dma_start3A_842 = arith.constant 0 : i32
    %dma_start3A_843 = tpu.memref_slice %arg3[%dma_start3A_842] : memref<6400000xi32, #tpu.memory_space<hbm>> -> memref<6400000xi32, #tpu.memory_space<hbm>>
    tpu.enqueue_indirect_dma source(%dma_start3A_843 : memref<6400000xi32, #tpu.memory_space<hbm>>) target(%dma_start3A_839 : memref<128xi32, #tpu.memory_space<vmem>>) offsets(%dma_start3A_841 : memref<128xi32, #tpu.memory_space<vmem>>) semaphore(%arg16 : memref<!tpu.dma_semaphore, #tpu.memory_space<semaphore_mem>>)
    %dma_start3A_844 = arith.constant 128 : i32
    %dma_start3A_845 = tpu.memref_slice %arg10[%dma_start3A_844] : memref<256xi32, #tpu.memory_space<vmem>> -> memref<128xi32, #tpu.memory_space<vmem>>
    %dma_start3A_846 = arith.constant 128 : i32
    %dma_start3A_847 = tpu.memref_slice %arg9[%dma_start3A_846] : memref<256xi32, #tpu.memory_space<vmem>> -> memref<128xi32, #tpu.memory_space<vmem>>
    %dma_start3A_848 = arith.constant 0 : i32
    %dma_start3A_849 = tpu.memref_slice %arg3[%dma_start3A_848] : memref<6400000xi32, #tpu.memory_space<hbm>> -> memref<6400000xi32, #tpu.memory_space<hbm>>
    tpu.enqueue_indirect_dma source(%dma_start3A_849 : memref<6400000xi32, #tpu.memory_space<hbm>>) target(%dma_start3A_845 : memref<128xi32, #tpu.memory_space<vmem>>) offsets(%dma_start3A_847 : memref<128xi32, #tpu.memory_space<vmem>>) semaphore(%arg16 : memref<!tpu.dma_semaphore, #tpu.memory_space<semaphore_mem>>)
    %dma_wait3A_850 = arith.constant 0 : i32
    %dma_wait3A_851 = tpu.memref_slice %arg10[%dma_wait3A_850] : memref<256xi32, #tpu.memory_space<vmem>> -> memref<128xi32, #tpu.memory_space<vmem>>
    %dma_wait3A_852 = arith.constant 0 : i32
    %dma_wait3A_853 = tpu.memref_slice %arg9[%dma_wait3A_852] : memref<256xi32, #tpu.memory_space<vmem>> -> memref<128xi32, #tpu.memory_space<vmem>>
    %dma_wait3A_854 = arith.constant 0 : i32
    %dma_wait3A_855 = tpu.memref_slice %arg3[%dma_wait3A_854] : memref<6400000xi32, #tpu.memory_space<hbm>> -> memref<6400000xi32, #tpu.memory_space<hbm>>
    tpu.wait_indirect_dma semaphore(%arg16 : memref<!tpu.dma_semaphore, #tpu.memory_space<semaphore_mem>>) src(%dma_wait3A_855 : memref<6400000xi32, #tpu.memory_space<hbm>>) dst(%dma_wait3A_851 : memref<128xi32, #tpu.memory_space<vmem>>)
    %dma_wait3A_856 = arith.constant 128 : i32
    %dma_wait3A_857 = tpu.memref_slice %arg10[%dma_wait3A_856] : memref<256xi32, #tpu.memory_space<vmem>> -> memref<128xi32, #tpu.memory_space<vmem>>
    %dma_wait3A_858 = arith.constant 128 : i32
    %dma_wait3A_859 = tpu.memref_slice %arg9[%dma_wait3A_858] : memref<256xi32, #tpu.memory_space<vmem>> -> memref<128xi32, #tpu.memory_space<vmem>>
    %dma_wait3A_860 = arith.constant 0 : i32
    %dma_wait3A_861 = tpu.memref_slice %arg3[%dma_wait3A_860] : memref<6400000xi32, #tpu.memory_space<hbm>> -> memref<6400000xi32, #tpu.memory_space<hbm>>
    tpu.wait_indirect_dma semaphore(%arg16 : memref<!tpu.dma_semaphore, #tpu.memory_space<semaphore_mem>>) src(%dma_wait3A_861 : memref<6400000xi32, #tpu.memory_space<hbm>>) dst(%dma_wait3A_857 : memref<128xi32, #tpu.memory_space<vmem>>)
    %broadcast_in_dim3A_862 = arith.constant 0 : i32
    %broadcast_in_dim3A_863 = vector.broadcast %broadcast_in_dim3A_862 : i32 to vector<16xi32>
    %get3A = arith.constant 0 : index
    %get3A_864 = tpu.vector_load %arg10[%get3A] {strides = array<i32>} : memref<256xi32, #tpu.memory_space<vmem>>, vector<16xi32>,
    %lt3A = arith.cmpi slt, %get3A_864, %add3A_36 : vector<16xi32>
    %jit3A_865 = arith.constant 1 : i32
    %jit3A_866 = arith.constant 0 : i32
    %broadcast_in_dim3A_867 = vector.broadcast %jit3A_865 : i32 to vector<16xi32>
    %broadcast_in_dim3A_868 = vector.broadcast %jit3A_866 : i32 to vector<16xi32>
    %select_n3A_869 = arith.select %lt3A, %broadcast_in_dim3A_867, %broadcast_in_dim3A_868 : vector<16xi1>, vector<16xi32>
    %add3A_870 = arith.addi %broadcast_in_dim3A_863, %select_n3A_869 : vector<16xi32>
    %get3A_871 = arith.constant 16 : index
    %get3A_872 = tpu.vector_load %arg10[%get3A_871] {strides = array<i32>} : memref<256xi32, #tpu.memory_space<vmem>>, vector<16xi32>,
    %lt3A_873 = arith.cmpi slt, %get3A_872, %add3A_36 : vector<16xi32>
    %jit3A_874 = arith.constant 1 : i32
    %jit3A_875 = arith.constant 0 : i32
    %broadcast_in_dim3A_876 = vector.broadcast %jit3A_874 : i32 to vector<16xi32>
    %broadcast_in_dim3A_877 = vector.broadcast %jit3A_875 : i32 to vector<16xi32>
    %select_n3A_878 = arith.select %lt3A_873, %broadcast_in_dim3A_876, %broadcast_in_dim3A_877 : vector<16xi1>, vector<16xi32>
    %add3A_879 = arith.addi %add3A_870, %select_n3A_878 : vector<16xi32>
    %get3A_880 = arith.constant 32 : index
    %get3A_881 = tpu.vector_load %arg10[%get3A_880] {strides = array<i32>} : memref<256xi32, #tpu.memory_space<vmem>>, vector<16xi32>,
    %lt3A_882 = arith.cmpi slt, %get3A_881, %add3A_36 : vector<16xi32>
    %jit3A_883 = arith.constant 1 : i32
    %jit3A_884 = arith.constant 0 : i32
    %broadcast_in_dim3A_885 = vector.broadcast %jit3A_883 : i32 to vector<16xi32>
    %broadcast_in_dim3A_886 = vector.broadcast %jit3A_884 : i32 to vector<16xi32>
    %select_n3A_887 = arith.select %lt3A_882, %broadcast_in_dim3A_885, %broadcast_in_dim3A_886 : vector<16xi1>, vector<16xi32>
    %add3A_888 = arith.addi %add3A_879, %select_n3A_887 : vector<16xi32>
    %get3A_889 = arith.constant 48 : index
    %get3A_890 = tpu.vector_load %arg10[%get3A_889] {strides = array<i32>} : memref<256xi32, #tpu.memory_space<vmem>>, vector<16xi32>,
    %lt3A_891 = arith.cmpi slt, %get3A_890, %add3A_36 : vector<16xi32>
    %jit3A_892 = arith.constant 1 : i32
    %jit3A_893 = arith.constant 0 : i32
    %broadcast_in_dim3A_894 = vector.broadcast %jit3A_892 : i32 to vector<16xi32>
    %broadcast_in_dim3A_895 = vector.broadcast %jit3A_893 : i32 to vector<16xi32>
    %select_n3A_896 = arith.select %lt3A_891, %broadcast_in_dim3A_894, %broadcast_in_dim3A_895 : vector<16xi1>, vector<16xi32>
    %add3A_897 = arith.addi %add3A_888, %select_n3A_896 : vector<16xi32>
    %get3A_898 = arith.constant 64 : index
    %get3A_899 = tpu.vector_load %arg10[%get3A_898] {strides = array<i32>} : memref<256xi32, #tpu.memory_space<vmem>>, vector<16xi32>,
    %lt3A_900 = arith.cmpi slt, %get3A_899, %add3A_36 : vector<16xi32>
    %jit3A_901 = arith.constant 1 : i32
    %jit3A_902 = arith.constant 0 : i32
    %broadcast_in_dim3A_903 = vector.broadcast %jit3A_901 : i32 to vector<16xi32>
    %broadcast_in_dim3A_904 = vector.broadcast %jit3A_902 : i32 to vector<16xi32>
    %select_n3A_905 = arith.select %lt3A_900, %broadcast_in_dim3A_903, %broadcast_in_dim3A_904 : vector<16xi1>, vector<16xi32>
    %add3A_906 = arith.addi %add3A_897, %select_n3A_905 : vector<16xi32>
    %get3A_907 = arith.constant 80 : index
    %get3A_908 = tpu.vector_load %arg10[%get3A_907] {strides = array<i32>} : memref<256xi32, #tpu.memory_space<vmem>>, vector<16xi32>,
    %lt3A_909 = arith.cmpi slt, %get3A_908, %add3A_36 : vector<16xi32>
    %jit3A_910 = arith.constant 1 : i32
    %jit3A_911 = arith.constant 0 : i32
    %broadcast_in_dim3A_912 = vector.broadcast %jit3A_910 : i32 to vector<16xi32>
    %broadcast_in_dim3A_913 = vector.broadcast %jit3A_911 : i32 to vector<16xi32>
    %select_n3A_914 = arith.select %lt3A_909, %broadcast_in_dim3A_912, %broadcast_in_dim3A_913 : vector<16xi1>, vector<16xi32>
    %add3A_915 = arith.addi %add3A_906, %select_n3A_914 : vector<16xi32>
    %get3A_916 = arith.constant 96 : index
    %get3A_917 = tpu.vector_load %arg10[%get3A_916] {strides = array<i32>} : memref<256xi32, #tpu.memory_space<vmem>>, vector<16xi32>,
    %lt3A_918 = arith.cmpi slt, %get3A_917, %add3A_36 : vector<16xi32>
    %jit3A_919 = arith.constant 1 : i32
    %jit3A_920 = arith.constant 0 : i32
    %broadcast_in_dim3A_921 = vector.broadcast %jit3A_919 : i32 to vector<16xi32>
    %broadcast_in_dim3A_922 = vector.broadcast %jit3A_920 : i32 to vector<16xi32>
    %select_n3A_923 = arith.select %lt3A_918, %broadcast_in_dim3A_921, %broadcast_in_dim3A_922 : vector<16xi1>, vector<16xi32>
    %add3A_924 = arith.addi %add3A_915, %select_n3A_923 : vector<16xi32>
    %get3A_925 = arith.constant 112 : index
    %get3A_926 = tpu.vector_load %arg10[%get3A_925] {strides = array<i32>} : memref<256xi32, #tpu.memory_space<vmem>>, vector<16xi32>,
    %lt3A_927 = arith.cmpi slt, %get3A_926, %add3A_36 : vector<16xi32>
    %jit3A_928 = arith.constant 1 : i32
    %jit3A_929 = arith.constant 0 : i32
    %broadcast_in_dim3A_930 = vector.broadcast %jit3A_928 : i32 to vector<16xi32>
    %broadcast_in_dim3A_931 = vector.broadcast %jit3A_929 : i32 to vector<16xi32>
    %select_n3A_932 = arith.select %lt3A_927, %broadcast_in_dim3A_930, %broadcast_in_dim3A_931 : vector<16xi1>, vector<16xi32>
    %add3A_933 = arith.addi %add3A_924, %select_n3A_932 : vector<16xi32>
    %get3A_934 = arith.constant 128 : index
    %get3A_935 = tpu.vector_load %arg10[%get3A_934] {strides = array<i32>} : memref<256xi32, #tpu.memory_space<vmem>>, vector<16xi32>,
    %lt3A_936 = arith.cmpi slt, %get3A_935, %add3A_36 : vector<16xi32>
    %jit3A_937 = arith.constant 1 : i32
    %jit3A_938 = arith.constant 0 : i32
    %broadcast_in_dim3A_939 = vector.broadcast %jit3A_937 : i32 to vector<16xi32>
    %broadcast_in_dim3A_940 = vector.broadcast %jit3A_938 : i32 to vector<16xi32>
    %select_n3A_941 = arith.select %lt3A_936, %broadcast_in_dim3A_939, %broadcast_in_dim3A_940 : vector<16xi1>, vector<16xi32>
    %add3A_942 = arith.addi %add3A_933, %select_n3A_941 : vector<16xi32>
    %get3A_943 = arith.constant 144 : index
    %get3A_944 = tpu.vector_load %arg10[%get3A_943] {strides = array<i32>} : memref<256xi32, #tpu.memory_space<vmem>>, vector<16xi32>,
    %lt3A_945 = arith.cmpi slt, %get3A_944, %add3A_36 : vector<16xi32>
    %jit3A_946 = arith.constant 1 : i32
    %jit3A_947 = arith.constant 0 : i32
    %broadcast_in_dim3A_948 = vector.broadcast %jit3A_946 : i32 to vector<16xi32>
    %broadcast_in_dim3A_949 = vector.broadcast %jit3A_947 : i32 to vector<16xi32>
    %select_n3A_950 = arith.select %lt3A_945, %broadcast_in_dim3A_948, %broadcast_in_dim3A_949 : vector<16xi1>, vector<16xi32>
    %add3A_951 = arith.addi %add3A_942, %select_n3A_950 : vector<16xi32>
    %get3A_952 = arith.constant 160 : index
    %get3A_953 = tpu.vector_load %arg10[%get3A_952] {strides = array<i32>} : memref<256xi32, #tpu.memory_space<vmem>>, vector<16xi32>,
    %lt3A_954 = arith.cmpi slt, %get3A_953, %add3A_36 : vector<16xi32>
    %jit3A_955 = arith.constant 1 : i32
    %jit3A_956 = arith.constant 0 : i32
    %broadcast_in_dim3A_957 = vector.broadcast %jit3A_955 : i32 to vector<16xi32>
    %broadcast_in_dim3A_958 = vector.broadcast %jit3A_956 : i32 to vector<16xi32>
    %select_n3A_959 = arith.select %lt3A_954, %broadcast_in_dim3A_957, %broadcast_in_dim3A_958 : vector<16xi1>, vector<16xi32>
    %add3A_960 = arith.addi %add3A_951, %select_n3A_959 : vector<16xi32>
    %get3A_961 = arith.constant 176 : index
    %get3A_962 = tpu.vector_load %arg10[%get3A_961] {strides = array<i32>} : memref<256xi32, #tpu.memory_space<vmem>>, vector<16xi32>,
    %lt3A_963 = arith.cmpi slt, %get3A_962, %add3A_36 : vector<16xi32>
    %jit3A_964 = arith.constant 1 : i32
    %jit3A_965 = arith.constant 0 : i32
    %broadcast_in_dim3A_966 = vector.broadcast %jit3A_964 : i32 to vector<16xi32>
    %broadcast_in_dim3A_967 = vector.broadcast %jit3A_965 : i32 to vector<16xi32>
    %select_n3A_968 = arith.select %lt3A_963, %broadcast_in_dim3A_966, %broadcast_in_dim3A_967 : vector<16xi1>, vector<16xi32>
    %add3A_969 = arith.addi %add3A_960, %select_n3A_968 : vector<16xi32>
    %get3A_970 = arith.constant 192 : index
    %get3A_971 = tpu.vector_load %arg10[%get3A_970] {strides = array<i32>} : memref<256xi32, #tpu.memory_space<vmem>>, vector<16xi32>,
    %lt3A_972 = arith.cmpi slt, %get3A_971, %add3A_36 : vector<16xi32>
    %jit3A_973 = arith.constant 1 : i32
    %jit3A_974 = arith.constant 0 : i32
    %broadcast_in_dim3A_975 = vector.broadcast %jit3A_973 : i32 to vector<16xi32>
    %broadcast_in_dim3A_976 = vector.broadcast %jit3A_974 : i32 to vector<16xi32>
    %select_n3A_977 = arith.select %lt3A_972, %broadcast_in_dim3A_975, %broadcast_in_dim3A_976 : vector<16xi1>, vector<16xi32>
    %add3A_978 = arith.addi %add3A_969, %select_n3A_977 : vector<16xi32>
    %get3A_979 = arith.constant 208 : index
    %get3A_980 = tpu.vector_load %arg10[%get3A_979] {strides = array<i32>} : memref<256xi32, #tpu.memory_space<vmem>>, vector<16xi32>,
    %lt3A_981 = arith.cmpi slt, %get3A_980, %add3A_36 : vector<16xi32>
    %jit3A_982 = arith.constant 1 : i32
    %jit3A_983 = arith.constant 0 : i32
    %broadcast_in_dim3A_984 = vector.broadcast %jit3A_982 : i32 to vector<16xi32>
    %broadcast_in_dim3A_985 = vector.broadcast %jit3A_983 : i32 to vector<16xi32>
    %select_n3A_986 = arith.select %lt3A_981, %broadcast_in_dim3A_984, %broadcast_in_dim3A_985 : vector<16xi1>, vector<16xi32>
    %add3A_987 = arith.addi %add3A_978, %select_n3A_986 : vector<16xi32>
    %get3A_988 = arith.constant 224 : index
    %get3A_989 = tpu.vector_load %arg10[%get3A_988] {strides = array<i32>} : memref<256xi32, #tpu.memory_space<vmem>>, vector<16xi32>,
    %lt3A_990 = arith.cmpi slt, %get3A_989, %add3A_36 : vector<16xi32>
    %jit3A_991 = arith.constant 1 : i32
    %jit3A_992 = arith.constant 0 : i32
    %broadcast_in_dim3A_993 = vector.broadcast %jit3A_991 : i32 to vector<16xi32>
    %broadcast_in_dim3A_994 = vector.broadcast %jit3A_992 : i32 to vector<16xi32>
    %select_n3A_995 = arith.select %lt3A_990, %broadcast_in_dim3A_993, %broadcast_in_dim3A_994 : vector<16xi1>, vector<16xi32>
    %add3A_996 = arith.addi %add3A_987, %select_n3A_995 : vector<16xi32>
    %get3A_997 = arith.constant 240 : index
    %get3A_998 = tpu.vector_load %arg10[%get3A_997] {strides = array<i32>} : memref<256xi32, #tpu.memory_space<vmem>>, vector<16xi32>,
    %lt3A_999 = arith.cmpi slt, %get3A_998, %broadcast_in_dim3A_41 : vector<16xi32>
    %lt3A_1000 = arith.constant 15 : i32
    %lt3A_1001 = vector.broadcast %lt3A_1000 : i32 to vector<16xi32>
    %lt3A_1002 = arith.cmpi slt, %iota3A, %lt3A_1001 : vector<16xi32>
    %and3A_1003 = arith.andi %lt3A_999, %lt3A_1002 : vector<16xi1>
    %all_reduce_population_count3A = tpu.all_reduce %and3A_1003 {dim = 0 : i64, kind = #tpu.reduction_kind<sum>} : vector<16xi1> -> vector<16xi32>
    %eq3A = arith.constant 0 : i32
    %eq3A_1004 = vector.broadcast %eq3A : i32 to vector<16xi32>
    %eq3A_1005 = arith.cmpi eq, %add3A_996, %eq3A_1004 : vector<16xi32>
    %mul3A_1006 = arith.muli %sub3A_202, %add3A_996 : vector<16xi32>
    %jit3A_1007 = arith.constant 16 : i32
    %div3A_1008 = vector.broadcast %jit3A_1007 : i32 to vector<16xi32>
    %div3A_1009 = arith.divsi %mul3A_1006, %div3A_1008 : vector<16xi32>
    %sign3A_1010 = arith.constant 0 : i32
    %sign3A_1011 = vector.broadcast %sign3A_1010 : i32 to vector<16xi32>
    %sign3A_1012 = arith.cmpi sgt, %mul3A_1006, %sign3A_1011 : vector<16xi32>
    %sign3A_1013 = arith.extui %sign3A_1012 : vector<16xi1> to vector<16xi32>
    %sign3A_1014 = arith.constant 0 : i32
    %sign3A_1015 = vector.broadcast %sign3A_1014 : i32 to vector<16xi32>
    %sign3A_1016 = arith.cmpi slt, %mul3A_1006, %sign3A_1015 : vector<16xi32>
    %sign3A_1017 = arith.extui %sign3A_1016 : vector<16xi1> to vector<16xi32>
    %sign3A_1018 = arith.subi %sign3A_1013, %sign3A_1017 : vector<16xi32>
    %sign3A_1019 = arith.constant 0 : i32
    %sign3A_1020 = arith.cmpi sgt, %jit3A_1007, %sign3A_1019 : i32
    %sign3A_1021 = arith.extui %sign3A_1020 : i1 to i32
    %sign3A_1022 = arith.constant 0 : i32
    %sign3A_1023 = arith.cmpi slt, %jit3A_1007, %sign3A_1022 : i32
    %sign3A_1024 = arith.extui %sign3A_1023 : i1 to i32
    %sign3A_1025 = arith.subi %sign3A_1021, %sign3A_1024 : i32
    %ne3A_1026 = vector.broadcast %sign3A_1025 : i32 to vector<16xi32>
    %ne3A_1027 = arith.cmpi ne, %sign3A_1018, %ne3A_1026 : vector<16xi32>
    %rem3A_1028 = vector.broadcast %jit3A_1007 : i32 to vector<16xi32>
    %rem3A_1029 = arith.remsi %mul3A_1006, %rem3A_1028 : vector<16xi32>
    %ne3A_1030 = arith.constant 0 : i32
    %ne3A_1031 = vector.broadcast %ne3A_1030 : i32 to vector<16xi32>
    %ne3A_1032 = arith.cmpi ne, %rem3A_1029, %ne3A_1031 : vector<16xi32>
    %and3A_1033 = arith.andi %ne3A_1027, %ne3A_1032 : vector<16xi1>
    %sub3A_1034 = arith.constant 1 : i32
    %sub3A_1035 = vector.broadcast %sub3A_1034 : i32 to vector<16xi32>
    %sub3A_1036 = arith.subi %div3A_1009, %sub3A_1035 : vector<16xi32>
    %select_n3A_1037 = arith.select %and3A_1033, %sub3A_1036, %div3A_1009 : vector<16xi1>, vector<16xi32>
    %add3A_1038 = arith.addi %mul3A_181, %select_n3A_1037 : vector<16xi32>
    %add3A_1039 = arith.constant 1 : i32
    %add3A_1040 = vector.broadcast %add3A_1039 : i32 to vector<16xi32>
    %add3A_1041 = arith.addi %add3A_1038, %add3A_1040 : vector<16xi32>
    %select_n3A_1042 = arith.select %eq3A_1005, %mul3A_181, %add3A_1041 : vector<16xi1>, vector<16xi32>
    %eq3A_1043 = arith.constant 15 : i32
    %eq3A_1044 = vector.broadcast %eq3A_1043 : i32 to vector<16xi32>
    %eq3A_1045 = arith.cmpi eq, %add3A_996, %eq3A_1044 : vector<16xi32>
    %add3A_1046 = arith.constant 1 : i32
    %add3A_1047 = vector.broadcast %add3A_1046 : i32 to vector<16xi32>
    %add3A_1048 = arith.addi %add3A_996, %add3A_1047 : vector<16xi32>
    %mul3A_1049 = arith.muli %sub3A_202, %add3A_1048 : vector<16xi32>
    %jit3A_1050 = arith.constant 16 : i32
    %div3A_1051 = vector.broadcast %jit3A_1050 : i32 to vector<16xi32>
    %div3A_1052 = arith.divsi %mul3A_1049, %div3A_1051 : vector<16xi32>
    %sign3A_1053 = arith.constant 0 : i32
    %sign3A_1054 = vector.broadcast %sign3A_1053 : i32 to vector<16xi32>
    %sign3A_1055 = arith.cmpi sgt, %mul3A_1049, %sign3A_1054 : vector<16xi32>
    %sign3A_1056 = arith.extui %sign3A_1055 : vector<16xi1> to vector<16xi32>
    %sign3A_1057 = arith.constant 0 : i32
    %sign3A_1058 = vector.broadcast %sign3A_1057 : i32 to vector<16xi32>
    %sign3A_1059 = arith.cmpi slt, %mul3A_1049, %sign3A_1058 : vector<16xi32>
    %sign3A_1060 = arith.extui %sign3A_1059 : vector<16xi1> to vector<16xi32>
    %sign3A_1061 = arith.subi %sign3A_1056, %sign3A_1060 : vector<16xi32>
    %sign3A_1062 = arith.constant 0 : i32
    %sign3A_1063 = arith.cmpi sgt, %jit3A_1050, %sign3A_1062 : i32
    %sign3A_1064 = arith.extui %sign3A_1063 : i1 to i32
    %sign3A_1065 = arith.constant 0 : i32
    %sign3A_1066 = arith.cmpi slt, %jit3A_1050, %sign3A_1065 : i32
    %sign3A_1067 = arith.extui %sign3A_1066 : i1 to i32
    %sign3A_1068 = arith.subi %sign3A_1064, %sign3A_1067 : i32
    %ne3A_1069 = vector.broadcast %sign3A_1068 : i32 to vector<16xi32>
    %ne3A_1070 = arith.cmpi ne, %sign3A_1061, %ne3A_1069 : vector<16xi32>
    %rem3A_1071 = vector.broadcast %jit3A_1050 : i32 to vector<16xi32>
    %rem3A_1072 = arith.remsi %mul3A_1049, %rem3A_1071 : vector<16xi32>
    %ne3A_1073 = arith.constant 0 : i32
    %ne3A_1074 = vector.broadcast %ne3A_1073 : i32 to vector<16xi32>
    %ne3A_1075 = arith.cmpi ne, %rem3A_1072, %ne3A_1074 : vector<16xi32>
    %and3A_1076 = arith.andi %ne3A_1070, %ne3A_1075 : vector<16xi1>
    %sub3A_1077 = arith.constant 1 : i32
    %sub3A_1078 = vector.broadcast %sub3A_1077 : i32 to vector<16xi32>
    %sub3A_1079 = arith.subi %div3A_1052, %sub3A_1078 : vector<16xi32>
    %select_n3A_1080 = arith.select %and3A_1076, %sub3A_1079, %div3A_1052 : vector<16xi1>, vector<16xi32>
    %add3A_1081 = arith.addi %mul3A_181, %select_n3A_1080 : vector<16xi32>
    %select_n3A_1082 = arith.select %eq3A_1045, %min3A_186, %add3A_1081 : vector<16xi1>, vector<16xi32>
    %gt3A = arith.constant 0 : i32
    %gt3A_1083 = vector.broadcast %gt3A : i32 to vector<16xi32>
    %gt3A_1084 = arith.cmpi sgt, %sub3A_202, %gt3A_1083 : vector<16xi32>
    %select_n3A_1085 = arith.select %gt3A_1084, %select_n3A_1042, %mul3A_181 : vector<16xi1>, vector<16xi32>
    %gt3A_1086 = arith.constant 0 : i32
    %gt3A_1087 = vector.broadcast %gt3A_1086 : i32 to vector<16xi32>
    %gt3A_1088 = arith.cmpi sgt, %sub3A_202, %gt3A_1087 : vector<16xi32>
    %select_n3A_1089 = arith.select %gt3A_1088, %select_n3A_1082, %min3A_186 : vector<16xi1>, vector<16xi32>
    %eq3A_1090 = arith.constant 0 : i32
    %eq3A_1091 = vector.broadcast %eq3A_1090 : i32 to vector<16xi32>
    %eq3A_1092 = arith.cmpi eq, %all_reduce_population_count3A, %eq3A_1091 : vector<16xi32>
    %mul3A_1093 = arith.muli %sub3A_203, %all_reduce_population_count3A : vector<16xi32>
    %jit3A_1094 = arith.constant 16 : i32
    %div3A_1095 = vector.broadcast %jit3A_1094 : i32 to vector<16xi32>
    %div3A_1096 = arith.divsi %mul3A_1093, %div3A_1095 : vector<16xi32>
    %sign3A_1097 = arith.constant 0 : i32
    %sign3A_1098 = vector.broadcast %sign3A_1097 : i32 to vector<16xi32>
    %sign3A_1099 = arith.cmpi sgt, %mul3A_1093, %sign3A_1098 : vector<16xi32>
    %sign3A_1100 = arith.extui %sign3A_1099 : vector<16xi1> to vector<16xi32>
    %sign3A_1101 = arith.constant 0 : i32
    %sign3A_1102 = vector.broadcast %sign3A_1101 : i32 to vector<16xi32>
    %sign3A_1103 = arith.cmpi slt, %mul3A_1093, %sign3A_1102 : vector<16xi32>
    %sign3A_1104 = arith.extui %sign3A_1103 : vector<16xi1> to vector<16xi32>
    %sign3A_1105 = arith.subi %sign3A_1100, %sign3A_1104 : vector<16xi32>
    %sign3A_1106 = arith.constant 0 : i32
    %sign3A_1107 = arith.cmpi sgt, %jit3A_1094, %sign3A_1106 : i32
    %sign3A_1108 = arith.extui %sign3A_1107 : i1 to i32
    %sign3A_1109 = arith.constant 0 : i32
    %sign3A_1110 = arith.cmpi slt, %jit3A_1094, %sign3A_1109 : i32
    %sign3A_1111 = arith.extui %sign3A_1110 : i1 to i32
    %sign3A_1112 = arith.subi %sign3A_1108, %sign3A_1111 : i32
    %ne3A_1113 = vector.broadcast %sign3A_1112 : i32 to vector<16xi32>
    %ne3A_1114 = arith.cmpi ne, %sign3A_1105, %ne3A_1113 : vector<16xi32>
    %rem3A_1115 = vector.broadcast %jit3A_1094 : i32 to vector<16xi32>
    %rem3A_1116 = arith.remsi %mul3A_1093, %rem3A_1115 : vector<16xi32>
    %ne3A_1117 = arith.constant 0 : i32
    %ne3A_1118 = vector.broadcast %ne3A_1117 : i32 to vector<16xi32>
    %ne3A_1119 = arith.cmpi ne, %rem3A_1116, %ne3A_1118 : vector<16xi32>
    %and3A_1120 = arith.andi %ne3A_1114, %ne3A_1119 : vector<16xi1>
    %sub3A_1121 = arith.constant 1 : i32
    %sub3A_1122 = vector.broadcast %sub3A_1121 : i32 to vector<16xi32>
    %sub3A_1123 = arith.subi %div3A_1096, %sub3A_1122 : vector<16xi32>
    %select_n3A_1124 = arith.select %and3A_1120, %sub3A_1123, %div3A_1096 : vector<16xi1>, vector<16xi32>
    %add3A_1125 = arith.addi %mul3A_195, %select_n3A_1124 : vector<16xi32>
    %add3A_1126 = arith.constant 1 : i32
    %add3A_1127 = vector.broadcast %add3A_1126 : i32 to vector<16xi32>
    %add3A_1128 = arith.addi %add3A_1125, %add3A_1127 : vector<16xi32>
    %select_n3A_1129 = arith.select %eq3A_1092, %mul3A_195, %add3A_1128 : vector<16xi1>, vector<16xi32>
    %eq3A_1130 = arith.constant 15 : i32
    %eq3A_1131 = vector.broadcast %eq3A_1130 : i32 to vector<16xi32>
    %eq3A_1132 = arith.cmpi eq, %all_reduce_population_count3A, %eq3A_1131 : vector<16xi32>
    %add3A_1133 = arith.constant 1 : i32
    %add3A_1134 = vector.broadcast %add3A_1133 : i32 to vector<16xi32>
    %add3A_1135 = arith.addi %all_reduce_population_count3A, %add3A_1134 : vector<16xi32>
    %mul3A_1136 = arith.muli %sub3A_203, %add3A_1135 : vector<16xi32>
    %jit3A_1137 = arith.constant 16 : i32
    %div3A_1138 = vector.broadcast %jit3A_1137 : i32 to vector<16xi32>
    %div3A_1139 = arith.divsi %mul3A_1136, %div3A_1138 : vector<16xi32>
    %sign3A_1140 = arith.constant 0 : i32
    %sign3A_1141 = vector.broadcast %sign3A_1140 : i32 to vector<16xi32>
    %sign3A_1142 = arith.cmpi sgt, %mul3A_1136, %sign3A_1141 : vector<16xi32>
    %sign3A_1143 = arith.extui %sign3A_1142 : vector<16xi1> to vector<16xi32>
    %sign3A_1144 = arith.constant 0 : i32
    %sign3A_1145 = vector.broadcast %sign3A_1144 : i32 to vector<16xi32>
    %sign3A_1146 = arith.cmpi slt, %mul3A_1136, %sign3A_1145 : vector<16xi32>
    %sign3A_1147 = arith.extui %sign3A_1146 : vector<16xi1> to vector<16xi32>
    %sign3A_1148 = arith.subi %sign3A_1143, %sign3A_1147 : vector<16xi32>
    %sign3A_1149 = arith.constant 0 : i32
    %sign3A_1150 = arith.cmpi sgt, %jit3A_1137, %sign3A_1149 : i32
    %sign3A_1151 = arith.extui %sign3A_1150 : i1 to i32
    %sign3A_1152 = arith.constant 0 : i32
    %sign3A_1153 = arith.cmpi slt, %jit3A_1137, %sign3A_1152 : i32
    %sign3A_1154 = arith.extui %sign3A_1153 : i1 to i32
    %sign3A_1155 = arith.subi %sign3A_1151, %sign3A_1154 : i32
    %ne3A_1156 = vector.broadcast %sign3A_1155 : i32 to vector<16xi32>
    %ne3A_1157 = arith.cmpi ne, %sign3A_1148, %ne3A_1156 : vector<16xi32>
    %rem3A_1158 = vector.broadcast %jit3A_1137 : i32 to vector<16xi32>
    %rem3A_1159 = arith.remsi %mul3A_1136, %rem3A_1158 : vector<16xi32>
    %ne3A_1160 = arith.constant 0 : i32
    %ne3A_1161 = vector.broadcast %ne3A_1160 : i32 to vector<16xi32>
    %ne3A_1162 = arith.cmpi ne, %rem3A_1159, %ne3A_1161 : vector<16xi32>
    %and3A_1163 = arith.andi %ne3A_1157, %ne3A_1162 : vector<16xi1>
    %sub3A_1164 = arith.constant 1 : i32
    %sub3A_1165 = vector.broadcast %sub3A_1164 : i32 to vector<16xi32>
    %sub3A_1166 = arith.subi %div3A_1139, %sub3A_1165 : vector<16xi32>
    %select_n3A_1167 = arith.select %and3A_1163, %sub3A_1166, %div3A_1139 : vector<16xi1>, vector<16xi32>
    %add3A_1168 = arith.addi %mul3A_195, %select_n3A_1167 : vector<16xi32>
    %select_n3A_1169 = arith.select %eq3A_1132, %min3A_201, %add3A_1168 : vector<16xi1>, vector<16xi32>
    %gt3A_1170 = arith.constant 0 : i32
    %gt3A_1171 = vector.broadcast %gt3A_1170 : i32 to vector<16xi32>
    %gt3A_1172 = arith.cmpi sgt, %sub3A_203, %gt3A_1171 : vector<16xi32>
    %select_n3A_1173 = arith.select %gt3A_1172, %select_n3A_1129, %mul3A_195 : vector<16xi1>, vector<16xi32>
    %gt3A_1174 = arith.constant 0 : i32
    %gt3A_1175 = vector.broadcast %gt3A_1174 : i32 to vector<16xi32>
    %gt3A_1176 = arith.cmpi sgt, %sub3A_203, %gt3A_1175 : vector<16xi32>
    %select_n3A_1177 = arith.select %gt3A_1176, %select_n3A_1169, %min3A_201 : vector<16xi1>, vector<16xi32>
    %jit3A_1178 = arith.constant 8 : i32
    %div3A_1179 = vector.broadcast %jit3A_1178 : i32 to vector<16xi32>
    %div3A_1180 = arith.divsi %select_n3A_1085, %div3A_1179 : vector<16xi32>
    %sign3A_1181 = arith.constant 0 : i32
    %sign3A_1182 = vector.broadcast %sign3A_1181 : i32 to vector<16xi32>
    %sign3A_1183 = arith.cmpi sgt, %select_n3A_1085, %sign3A_1182 : vector<16xi32>
    %sign3A_1184 = arith.extui %sign3A_1183 : vector<16xi1> to vector<16xi32>
    %sign3A_1185 = arith.constant 0 : i32
    %sign3A_1186 = vector.broadcast %sign3A_1185 : i32 to vector<16xi32>
    %sign3A_1187 = arith.cmpi slt, %select_n3A_1085, %sign3A_1186 : vector<16xi32>
    %sign3A_1188 = arith.extui %sign3A_1187 : vector<16xi1> to vector<16xi32>
    %sign3A_1189 = arith.subi %sign3A_1184, %sign3A_1188 : vector<16xi32>
    %sign3A_1190 = arith.constant 0 : i32
    %sign3A_1191 = arith.cmpi sgt, %jit3A_1178, %sign3A_1190 : i32
    %sign3A_1192 = arith.extui %sign3A_1191 : i1 to i32
    %sign3A_1193 = arith.constant 0 : i32
    %sign3A_1194 = arith.cmpi slt, %jit3A_1178, %sign3A_1193 : i32
    %sign3A_1195 = arith.extui %sign3A_1194 : i1 to i32
    %sign3A_1196 = arith.subi %sign3A_1192, %sign3A_1195 : i32
    %ne3A_1197 = vector.broadcast %sign3A_1196 : i32 to vector<16xi32>
    %ne3A_1198 = arith.cmpi ne, %sign3A_1189, %ne3A_1197 : vector<16xi32>
    %rem3A_1199 = vector.broadcast %jit3A_1178 : i32 to vector<16xi32>
    %rem3A_1200 = arith.remsi %select_n3A_1085, %rem3A_1199 : vector<16xi32>
    %ne3A_1201 = arith.constant 0 : i32
    %ne3A_1202 = vector.broadcast %ne3A_1201 : i32 to vector<16xi32>
    %ne3A_1203 = arith.cmpi ne, %rem3A_1200, %ne3A_1202 : vector<16xi32>
    %and3A_1204 = arith.andi %ne3A_1198, %ne3A_1203 : vector<16xi1>
    %sub3A_1205 = arith.constant 1 : i32
    %sub3A_1206 = vector.broadcast %sub3A_1205 : i32 to vector<16xi32>
    %sub3A_1207 = arith.subi %div3A_1180, %sub3A_1206 : vector<16xi32>
    %select_n3A_1208 = arith.select %and3A_1204, %sub3A_1207, %div3A_1180 : vector<16xi1>, vector<16xi32>
    %mul3A_1209 = arith.constant 8 : i32
    %mul3A_1210 = vector.broadcast %mul3A_1209 : i32 to vector<16xi32>
    %mul3A_1211 = arith.muli %select_n3A_1208, %mul3A_1210 : vector<16xi32>
    %min3A_1212 = arith.constant 6399664 : i32
    %min3A_1213 = vector.broadcast %min3A_1212 : i32 to vector<16xi32>
    %min3A_1214 = arith.minsi %mul3A_1211, %min3A_1213 : vector<16xi32>
    %jit3A_1215 = arith.constant 8 : i32
    %div3A_1216 = vector.broadcast %jit3A_1215 : i32 to vector<16xi32>
    %div3A_1217 = arith.divsi %select_n3A_1173, %div3A_1216 : vector<16xi32>
    %sign3A_1218 = arith.constant 0 : i32
    %sign3A_1219 = vector.broadcast %sign3A_1218 : i32 to vector<16xi32>
    %sign3A_1220 = arith.cmpi sgt, %select_n3A_1173, %sign3A_1219 : vector<16xi32>
    %sign3A_1221 = arith.extui %sign3A_1220 : vector<16xi1> to vector<16xi32>
    %sign3A_1222 = arith.constant 0 : i32
    %sign3A_1223 = vector.broadcast %sign3A_1222 : i32 to vector<16xi32>
    %sign3A_1224 = arith.cmpi slt, %select_n3A_1173, %sign3A_1223 : vector<16xi32>
    %sign3A_1225 = arith.extui %sign3A_1224 : vector<16xi1> to vector<16xi32>
    %sign3A_1226 = arith.subi %sign3A_1221, %sign3A_1225 : vector<16xi32>
    %sign3A_1227 = arith.constant 0 : i32
    %sign3A_1228 = arith.cmpi sgt, %jit3A_1215, %sign3A_1227 : i32
    %sign3A_1229 = arith.extui %sign3A_1228 : i1 to i32
    %sign3A_1230 = arith.constant 0 : i32
    %sign3A_1231 = arith.cmpi slt, %jit3A_1215, %sign3A_1230 : i32
    %sign3A_1232 = arith.extui %sign3A_1231 : i1 to i32
    %sign3A_1233 = arith.subi %sign3A_1229, %sign3A_1232 : i32
    %ne3A_1234 = vector.broadcast %sign3A_1233 : i32 to vector<16xi32>
    %ne3A_1235 = arith.cmpi ne, %sign3A_1226, %ne3A_1234 : vector<16xi32>
    %rem3A_1236 = vector.broadcast %jit3A_1215 : i32 to vector<16xi32>
    %rem3A_1237 = arith.remsi %select_n3A_1173, %rem3A_1236 : vector<16xi32>
    %ne3A_1238 = arith.constant 0 : i32
    %ne3A_1239 = vector.broadcast %ne3A_1238 : i32 to vector<16xi32>
    %ne3A_1240 = arith.cmpi ne, %rem3A_1237, %ne3A_1239 : vector<16xi32>
    %and3A_1241 = arith.andi %ne3A_1235, %ne3A_1240 : vector<16xi1>
    %sub3A_1242 = arith.constant 1 : i32
    %sub3A_1243 = vector.broadcast %sub3A_1242 : i32 to vector<16xi32>
    %sub3A_1244 = arith.subi %div3A_1217, %sub3A_1243 : vector<16xi32>
    %select_n3A_1245 = arith.select %and3A_1241, %sub3A_1244, %div3A_1217 : vector<16xi1>, vector<16xi32>
    %mul3A_1246 = arith.constant 8 : i32
    %mul3A_1247 = vector.broadcast %mul3A_1246 : i32 to vector<16xi32>
    %mul3A_1248 = arith.muli %select_n3A_1245, %mul3A_1247 : vector<16xi32>
    %min3A_1249 = arith.constant 6399664 : i32
    %min3A_1250 = vector.broadcast %min3A_1249 : i32 to vector<16xi32>
    %min3A_1251 = arith.minsi %mul3A_1248, %min3A_1250 : vector<16xi32>
    %slice3A = vector.extract_strided_slice %min3A_1214 {offsets = [0], sizes = [1], strides = [1]} : vector<16xi32> to vector<1xi32>
    %squeeze3A = vector.extract %slice3A[0] : i32 from vector<1xi32>
    %multiple_of3A = tpu.assume_multiple %squeeze3A, 8 : i32
    %dma_start3A_1252 = arith.constant 0 : i32
    %dma_start3A_1253 = tpu.memref_slice %arg11[%dma_start3A_1252] : memref<5712xi32, #tpu.memory_space<vmem>> -> memref<336xi32, #tpu.memory_space<vmem>>
    %dma_start3A_1254 = tpu.memref_slice %arg3[%multiple_of3A] : memref<6400000xi32, #tpu.memory_space<hbm>> -> memref<336xi32, #tpu.memory_space<hbm>>
    %dma_start3A_1255 = arith.constant 0 : i32
    %dma_start3A_1256 = tpu.memref_slice %arg11[%dma_start3A_1255] : memref<5712xi32, #tpu.memory_space<vmem>> -> memref<336xi32, #tpu.memory_space<vmem>>
    %dma_start3A_1257 = tpu.memref_slice %arg3[%multiple_of3A] : memref<6400000xi32, #tpu.memory_space<hbm>> -> memref<336xi32, #tpu.memory_space<hbm>>
    tpu.enqueue_dma source(%dma_start3A_1257 : memref<336xi32, #tpu.memory_space<hbm>>) target(%dma_start3A_1256 : memref<336xi32, #tpu.memory_space<vmem>>) target_semaphore(%arg16 : memref<!tpu.dma_semaphore, #tpu.memory_space<semaphore_mem>>)
    %slice3A_1258 = vector.extract_strided_slice %min3A_1214 {offsets = [1], sizes = [1], strides = [1]} : vector<16xi32> to vector<1xi32>
    %squeeze3A_1259 = vector.extract %slice3A_1258[0] : i32 from vector<1xi32>
    %multiple_of3A_1260 = tpu.assume_multiple %squeeze3A_1259, 8 : i32
    %dma_start3A_1261 = arith.constant 336 : i32
    %dma_start3A_1262 = tpu.memref_slice %arg11[%dma_start3A_1261] : memref<5712xi32, #tpu.memory_space<vmem>> -> memref<336xi32, #tpu.memory_space<vmem>>
    %dma_start3A_1263 = tpu.memref_slice %arg3[%multiple_of3A_1260] : memref<6400000xi32, #tpu.memory_space<hbm>> -> memref<336xi32, #tpu.memory_space<hbm>>
    %dma_start3A_1264 = arith.constant 336 : i32
    %dma_start3A_1265 = tpu.memref_slice %arg11[%dma_start3A_1264] : memref<5712xi32, #tpu.memory_space<vmem>> -> memref<336xi32, #tpu.memory_space<vmem>>
    %dma_start3A_1266 = tpu.memref_slice %arg3[%multiple_of3A_1260] : memref<6400000xi32, #tpu.memory_space<hbm>> -> memref<336xi32, #tpu.memory_space<hbm>>
    tpu.enqueue_dma source(%dma_start3A_1266 : memref<336xi32, #tpu.memory_space<hbm>>) target(%dma_start3A_1265 : memref<336xi32, #tpu.memory_space<vmem>>) target_semaphore(%arg16 : memref<!tpu.dma_semaphore, #tpu.memory_space<semaphore_mem>>)
    %slice3A_1267 = vector.extract_strided_slice %min3A_1214 {offsets = [2], sizes = [1], strides = [1]} : vector<16xi32> to vector<1xi32>
    %squeeze3A_1268 = vector.extract %slice3A_1267[0] : i32 from vector<1xi32>
    %multiple_of3A_1269 = tpu.assume_multiple %squeeze3A_1268, 8 : i32
    %dma_start3A_1270 = arith.constant 672 : i32
    %dma_start3A_1271 = tpu.memref_slice %arg11[%dma_start3A_1270] : memref<5712xi32, #tpu.memory_space<vmem>> -> memref<336xi32, #tpu.memory_space<vmem>>
    %dma_start3A_1272 = tpu.memref_slice %arg3[%multiple_of3A_1269] : memref<6400000xi32, #tpu.memory_space<hbm>> -> memref<336xi32, #tpu.memory_space<hbm>>
    %dma_start3A_1273 = arith.constant 672 : i32
    %dma_start3A_1274 = tpu.memref_slice %arg11[%dma_start3A_1273] : memref<5712xi32, #tpu.memory_space<vmem>> -> memref<336xi32, #tpu.memory_space<vmem>>
    %dma_start3A_1275 = tpu.memref_slice %arg3[%multiple_of3A_1269] : memref<6400000xi32, #tpu.memory_space<hbm>> -> memref<336xi32, #tpu.memory_space<hbm>>
    tpu.enqueue_dma source(%dma_start3A_1275 : memref<336xi32, #tpu.memory_space<hbm>>) target(%dma_start3A_1274 : memref<336xi32, #tpu.memory_space<vmem>>) target_semaphore(%arg16 : memref<!tpu.dma_semaphore, #tpu.memory_space<semaphore_mem>>)
    %slice3A_1276 = vector.extract_strided_slice %min3A_1214 {offsets = [3], sizes = [1], strides = [1]} : vector<16xi32> to vector<1xi32>
    %squeeze3A_1277 = vector.extract %slice3A_1276[0] : i32 from vector<1xi32>
    %multiple_of3A_1278 = tpu.assume_multiple %squeeze3A_1277, 8 : i32
    %dma_start3A_1279 = arith.constant 1008 : i32
    %dma_start3A_1280 = tpu.memref_slice %arg11[%dma_start3A_1279] : memref<5712xi32, #tpu.memory_space<vmem>> -> memref<336xi32, #tpu.memory_space<vmem>>
    %dma_start3A_1281 = tpu.memref_slice %arg3[%multiple_of3A_1278] : memref<6400000xi32, #tpu.memory_space<hbm>> -> memref<336xi32, #tpu.memory_space<hbm>>
    %dma_start3A_1282 = arith.constant 1008 : i32
    %dma_start3A_1283 = tpu.memref_slice %arg11[%dma_start3A_1282] : memref<5712xi32, #tpu.memory_space<vmem>> -> memref<336xi32, #tpu.memory_space<vmem>>
    %dma_start3A_1284 = tpu.memref_slice %arg3[%multiple_of3A_1278] : memref<6400000xi32, #tpu.memory_space<hbm>> -> memref<336xi32, #tpu.memory_space<hbm>>
    tpu.enqueue_dma source(%dma_start3A_1284 : memref<336xi32, #tpu.memory_space<hbm>>) target(%dma_start3A_1283 : memref<336xi32, #tpu.memory_space<vmem>>) target_semaphore(%arg16 : memref<!tpu.dma_semaphore, #tpu.memory_space<semaphore_mem>>)
    %slice3A_1285 = vector.extract_strided_slice %min3A_1214 {offsets = [4], sizes = [1], strides = [1]} : vector<16xi32> to vector<1xi32>
    %squeeze3A_1286 = vector.extract %slice3A_1285[0] : i32 from vector<1xi32>
    %multiple_of3A_1287 = tpu.assume_multiple %squeeze3A_1286, 8 : i32
    %dma_start3A_1288 = arith.constant 1344 : i32
    %dma_start3A_1289 = tpu.memref_slice %arg11[%dma_start3A_1288] : memref<5712xi32, #tpu.memory_space<vmem>> -> memref<336xi32, #tpu.memory_space<vmem>>
    %dma_start3A_1290 = tpu.memref_slice %arg3[%multiple_of3A_1287] : memref<6400000xi32, #tpu.memory_space<hbm>> -> memref<336xi32, #tpu.memory_space<hbm>>
    %dma_start3A_1291 = arith.constant 1344 : i32
    %dma_start3A_1292 = tpu.memref_slice %arg11[%dma_start3A_1291] : memref<5712xi32, #tpu.memory_space<vmem>> -> memref<336xi32, #tpu.memory_space<vmem>>
    %dma_start3A_1293 = tpu.memref_slice %arg3[%multiple_of3A_1287] : memref<6400000xi32, #tpu.memory_space<hbm>> -> memref<336xi32, #tpu.memory_space<hbm>>
    tpu.enqueue_dma source(%dma_start3A_1293 : memref<336xi32, #tpu.memory_space<hbm>>) target(%dma_start3A_1292 : memref<336xi32, #tpu.memory_space<vmem>>) target_semaphore(%arg16 : memref<!tpu.dma_semaphore, #tpu.memory_space<semaphore_mem>>)
    %slice3A_1294 = vector.extract_strided_slice %min3A_1214 {offsets = [5], sizes = [1], strides = [1]} : vector<16xi32> to vector<1xi32>
    %squeeze3A_1295 = vector.extract %slice3A_1294[0] : i32 from vector<1xi32>
    %multiple_of3A_1296 = tpu.assume_multiple %squeeze3A_1295, 8 : i32
    %dma_start3A_1297 = arith.constant 1680 : i32
    %dma_start3A_1298 = tpu.memref_slice %arg11[%dma_start3A_1297] : memref<5712xi32, #tpu.memory_space<vmem>> -> memref<336xi32, #tpu.memory_space<vmem>>
    %dma_start3A_1299 = tpu.memref_slice %arg3[%multiple_of3A_1296] : memref<6400000xi32, #tpu.memory_space<hbm>> -> memref<336xi32, #tpu.memory_space<hbm>>
    %dma_start3A_1300 = arith.constant 1680 : i32
    %dma_start3A_1301 = tpu.memref_slice %arg11[%dma_start3A_1300] : memref<5712xi32, #tpu.memory_space<vmem>> -> memref<336xi32, #tpu.memory_space<vmem>>
    %dma_start3A_1302 = tpu.memref_slice %arg3[%multiple_of3A_1296] : memref<6400000xi32, #tpu.memory_space<hbm>> -> memref<336xi32, #tpu.memory_space<hbm>>
    tpu.enqueue_dma source(%dma_start3A_1302 : memref<336xi32, #tpu.memory_space<hbm>>) target(%dma_start3A_1301 : memref<336xi32, #tpu.memory_space<vmem>>) target_semaphore(%arg16 : memref<!tpu.dma_semaphore, #tpu.memory_space<semaphore_mem>>)
    %slice3A_1303 = vector.extract_strided_slice %min3A_1214 {offsets = [6], sizes = [1], strides = [1]} : vector<16xi32> to vector<1xi32>
    %squeeze3A_1304 = vector.extract %slice3A_1303[0] : i32 from vector<1xi32>
    %multiple_of3A_1305 = tpu.assume_multiple %squeeze3A_1304, 8 : i32
    %dma_start3A_1306 = arith.constant 2016 : i32
    %dma_start3A_1307 = tpu.memref_slice %arg11[%dma_start3A_1306] : memref<5712xi32, #tpu.memory_space<vmem>> -> memref<336xi32, #tpu.memory_space<vmem>>
    %dma_start3A_1308 = tpu.memref_slice %arg3[%multiple_of3A_1305] : memref<6400000xi32, #tpu.memory_space<hbm>> -> memref<336xi32, #tpu.memory_space<hbm>>
    %dma_start3A_1309 = arith.constant 2016 : i32
    %dma_start3A_1310 = tpu.memref_slice %arg11[%dma_start3A_1309] : memref<5712xi32, #tpu.memory_space<vmem>> -> memref<336xi32, #tpu.memory_space<vmem>>
    %dma_start3A_1311 = tpu.memref_slice %arg3[%multiple_of3A_1305] : memref<6400000xi32, #tpu.memory_space<hbm>> -> memref<336xi32, #tpu.memory_space<hbm>>
    tpu.enqueue_dma source(%dma_start3A_1311 : memref<336xi32, #tpu.memory_space<hbm>>) target(%dma_start3A_1310 : memref<336xi32, #tpu.memory_space<vmem>>) target_semaphore(%arg16 : memref<!tpu.dma_semaphore, #tpu.memory_space<semaphore_mem>>)
    %slice3A_1312 = vector.extract_strided_slice %min3A_1214 {offsets = [7], sizes = [1], strides = [1]} : vector<16xi32> to vector<1xi32>
    %squeeze3A_1313 = vector.extract %slice3A_1312[0] : i32 from vector<1xi32>
    %multiple_of3A_1314 = tpu.assume_multiple %squeeze3A_1313, 8 : i32
    %dma_start3A_1315 = arith.constant 2352 : i32
    %dma_start3A_1316 = tpu.memref_slice %arg11[%dma_start3A_1315] : memref<5712xi32, #tpu.memory_space<vmem>> -> memref<336xi32, #tpu.memory_space<vmem>>
    %dma_start3A_1317 = tpu.memref_slice %arg3[%multiple_of3A_1314] : memref<6400000xi32, #tpu.memory_space<hbm>> -> memref<336xi32, #tpu.memory_space<hbm>>
    %dma_start3A_1318 = arith.constant 2352 : i32
    %dma_start3A_1319 = tpu.memref_slice %arg11[%dma_start3A_1318] : memref<5712xi32, #tpu.memory_space<vmem>> -> memref<336xi32, #tpu.memory_space<vmem>>
    %dma_start3A_1320 = tpu.memref_slice %arg3[%multiple_of3A_1314] : memref<6400000xi32, #tpu.memory_space<hbm>> -> memref<336xi32, #tpu.memory_space<hbm>>
    tpu.enqueue_dma source(%dma_start3A_1320 : memref<336xi32, #tpu.memory_space<hbm>>) target(%dma_start3A_1319 : memref<336xi32, #tpu.memory_space<vmem>>) target_semaphore(%arg16 : memref<!tpu.dma_semaphore, #tpu.memory_space<semaphore_mem>>)
    %slice3A_1321 = vector.extract_strided_slice %min3A_1214 {offsets = [8], sizes = [1], strides = [1]} : vector<16xi32> to vector<1xi32>
    %squeeze3A_1322 = vector.extract %slice3A_1321[0] : i32 from vector<1xi32>
    %multiple_of3A_1323 = tpu.assume_multiple %squeeze3A_1322, 8 : i32
    %dma_start3A_1324 = arith.constant 2688 : i32
    %dma_start3A_1325 = tpu.memref_slice %arg11[%dma_start3A_1324] : memref<5712xi32, #tpu.memory_space<vmem>> -> memref<336xi32, #tpu.memory_space<vmem>>
    %dma_start3A_1326 = tpu.memref_slice %arg3[%multiple_of3A_1323] : memref<6400000xi32, #tpu.memory_space<hbm>> -> memref<336xi32, #tpu.memory_space<hbm>>
    %dma_start3A_1327 = arith.constant 2688 : i32
    %dma_start3A_1328 = tpu.memref_slice %arg11[%dma_start3A_1327] : memref<5712xi32, #tpu.memory_space<vmem>> -> memref<336xi32, #tpu.memory_space<vmem>>
    %dma_start3A_1329 = tpu.memref_slice %arg3[%multiple_of3A_1323] : memref<6400000xi32, #tpu.memory_space<hbm>> -> memref<336xi32, #tpu.memory_space<hbm>>
    tpu.enqueue_dma source(%dma_start3A_1329 : memref<336xi32, #tpu.memory_space<hbm>>) target(%dma_start3A_1328 : memref<336xi32, #tpu.memory_space<vmem>>) target_semaphore(%arg16 : memref<!tpu.dma_semaphore, #tpu.memory_space<semaphore_mem>>)
    %slice3A_1330 = vector.extract_strided_slice %min3A_1214 {offsets = [9], sizes = [1], strides = [1]} : vector<16xi32> to vector<1xi32>
    %squeeze3A_1331 = vector.extract %slice3A_1330[0] : i32 from vector<1xi32>
    %multiple_of3A_1332 = tpu.assume_multiple %squeeze3A_1331, 8 : i32
    %dma_start3A_1333 = arith.constant 3024 : i32
    %dma_start3A_1334 = tpu.memref_slice %arg11[%dma_start3A_1333] : memref<5712xi32, #tpu.memory_space<vmem>> -> memref<336xi32, #tpu.memory_space<vmem>>
    %dma_start3A_1335 = tpu.memref_slice %arg3[%multiple_of3A_1332] : memref<6400000xi32, #tpu.memory_space<hbm>> -> memref<336xi32, #tpu.memory_space<hbm>>
    %dma_start3A_1336 = arith.constant 3024 : i32
    %dma_start3A_1337 = tpu.memref_slice %arg11[%dma_start3A_1336] : memref<5712xi32, #tpu.memory_space<vmem>> -> memref<336xi32, #tpu.memory_space<vmem>>
    %dma_start3A_1338 = tpu.memref_slice %arg3[%multiple_of3A_1332] : memref<6400000xi32, #tpu.memory_space<hbm>> -> memref<336xi32, #tpu.memory_space<hbm>>
    tpu.enqueue_dma source(%dma_start3A_1338 : memref<336xi32, #tpu.memory_space<hbm>>) target(%dma_start3A_1337 : memref<336xi32, #tpu.memory_space<vmem>>) target_semaphore(%arg16 : memref<!tpu.dma_semaphore, #tpu.memory_space<semaphore_mem>>)
    %slice3A_1339 = vector.extract_strided_slice %min3A_1214 {offsets = [10], sizes = [1], strides = [1]} : vector<16xi32> to vector<1xi32>
    %squeeze3A_1340 = vector.extract %slice3A_1339[0] : i32 from vector<1xi32>
    %multiple_of3A_1341 = tpu.assume_multiple %squeeze3A_1340, 8 : i32
    %dma_start3A_1342 = arith.constant 3360 : i32
    %dma_start3A_1343 = tpu.memref_slice %arg11[%dma_start3A_1342] : memref<5712xi32, #tpu.memory_space<vmem>> -> memref<336xi32, #tpu.memory_space<vmem>>
    %dma_start3A_1344 = tpu.memref_slice %arg3[%multiple_of3A_1341] : memref<6400000xi32, #tpu.memory_space<hbm>> -> memref<336xi32, #tpu.memory_space<hbm>>
    %dma_start3A_1345 = arith.constant 3360 : i32
    %dma_start3A_1346 = tpu.memref_slice %arg11[%dma_start3A_1345] : memref<5712xi32, #tpu.memory_space<vmem>> -> memref<336xi32, #tpu.memory_space<vmem>>
    %dma_start3A_1347 = tpu.memref_slice %arg3[%multiple_of3A_1341] : memref<6400000xi32, #tpu.memory_space<hbm>> -> memref<336xi32, #tpu.memory_space<hbm>>
    tpu.enqueue_dma source(%dma_start3A_1347 : memref<336xi32, #tpu.memory_space<hbm>>) target(%dma_start3A_1346 : memref<336xi32, #tpu.memory_space<vmem>>) target_semaphore(%arg16 : memref<!tpu.dma_semaphore, #tpu.memory_space<semaphore_mem>>)
    %slice3A_1348 = vector.extract_strided_slice %min3A_1214 {offsets = [11], sizes = [1], strides = [1]} : vector<16xi32> to vector<1xi32>
    %squeeze3A_1349 = vector.extract %slice3A_1348[0] : i32 from vector<1xi32>
    %multiple_of3A_1350 = tpu.assume_multiple %squeeze3A_1349, 8 : i32
    %dma_start3A_1351 = arith.constant 3696 : i32
    %dma_start3A_1352 = tpu.memref_slice %arg11[%dma_start3A_1351] : memref<5712xi32, #tpu.memory_space<vmem>> -> memref<336xi32, #tpu.memory_space<vmem>>
    %dma_start3A_1353 = tpu.memref_slice %arg3[%multiple_of3A_1350] : memref<6400000xi32, #tpu.memory_space<hbm>> -> memref<336xi32, #tpu.memory_space<hbm>>
    %dma_start3A_1354 = arith.constant 3696 : i32
    %dma_start3A_1355 = tpu.memref_slice %arg11[%dma_start3A_1354] : memref<5712xi32, #tpu.memory_space<vmem>> -> memref<336xi32, #tpu.memory_space<vmem>>
    %dma_start3A_1356 = tpu.memref_slice %arg3[%multiple_of3A_1350] : memref<6400000xi32, #tpu.memory_space<hbm>> -> memref<336xi32, #tpu.memory_space<hbm>>
    tpu.enqueue_dma source(%dma_start3A_1356 : memref<336xi32, #tpu.memory_space<hbm>>) target(%dma_start3A_1355 : memref<336xi32, #tpu.memory_space<vmem>>) target_semaphore(%arg16 : memref<!tpu.dma_semaphore, #tpu.memory_space<semaphore_mem>>)
    %slice3A_1357 = vector.extract_strided_slice %min3A_1214 {offsets = [12], sizes = [1], strides = [1]} : vector<16xi32> to vector<1xi32>
    %squeeze3A_1358 = vector.extract %slice3A_1357[0] : i32 from vector<1xi32>
    %multiple_of3A_1359 = tpu.assume_multiple %squeeze3A_1358, 8 : i32
    %dma_start3A_1360 = arith.constant 4032 : i32
    %dma_start3A_1361 = tpu.memref_slice %arg11[%dma_start3A_1360] : memref<5712xi32, #tpu.memory_space<vmem>> -> memref<336xi32, #tpu.memory_space<vmem>>
    %dma_start3A_1362 = tpu.memref_slice %arg3[%multiple_of3A_1359] : memref<6400000xi32, #tpu.memory_space<hbm>> -> memref<336xi32, #tpu.memory_space<hbm>>
    %dma_start3A_1363 = arith.constant 4032 : i32
    %dma_start3A_1364 = tpu.memref_slice %arg11[%dma_start3A_1363] : memref<5712xi32, #tpu.memory_space<vmem>> -> memref<336xi32, #tpu.memory_space<vmem>>
    %dma_start3A_1365 = tpu.memref_slice %arg3[%multiple_of3A_1359] : memref<6400000xi32, #tpu.memory_space<hbm>> -> memref<336xi32, #tpu.memory_space<hbm>>
    tpu.enqueue_dma source(%dma_start3A_1365 : memref<336xi32, #tpu.memory_space<hbm>>) target(%dma_start3A_1364 : memref<336xi32, #tpu.memory_space<vmem>>) target_semaphore(%arg16 : memref<!tpu.dma_semaphore, #tpu.memory_space<semaphore_mem>>)
    %slice3A_1366 = vector.extract_strided_slice %min3A_1214 {offsets = [13], sizes = [1], strides = [1]} : vector<16xi32> to vector<1xi32>
    %squeeze3A_1367 = vector.extract %slice3A_1366[0] : i32 from vector<1xi32>
    %multiple_of3A_1368 = tpu.assume_multiple %squeeze3A_1367, 8 : i32
    %dma_start3A_1369 = arith.constant 4368 : i32
    %dma_start3A_1370 = tpu.memref_slice %arg11[%dma_start3A_1369] : memref<5712xi32, #tpu.memory_space<vmem>> -> memref<336xi32, #tpu.memory_space<vmem>>
    %dma_start3A_1371 = tpu.memref_slice %arg3[%multiple_of3A_1368] : memref<6400000xi32, #tpu.memory_space<hbm>> -> memref<336xi32, #tpu.memory_space<hbm>>
    %dma_start3A_1372 = arith.constant 4368 : i32
    %dma_start3A_1373 = tpu.memref_slice %arg11[%dma_start3A_1372] : memref<5712xi32, #tpu.memory_space<vmem>> -> memref<336xi32, #tpu.memory_space<vmem>>
    %dma_start3A_1374 = tpu.memref_slice %arg3[%multiple_of3A_1368] : memref<6400000xi32, #tpu.memory_space<hbm>> -> memref<336xi32, #tpu.memory_space<hbm>>
    tpu.enqueue_dma source(%dma_start3A_1374 : memref<336xi32, #tpu.memory_space<hbm>>) target(%dma_start3A_1373 : memref<336xi32, #tpu.memory_space<vmem>>) target_semaphore(%arg16 : memref<!tpu.dma_semaphore, #tpu.memory_space<semaphore_mem>>)
    %slice3A_1375 = vector.extract_strided_slice %min3A_1214 {offsets = [14], sizes = [1], strides = [1]} : vector<16xi32> to vector<1xi32>
    %squeeze3A_1376 = vector.extract %slice3A_1375[0] : i32 from vector<1xi32>
    %multiple_of3A_1377 = tpu.assume_multiple %squeeze3A_1376, 8 : i32
    %dma_start3A_1378 = arith.constant 4704 : i32
    %dma_start3A_1379 = tpu.memref_slice %arg11[%dma_start3A_1378] : memref<5712xi32, #tpu.memory_space<vmem>> -> memref<336xi32, #tpu.memory_space<vmem>>
    %dma_start3A_1380 = tpu.memref_slice %arg3[%multiple_of3A_1377] : memref<6400000xi32, #tpu.memory_space<hbm>> -> memref<336xi32, #tpu.memory_space<hbm>>
    %dma_start3A_1381 = arith.constant 4704 : i32
    %dma_start3A_1382 = tpu.memref_slice %arg11[%dma_start3A_1381] : memref<5712xi32, #tpu.memory_space<vmem>> -> memref<336xi32, #tpu.memory_space<vmem>>
    %dma_start3A_1383 = tpu.memref_slice %arg3[%multiple_of3A_1377] : memref<6400000xi32, #tpu.memory_space<hbm>> -> memref<336xi32, #tpu.memory_space<hbm>>
    tpu.enqueue_dma source(%dma_start3A_1383 : memref<336xi32, #tpu.memory_space<hbm>>) target(%dma_start3A_1382 : memref<336xi32, #tpu.memory_space<vmem>>) target_semaphore(%arg16 : memref<!tpu.dma_semaphore, #tpu.memory_space<semaphore_mem>>)
    %slice3A_1384 = vector.extract_strided_slice %min3A_1214 {offsets = [15], sizes = [1], strides = [1]} : vector<16xi32> to vector<1xi32>
    %squeeze3A_1385 = vector.extract %slice3A_1384[0] : i32 from vector<1xi32>
    %multiple_of3A_1386 = tpu.assume_multiple %squeeze3A_1385, 8 : i32
    %dma_start3A_1387 = arith.constant 5040 : i32
    %dma_start3A_1388 = tpu.memref_slice %arg11[%dma_start3A_1387] : memref<5712xi32, #tpu.memory_space<vmem>> -> memref<336xi32, #tpu.memory_space<vmem>>
    %dma_start3A_1389 = tpu.memref_slice %arg3[%multiple_of3A_1386] : memref<6400000xi32, #tpu.memory_space<hbm>> -> memref<336xi32, #tpu.memory_space<hbm>>
    %dma_start3A_1390 = arith.constant 5040 : i32
    %dma_start3A_1391 = tpu.memref_slice %arg11[%dma_start3A_1390] : memref<5712xi32, #tpu.memory_space<vmem>> -> memref<336xi32, #tpu.memory_space<vmem>>
    %dma_start3A_1392 = tpu.memref_slice %arg3[%multiple_of3A_1386] : memref<6400000xi32, #tpu.memory_space<hbm>> -> memref<336xi32, #tpu.memory_space<hbm>>
    tpu.enqueue_dma source(%dma_start3A_1392 : memref<336xi32, #tpu.memory_space<hbm>>) target(%dma_start3A_1391 : memref<336xi32, #tpu.memory_space<vmem>>) target_semaphore(%arg16 : memref<!tpu.dma_semaphore, #tpu.memory_space<semaphore_mem>>)
    %slice3A_1393 = vector.extract_strided_slice %min3A_1251 {offsets = [0], sizes = [1], strides = [1]} : vector<16xi32> to vector<1xi32>
    %squeeze3A_1394 = vector.extract %slice3A_1393[0] : i32 from vector<1xi32>
    %multiple_of3A_1395 = tpu.assume_multiple %squeeze3A_1394, 8 : i32
    %dma_start3A_1396 = arith.constant 5376 : i32
    %dma_start3A_1397 = tpu.memref_slice %arg11[%dma_start3A_1396] : memref<5712xi32, #tpu.memory_space<vmem>> -> memref<336xi32, #tpu.memory_space<vmem>>
    %dma_start3A_1398 = tpu.memref_slice %arg3[%multiple_of3A_1395] : memref<6400000xi32, #tpu.memory_space<hbm>> -> memref<336xi32, #tpu.memory_space<hbm>>
    %dma_start3A_1399 = arith.constant 5376 : i32
    %dma_start3A_1400 = tpu.memref_slice %arg11[%dma_start3A_1399] : memref<5712xi32, #tpu.memory_space<vmem>> -> memref<336xi32, #tpu.memory_space<vmem>>
    %dma_start3A_1401 = tpu.memref_slice %arg3[%multiple_of3A_1395] : memref<6400000xi32, #tpu.memory_space<hbm>> -> memref<336xi32, #tpu.memory_space<hbm>>
    tpu.enqueue_dma source(%dma_start3A_1401 : memref<336xi32, #tpu.memory_space<hbm>>) target(%dma_start3A_1400 : memref<336xi32, #tpu.memory_space<vmem>>) target_semaphore(%arg16 : memref<!tpu.dma_semaphore, #tpu.memory_space<semaphore_mem>>)
    %dma_wait3A_1402 = arith.constant 0 : i32
    %dma_wait3A_1403 = tpu.memref_slice %arg11[%dma_wait3A_1402] : memref<5712xi32, #tpu.memory_space<vmem>> -> memref<336xi32, #tpu.memory_space<vmem>>
    %dma_wait3A_1404 = tpu.memref_slice %arg3[%multiple_of3A] : memref<6400000xi32, #tpu.memory_space<hbm>> -> memref<336xi32, #tpu.memory_space<hbm>>
    %dma_wait3A_1405 = arith.constant 0 : i32
    %dma_wait3A_1406 = tpu.memref_slice %arg11[%dma_wait3A_1405] : memref<5712xi32, #tpu.memory_space<vmem>> -> memref<336xi32, #tpu.memory_space<vmem>>
    %dma_wait3A_1407 = tpu.memref_slice %arg3[%multiple_of3A] : memref<6400000xi32, #tpu.memory_space<hbm>> -> memref<336xi32, #tpu.memory_space<hbm>>
    tpu.wait_dma2 semaphore(%arg16 : memref<!tpu.dma_semaphore, #tpu.memory_space<semaphore_mem>>) src(%dma_wait3A_1407 : memref<336xi32, #tpu.memory_space<hbm>>) dst(%dma_wait3A_1406 : memref<336xi32, #tpu.memory_space<vmem>>)
    %dma_wait3A_1408 = arith.constant 336 : i32
    %dma_wait3A_1409 = tpu.memref_slice %arg11[%dma_wait3A_1408] : memref<5712xi32, #tpu.memory_space<vmem>> -> memref<336xi32, #tpu.memory_space<vmem>>
    %dma_wait3A_1410 = tpu.memref_slice %arg3[%multiple_of3A_1260] : memref<6400000xi32, #tpu.memory_space<hbm>> -> memref<336xi32, #tpu.memory_space<hbm>>
    %dma_wait3A_1411 = arith.constant 336 : i32
    %dma_wait3A_1412 = tpu.memref_slice %arg11[%dma_wait3A_1411] : memref<5712xi32, #tpu.memory_space<vmem>> -> memref<336xi32, #tpu.memory_space<vmem>>
    %dma_wait3A_1413 = tpu.memref_slice %arg3[%multiple_of3A_1260] : memref<6400000xi32, #tpu.memory_space<hbm>> -> memref<336xi32, #tpu.memory_space<hbm>>
    tpu.wait_dma2 semaphore(%arg16 : memref<!tpu.dma_semaphore, #tpu.memory_space<semaphore_mem>>) src(%dma_wait3A_1413 : memref<336xi32, #tpu.memory_space<hbm>>) dst(%dma_wait3A_1412 : memref<336xi32, #tpu.memory_space<vmem>>)
    %dma_wait3A_1414 = arith.constant 672 : i32
    %dma_wait3A_1415 = tpu.memref_slice %arg11[%dma_wait3A_1414] : memref<5712xi32, #tpu.memory_space<vmem>> -> memref<336xi32, #tpu.memory_space<vmem>>
    %dma_wait3A_1416 = tpu.memref_slice %arg3[%multiple_of3A_1269] : memref<6400000xi32, #tpu.memory_space<hbm>> -> memref<336xi32, #tpu.memory_space<hbm>>
    %dma_wait3A_1417 = arith.constant 672 : i32
    %dma_wait3A_1418 = tpu.memref_slice %arg11[%dma_wait3A_1417] : memref<5712xi32, #tpu.memory_space<vmem>> -> memref<336xi32, #tpu.memory_space<vmem>>
    %dma_wait3A_1419 = tpu.memref_slice %arg3[%multiple_of3A_1269] : memref<6400000xi32, #tpu.memory_space<hbm>> -> memref<336xi32, #tpu.memory_space<hbm>>
    tpu.wait_dma2 semaphore(%arg16 : memref<!tpu.dma_semaphore, #tpu.memory_space<semaphore_mem>>) src(%dma_wait3A_1419 : memref<336xi32, #tpu.memory_space<hbm>>) dst(%dma_wait3A_1418 : memref<336xi32, #tpu.memory_space<vmem>>)
    %dma_wait3A_1420 = arith.constant 1008 : i32
    %dma_wait3A_1421 = tpu.memref_slice %arg11[%dma_wait3A_1420] : memref<5712xi32, #tpu.memory_space<vmem>> -> memref<336xi32, #tpu.memory_space<vmem>>
    %dma_wait3A_1422 = tpu.memref_slice %arg3[%multiple_of3A_1278] : memref<6400000xi32, #tpu.memory_space<hbm>> -> memref<336xi32, #tpu.memory_space<hbm>>
    %dma_wait3A_1423 = arith.constant 1008 : i32
    %dma_wait3A_1424 = tpu.memref_slice %arg11[%dma_wait3A_1423] : memref<5712xi32, #tpu.memory_space<vmem>> -> memref<336xi32, #tpu.memory_space<vmem>>
    %dma_wait3A_1425 = tpu.memref_slice %arg3[%multiple_of3A_1278] : memref<6400000xi32, #tpu.memory_space<hbm>> -> memref<336xi32, #tpu.memory_space<hbm>>
    tpu.wait_dma2 semaphore(%arg16 : memref<!tpu.dma_semaphore, #tpu.memory_space<semaphore_mem>>) src(%dma_wait3A_1425 : memref<336xi32, #tpu.memory_space<hbm>>) dst(%dma_wait3A_1424 : memref<336xi32, #tpu.memory_space<vmem>>)
    %dma_wait3A_1426 = arith.constant 1344 : i32
    %dma_wait3A_1427 = tpu.memref_slice %arg11[%dma_wait3A_1426] : memref<5712xi32, #tpu.memory_space<vmem>> -> memref<336xi32, #tpu.memory_space<vmem>>
    %dma_wait3A_1428 = tpu.memref_slice %arg3[%multiple_of3A_1287] : memref<6400000xi32, #tpu.memory_space<hbm>> -> memref<336xi32, #tpu.memory_space<hbm>>
    %dma_wait3A_1429 = arith.constant 1344 : i32
    %dma_wait3A_1430 = tpu.memref_slice %arg11[%dma_wait3A_1429] : memref<5712xi32, #tpu.memory_space<vmem>> -> memref<336xi32, #tpu.memory_space<vmem>>
    %dma_wait3A_1431 = tpu.memref_slice %arg3[%multiple_of3A_1287] : memref<6400000xi32, #tpu.memory_space<hbm>> -> memref<336xi32, #tpu.memory_space<hbm>>
    tpu.wait_dma2 semaphore(%arg16 : memref<!tpu.dma_semaphore, #tpu.memory_space<semaphore_mem>>) src(%dma_wait3A_1431 : memref<336xi32, #tpu.memory_space<hbm>>) dst(%dma_wait3A_1430 : memref<336xi32, #tpu.memory_space<vmem>>)
    %dma_wait3A_1432 = arith.constant 1680 : i32
    %dma_wait3A_1433 = tpu.memref_slice %arg11[%dma_wait3A_1432] : memref<5712xi32, #tpu.memory_space<vmem>> -> memref<336xi32, #tpu.memory_space<vmem>>
    %dma_wait3A_1434 = tpu.memref_slice %arg3[%multiple_of3A_1296] : memref<6400000xi32, #tpu.memory_space<hbm>> -> memref<336xi32, #tpu.memory_space<hbm>>
    %dma_wait3A_1435 = arith.constant 1680 : i32
    %dma_wait3A_1436 = tpu.memref_slice %arg11[%dma_wait3A_1435] : memref<5712xi32, #tpu.memory_space<vmem>> -> memref<336xi32, #tpu.memory_space<vmem>>
    %dma_wait3A_1437 = tpu.memref_slice %arg3[%multiple_of3A_1296] : memref<6400000xi32, #tpu.memory_space<hbm>> -> memref<336xi32, #tpu.memory_space<hbm>>
    tpu.wait_dma2 semaphore(%arg16 : memref<!tpu.dma_semaphore, #tpu.memory_space<semaphore_mem>>) src(%dma_wait3A_1437 : memref<336xi32, #tpu.memory_space<hbm>>) dst(%dma_wait3A_1436 : memref<336xi32, #tpu.memory_space<vmem>>)
    %dma_wait3A_1438 = arith.constant 2016 : i32
    %dma_wait3A_1439 = tpu.memref_slice %arg11[%dma_wait3A_1438] : memref<5712xi32, #tpu.memory_space<vmem>> -> memref<336xi32, #tpu.memory_space<vmem>>
    %dma_wait3A_1440 = tpu.memref_slice %arg3[%multiple_of3A_1305] : memref<6400000xi32, #tpu.memory_space<hbm>> -> memref<336xi32, #tpu.memory_space<hbm>>
    %dma_wait3A_1441 = arith.constant 2016 : i32
    %dma_wait3A_1442 = tpu.memref_slice %arg11[%dma_wait3A_1441] : memref<5712xi32, #tpu.memory_space<vmem>> -> memref<336xi32, #tpu.memory_space<vmem>>
    %dma_wait3A_1443 = tpu.memref_slice %arg3[%multiple_of3A_1305] : memref<6400000xi32, #tpu.memory_space<hbm>> -> memref<336xi32, #tpu.memory_space<hbm>>
    tpu.wait_dma2 semaphore(%arg16 : memref<!tpu.dma_semaphore, #tpu.memory_space<semaphore_mem>>) src(%dma_wait3A_1443 : memref<336xi32, #tpu.memory_space<hbm>>) dst(%dma_wait3A_1442 : memref<336xi32, #tpu.memory_space<vmem>>)
    %dma_wait3A_1444 = arith.constant 2352 : i32
    %dma_wait3A_1445 = tpu.memref_slice %arg11[%dma_wait3A_1444] : memref<5712xi32, #tpu.memory_space<vmem>> -> memref<336xi32, #tpu.memory_space<vmem>>
    %dma_wait3A_1446 = tpu.memref_slice %arg3[%multiple_of3A_1314] : memref<6400000xi32, #tpu.memory_space<hbm>> -> memref<336xi32, #tpu.memory_space<hbm>>
    %dma_wait3A_1447 = arith.constant 2352 : i32
    %dma_wait3A_1448 = tpu.memref_slice %arg11[%dma_wait3A_1447] : memref<5712xi32, #tpu.memory_space<vmem>> -> memref<336xi32, #tpu.memory_space<vmem>>
    %dma_wait3A_1449 = tpu.memref_slice %arg3[%multiple_of3A_1314] : memref<6400000xi32, #tpu.memory_space<hbm>> -> memref<336xi32, #tpu.memory_space<hbm>>
    tpu.wait_dma2 semaphore(%arg16 : memref<!tpu.dma_semaphore, #tpu.memory_space<semaphore_mem>>) src(%dma_wait3A_1449 : memref<336xi32, #tpu.memory_space<hbm>>) dst(%dma_wait3A_1448 : memref<336xi32, #tpu.memory_space<vmem>>)
    %dma_wait3A_1450 = arith.constant 2688 : i32
    %dma_wait3A_1451 = tpu.memref_slice %arg11[%dma_wait3A_1450] : memref<5712xi32, #tpu.memory_space<vmem>> -> memref<336xi32, #tpu.memory_space<vmem>>
    %dma_wait3A_1452 = tpu.memref_slice %arg3[%multiple_of3A_1323] : memref<6400000xi32, #tpu.memory_space<hbm>> -> memref<336xi32, #tpu.memory_space<hbm>>
    %dma_wait3A_1453 = arith.constant 2688 : i32
    %dma_wait3A_1454 = tpu.memref_slice %arg11[%dma_wait3A_1453] : memref<5712xi32, #tpu.memory_space<vmem>> -> memref<336xi32, #tpu.memory_space<vmem>>
    %dma_wait3A_1455 = tpu.memref_slice %arg3[%multiple_of3A_1323] : memref<6400000xi32, #tpu.memory_space<hbm>> -> memref<336xi32, #tpu.memory_space<hbm>>
    tpu.wait_dma2 semaphore(%arg16 : memref<!tpu.dma_semaphore, #tpu.memory_space<semaphore_mem>>) src(%dma_wait3A_1455 : memref<336xi32, #tpu.memory_space<hbm>>) dst(%dma_wait3A_1454 : memref<336xi32, #tpu.memory_space<vmem>>)
    %dma_wait3A_1456 = arith.constant 3024 : i32
    %dma_wait3A_1457 = tpu.memref_slice %arg11[%dma_wait3A_1456] : memref<5712xi32, #tpu.memory_space<vmem>> -> memref<336xi32, #tpu.memory_space<vmem>>
    %dma_wait3A_1458 = tpu.memref_slice %arg3[%multiple_of3A_1332] : memref<6400000xi32, #tpu.memory_space<hbm>> -> memref<336xi32, #tpu.memory_space<hbm>>
    %dma_wait3A_1459 = arith.constant 3024 : i32
    %dma_wait3A_1460 = tpu.memref_slice %arg11[%dma_wait3A_1459] : memref<5712xi32, #tpu.memory_space<vmem>> -> memref<336xi32, #tpu.memory_space<vmem>>
    %dma_wait3A_1461 = tpu.memref_slice %arg3[%multiple_of3A_1332] : memref<6400000xi32, #tpu.memory_space<hbm>> -> memref<336xi32, #tpu.memory_space<hbm>>
    tpu.wait_dma2 semaphore(%arg16 : memref<!tpu.dma_semaphore, #tpu.memory_space<semaphore_mem>>) src(%dma_wait3A_1461 : memref<336xi32, #tpu.memory_space<hbm>>) dst(%dma_wait3A_1460 : memref<336xi32, #tpu.memory_space<vmem>>)
    %dma_wait3A_1462 = arith.constant 3360 : i32
    %dma_wait3A_1463 = tpu.memref_slice %arg11[%dma_wait3A_1462] : memref<5712xi32, #tpu.memory_space<vmem>> -> memref<336xi32, #tpu.memory_space<vmem>>
    %dma_wait3A_1464 = tpu.memref_slice %arg3[%multiple_of3A_1341] : memref<6400000xi32, #tpu.memory_space<hbm>> -> memref<336xi32, #tpu.memory_space<hbm>>
    %dma_wait3A_1465 = arith.constant 3360 : i32
    %dma_wait3A_1466 = tpu.memref_slice %arg11[%dma_wait3A_1465] : memref<5712xi32, #tpu.memory_space<vmem>> -> memref<336xi32, #tpu.memory_space<vmem>>
    %dma_wait3A_1467 = tpu.memref_slice %arg3[%multiple_of3A_1341] : memref<6400000xi32, #tpu.memory_space<hbm>> -> memref<336xi32, #tpu.memory_space<hbm>>
    tpu.wait_dma2 semaphore(%arg16 : memref<!tpu.dma_semaphore, #tpu.memory_space<semaphore_mem>>) src(%dma_wait3A_1467 : memref<336xi32, #tpu.memory_space<hbm>>) dst(%dma_wait3A_1466 : memref<336xi32, #tpu.memory_space<vmem>>)
    %dma_wait3A_1468 = arith.constant 3696 : i32
    %dma_wait3A_1469 = tpu.memref_slice %arg11[%dma_wait3A_1468] : memref<5712xi32, #tpu.memory_space<vmem>> -> memref<336xi32, #tpu.memory_space<vmem>>
    %dma_wait3A_1470 = tpu.memref_slice %arg3[%multiple_of3A_1350] : memref<6400000xi32, #tpu.memory_space<hbm>> -> memref<336xi32, #tpu.memory_space<hbm>>
    %dma_wait3A_1471 = arith.constant 3696 : i32
    %dma_wait3A_1472 = tpu.memref_slice %arg11[%dma_wait3A_1471] : memref<5712xi32, #tpu.memory_space<vmem>> -> memref<336xi32, #tpu.memory_space<vmem>>
    %dma_wait3A_1473 = tpu.memref_slice %arg3[%multiple_of3A_1350] : memref<6400000xi32, #tpu.memory_space<hbm>> -> memref<336xi32, #tpu.memory_space<hbm>>
    tpu.wait_dma2 semaphore(%arg16 : memref<!tpu.dma_semaphore, #tpu.memory_space<semaphore_mem>>) src(%dma_wait3A_1473 : memref<336xi32, #tpu.memory_space<hbm>>) dst(%dma_wait3A_1472 : memref<336xi32, #tpu.memory_space<vmem>>)
    %dma_wait3A_1474 = arith.constant 4032 : i32
    %dma_wait3A_1475 = tpu.memref_slice %arg11[%dma_wait3A_1474] : memref<5712xi32, #tpu.memory_space<vmem>> -> memref<336xi32, #tpu.memory_space<vmem>>
    %dma_wait3A_1476 = tpu.memref_slice %arg3[%multiple_of3A_1359] : memref<6400000xi32, #tpu.memory_space<hbm>> -> memref<336xi32, #tpu.memory_space<hbm>>
    %dma_wait3A_1477 = arith.constant 4032 : i32
    %dma_wait3A_1478 = tpu.memref_slice %arg11[%dma_wait3A_1477] : memref<5712xi32, #tpu.memory_space<vmem>> -> memref<336xi32, #tpu.memory_space<vmem>>
    %dma_wait3A_1479 = tpu.memref_slice %arg3[%multiple_of3A_1359] : memref<6400000xi32, #tpu.memory_space<hbm>> -> memref<336xi32, #tpu.memory_space<hbm>>
    tpu.wait_dma2 semaphore(%arg16 : memref<!tpu.dma_semaphore, #tpu.memory_space<semaphore_mem>>) src(%dma_wait3A_1479 : memref<336xi32, #tpu.memory_space<hbm>>) dst(%dma_wait3A_1478 : memref<336xi32, #tpu.memory_space<vmem>>)
    %dma_wait3A_1480 = arith.constant 4368 : i32
    %dma_wait3A_1481 = tpu.memref_slice %arg11[%dma_wait3A_1480] : memref<5712xi32, #tpu.memory_space<vmem>> -> memref<336xi32, #tpu.memory_space<vmem>>
    %dma_wait3A_1482 = tpu.memref_slice %arg3[%multiple_of3A_1368] : memref<6400000xi32, #tpu.memory_space<hbm>> -> memref<336xi32, #tpu.memory_space<hbm>>
    %dma_wait3A_1483 = arith.constant 4368 : i32
    %dma_wait3A_1484 = tpu.memref_slice %arg11[%dma_wait3A_1483] : memref<5712xi32, #tpu.memory_space<vmem>> -> memref<336xi32, #tpu.memory_space<vmem>>
    %dma_wait3A_1485 = tpu.memref_slice %arg3[%multiple_of3A_1368] : memref<6400000xi32, #tpu.memory_space<hbm>> -> memref<336xi32, #tpu.memory_space<hbm>>
    tpu.wait_dma2 semaphore(%arg16 : memref<!tpu.dma_semaphore, #tpu.memory_space<semaphore_mem>>) src(%dma_wait3A_1485 : memref<336xi32, #tpu.memory_space<hbm>>) dst(%dma_wait3A_1484 : memref<336xi32, #tpu.memory_space<vmem>>)
    %dma_wait3A_1486 = arith.constant 4704 : i32
    %dma_wait3A_1487 = tpu.memref_slice %arg11[%dma_wait3A_1486] : memref<5712xi32, #tpu.memory_space<vmem>> -> memref<336xi32, #tpu.memory_space<vmem>>
    %dma_wait3A_1488 = tpu.memref_slice %arg3[%multiple_of3A_1377] : memref<6400000xi32, #tpu.memory_space<hbm>> -> memref<336xi32, #tpu.memory_space<hbm>>
    %dma_wait3A_1489 = arith.constant 4704 : i32
    %dma_wait3A_1490 = tpu.memref_slice %arg11[%dma_wait3A_1489] : memref<5712xi32, #tpu.memory_space<vmem>> -> memref<336xi32, #tpu.memory_space<vmem>>
    %dma_wait3A_1491 = tpu.memref_slice %arg3[%multiple_of3A_1377] : memref<6400000xi32, #tpu.memory_space<hbm>> -> memref<336xi32, #tpu.memory_space<hbm>>
    tpu.wait_dma2 semaphore(%arg16 : memref<!tpu.dma_semaphore, #tpu.memory_space<semaphore_mem>>) src(%dma_wait3A_1491 : memref<336xi32, #tpu.memory_space<hbm>>) dst(%dma_wait3A_1490 : memref<336xi32, #tpu.memory_space<vmem>>)
    %dma_wait3A_1492 = arith.constant 5040 : i32
    %dma_wait3A_1493 = tpu.memref_slice %arg11[%dma_wait3A_1492] : memref<5712xi32, #tpu.memory_space<vmem>> -> memref<336xi32, #tpu.memory_space<vmem>>
    %dma_wait3A_1494 = tpu.memref_slice %arg3[%multiple_of3A_1386] : memref<6400000xi32, #tpu.memory_space<hbm>> -> memref<336xi32, #tpu.memory_space<hbm>>
    %dma_wait3A_1495 = arith.constant 5040 : i32
    %dma_wait3A_1496 = tpu.memref_slice %arg11[%dma_wait3A_1495] : memref<5712xi32, #tpu.memory_space<vmem>> -> memref<336xi32, #tpu.memory_space<vmem>>
    %dma_wait3A_1497 = tpu.memref_slice %arg3[%multiple_of3A_1386] : memref<6400000xi32, #tpu.memory_space<hbm>> -> memref<336xi32, #tpu.memory_space<hbm>>
    tpu.wait_dma2 semaphore(%arg16 : memref<!tpu.dma_semaphore, #tpu.memory_space<semaphore_mem>>) src(%dma_wait3A_1497 : memref<336xi32, #tpu.memory_space<hbm>>) dst(%dma_wait3A_1496 : memref<336xi32, #tpu.memory_space<vmem>>)
    %dma_wait3A_1498 = arith.constant 5376 : i32
    %dma_wait3A_1499 = tpu.memref_slice %arg11[%dma_wait3A_1498] : memref<5712xi32, #tpu.memory_space<vmem>> -> memref<336xi32, #tpu.memory_space<vmem>>
    %dma_wait3A_1500 = tpu.memref_slice %arg3[%multiple_of3A_1395] : memref<6400000xi32, #tpu.memory_space<hbm>> -> memref<336xi32, #tpu.memory_space<hbm>>
    %dma_wait3A_1501 = arith.constant 5376 : i32
    %dma_wait3A_1502 = tpu.memref_slice %arg11[%dma_wait3A_1501] : memref<5712xi32, #tpu.memory_space<vmem>> -> memref<336xi32, #tpu.memory_space<vmem>>
    %dma_wait3A_1503 = tpu.memref_slice %arg3[%multiple_of3A_1395] : memref<6400000xi32, #tpu.memory_space<hbm>> -> memref<336xi32, #tpu.memory_space<hbm>>
    tpu.wait_dma2 semaphore(%arg16 : memref<!tpu.dma_semaphore, #tpu.memory_space<semaphore_mem>>) src(%dma_wait3A_1503 : memref<336xi32, #tpu.memory_space<hbm>>) dst(%dma_wait3A_1502 : memref<336xi32, #tpu.memory_space<vmem>>)
    %slice3A_1504 = vector.extract_strided_slice %min3A_1214 {offsets = [0], sizes = [1], strides = [1]} : vector<16xi32> to vector<1xi32>
    %squeeze3A_1505 = vector.extract %slice3A_1504[0] : i32 from vector<1xi32>
    %mul3A_1506 = arith.constant 16 : i32
    %mul3A_1507 = arith.muli %add3A, %mul3A_1506 : i32
    %add3A_1508 = arith.constant 0 : i32
    %add3A_1509 = arith.addi %mul3A_1507, %add3A_1508 : i32
    %broadcast_in_dim3A_1510 = vector.broadcast %add3A_1509 : i32 to vector<16xi32>
    %scan3A_1511 = arith.constant 0 : i32
    %scan3A_1512 = arith.constant 21 : i32
    %scan3A_1513 = arith.addi %scan3A_1511, %scan3A_1512 : i32
    %scan3A_1514 = arith.constant 1 : i32
    %scan3A_1515 = scf.for %scan3A_2258 = %scan3A_1511 to %scan3A_1513 step %scan3A_1514 iter_args(%scan3A_2259 = %broadcast_in_dim3A_166) -> (vector<16xi32>)  : i32 {
      %mul3A_2260 = arith.constant 16 : i32
      %mul3A_2261 = arith.muli %scan3A_2258, %mul3A_2260 : i32
      %add3A_2262 = arith.constant 0 : i32
      %add3A_2263 = arith.addi %add3A_2262, %mul3A_2261 : i32
      %get3A_2264 = arith.index_cast %add3A_2263 : i32 to index
      %get3A_2265 = tpu.vector_load %arg11[%get3A_2264] {strides = array<i32>} : memref<5712xi32, #tpu.memory_space<vmem>>, vector<16xi32>,
      %lt3A_2266 = arith.cmpi slt, %get3A_2265, %broadcast_in_dim3A_1510 : vector<16xi32>
      %jit3A_2267 = arith.constant 1 : i32
      %jit3A_2268 = arith.constant 0 : i32
      %broadcast_in_dim3A_2269 = vector.broadcast %jit3A_2267 : i32 to vector<16xi32>
      %broadcast_in_dim3A_2270 = vector.broadcast %jit3A_2268 : i32 to vector<16xi32>
      %select_n3A_2271 = arith.select %lt3A_2266, %broadcast_in_dim3A_2269, %broadcast_in_dim3A_2270 : vector<16xi1>, vector<16xi32>
      %add3A_2272 = arith.addi %scan3A_2259, %select_n3A_2271 : vector<16xi32>
      scf.yield %add3A_2272 : vector<16xi32>
    }
    %scan3A_1516 = arith.constant 21 : i32
    %reduce_sum3A = arith.constant true
    %reduce_sum3A_1517 = vector.broadcast %reduce_sum3A : i1 to vector<16xi1>
    %reduce_sum3A_1518 = tpu.scan <sum>, %scan3A_1515 masked %reduce_sum3A_1517 : vector<16xi32>, vector<16xi1> -> vector<16xi32>
    %reduce_sum3A_1519 = vector.extract %reduce_sum3A_1518[15] : i32 from vector<16xi32>
    %add3A_1520 = arith.addi %squeeze3A_1505, %reduce_sum3A_1519 : i32
    %slice3A_1521 = vector.extract_strided_slice %min3A_1214 {offsets = [1], sizes = [1], strides = [1]} : vector<16xi32> to vector<1xi32>
    %squeeze3A_1522 = vector.extract %slice3A_1521[0] : i32 from vector<1xi32>
    %mul3A_1523 = arith.constant 16 : i32
    %mul3A_1524 = arith.muli %add3A, %mul3A_1523 : i32
    %add3A_1525 = arith.constant 1 : i32
    %add3A_1526 = arith.addi %mul3A_1524, %add3A_1525 : i32
    %broadcast_in_dim3A_1527 = vector.broadcast %add3A_1526 : i32 to vector<16xi32>
    %scan3A_1528 = arith.constant 0 : i32
    %scan3A_1529 = arith.constant 21 : i32
    %scan3A_1530 = arith.addi %scan3A_1528, %scan3A_1529 : i32
    %scan3A_1531 = arith.constant 1 : i32
    %scan3A_1532 = scf.for %scan3A_2258 = %scan3A_1528 to %scan3A_1530 step %scan3A_1531 iter_args(%scan3A_2259 = %broadcast_in_dim3A_166) -> (vector<16xi32>)  : i32 {
      %mul3A_2260 = arith.constant 16 : i32
      %mul3A_2261 = arith.muli %scan3A_2258, %mul3A_2260 : i32
      %add3A_2262 = arith.constant 336 : i32
      %add3A_2263 = arith.addi %add3A_2262, %mul3A_2261 : i32
      %get3A_2264 = arith.index_cast %add3A_2263 : i32 to index
      %get3A_2265 = tpu.vector_load %arg11[%get3A_2264] {strides = array<i32>} : memref<5712xi32, #tpu.memory_space<vmem>>, vector<16xi32>,
      %lt3A_2266 = arith.cmpi slt, %get3A_2265, %broadcast_in_dim3A_1527 : vector<16xi32>
      %jit3A_2267 = arith.constant 1 : i32
      %jit3A_2268 = arith.constant 0 : i32
      %broadcast_in_dim3A_2269 = vector.broadcast %jit3A_2267 : i32 to vector<16xi32>
      %broadcast_in_dim3A_2270 = vector.broadcast %jit3A_2268 : i32 to vector<16xi32>
      %select_n3A_2271 = arith.select %lt3A_2266, %broadcast_in_dim3A_2269, %broadcast_in_dim3A_2270 : vector<16xi1>, vector<16xi32>
      %add3A_2272 = arith.addi %scan3A_2259, %select_n3A_2271 : vector<16xi32>
      scf.yield %add3A_2272 : vector<16xi32>
    }
    %scan3A_1533 = arith.constant 21 : i32
    %reduce_sum3A_1534 = arith.constant true
    %reduce_sum3A_1535 = vector.broadcast %reduce_sum3A_1534 : i1 to vector<16xi1>
    %reduce_sum3A_1536 = tpu.scan <sum>, %scan3A_1532 masked %reduce_sum3A_1535 : vector<16xi32>, vector<16xi1> -> vector<16xi32>
    %reduce_sum3A_1537 = vector.extract %reduce_sum3A_1536[15] : i32 from vector<16xi32>
    %add3A_1538 = arith.addi %squeeze3A_1522, %reduce_sum3A_1537 : i32
    %slice3A_1539 = vector.extract_strided_slice %min3A_1214 {offsets = [2], sizes = [1], strides = [1]} : vector<16xi32> to vector<1xi32>
    %squeeze3A_1540 = vector.extract %slice3A_1539[0] : i32 from vector<1xi32>
    %mul3A_1541 = arith.constant 16 : i32
    %mul3A_1542 = arith.muli %add3A, %mul3A_1541 : i32
    %add3A_1543 = arith.constant 2 : i32
    %add3A_1544 = arith.addi %mul3A_1542, %add3A_1543 : i32
    %broadcast_in_dim3A_1545 = vector.broadcast %add3A_1544 : i32 to vector<16xi32>
    %scan3A_1546 = arith.constant 0 : i32
    %scan3A_1547 = arith.constant 21 : i32
    %scan3A_1548 = arith.addi %scan3A_1546, %scan3A_1547 : i32
    %scan3A_1549 = arith.constant 1 : i32
    %scan3A_1550 = scf.for %scan3A_2258 = %scan3A_1546 to %scan3A_1548 step %scan3A_1549 iter_args(%scan3A_2259 = %broadcast_in_dim3A_166) -> (vector<16xi32>)  : i32 {
      %mul3A_2260 = arith.constant 16 : i32
      %mul3A_2261 = arith.muli %scan3A_2258, %mul3A_2260 : i32
      %add3A_2262 = arith.constant 672 : i32
      %add3A_2263 = arith.addi %add3A_2262, %mul3A_2261 : i32
      %get3A_2264 = arith.index_cast %add3A_2263 : i32 to index
      %get3A_2265 = tpu.vector_load %arg11[%get3A_2264] {strides = array<i32>} : memref<5712xi32, #tpu.memory_space<vmem>>, vector<16xi32>,
      %lt3A_2266 = arith.cmpi slt, %get3A_2265, %broadcast_in_dim3A_1545 : vector<16xi32>
      %jit3A_2267 = arith.constant 1 : i32
      %jit3A_2268 = arith.constant 0 : i32
      %broadcast_in_dim3A_2269 = vector.broadcast %jit3A_2267 : i32 to vector<16xi32>
      %broadcast_in_dim3A_2270 = vector.broadcast %jit3A_2268 : i32 to vector<16xi32>
      %select_n3A_2271 = arith.select %lt3A_2266, %broadcast_in_dim3A_2269, %broadcast_in_dim3A_2270 : vector<16xi1>, vector<16xi32>
      %add3A_2272 = arith.addi %scan3A_2259, %select_n3A_2271 : vector<16xi32>
      scf.yield %add3A_2272 : vector<16xi32>
    }
    %scan3A_1551 = arith.constant 21 : i32
    %reduce_sum3A_1552 = arith.constant true
    %reduce_sum3A_1553 = vector.broadcast %reduce_sum3A_1552 : i1 to vector<16xi1>
    %reduce_sum3A_1554 = tpu.scan <sum>, %scan3A_1550 masked %reduce_sum3A_1553 : vector<16xi32>, vector<16xi1> -> vector<16xi32>
    %reduce_sum3A_1555 = vector.extract %reduce_sum3A_1554[15] : i32 from vector<16xi32>
    %add3A_1556 = arith.addi %squeeze3A_1540, %reduce_sum3A_1555 : i32
    %slice3A_1557 = vector.extract_strided_slice %min3A_1214 {offsets = [3], sizes = [1], strides = [1]} : vector<16xi32> to vector<1xi32>
    %squeeze3A_1558 = vector.extract %slice3A_1557[0] : i32 from vector<1xi32>
    %mul3A_1559 = arith.constant 16 : i32
    %mul3A_1560 = arith.muli %add3A, %mul3A_1559 : i32
    %add3A_1561 = arith.constant 3 : i32
    %add3A_1562 = arith.addi %mul3A_1560, %add3A_1561 : i32
    %broadcast_in_dim3A_1563 = vector.broadcast %add3A_1562 : i32 to vector<16xi32>
    %scan3A_1564 = arith.constant 0 : i32
    %scan3A_1565 = arith.constant 21 : i32
    %scan3A_1566 = arith.addi %scan3A_1564, %scan3A_1565 : i32
    %scan3A_1567 = arith.constant 1 : i32
    %scan3A_1568 = scf.for %scan3A_2258 = %scan3A_1564 to %scan3A_1566 step %scan3A_1567 iter_args(%scan3A_2259 = %broadcast_in_dim3A_166) -> (vector<16xi32>)  : i32 {
      %mul3A_2260 = arith.constant 16 : i32
      %mul3A_2261 = arith.muli %scan3A_2258, %mul3A_2260 : i32
      %add3A_2262 = arith.constant 1008 : i32
      %add3A_2263 = arith.addi %add3A_2262, %mul3A_2261 : i32
      %get3A_2264 = arith.index_cast %add3A_2263 : i32 to index
      %get3A_2265 = tpu.vector_load %arg11[%get3A_2264] {strides = array<i32>} : memref<5712xi32, #tpu.memory_space<vmem>>, vector<16xi32>,
      %lt3A_2266 = arith.cmpi slt, %get3A_2265, %broadcast_in_dim3A_1563 : vector<16xi32>
      %jit3A_2267 = arith.constant 1 : i32
      %jit3A_2268 = arith.constant 0 : i32
      %broadcast_in_dim3A_2269 = vector.broadcast %jit3A_2267 : i32 to vector<16xi32>
      %broadcast_in_dim3A_2270 = vector.broadcast %jit3A_2268 : i32 to vector<16xi32>
      %select_n3A_2271 = arith.select %lt3A_2266, %broadcast_in_dim3A_2269, %broadcast_in_dim3A_2270 : vector<16xi1>, vector<16xi32>
      %add3A_2272 = arith.addi %scan3A_2259, %select_n3A_2271 : vector<16xi32>
      scf.yield %add3A_2272 : vector<16xi32>
    }
    %scan3A_1569 = arith.constant 21 : i32
    %reduce_sum3A_1570 = arith.constant true
    %reduce_sum3A_1571 = vector.broadcast %reduce_sum3A_1570 : i1 to vector<16xi1>
    %reduce_sum3A_1572 = tpu.scan <sum>, %scan3A_1568 masked %reduce_sum3A_1571 : vector<16xi32>, vector<16xi1> -> vector<16xi32>
    %reduce_sum3A_1573 = vector.extract %reduce_sum3A_1572[15] : i32 from vector<16xi32>
    %add3A_1574 = arith.addi %squeeze3A_1558, %reduce_sum3A_1573 : i32
    %slice3A_1575 = vector.extract_strided_slice %min3A_1214 {offsets = [4], sizes = [1], strides = [1]} : vector<16xi32> to vector<1xi32>
    %squeeze3A_1576 = vector.extract %slice3A_1575[0] : i32 from vector<1xi32>
    %mul3A_1577 = arith.constant 16 : i32
    %mul3A_1578 = arith.muli %add3A, %mul3A_1577 : i32
    %add3A_1579 = arith.constant 4 : i32
    %add3A_1580 = arith.addi %mul3A_1578, %add3A_1579 : i32
    %broadcast_in_dim3A_1581 = vector.broadcast %add3A_1580 : i32 to vector<16xi32>
    %scan3A_1582 = arith.constant 0 : i32
    %scan3A_1583 = arith.constant 21 : i32
    %scan3A_1584 = arith.addi %scan3A_1582, %scan3A_1583 : i32
    %scan3A_1585 = arith.constant 1 : i32
    %scan3A_1586 = scf.for %scan3A_2258 = %scan3A_1582 to %scan3A_1584 step %scan3A_1585 iter_args(%scan3A_2259 = %broadcast_in_dim3A_166) -> (vector<16xi32>)  : i32 {
      %mul3A_2260 = arith.constant 16 : i32
      %mul3A_2261 = arith.muli %scan3A_2258, %mul3A_2260 : i32
      %add3A_2262 = arith.constant 1344 : i32
      %add3A_2263 = arith.addi %add3A_2262, %mul3A_2261 : i32
      %get3A_2264 = arith.index_cast %add3A_2263 : i32 to index
      %get3A_2265 = tpu.vector_load %arg11[%get3A_2264] {strides = array<i32>} : memref<5712xi32, #tpu.memory_space<vmem>>, vector<16xi32>,
      %lt3A_2266 = arith.cmpi slt, %get3A_2265, %broadcast_in_dim3A_1581 : vector<16xi32>
      %jit3A_2267 = arith.constant 1 : i32
      %jit3A_2268 = arith.constant 0 : i32
      %broadcast_in_dim3A_2269 = vector.broadcast %jit3A_2267 : i32 to vector<16xi32>
      %broadcast_in_dim3A_2270 = vector.broadcast %jit3A_2268 : i32 to vector<16xi32>
      %select_n3A_2271 = arith.select %lt3A_2266, %broadcast_in_dim3A_2269, %broadcast_in_dim3A_2270 : vector<16xi1>, vector<16xi32>
      %add3A_2272 = arith.addi %scan3A_2259, %select_n3A_2271 : vector<16xi32>
      scf.yield %add3A_2272 : vector<16xi32>
    }
    %scan3A_1587 = arith.constant 21 : i32
    %reduce_sum3A_1588 = arith.constant true
    %reduce_sum3A_1589 = vector.broadcast %reduce_sum3A_1588 : i1 to vector<16xi1>
    %reduce_sum3A_1590 = tpu.scan <sum>, %scan3A_1586 masked %reduce_sum3A_1589 : vector<16xi32>, vector<16xi1> -> vector<16xi32>
    %reduce_sum3A_1591 = vector.extract %reduce_sum3A_1590[15] : i32 from vector<16xi32>
    %add3A_1592 = arith.addi %squeeze3A_1576, %reduce_sum3A_1591 : i32
    %slice3A_1593 = vector.extract_strided_slice %min3A_1214 {offsets = [5], sizes = [1], strides = [1]} : vector<16xi32> to vector<1xi32>
    %squeeze3A_1594 = vector.extract %slice3A_1593[0] : i32 from vector<1xi32>
    %mul3A_1595 = arith.constant 16 : i32
    %mul3A_1596 = arith.muli %add3A, %mul3A_1595 : i32
    %add3A_1597 = arith.constant 5 : i32
    %add3A_1598 = arith.addi %mul3A_1596, %add3A_1597 : i32
    %broadcast_in_dim3A_1599 = vector.broadcast %add3A_1598 : i32 to vector<16xi32>
    %scan3A_1600 = arith.constant 0 : i32
    %scan3A_1601 = arith.constant 21 : i32
    %scan3A_1602 = arith.addi %scan3A_1600, %scan3A_1601 : i32
    %scan3A_1603 = arith.constant 1 : i32
    %scan3A_1604 = scf.for %scan3A_2258 = %scan3A_1600 to %scan3A_1602 step %scan3A_1603 iter_args(%scan3A_2259 = %broadcast_in_dim3A_166) -> (vector<16xi32>)  : i32 {
      %mul3A_2260 = arith.constant 16 : i32
      %mul3A_2261 = arith.muli %scan3A_2258, %mul3A_2260 : i32
      %add3A_2262 = arith.constant 1680 : i32
      %add3A_2263 = arith.addi %add3A_2262, %mul3A_2261 : i32
      %get3A_2264 = arith.index_cast %add3A_2263 : i32 to index
      %get3A_2265 = tpu.vector_load %arg11[%get3A_2264] {strides = array<i32>} : memref<5712xi32, #tpu.memory_space<vmem>>, vector<16xi32>,
      %lt3A_2266 = arith.cmpi slt, %get3A_2265, %broadcast_in_dim3A_1599 : vector<16xi32>
      %jit3A_2267 = arith.constant 1 : i32
      %jit3A_2268 = arith.constant 0 : i32
      %broadcast_in_dim3A_2269 = vector.broadcast %jit3A_2267 : i32 to vector<16xi32>
      %broadcast_in_dim3A_2270 = vector.broadcast %jit3A_2268 : i32 to vector<16xi32>
      %select_n3A_2271 = arith.select %lt3A_2266, %broadcast_in_dim3A_2269, %broadcast_in_dim3A_2270 : vector<16xi1>, vector<16xi32>
      %add3A_2272 = arith.addi %scan3A_2259, %select_n3A_2271 : vector<16xi32>
      scf.yield %add3A_2272 : vector<16xi32>
    }
    %scan3A_1605 = arith.constant 21 : i32
    %reduce_sum3A_1606 = arith.constant true
    %reduce_sum3A_1607 = vector.broadcast %reduce_sum3A_1606 : i1 to vector<16xi1>
    %reduce_sum3A_1608 = tpu.scan <sum>, %scan3A_1604 masked %reduce_sum3A_1607 : vector<16xi32>, vector<16xi1> -> vector<16xi32>
    %reduce_sum3A_1609 = vector.extract %reduce_sum3A_1608[15] : i32 from vector<16xi32>
    %add3A_1610 = arith.addi %squeeze3A_1594, %reduce_sum3A_1609 : i32
    %slice3A_1611 = vector.extract_strided_slice %min3A_1214 {offsets = [6], sizes = [1], strides = [1]} : vector<16xi32> to vector<1xi32>
    %squeeze3A_1612 = vector.extract %slice3A_1611[0] : i32 from vector<1xi32>
    %mul3A_1613 = arith.constant 16 : i32
    %mul3A_1614 = arith.muli %add3A, %mul3A_1613 : i32
    %add3A_1615 = arith.constant 6 : i32
    %add3A_1616 = arith.addi %mul3A_1614, %add3A_1615 : i32
    %broadcast_in_dim3A_1617 = vector.broadcast %add3A_1616 : i32 to vector<16xi32>
    %scan3A_1618 = arith.constant 0 : i32
    %scan3A_1619 = arith.constant 21 : i32
    %scan3A_1620 = arith.addi %scan3A_1618, %scan3A_1619 : i32
    %scan3A_1621 = arith.constant 1 : i32
    %scan3A_1622 = scf.for %scan3A_2258 = %scan3A_1618 to %scan3A_1620 step %scan3A_1621 iter_args(%scan3A_2259 = %broadcast_in_dim3A_166) -> (vector<16xi32>)  : i32 {
      %mul3A_2260 = arith.constant 16 : i32
      %mul3A_2261 = arith.muli %scan3A_2258, %mul3A_2260 : i32
      %add3A_2262 = arith.constant 2016 : i32
      %add3A_2263 = arith.addi %add3A_2262, %mul3A_2261 : i32
      %get3A_2264 = arith.index_cast %add3A_2263 : i32 to index
      %get3A_2265 = tpu.vector_load %arg11[%get3A_2264] {strides = array<i32>} : memref<5712xi32, #tpu.memory_space<vmem>>, vector<16xi32>,
      %lt3A_2266 = arith.cmpi slt, %get3A_2265, %broadcast_in_dim3A_1617 : vector<16xi32>
      %jit3A_2267 = arith.constant 1 : i32
      %jit3A_2268 = arith.constant 0 : i32
      %broadcast_in_dim3A_2269 = vector.broadcast %jit3A_2267 : i32 to vector<16xi32>
      %broadcast_in_dim3A_2270 = vector.broadcast %jit3A_2268 : i32 to vector<16xi32>
      %select_n3A_2271 = arith.select %lt3A_2266, %broadcast_in_dim3A_2269, %broadcast_in_dim3A_2270 : vector<16xi1>, vector<16xi32>
      %add3A_2272 = arith.addi %scan3A_2259, %select_n3A_2271 : vector<16xi32>
      scf.yield %add3A_2272 : vector<16xi32>
    }
    %scan3A_1623 = arith.constant 21 : i32
    %reduce_sum3A_1624 = arith.constant true
    %reduce_sum3A_1625 = vector.broadcast %reduce_sum3A_1624 : i1 to vector<16xi1>
    %reduce_sum3A_1626 = tpu.scan <sum>, %scan3A_1622 masked %reduce_sum3A_1625 : vector<16xi32>, vector<16xi1> -> vector<16xi32>
    %reduce_sum3A_1627 = vector.extract %reduce_sum3A_1626[15] : i32 from vector<16xi32>
    %add3A_1628 = arith.addi %squeeze3A_1612, %reduce_sum3A_1627 : i32
    %slice3A_1629 = vector.extract_strided_slice %min3A_1214 {offsets = [7], sizes = [1], strides = [1]} : vector<16xi32> to vector<1xi32>
    %squeeze3A_1630 = vector.extract %slice3A_1629[0] : i32 from vector<1xi32>
    %mul3A_1631 = arith.constant 16 : i32
    %mul3A_1632 = arith.muli %add3A, %mul3A_1631 : i32
    %add3A_1633 = arith.constant 7 : i32
    %add3A_1634 = arith.addi %mul3A_1632, %add3A_1633 : i32
    %broadcast_in_dim3A_1635 = vector.broadcast %add3A_1634 : i32 to vector<16xi32>
    %scan3A_1636 = arith.constant 0 : i32
    %scan3A_1637 = arith.constant 21 : i32
    %scan3A_1638 = arith.addi %scan3A_1636, %scan3A_1637 : i32
    %scan3A_1639 = arith.constant 1 : i32
    %scan3A_1640 = scf.for %scan3A_2258 = %scan3A_1636 to %scan3A_1638 step %scan3A_1639 iter_args(%scan3A_2259 = %broadcast_in_dim3A_166) -> (vector<16xi32>)  : i32 {
      %mul3A_2260 = arith.constant 16 : i32
      %mul3A_2261 = arith.muli %scan3A_2258, %mul3A_2260 : i32
      %add3A_2262 = arith.constant 2352 : i32
      %add3A_2263 = arith.addi %add3A_2262, %mul3A_2261 : i32
      %get3A_2264 = arith.index_cast %add3A_2263 : i32 to index
      %get3A_2265 = tpu.vector_load %arg11[%get3A_2264] {strides = array<i32>} : memref<5712xi32, #tpu.memory_space<vmem>>, vector<16xi32>,
      %lt3A_2266 = arith.cmpi slt, %get3A_2265, %broadcast_in_dim3A_1635 : vector<16xi32>
      %jit3A_2267 = arith.constant 1 : i32
      %jit3A_2268 = arith.constant 0 : i32
      %broadcast_in_dim3A_2269 = vector.broadcast %jit3A_2267 : i32 to vector<16xi32>
      %broadcast_in_dim3A_2270 = vector.broadcast %jit3A_2268 : i32 to vector<16xi32>
      %select_n3A_2271 = arith.select %lt3A_2266, %broadcast_in_dim3A_2269, %broadcast_in_dim3A_2270 : vector<16xi1>, vector<16xi32>
      %add3A_2272 = arith.addi %scan3A_2259, %select_n3A_2271 : vector<16xi32>
      scf.yield %add3A_2272 : vector<16xi32>
    }
    %scan3A_1641 = arith.constant 21 : i32
    %reduce_sum3A_1642 = arith.constant true
    %reduce_sum3A_1643 = vector.broadcast %reduce_sum3A_1642 : i1 to vector<16xi1>
    %reduce_sum3A_1644 = tpu.scan <sum>, %scan3A_1640 masked %reduce_sum3A_1643 : vector<16xi32>, vector<16xi1> -> vector<16xi32>
    %reduce_sum3A_1645 = vector.extract %reduce_sum3A_1644[15] : i32 from vector<16xi32>
    %add3A_1646 = arith.addi %squeeze3A_1630, %reduce_sum3A_1645 : i32
    %slice3A_1647 = vector.extract_strided_slice %min3A_1214 {offsets = [8], sizes = [1], strides = [1]} : vector<16xi32> to vector<1xi32>
    %squeeze3A_1648 = vector.extract %slice3A_1647[0] : i32 from vector<1xi32>
    %mul3A_1649 = arith.constant 16 : i32
    %mul3A_1650 = arith.muli %add3A, %mul3A_1649 : i32
    %add3A_1651 = arith.constant 8 : i32
    %add3A_1652 = arith.addi %mul3A_1650, %add3A_1651 : i32
    %broadcast_in_dim3A_1653 = vector.broadcast %add3A_1652 : i32 to vector<16xi32>
    %scan3A_1654 = arith.constant 0 : i32
    %scan3A_1655 = arith.constant 21 : i32
    %scan3A_1656 = arith.addi %scan3A_1654, %scan3A_1655 : i32
    %scan3A_1657 = arith.constant 1 : i32
    %scan3A_1658 = scf.for %scan3A_2258 = %scan3A_1654 to %scan3A_1656 step %scan3A_1657 iter_args(%scan3A_2259 = %broadcast_in_dim3A_166) -> (vector<16xi32>)  : i32 {
      %mul3A_2260 = arith.constant 16 : i32
      %mul3A_2261 = arith.muli %scan3A_2258, %mul3A_2260 : i32
      %add3A_2262 = arith.constant 2688 : i32
      %add3A_2263 = arith.addi %add3A_2262, %mul3A_2261 : i32
      %get3A_2264 = arith.index_cast %add3A_2263 : i32 to index
      %get3A_2265 = tpu.vector_load %arg11[%get3A_2264] {strides = array<i32>} : memref<5712xi32, #tpu.memory_space<vmem>>, vector<16xi32>,
      %lt3A_2266 = arith.cmpi slt, %get3A_2265, %broadcast_in_dim3A_1653 : vector<16xi32>
      %jit3A_2267 = arith.constant 1 : i32
      %jit3A_2268 = arith.constant 0 : i32
      %broadcast_in_dim3A_2269 = vector.broadcast %jit3A_2267 : i32 to vector<16xi32>
      %broadcast_in_dim3A_2270 = vector.broadcast %jit3A_2268 : i32 to vector<16xi32>
      %select_n3A_2271 = arith.select %lt3A_2266, %broadcast_in_dim3A_2269, %broadcast_in_dim3A_2270 : vector<16xi1>, vector<16xi32>
      %add3A_2272 = arith.addi %scan3A_2259, %select_n3A_2271 : vector<16xi32>
      scf.yield %add3A_2272 : vector<16xi32>
    }
    %scan3A_1659 = arith.constant 21 : i32
    %reduce_sum3A_1660 = arith.constant true
    %reduce_sum3A_1661 = vector.broadcast %reduce_sum3A_1660 : i1 to vector<16xi1>
    %reduce_sum3A_1662 = tpu.scan <sum>, %scan3A_1658 masked %reduce_sum3A_1661 : vector<16xi32>, vector<16xi1> -> vector<16xi32>
    %reduce_sum3A_1663 = vector.extract %reduce_sum3A_1662[15] : i32 from vector<16xi32>
    %add3A_1664 = arith.addi %squeeze3A_1648, %reduce_sum3A_1663 : i32
    %slice3A_1665 = vector.extract_strided_slice %min3A_1214 {offsets = [9], sizes = [1], strides = [1]} : vector<16xi32> to vector<1xi32>
    %squeeze3A_1666 = vector.extract %slice3A_1665[0] : i32 from vector<1xi32>
    %mul3A_1667 = arith.constant 16 : i32
    %mul3A_1668 = arith.muli %add3A, %mul3A_1667 : i32
    %add3A_1669 = arith.constant 9 : i32
    %add3A_1670 = arith.addi %mul3A_1668, %add3A_1669 : i32
    %broadcast_in_dim3A_1671 = vector.broadcast %add3A_1670 : i32 to vector<16xi32>
    %scan3A_1672 = arith.constant 0 : i32
    %scan3A_1673 = arith.constant 21 : i32
    %scan3A_1674 = arith.addi %scan3A_1672, %scan3A_1673 : i32
    %scan3A_1675 = arith.constant 1 : i32
    %scan3A_1676 = scf.for %scan3A_2258 = %scan3A_1672 to %scan3A_1674 step %scan3A_1675 iter_args(%scan3A_2259 = %broadcast_in_dim3A_166) -> (vector<16xi32>)  : i32 {
      %mul3A_2260 = arith.constant 16 : i32
      %mul3A_2261 = arith.muli %scan3A_2258, %mul3A_2260 : i32
      %add3A_2262 = arith.constant 3024 : i32
      %add3A_2263 = arith.addi %add3A_2262, %mul3A_2261 : i32
      %get3A_2264 = arith.index_cast %add3A_2263 : i32 to index
      %get3A_2265 = tpu.vector_load %arg11[%get3A_2264] {strides = array<i32>} : memref<5712xi32, #tpu.memory_space<vmem>>, vector<16xi32>,
      %lt3A_2266 = arith.cmpi slt, %get3A_2265, %broadcast_in_dim3A_1671 : vector<16xi32>
      %jit3A_2267 = arith.constant 1 : i32
      %jit3A_2268 = arith.constant 0 : i32
      %broadcast_in_dim3A_2269 = vector.broadcast %jit3A_2267 : i32 to vector<16xi32>
      %broadcast_in_dim3A_2270 = vector.broadcast %jit3A_2268 : i32 to vector<16xi32>
      %select_n3A_2271 = arith.select %lt3A_2266, %broadcast_in_dim3A_2269, %broadcast_in_dim3A_2270 : vector<16xi1>, vector<16xi32>
      %add3A_2272 = arith.addi %scan3A_2259, %select_n3A_2271 : vector<16xi32>
      scf.yield %add3A_2272 : vector<16xi32>
    }
    %scan3A_1677 = arith.constant 21 : i32
    %reduce_sum3A_1678 = arith.constant true
    %reduce_sum3A_1679 = vector.broadcast %reduce_sum3A_1678 : i1 to vector<16xi1>
    %reduce_sum3A_1680 = tpu.scan <sum>, %scan3A_1676 masked %reduce_sum3A_1679 : vector<16xi32>, vector<16xi1> -> vector<16xi32>
    %reduce_sum3A_1681 = vector.extract %reduce_sum3A_1680[15] : i32 from vector<16xi32>
    %add3A_1682 = arith.addi %squeeze3A_1666, %reduce_sum3A_1681 : i32
    %slice3A_1683 = vector.extract_strided_slice %min3A_1214 {offsets = [10], sizes = [1], strides = [1]} : vector<16xi32> to vector<1xi32>
    %squeeze3A_1684 = vector.extract %slice3A_1683[0] : i32 from vector<1xi32>
    %mul3A_1685 = arith.constant 16 : i32
    %mul3A_1686 = arith.muli %add3A, %mul3A_1685 : i32
    %add3A_1687 = arith.constant 10 : i32
    %add3A_1688 = arith.addi %mul3A_1686, %add3A_1687 : i32
    %broadcast_in_dim3A_1689 = vector.broadcast %add3A_1688 : i32 to vector<16xi32>
    %scan3A_1690 = arith.constant 0 : i32
    %scan3A_1691 = arith.constant 21 : i32
    %scan3A_1692 = arith.addi %scan3A_1690, %scan3A_1691 : i32
    %scan3A_1693 = arith.constant 1 : i32
    %scan3A_1694 = scf.for %scan3A_2258 = %scan3A_1690 to %scan3A_1692 step %scan3A_1693 iter_args(%scan3A_2259 = %broadcast_in_dim3A_166) -> (vector<16xi32>)  : i32 {
      %mul3A_2260 = arith.constant 16 : i32
      %mul3A_2261 = arith.muli %scan3A_2258, %mul3A_2260 : i32
      %add3A_2262 = arith.constant 3360 : i32
      %add3A_2263 = arith.addi %add3A_2262, %mul3A_2261 : i32
      %get3A_2264 = arith.index_cast %add3A_2263 : i32 to index
      %get3A_2265 = tpu.vector_load %arg11[%get3A_2264] {strides = array<i32>} : memref<5712xi32, #tpu.memory_space<vmem>>, vector<16xi32>,
      %lt3A_2266 = arith.cmpi slt, %get3A_2265, %broadcast_in_dim3A_1689 : vector<16xi32>
      %jit3A_2267 = arith.constant 1 : i32
      %jit3A_2268 = arith.constant 0 : i32
      %broadcast_in_dim3A_2269 = vector.broadcast %jit3A_2267 : i32 to vector<16xi32>
      %broadcast_in_dim3A_2270 = vector.broadcast %jit3A_2268 : i32 to vector<16xi32>
      %select_n3A_2271 = arith.select %lt3A_2266, %broadcast_in_dim3A_2269, %broadcast_in_dim3A_2270 : vector<16xi1>, vector<16xi32>
      %add3A_2272 = arith.addi %scan3A_2259, %select_n3A_2271 : vector<16xi32>
      scf.yield %add3A_2272 : vector<16xi32>
    }
    %scan3A_1695 = arith.constant 21 : i32
    %reduce_sum3A_1696 = arith.constant true
    %reduce_sum3A_1697 = vector.broadcast %reduce_sum3A_1696 : i1 to vector<16xi1>
    %reduce_sum3A_1698 = tpu.scan <sum>, %scan3A_1694 masked %reduce_sum3A_1697 : vector<16xi32>, vector<16xi1> -> vector<16xi32>
    %reduce_sum3A_1699 = vector.extract %reduce_sum3A_1698[15] : i32 from vector<16xi32>
    %add3A_1700 = arith.addi %squeeze3A_1684, %reduce_sum3A_1699 : i32
    %slice3A_1701 = vector.extract_strided_slice %min3A_1214 {offsets = [11], sizes = [1], strides = [1]} : vector<16xi32> to vector<1xi32>
    %squeeze3A_1702 = vector.extract %slice3A_1701[0] : i32 from vector<1xi32>
    %mul3A_1703 = arith.constant 16 : i32
    %mul3A_1704 = arith.muli %add3A, %mul3A_1703 : i32
    %add3A_1705 = arith.constant 11 : i32
    %add3A_1706 = arith.addi %mul3A_1704, %add3A_1705 : i32
    %broadcast_in_dim3A_1707 = vector.broadcast %add3A_1706 : i32 to vector<16xi32>
    %scan3A_1708 = arith.constant 0 : i32
    %scan3A_1709 = arith.constant 21 : i32
    %scan3A_1710 = arith.addi %scan3A_1708, %scan3A_1709 : i32
    %scan3A_1711 = arith.constant 1 : i32
    %scan3A_1712 = scf.for %scan3A_2258 = %scan3A_1708 to %scan3A_1710 step %scan3A_1711 iter_args(%scan3A_2259 = %broadcast_in_dim3A_166) -> (vector<16xi32>)  : i32 {
      %mul3A_2260 = arith.constant 16 : i32
      %mul3A_2261 = arith.muli %scan3A_2258, %mul3A_2260 : i32
      %add3A_2262 = arith.constant 3696 : i32
      %add3A_2263 = arith.addi %add3A_2262, %mul3A_2261 : i32
      %get3A_2264 = arith.index_cast %add3A_2263 : i32 to index
      %get3A_2265 = tpu.vector_load %arg11[%get3A_2264] {strides = array<i32>} : memref<5712xi32, #tpu.memory_space<vmem>>, vector<16xi32>,
      %lt3A_2266 = arith.cmpi slt, %get3A_2265, %broadcast_in_dim3A_1707 : vector<16xi32>
      %jit3A_2267 = arith.constant 1 : i32
      %jit3A_2268 = arith.constant 0 : i32
      %broadcast_in_dim3A_2269 = vector.broadcast %jit3A_2267 : i32 to vector<16xi32>
      %broadcast_in_dim3A_2270 = vector.broadcast %jit3A_2268 : i32 to vector<16xi32>
      %select_n3A_2271 = arith.select %lt3A_2266, %broadcast_in_dim3A_2269, %broadcast_in_dim3A_2270 : vector<16xi1>, vector<16xi32>
      %add3A_2272 = arith.addi %scan3A_2259, %select_n3A_2271 : vector<16xi32>
      scf.yield %add3A_2272 : vector<16xi32>
    }
    %scan3A_1713 = arith.constant 21 : i32
    %reduce_sum3A_1714 = arith.constant true
    %reduce_sum3A_1715 = vector.broadcast %reduce_sum3A_1714 : i1 to vector<16xi1>
    %reduce_sum3A_1716 = tpu.scan <sum>, %scan3A_1712 masked %reduce_sum3A_1715 : vector<16xi32>, vector<16xi1> -> vector<16xi32>
    %reduce_sum3A_1717 = vector.extract %reduce_sum3A_1716[15] : i32 from vector<16xi32>
    %add3A_1718 = arith.addi %squeeze3A_1702, %reduce_sum3A_1717 : i32
    %slice3A_1719 = vector.extract_strided_slice %min3A_1214 {offsets = [12], sizes = [1], strides = [1]} : vector<16xi32> to vector<1xi32>
    %squeeze3A_1720 = vector.extract %slice3A_1719[0] : i32 from vector<1xi32>
    %mul3A_1721 = arith.constant 16 : i32
    %mul3A_1722 = arith.muli %add3A, %mul3A_1721 : i32
    %add3A_1723 = arith.constant 12 : i32
    %add3A_1724 = arith.addi %mul3A_1722, %add3A_1723 : i32
    %broadcast_in_dim3A_1725 = vector.broadcast %add3A_1724 : i32 to vector<16xi32>
    %scan3A_1726 = arith.constant 0 : i32
    %scan3A_1727 = arith.constant 21 : i32
    %scan3A_1728 = arith.addi %scan3A_1726, %scan3A_1727 : i32
    %scan3A_1729 = arith.constant 1 : i32
    %scan3A_1730 = scf.for %scan3A_2258 = %scan3A_1726 to %scan3A_1728 step %scan3A_1729 iter_args(%scan3A_2259 = %broadcast_in_dim3A_166) -> (vector<16xi32>)  : i32 {
      %mul3A_2260 = arith.constant 16 : i32
      %mul3A_2261 = arith.muli %scan3A_2258, %mul3A_2260 : i32
      %add3A_2262 = arith.constant 4032 : i32
      %add3A_2263 = arith.addi %add3A_2262, %mul3A_2261 : i32
      %get3A_2264 = arith.index_cast %add3A_2263 : i32 to index
      %get3A_2265 = tpu.vector_load %arg11[%get3A_2264] {strides = array<i32>} : memref<5712xi32, #tpu.memory_space<vmem>>, vector<16xi32>,
      %lt3A_2266 = arith.cmpi slt, %get3A_2265, %broadcast_in_dim3A_1725 : vector<16xi32>
      %jit3A_2267 = arith.constant 1 : i32
      %jit3A_2268 = arith.constant 0 : i32
      %broadcast_in_dim3A_2269 = vector.broadcast %jit3A_2267 : i32 to vector<16xi32>
      %broadcast_in_dim3A_2270 = vector.broadcast %jit3A_2268 : i32 to vector<16xi32>
      %select_n3A_2271 = arith.select %lt3A_2266, %broadcast_in_dim3A_2269, %broadcast_in_dim3A_2270 : vector<16xi1>, vector<16xi32>
      %add3A_2272 = arith.addi %scan3A_2259, %select_n3A_2271 : vector<16xi32>
      scf.yield %add3A_2272 : vector<16xi32>
    }
    %scan3A_1731 = arith.constant 21 : i32
    %reduce_sum3A_1732 = arith.constant true
    %reduce_sum3A_1733 = vector.broadcast %reduce_sum3A_1732 : i1 to vector<16xi1>
    %reduce_sum3A_1734 = tpu.scan <sum>, %scan3A_1730 masked %reduce_sum3A_1733 : vector<16xi32>, vector<16xi1> -> vector<16xi32>
    %reduce_sum3A_1735 = vector.extract %reduce_sum3A_1734[15] : i32 from vector<16xi32>
    %add3A_1736 = arith.addi %squeeze3A_1720, %reduce_sum3A_1735 : i32
    %slice3A_1737 = vector.extract_strided_slice %min3A_1214 {offsets = [13], sizes = [1], strides = [1]} : vector<16xi32> to vector<1xi32>
    %squeeze3A_1738 = vector.extract %slice3A_1737[0] : i32 from vector<1xi32>
    %mul3A_1739 = arith.constant 16 : i32
    %mul3A_1740 = arith.muli %add3A, %mul3A_1739 : i32
    %add3A_1741 = arith.constant 13 : i32
    %add3A_1742 = arith.addi %mul3A_1740, %add3A_1741 : i32
    %broadcast_in_dim3A_1743 = vector.broadcast %add3A_1742 : i32 to vector<16xi32>
    %scan3A_1744 = arith.constant 0 : i32
    %scan3A_1745 = arith.constant 21 : i32
    %scan3A_1746 = arith.addi %scan3A_1744, %scan3A_1745 : i32
    %scan3A_1747 = arith.constant 1 : i32
    %scan3A_1748 = scf.for %scan3A_2258 = %scan3A_1744 to %scan3A_1746 step %scan3A_1747 iter_args(%scan3A_2259 = %broadcast_in_dim3A_166) -> (vector<16xi32>)  : i32 {
      %mul3A_2260 = arith.constant 16 : i32
      %mul3A_2261 = arith.muli %scan3A_2258, %mul3A_2260 : i32
      %add3A_2262 = arith.constant 4368 : i32
      %add3A_2263 = arith.addi %add3A_2262, %mul3A_2261 : i32
      %get3A_2264 = arith.index_cast %add3A_2263 : i32 to index
      %get3A_2265 = tpu.vector_load %arg11[%get3A_2264] {strides = array<i32>} : memref<5712xi32, #tpu.memory_space<vmem>>, vector<16xi32>,
      %lt3A_2266 = arith.cmpi slt, %get3A_2265, %broadcast_in_dim3A_1743 : vector<16xi32>
      %jit3A_2267 = arith.constant 1 : i32
      %jit3A_2268 = arith.constant 0 : i32
      %broadcast_in_dim3A_2269 = vector.broadcast %jit3A_2267 : i32 to vector<16xi32>
      %broadcast_in_dim3A_2270 = vector.broadcast %jit3A_2268 : i32 to vector<16xi32>
      %select_n3A_2271 = arith.select %lt3A_2266, %broadcast_in_dim3A_2269, %broadcast_in_dim3A_2270 : vector<16xi1>, vector<16xi32>
      %add3A_2272 = arith.addi %scan3A_2259, %select_n3A_2271 : vector<16xi32>
      scf.yield %add3A_2272 : vector<16xi32>
    }
    %scan3A_1749 = arith.constant 21 : i32
    %reduce_sum3A_1750 = arith.constant true
    %reduce_sum3A_1751 = vector.broadcast %reduce_sum3A_1750 : i1 to vector<16xi1>
    %reduce_sum3A_1752 = tpu.scan <sum>, %scan3A_1748 masked %reduce_sum3A_1751 : vector<16xi32>, vector<16xi1> -> vector<16xi32>
    %reduce_sum3A_1753 = vector.extract %reduce_sum3A_1752[15] : i32 from vector<16xi32>
    %add3A_1754 = arith.addi %squeeze3A_1738, %reduce_sum3A_1753 : i32
    %slice3A_1755 = vector.extract_strided_slice %min3A_1214 {offsets = [14], sizes = [1], strides = [1]} : vector<16xi32> to vector<1xi32>
    %squeeze3A_1756 = vector.extract %slice3A_1755[0] : i32 from vector<1xi32>
    %mul3A_1757 = arith.constant 16 : i32
    %mul3A_1758 = arith.muli %add3A, %mul3A_1757 : i32
    %add3A_1759 = arith.constant 14 : i32
    %add3A_1760 = arith.addi %mul3A_1758, %add3A_1759 : i32
    %broadcast_in_dim3A_1761 = vector.broadcast %add3A_1760 : i32 to vector<16xi32>
    %scan3A_1762 = arith.constant 0 : i32
    %scan3A_1763 = arith.constant 21 : i32
    %scan3A_1764 = arith.addi %scan3A_1762, %scan3A_1763 : i32
    %scan3A_1765 = arith.constant 1 : i32
    %scan3A_1766 = scf.for %scan3A_2258 = %scan3A_1762 to %scan3A_1764 step %scan3A_1765 iter_args(%scan3A_2259 = %broadcast_in_dim3A_166) -> (vector<16xi32>)  : i32 {
      %mul3A_2260 = arith.constant 16 : i32
      %mul3A_2261 = arith.muli %scan3A_2258, %mul3A_2260 : i32
      %add3A_2262 = arith.constant 4704 : i32
      %add3A_2263 = arith.addi %add3A_2262, %mul3A_2261 : i32
      %get3A_2264 = arith.index_cast %add3A_2263 : i32 to index
      %get3A_2265 = tpu.vector_load %arg11[%get3A_2264] {strides = array<i32>} : memref<5712xi32, #tpu.memory_space<vmem>>, vector<16xi32>,
      %lt3A_2266 = arith.cmpi slt, %get3A_2265, %broadcast_in_dim3A_1761 : vector<16xi32>
      %jit3A_2267 = arith.constant 1 : i32
      %jit3A_2268 = arith.constant 0 : i32
      %broadcast_in_dim3A_2269 = vector.broadcast %jit3A_2267 : i32 to vector<16xi32>
      %broadcast_in_dim3A_2270 = vector.broadcast %jit3A_2268 : i32 to vector<16xi32>
      %select_n3A_2271 = arith.select %lt3A_2266, %broadcast_in_dim3A_2269, %broadcast_in_dim3A_2270 : vector<16xi1>, vector<16xi32>
      %add3A_2272 = arith.addi %scan3A_2259, %select_n3A_2271 : vector<16xi32>
      scf.yield %add3A_2272 : vector<16xi32>
    }
    %scan3A_1767 = arith.constant 21 : i32
    %reduce_sum3A_1768 = arith.constant true
    %reduce_sum3A_1769 = vector.broadcast %reduce_sum3A_1768 : i1 to vector<16xi1>
    %reduce_sum3A_1770 = tpu.scan <sum>, %scan3A_1766 masked %reduce_sum3A_1769 : vector<16xi32>, vector<16xi1> -> vector<16xi32>
    %reduce_sum3A_1771 = vector.extract %reduce_sum3A_1770[15] : i32 from vector<16xi32>
    %add3A_1772 = arith.addi %squeeze3A_1756, %reduce_sum3A_1771 : i32
    %slice3A_1773 = vector.extract_strided_slice %min3A_1214 {offsets = [15], sizes = [1], strides = [1]} : vector<16xi32> to vector<1xi32>
    %squeeze3A_1774 = vector.extract %slice3A_1773[0] : i32 from vector<1xi32>
    %mul3A_1775 = arith.constant 16 : i32
    %mul3A_1776 = arith.muli %add3A, %mul3A_1775 : i32
    %add3A_1777 = arith.constant 15 : i32
    %add3A_1778 = arith.addi %mul3A_1776, %add3A_1777 : i32
    %broadcast_in_dim3A_1779 = vector.broadcast %add3A_1778 : i32 to vector<16xi32>
    %scan3A_1780 = arith.constant 0 : i32
    %scan3A_1781 = arith.constant 21 : i32
    %scan3A_1782 = arith.addi %scan3A_1780, %scan3A_1781 : i32
    %scan3A_1783 = arith.constant 1 : i32
    %scan3A_1784 = scf.for %scan3A_2258 = %scan3A_1780 to %scan3A_1782 step %scan3A_1783 iter_args(%scan3A_2259 = %broadcast_in_dim3A_166) -> (vector<16xi32>)  : i32 {
      %mul3A_2260 = arith.constant 16 : i32
      %mul3A_2261 = arith.muli %scan3A_2258, %mul3A_2260 : i32
      %add3A_2262 = arith.constant 5040 : i32
      %add3A_2263 = arith.addi %add3A_2262, %mul3A_2261 : i32
      %get3A_2264 = arith.index_cast %add3A_2263 : i32 to index
      %get3A_2265 = tpu.vector_load %arg11[%get3A_2264] {strides = array<i32>} : memref<5712xi32, #tpu.memory_space<vmem>>, vector<16xi32>,
      %lt3A_2266 = arith.cmpi slt, %get3A_2265, %broadcast_in_dim3A_1779 : vector<16xi32>
      %jit3A_2267 = arith.constant 1 : i32
      %jit3A_2268 = arith.constant 0 : i32
      %broadcast_in_dim3A_2269 = vector.broadcast %jit3A_2267 : i32 to vector<16xi32>
      %broadcast_in_dim3A_2270 = vector.broadcast %jit3A_2268 : i32 to vector<16xi32>
      %select_n3A_2271 = arith.select %lt3A_2266, %broadcast_in_dim3A_2269, %broadcast_in_dim3A_2270 : vector<16xi1>, vector<16xi32>
      %add3A_2272 = arith.addi %scan3A_2259, %select_n3A_2271 : vector<16xi32>
      scf.yield %add3A_2272 : vector<16xi32>
    }
    %scan3A_1785 = arith.constant 21 : i32
    %reduce_sum3A_1786 = arith.constant true
    %reduce_sum3A_1787 = vector.broadcast %reduce_sum3A_1786 : i1 to vector<16xi1>
    %reduce_sum3A_1788 = tpu.scan <sum>, %scan3A_1784 masked %reduce_sum3A_1787 : vector<16xi32>, vector<16xi1> -> vector<16xi32>
    %reduce_sum3A_1789 = vector.extract %reduce_sum3A_1788[15] : i32 from vector<16xi32>
    %add3A_1790 = arith.addi %squeeze3A_1774, %reduce_sum3A_1789 : i32
    %slice3A_1791 = vector.extract_strided_slice %min3A_1251 {offsets = [0], sizes = [1], strides = [1]} : vector<16xi32> to vector<1xi32>
    %squeeze3A_1792 = vector.extract %slice3A_1791[0] : i32 from vector<1xi32>
    %mul3A_1793 = arith.constant 16 : i32
    %mul3A_1794 = arith.muli %add3A, %mul3A_1793 : i32
    %add3A_1795 = arith.constant 16 : i32
    %add3A_1796 = arith.addi %mul3A_1794, %add3A_1795 : i32
    %broadcast_in_dim3A_1797 = vector.broadcast %add3A_1796 : i32 to vector<16xi32>
    %scan3A_1798 = arith.constant 0 : i32
    %scan3A_1799 = arith.constant 21 : i32
    %scan3A_1800 = arith.addi %scan3A_1798, %scan3A_1799 : i32
    %scan3A_1801 = arith.constant 1 : i32
    %scan3A_1802 = scf.for %scan3A_2258 = %scan3A_1798 to %scan3A_1800 step %scan3A_1801 iter_args(%scan3A_2259 = %broadcast_in_dim3A_166) -> (vector<16xi32>)  : i32 {
      %mul3A_2260 = arith.constant 16 : i32
      %mul3A_2261 = arith.muli %scan3A_2258, %mul3A_2260 : i32
      %add3A_2262 = arith.constant 5376 : i32
      %add3A_2263 = arith.addi %add3A_2262, %mul3A_2261 : i32
      %get3A_2264 = arith.index_cast %add3A_2263 : i32 to index
      %get3A_2265 = tpu.vector_load %arg11[%get3A_2264] {strides = array<i32>} : memref<5712xi32, #tpu.memory_space<vmem>>, vector<16xi32>,
      %lt3A_2266 = arith.cmpi slt, %get3A_2265, %broadcast_in_dim3A_1797 : vector<16xi32>
      %jit3A_2267 = arith.constant 1 : i32
      %jit3A_2268 = arith.constant 0 : i32
      %broadcast_in_dim3A_2269 = vector.broadcast %jit3A_2267 : i32 to vector<16xi32>
      %broadcast_in_dim3A_2270 = vector.broadcast %jit3A_2268 : i32 to vector<16xi32>
      %select_n3A_2271 = arith.select %lt3A_2266, %broadcast_in_dim3A_2269, %broadcast_in_dim3A_2270 : vector<16xi1>, vector<16xi32>
      %add3A_2272 = arith.addi %scan3A_2259, %select_n3A_2271 : vector<16xi32>
      scf.yield %add3A_2272 : vector<16xi32>
    }
    %scan3A_1803 = arith.constant 21 : i32
    %reduce_sum3A_1804 = arith.constant true
    %reduce_sum3A_1805 = vector.broadcast %reduce_sum3A_1804 : i1 to vector<16xi1>
    %reduce_sum3A_1806 = tpu.scan <sum>, %scan3A_1802 masked %reduce_sum3A_1805 : vector<16xi32>, vector<16xi1> -> vector<16xi32>
    %reduce_sum3A_1807 = vector.extract %reduce_sum3A_1806[15] : i32 from vector<16xi32>
    %add3A_1808 = arith.addi %squeeze3A_1792, %reduce_sum3A_1807 : i32
    %eq3A_1809 = arith.constant 15 : i32
    %eq3A_1810 = vector.broadcast %eq3A_1809 : i32 to vector<16xi32>
    %eq3A_1811 = arith.cmpi eq, %iota3A, %eq3A_1810 : vector<16xi32>
    %jit3A_1812 = arith.constant 0 : i32
    %broadcast_in_dim3A_1813 = vector.broadcast %add3A_1808 : i32 to vector<16xi32>
    %broadcast_in_dim3A_1814 = vector.broadcast %jit3A_1812 : i32 to vector<16xi32>
    %select_n3A_1815 = arith.select %eq3A_1811, %broadcast_in_dim3A_1813, %broadcast_in_dim3A_1814 : vector<16xi1>, vector<16xi32>
    %eq3A_1816 = arith.constant 0 : i32
    %eq3A_1817 = vector.broadcast %eq3A_1816 : i32 to vector<16xi32>
    %eq3A_1818 = arith.cmpi eq, %iota3A, %eq3A_1817 : vector<16xi32>
    %jit3A_1819 = arith.constant 0 : i32
    %broadcast_in_dim3A_1820 = vector.broadcast %add3A_1538 : i32 to vector<16xi32>
    %broadcast_in_dim3A_1821 = vector.broadcast %jit3A_1819 : i32 to vector<16xi32>
    %select_n3A_1822 = arith.select %eq3A_1818, %broadcast_in_dim3A_1820, %broadcast_in_dim3A_1821 : vector<16xi1>, vector<16xi32>
    %add3A_1823 = arith.addi %select_n3A_1815, %select_n3A_1822 : vector<16xi32>
    %eq3A_1824 = arith.constant 1 : i32
    %eq3A_1825 = vector.broadcast %eq3A_1824 : i32 to vector<16xi32>
    %eq3A_1826 = arith.cmpi eq, %iota3A, %eq3A_1825 : vector<16xi32>
    %jit3A_1827 = arith.constant 0 : i32
    %broadcast_in_dim3A_1828 = vector.broadcast %add3A_1556 : i32 to vector<16xi32>
    %broadcast_in_dim3A_1829 = vector.broadcast %jit3A_1827 : i32 to vector<16xi32>
    %select_n3A_1830 = arith.select %eq3A_1826, %broadcast_in_dim3A_1828, %broadcast_in_dim3A_1829 : vector<16xi1>, vector<16xi32>
    %add3A_1831 = arith.addi %add3A_1823, %select_n3A_1830 : vector<16xi32>
    %eq3A_1832 = arith.constant 2 : i32
    %eq3A_1833 = vector.broadcast %eq3A_1832 : i32 to vector<16xi32>
    %eq3A_1834 = arith.cmpi eq, %iota3A, %eq3A_1833 : vector<16xi32>
    %jit3A_1835 = arith.constant 0 : i32
    %broadcast_in_dim3A_1836 = vector.broadcast %add3A_1574 : i32 to vector<16xi32>
    %broadcast_in_dim3A_1837 = vector.broadcast %jit3A_1835 : i32 to vector<16xi32>
    %select_n3A_1838 = arith.select %eq3A_1834, %broadcast_in_dim3A_1836, %broadcast_in_dim3A_1837 : vector<16xi1>, vector<16xi32>
    %add3A_1839 = arith.addi %add3A_1831, %select_n3A_1838 : vector<16xi32>
    %eq3A_1840 = arith.constant 3 : i32
    %eq3A_1841 = vector.broadcast %eq3A_1840 : i32 to vector<16xi32>
    %eq3A_1842 = arith.cmpi eq, %iota3A, %eq3A_1841 : vector<16xi32>
    %jit3A_1843 = arith.constant 0 : i32
    %broadcast_in_dim3A_1844 = vector.broadcast %add3A_1592 : i32 to vector<16xi32>
    %broadcast_in_dim3A_1845 = vector.broadcast %jit3A_1843 : i32 to vector<16xi32>
    %select_n3A_1846 = arith.select %eq3A_1842, %broadcast_in_dim3A_1844, %broadcast_in_dim3A_1845 : vector<16xi1>, vector<16xi32>
    %add3A_1847 = arith.addi %add3A_1839, %select_n3A_1846 : vector<16xi32>
    %eq3A_1848 = arith.constant 4 : i32
    %eq3A_1849 = vector.broadcast %eq3A_1848 : i32 to vector<16xi32>
    %eq3A_1850 = arith.cmpi eq, %iota3A, %eq3A_1849 : vector<16xi32>
    %jit3A_1851 = arith.constant 0 : i32
    %broadcast_in_dim3A_1852 = vector.broadcast %add3A_1610 : i32 to vector<16xi32>
    %broadcast_in_dim3A_1853 = vector.broadcast %jit3A_1851 : i32 to vector<16xi32>
    %select_n3A_1854 = arith.select %eq3A_1850, %broadcast_in_dim3A_1852, %broadcast_in_dim3A_1853 : vector<16xi1>, vector<16xi32>
    %add3A_1855 = arith.addi %add3A_1847, %select_n3A_1854 : vector<16xi32>
    %eq3A_1856 = arith.constant 5 : i32
    %eq3A_1857 = vector.broadcast %eq3A_1856 : i32 to vector<16xi32>
    %eq3A_1858 = arith.cmpi eq, %iota3A, %eq3A_1857 : vector<16xi32>
    %jit3A_1859 = arith.constant 0 : i32
    %broadcast_in_dim3A_1860 = vector.broadcast %add3A_1628 : i32 to vector<16xi32>
    %broadcast_in_dim3A_1861 = vector.broadcast %jit3A_1859 : i32 to vector<16xi32>
    %select_n3A_1862 = arith.select %eq3A_1858, %broadcast_in_dim3A_1860, %broadcast_in_dim3A_1861 : vector<16xi1>, vector<16xi32>
    %add3A_1863 = arith.addi %add3A_1855, %select_n3A_1862 : vector<16xi32>
    %eq3A_1864 = arith.constant 6 : i32
    %eq3A_1865 = vector.broadcast %eq3A_1864 : i32 to vector<16xi32>
    %eq3A_1866 = arith.cmpi eq, %iota3A, %eq3A_1865 : vector<16xi32>
    %jit3A_1867 = arith.constant 0 : i32
    %broadcast_in_dim3A_1868 = vector.broadcast %add3A_1646 : i32 to vector<16xi32>
    %broadcast_in_dim3A_1869 = vector.broadcast %jit3A_1867 : i32 to vector<16xi32>
    %select_n3A_1870 = arith.select %eq3A_1866, %broadcast_in_dim3A_1868, %broadcast_in_dim3A_1869 : vector<16xi1>, vector<16xi32>
    %add3A_1871 = arith.addi %add3A_1863, %select_n3A_1870 : vector<16xi32>
    %eq3A_1872 = arith.constant 7 : i32
    %eq3A_1873 = vector.broadcast %eq3A_1872 : i32 to vector<16xi32>
    %eq3A_1874 = arith.cmpi eq, %iota3A, %eq3A_1873 : vector<16xi32>
    %jit3A_1875 = arith.constant 0 : i32
    %broadcast_in_dim3A_1876 = vector.broadcast %add3A_1664 : i32 to vector<16xi32>
    %broadcast_in_dim3A_1877 = vector.broadcast %jit3A_1875 : i32 to vector<16xi32>
    %select_n3A_1878 = arith.select %eq3A_1874, %broadcast_in_dim3A_1876, %broadcast_in_dim3A_1877 : vector<16xi1>, vector<16xi32>
    %add3A_1879 = arith.addi %add3A_1871, %select_n3A_1878 : vector<16xi32>
    %eq3A_1880 = arith.constant 8 : i32
    %eq3A_1881 = vector.broadcast %eq3A_1880 : i32 to vector<16xi32>
    %eq3A_1882 = arith.cmpi eq, %iota3A, %eq3A_1881 : vector<16xi32>
    %jit3A_1883 = arith.constant 0 : i32
    %broadcast_in_dim3A_1884 = vector.broadcast %add3A_1682 : i32 to vector<16xi32>
    %broadcast_in_dim3A_1885 = vector.broadcast %jit3A_1883 : i32 to vector<16xi32>
    %select_n3A_1886 = arith.select %eq3A_1882, %broadcast_in_dim3A_1884, %broadcast_in_dim3A_1885 : vector<16xi1>, vector<16xi32>
    %add3A_1887 = arith.addi %add3A_1879, %select_n3A_1886 : vector<16xi32>
    %eq3A_1888 = arith.constant 9 : i32
    %eq3A_1889 = vector.broadcast %eq3A_1888 : i32 to vector<16xi32>
    %eq3A_1890 = arith.cmpi eq, %iota3A, %eq3A_1889 : vector<16xi32>
    %jit3A_1891 = arith.constant 0 : i32
    %broadcast_in_dim3A_1892 = vector.broadcast %add3A_1700 : i32 to vector<16xi32>
    %broadcast_in_dim3A_1893 = vector.broadcast %jit3A_1891 : i32 to vector<16xi32>
    %select_n3A_1894 = arith.select %eq3A_1890, %broadcast_in_dim3A_1892, %broadcast_in_dim3A_1893 : vector<16xi1>, vector<16xi32>
    %add3A_1895 = arith.addi %add3A_1887, %select_n3A_1894 : vector<16xi32>
    %eq3A_1896 = arith.constant 10 : i32
    %eq3A_1897 = vector.broadcast %eq3A_1896 : i32 to vector<16xi32>
    %eq3A_1898 = arith.cmpi eq, %iota3A, %eq3A_1897 : vector<16xi32>
    %jit3A_1899 = arith.constant 0 : i32
    %broadcast_in_dim3A_1900 = vector.broadcast %add3A_1718 : i32 to vector<16xi32>
    %broadcast_in_dim3A_1901 = vector.broadcast %jit3A_1899 : i32 to vector<16xi32>
    %select_n3A_1902 = arith.select %eq3A_1898, %broadcast_in_dim3A_1900, %broadcast_in_dim3A_1901 : vector<16xi1>, vector<16xi32>
    %add3A_1903 = arith.addi %add3A_1895, %select_n3A_1902 : vector<16xi32>
    %eq3A_1904 = arith.constant 11 : i32
    %eq3A_1905 = vector.broadcast %eq3A_1904 : i32 to vector<16xi32>
    %eq3A_1906 = arith.cmpi eq, %iota3A, %eq3A_1905 : vector<16xi32>
    %jit3A_1907 = arith.constant 0 : i32
    %broadcast_in_dim3A_1908 = vector.broadcast %add3A_1736 : i32 to vector<16xi32>
    %broadcast_in_dim3A_1909 = vector.broadcast %jit3A_1907 : i32 to vector<16xi32>
    %select_n3A_1910 = arith.select %eq3A_1906, %broadcast_in_dim3A_1908, %broadcast_in_dim3A_1909 : vector<16xi1>, vector<16xi32>
    %add3A_1911 = arith.addi %add3A_1903, %select_n3A_1910 : vector<16xi32>
    %eq3A_1912 = arith.constant 12 : i32
    %eq3A_1913 = vector.broadcast %eq3A_1912 : i32 to vector<16xi32>
    %eq3A_1914 = arith.cmpi eq, %iota3A, %eq3A_1913 : vector<16xi32>
    %jit3A_1915 = arith.constant 0 : i32
    %broadcast_in_dim3A_1916 = vector.broadcast %add3A_1754 : i32 to vector<16xi32>
    %broadcast_in_dim3A_1917 = vector.broadcast %jit3A_1915 : i32 to vector<16xi32>
    %select_n3A_1918 = arith.select %eq3A_1914, %broadcast_in_dim3A_1916, %broadcast_in_dim3A_1917 : vector<16xi1>, vector<16xi32>
    %add3A_1919 = arith.addi %add3A_1911, %select_n3A_1918 : vector<16xi32>
    %eq3A_1920 = arith.constant 13 : i32
    %eq3A_1921 = vector.broadcast %eq3A_1920 : i32 to vector<16xi32>
    %eq3A_1922 = arith.cmpi eq, %iota3A, %eq3A_1921 : vector<16xi32>
    %jit3A_1923 = arith.constant 0 : i32
    %broadcast_in_dim3A_1924 = vector.broadcast %add3A_1772 : i32 to vector<16xi32>
    %broadcast_in_dim3A_1925 = vector.broadcast %jit3A_1923 : i32 to vector<16xi32>
    %select_n3A_1926 = arith.select %eq3A_1922, %broadcast_in_dim3A_1924, %broadcast_in_dim3A_1925 : vector<16xi1>, vector<16xi32>
    %add3A_1927 = arith.addi %add3A_1919, %select_n3A_1926 : vector<16xi32>
    %eq3A_1928 = arith.constant 14 : i32
    %eq3A_1929 = vector.broadcast %eq3A_1928 : i32 to vector<16xi32>
    %eq3A_1930 = arith.cmpi eq, %iota3A, %eq3A_1929 : vector<16xi32>
    %jit3A_1931 = arith.constant 0 : i32
    %broadcast_in_dim3A_1932 = vector.broadcast %add3A_1790 : i32 to vector<16xi32>
    %broadcast_in_dim3A_1933 = vector.broadcast %jit3A_1931 : i32 to vector<16xi32>
    %select_n3A_1934 = arith.select %eq3A_1930, %broadcast_in_dim3A_1932, %broadcast_in_dim3A_1933 : vector<16xi1>, vector<16xi32>
    %add3A_1935 = arith.addi %add3A_1927, %select_n3A_1934 : vector<16xi32>
    %jit3A_1936 = arith.constant 16 : i32
    %div3A_1937 = arith.divsi %add3A_1520, %jit3A_1936 : i32
    %sign3A_1938 = arith.constant 0 : i32
    %sign3A_1939 = arith.cmpi sgt, %add3A_1520, %sign3A_1938 : i32
    %sign3A_1940 = arith.extui %sign3A_1939 : i1 to i32
    %sign3A_1941 = arith.constant 0 : i32
    %sign3A_1942 = arith.cmpi slt, %add3A_1520, %sign3A_1941 : i32
    %sign3A_1943 = arith.extui %sign3A_1942 : i1 to i32
    %sign3A_1944 = arith.subi %sign3A_1940, %sign3A_1943 : i32
    %sign3A_1945 = arith.constant 0 : i32
    %sign3A_1946 = arith.cmpi sgt, %jit3A_1936, %sign3A_1945 : i32
    %sign3A_1947 = arith.extui %sign3A_1946 : i1 to i32
    %sign3A_1948 = arith.constant 0 : i32
    %sign3A_1949 = arith.cmpi slt, %jit3A_1936, %sign3A_1948 : i32
    %sign3A_1950 = arith.extui %sign3A_1949 : i1 to i32
    %sign3A_1951 = arith.subi %sign3A_1947, %sign3A_1950 : i32
    %ne3A_1952 = arith.cmpi ne, %sign3A_1944, %sign3A_1951 : i32
    %rem3A_1953 = arith.remsi %add3A_1520, %jit3A_1936 : i32
    %ne3A_1954 = arith.constant 0 : i32
    %ne3A_1955 = arith.cmpi ne, %rem3A_1953, %ne3A_1954 : i32
    %and3A_1956 = arith.andi %ne3A_1952, %ne3A_1955 : i1
    %sub3A_1957 = arith.constant 1 : i32
    %sub3A_1958 = arith.subi %div3A_1937, %sub3A_1957 : i32
    %select_n3A_1959 = arith.select %and3A_1956, %sub3A_1958, %div3A_1937 : i32
    %mul3A_1960 = arith.constant 16 : i32
    %mul3A_1961 = arith.muli %select_n3A_1959, %mul3A_1960 : i32
    %add3A_1962 = arith.constant 16 : i32
    %add3A_1963 = arith.addi %add3A_1808, %add3A_1962 : i32
    %sub3A_1964 = arith.constant 1 : i32
    %sub3A_1965 = arith.subi %add3A_1963, %sub3A_1964 : i32
    %jit3A_1966 = arith.constant 16 : i32
    %div3A_1967 = arith.divsi %sub3A_1965, %jit3A_1966 : i32
    %sign3A_1968 = arith.constant 0 : i32
    %sign3A_1969 = arith.cmpi sgt, %sub3A_1965, %sign3A_1968 : i32
    %sign3A_1970 = arith.extui %sign3A_1969 : i1 to i32
    %sign3A_1971 = arith.constant 0 : i32
    %sign3A_1972 = arith.cmpi slt, %sub3A_1965, %sign3A_1971 : i32
    %sign3A_1973 = arith.extui %sign3A_1972 : i1 to i32
    %sign3A_1974 = arith.subi %sign3A_1970, %sign3A_1973 : i32
    %sign3A_1975 = arith.constant 0 : i32
    %sign3A_1976 = arith.cmpi sgt, %jit3A_1966, %sign3A_1975 : i32
    %sign3A_1977 = arith.extui %sign3A_1976 : i1 to i32
    %sign3A_1978 = arith.constant 0 : i32
    %sign3A_1979 = arith.cmpi slt, %jit3A_1966, %sign3A_1978 : i32
    %sign3A_1980 = arith.extui %sign3A_1979 : i1 to i32
    %sign3A_1981 = arith.subi %sign3A_1977, %sign3A_1980 : i32
    %ne3A_1982 = arith.cmpi ne, %sign3A_1974, %sign3A_1981 : i32
    %rem3A_1983 = arith.remsi %sub3A_1965, %jit3A_1966 : i32
    %ne3A_1984 = arith.constant 0 : i32
    %ne3A_1985 = arith.cmpi ne, %rem3A_1983, %ne3A_1984 : i32
    %and3A_1986 = arith.andi %ne3A_1982, %ne3A_1985 : i1
    %sub3A_1987 = arith.constant 1 : i32
    %sub3A_1988 = arith.subi %div3A_1967, %sub3A_1987 : i32
    %select_n3A_1989 = arith.select %and3A_1986, %sub3A_1988, %div3A_1967 : i32
    %mul3A_1990 = arith.constant 16 : i32
    %mul3A_1991 = arith.muli %select_n3A_1989, %mul3A_1990 : i32
    %min3A_1992 = arith.constant 6400000 : i32
    %min3A_1993 = arith.minsi %mul3A_1991, %min3A_1992 : i32
    %sub3A_1994 = arith.subi %min3A_1993, %mul3A_1961 : i32
    %add3A_1995 = arith.constant 40000 : i32
    %add3A_1996 = arith.addi %sub3A_1994, %add3A_1995 : i32
    %sub3A_1997 = arith.constant 1 : i32
    %sub3A_1998 = arith.subi %add3A_1996, %sub3A_1997 : i32
    %jit3A_1999 = arith.constant 40000 : i32
    %div3A_2000 = arith.divsi %sub3A_1998, %jit3A_1999 : i32
    %sign3A_2001 = arith.constant 0 : i32
    %sign3A_2002 = arith.cmpi sgt, %sub3A_1998, %sign3A_2001 : i32
    %sign3A_2003 = arith.extui %sign3A_2002 : i1 to i32
    %sign3A_2004 = arith.constant 0 : i32
    %sign3A_2005 = arith.cmpi slt, %sub3A_1998, %sign3A_2004 : i32
    %sign3A_2006 = arith.extui %sign3A_2005 : i1 to i32
    %sign3A_2007 = arith.subi %sign3A_2003, %sign3A_2006 : i32
    %sign3A_2008 = arith.constant 0 : i32
    %sign3A_2009 = arith.cmpi sgt, %jit3A_1999, %sign3A_2008 : i32
    %sign3A_2010 = arith.extui %sign3A_2009 : i1 to i32
    %sign3A_2011 = arith.constant 0 : i32
    %sign3A_2012 = arith.cmpi slt, %jit3A_1999, %sign3A_2011 : i32
    %sign3A_2013 = arith.extui %sign3A_2012 : i1 to i32
    %sign3A_2014 = arith.subi %sign3A_2010, %sign3A_2013 : i32
    %ne3A_2015 = arith.cmpi ne, %sign3A_2007, %sign3A_2014 : i32
    %rem3A_2016 = arith.remsi %sub3A_1998, %jit3A_1999 : i32
    %ne3A_2017 = arith.constant 0 : i32
    %ne3A_2018 = arith.cmpi ne, %rem3A_2016, %ne3A_2017 : i32
    %and3A_2019 = arith.andi %ne3A_2015, %ne3A_2018 : i1
    %sub3A_2020 = arith.constant 1 : i32
    %sub3A_2021 = arith.subi %div3A_2000, %sub3A_2020 : i32
    %select_n3A_2022 = arith.select %and3A_2019, %sub3A_2021, %div3A_2000 : i32
    %gt3A_2023 = arith.constant 0 : i32
    %gt3A_2024 = arith.cmpi sgt, %select_n3A_2022, %gt3A_2023 : i32
    %convert_element_type3A = arith.extui %gt3A_2024 : i1 to i32
    %cond3A = arith.constant 0 : i32
    %cond3A_2025 = arith.cmpi ne, %convert_element_type3A, %cond3A : i32
    scf.if %cond3A_2025 {
      %add3A_2258 = arith.constant 0 : i32
      %add3A_2259 = arith.addi %mul3A_1961, %add3A_2258 : i32
      %min3A_2260 = arith.constant 6360000 : i32
      %min3A_2261 = arith.minsi %add3A_2259, %min3A_2260 : i32
      %dma_start3A_2262 = tpu.memref_slice %arg2[%min3A_2261] : memref<6400000xf32, #tpu.memory_space<hbm>> -> memref<40000xf32, #tpu.memory_space<hbm>>
      %dma_start3A_2263 = tpu.memref_slice %arg2[%min3A_2261] : memref<6400000xf32, #tpu.memory_space<hbm>> -> memref<40000xf32, #tpu.memory_space<hbm>>
      tpu.enqueue_dma source(%dma_start3A_2263 : memref<40000xf32, #tpu.memory_space<hbm>>) target(%arg5 : memref<40000xf32, #tpu.memory_space<vmem>>) target_semaphore(%arg14 : memref<!tpu.dma_semaphore, #tpu.memory_space<semaphore_mem>>)
    } else {
    }
    %gt3A_2026 = arith.constant 1 : i32
    %gt3A_2027 = arith.cmpi sgt, %select_n3A_2022, %gt3A_2026 : i32
    %convert_element_type3A_2028 = arith.extui %gt3A_2027 : i1 to i32
    %cond3A_2029 = arith.constant 0 : i32
    %cond3A_2030 = arith.cmpi ne, %convert_element_type3A_2028, %cond3A_2029 : i32
    scf.if %cond3A_2030 {
      %add3A_2258 = arith.constant 40000 : i32
      %add3A_2259 = arith.addi %mul3A_1961, %add3A_2258 : i32
      %min3A_2260 = arith.constant 6360000 : i32
      %min3A_2261 = arith.minsi %add3A_2259, %min3A_2260 : i32
      %dma_start3A_2262 = tpu.memref_slice %arg2[%min3A_2261] : memref<6400000xf32, #tpu.memory_space<hbm>> -> memref<40000xf32, #tpu.memory_space<hbm>>
      %dma_start3A_2263 = tpu.memref_slice %arg2[%min3A_2261] : memref<6400000xf32, #tpu.memory_space<hbm>> -> memref<40000xf32, #tpu.memory_space<hbm>>
      tpu.enqueue_dma source(%dma_start3A_2263 : memref<40000xf32, #tpu.memory_space<hbm>>) target(%arg6 : memref<40000xf32, #tpu.memory_space<vmem>>) target_semaphore(%arg15 : memref<!tpu.dma_semaphore, #tpu.memory_space<semaphore_mem>>)
    } else {
    }
    %while3A = arith.constant 0 : i32
    %while3A_2031 = scf.while (%while3A_2258 = %while3A) : (i32) -> i32 {
      %lt3A_2259 = arith.cmpi slt, %while3A_2258, %select_n3A_2022 : i32
      scf.condition(%lt3A_2259) %while3A_2258 : i32
    } do {
    ^bb0(%while3A_2258: i32):
      %dma_wait3A_2259 = arith.constant 0 : i32
      %dma_wait3A_2260 = tpu.memref_slice %arg2[%dma_wait3A_2259] : memref<6400000xf32, #tpu.memory_space<hbm>> -> memref<40000xf32, #tpu.memory_space<hbm>>
      %dma_wait3A_2261 = arith.constant 0 : i32
      %dma_wait3A_2262 = tpu.memref_slice %arg2[%dma_wait3A_2261] : memref<6400000xf32, #tpu.memory_space<hbm>> -> memref<40000xf32, #tpu.memory_space<hbm>>
      tpu.wait_dma2 semaphore(%arg14 : memref<!tpu.dma_semaphore, #tpu.memory_space<semaphore_mem>>) src(%dma_wait3A_2262 : memref<40000xf32, #tpu.memory_space<hbm>>) dst(%arg5 : memref<40000xf32, #tpu.memory_space<vmem>>)
      %mul3A_2263 = arith.constant 40000 : i32
      %mul3A_2264 = arith.muli %while3A_2258, %mul3A_2263 : i32
      %add3A_2265 = arith.addi %mul3A_1961, %mul3A_2264 : i32
      %min3A_2266 = arith.constant 6360000 : i32
      %min3A_2267 = arith.minsi %add3A_2265, %min3A_2266 : i32
      %add3A_2268 = arith.constant 40000 : i32
      %add3A_2269 = arith.addi %add3A_2265, %add3A_2268 : i32
      %min3A_2270 = arith.minsi %add3A_2269, %add3A_1808 : i32
      %max3A_2271 = arith.maxsi %add3A_1520, %add3A_2265 : i32
      %while3A_2272 = scf.while (%while3A_2293 = %max3A_2271) : (i32) -> i32 {
        %lt3A_2294 = arith.cmpi slt, %while3A_2293, %min3A_2270 : i32
        scf.condition(%lt3A_2294) %while3A_2293 : i32
      } do {
      ^bb0(%while3A_2293: i32):
        %le3A = vector.broadcast %while3A_2293 : i32 to vector<16xi32>
        %le3A_2294 = arith.cmpi sle, %add3A_1935, %le3A : vector<16xi32>
        %all_reduce_population_count3A_2295 = tpu.all_reduce %le3A_2294 {dim = 0 : i64, kind = #tpu.reduction_kind<sum>} : vector<16xi1> -> vector<16xi32>
        %slice3A_2296 = vector.extract_strided_slice %all_reduce_population_count3A_2295 {offsets = [0], sizes = [1], strides = [1]} : vector<16xi32> to vector<1xi32>
        %squeeze3A_2297 = vector.extract %slice3A_2296[0] : i32 from vector<1xi32>
        %gt3A_2298 = vector.broadcast %while3A_2293 : i32 to vector<16xi32>
        %gt3A_2299 = arith.cmpi sgt, %add3A_1935, %gt3A_2298 : vector<16xi32>
        %jit3A_2300 = arith.constant 6400000 : i32
        %broadcast_in_dim3A_2301 = vector.broadcast %jit3A_2300 : i32 to vector<16xi32>
        %select_n3A_2302 = arith.select %gt3A_2299, %add3A_1935, %broadcast_in_dim3A_2301 : vector<16xi1>, vector<16xi32>
        %reduce_min3A = arith.constant true
        %reduce_min3A_2303 = vector.broadcast %reduce_min3A : i1 to vector<16xi1>
        %reduce_min3A_2304 = arith.constant -2147483648 : i32
        %reduce_min3A_2305 = vector.broadcast %reduce_min3A_2304 : i32 to vector<16xi32>
        %reduce_min3A_2306 = arith.xori %select_n3A_2302, %reduce_min3A_2305 : vector<16xi32>
        %reduce_min3A_2307 = tpu.scan <min>, %reduce_min3A_2306 masked %reduce_min3A_2303 : vector<16xi32>, vector<16xi1> -> vector<16xi32>
        %reduce_min3A_2308 = arith.xori %reduce_min3A_2307, %reduce_min3A_2305 : vector<16xi32>
        %reduce_min3A_2309 = vector.extract %reduce_min3A_2308[15] : i32 from vector<16xi32>
        %min3A_2310 = arith.minsi %reduce_min3A_2309, %min3A_2270 : i32
        %mul3A_2311 = arith.constant 16 : i32
        %mul3A_2312 = arith.muli %squeeze3A_2297, %mul3A_2311 : i32
        %sub3A_2313 = arith.subi %while3A_2293, %min3A_2267 : i32
        %sub3A_2314 = arith.subi %min3A_2310, %min3A_2267 : i32
        %jit3A_2315 = arith.constant 16 : i32
        %div3A_2316 = arith.divsi %sub3A_2313, %jit3A_2315 : i32
        %sign3A_2317 = arith.constant 0 : i32
        %sign3A_2318 = arith.cmpi sgt, %sub3A_2313, %sign3A_2317 : i32
        %sign3A_2319 = arith.extui %sign3A_2318 : i1 to i32
        %sign3A_2320 = arith.constant 0 : i32
        %sign3A_2321 = arith.cmpi slt, %sub3A_2313, %sign3A_2320 : i32
        %sign3A_2322 = arith.extui %sign3A_2321 : i1 to i32
        %sign3A_2323 = arith.subi %sign3A_2319, %sign3A_2322 : i32
        %sign3A_2324 = arith.constant 0 : i32
        %sign3A_2325 = arith.cmpi sgt, %jit3A_2315, %sign3A_2324 : i32
        %sign3A_2326 = arith.extui %sign3A_2325 : i1 to i32
        %sign3A_2327 = arith.constant 0 : i32
        %sign3A_2328 = arith.cmpi slt, %jit3A_2315, %sign3A_2327 : i32
        %sign3A_2329 = arith.extui %sign3A_2328 : i1 to i32
        %sign3A_2330 = arith.subi %sign3A_2326, %sign3A_2329 : i32
        %ne3A_2331 = arith.cmpi ne, %sign3A_2323, %sign3A_2330 : i32
        %rem3A_2332 = arith.remsi %sub3A_2313, %jit3A_2315 : i32
        %ne3A_2333 = arith.constant 0 : i32
        %ne3A_2334 = arith.cmpi ne, %rem3A_2332, %ne3A_2333 : i32
        %and3A_2335 = arith.andi %ne3A_2331, %ne3A_2334 : i1
        %sub3A_2336 = arith.constant 1 : i32
        %sub3A_2337 = arith.subi %div3A_2316, %sub3A_2336 : i32
        %select_n3A_2338 = arith.select %and3A_2335, %sub3A_2337, %div3A_2316 : i32
        %mul3A_2339 = arith.constant 16 : i32
        %mul3A_2340 = arith.muli %select_n3A_2338, %mul3A_2339 : i32
        %add3A_2341 = vector.broadcast %mul3A_2340 : i32 to vector<16xi32>
        %add3A_2342 = arith.addi %add3A_2341, %iota3A : vector<16xi32>
        %ge3A = vector.broadcast %sub3A_2313 : i32 to vector<16xi32>
        %ge3A_2343 = arith.cmpi sge, %add3A_2342, %ge3A : vector<16xi32>
        %lt3A_2344 = vector.broadcast %sub3A_2314 : i32 to vector<16xi32>
        %lt3A_2345 = arith.cmpi slt, %add3A_2342, %lt3A_2344 : vector<16xi32>
        %and3A_2346 = arith.andi %ge3A_2343, %lt3A_2345 : vector<16xi1>
        %get3A_2347 = arith.index_cast %mul3A_2340 : i32 to index
        %get3A_2348 = tpu.vector_load %arg5[%get3A_2347] {strides = array<i32>} : memref<40000xf32, #tpu.memory_space<vmem>>, vector<16xf32>,
        %jit3A_2349 = arith.constant 0.000000e+00 : f32
        %broadcast_in_dim3A_2350 = vector.broadcast %jit3A_2349 : f32 to vector<16xf32>
        %select_n3A_2351 = arith.select %and3A_2346, %get3A_2348, %broadcast_in_dim3A_2350 : vector<16xi1>, vector<16xf32>
        %swap3A_2352 = arith.index_cast %mul3A_2312 : i32 to index
        %swap3A_2353 = tpu.vector_load %arg12[%swap3A_2352] {strides = array<i32>} : memref<256xf32, #tpu.memory_space<vmem>>, vector<16xf32>,
        tpu.vector_store %arg12[%swap3A_2352], %select_n3A_2351 {add = true, strides = array<i32>} : memref<256xf32, #tpu.memory_space<vmem>>, vector<16xf32>,
        %add3A_2354 = arith.constant 16 : i32
        %add3A_2355 = arith.addi %mul3A_2340, %add3A_2354 : i32
        %jit3A_2356 = arith.constant 16 : i32
        %div3A_2357 = arith.divsi %sub3A_2314, %jit3A_2356 : i32
        %sign3A_2358 = arith.constant 0 : i32
        %sign3A_2359 = arith.cmpi sgt, %sub3A_2314, %sign3A_2358 : i32
        %sign3A_2360 = arith.extui %sign3A_2359 : i1 to i32
        %sign3A_2361 = arith.constant 0 : i32
        %sign3A_2362 = arith.cmpi slt, %sub3A_2314, %sign3A_2361 : i32
        %sign3A_2363 = arith.extui %sign3A_2362 : i1 to i32
        %sign3A_2364 = arith.subi %sign3A_2360, %sign3A_2363 : i32
        %sign3A_2365 = arith.constant 0 : i32
        %sign3A_2366 = arith.cmpi sgt, %jit3A_2356, %sign3A_2365 : i32
        %sign3A_2367 = arith.extui %sign3A_2366 : i1 to i32
        %sign3A_2368 = arith.constant 0 : i32
        %sign3A_2369 = arith.cmpi slt, %jit3A_2356, %sign3A_2368 : i32
        %sign3A_2370 = arith.extui %sign3A_2369 : i1 to i32
        %sign3A_2371 = arith.subi %sign3A_2367, %sign3A_2370 : i32
        %ne3A_2372 = arith.cmpi ne, %sign3A_2364, %sign3A_2371 : i32
        %rem3A_2373 = arith.remsi %sub3A_2314, %jit3A_2356 : i32
        %ne3A_2374 = arith.constant 0 : i32
        %ne3A_2375 = arith.cmpi ne, %rem3A_2373, %ne3A_2374 : i32
        %and3A_2376 = arith.andi %ne3A_2372, %ne3A_2375 : i1
        %sub3A_2377 = arith.constant 1 : i32
        %sub3A_2378 = arith.subi %div3A_2357, %sub3A_2377 : i32
        %select_n3A_2379 = arith.select %and3A_2376, %sub3A_2378, %div3A_2357 : i32
        %mul3A_2380 = arith.constant 16 : i32
        %mul3A_2381 = arith.muli %select_n3A_2379, %mul3A_2380 : i32
        %lt3A_2382 = arith.cmpi slt, %add3A_2355, %mul3A_2381 : i32
        %convert_element_type3A_2383 = arith.extui %lt3A_2382 : i1 to i32
        %cond3A_2384 = arith.constant 0 : i32
        %cond3A_2385 = arith.cmpi ne, %convert_element_type3A_2383, %cond3A_2384 : i32
        scf.if %cond3A_2385 {
          %jit3A_2392 = arith.constant 16 : i32
          %div3A_2393 = arith.divsi %add3A_2355, %jit3A_2392 : i32
          %sign3A_2394 = arith.constant 0 : i32
          %sign3A_2395 = arith.cmpi sgt, %add3A_2355, %sign3A_2394 : i32
          %sign3A_2396 = arith.extui %sign3A_2395 : i1 to i32
          %sign3A_2397 = arith.constant 0 : i32
          %sign3A_2398 = arith.cmpi slt, %add3A_2355, %sign3A_2397 : i32
          %sign3A_2399 = arith.extui %sign3A_2398 : i1 to i32
          %sign3A_2400 = arith.subi %sign3A_2396, %sign3A_2399 : i32
          %sign3A_2401 = arith.constant 0 : i32
          %sign3A_2402 = arith.cmpi sgt, %jit3A_2392, %sign3A_2401 : i32
          %sign3A_2403 = arith.extui %sign3A_2402 : i1 to i32
          %sign3A_2404 = arith.constant 0 : i32
          %sign3A_2405 = arith.cmpi slt, %jit3A_2392, %sign3A_2404 : i32
          %sign3A_2406 = arith.extui %sign3A_2405 : i1 to i32
          %sign3A_2407 = arith.subi %sign3A_2403, %sign3A_2406 : i32
          %ne3A_2408 = arith.cmpi ne, %sign3A_2400, %sign3A_2407 : i32
          %rem3A_2409 = arith.remsi %add3A_2355, %jit3A_2392 : i32
          %ne3A_2410 = arith.constant 0 : i32
          %ne3A_2411 = arith.cmpi ne, %rem3A_2409, %ne3A_2410 : i32
          %and3A_2412 = arith.andi %ne3A_2408, %ne3A_2411 : i1
          %sub3A_2413 = arith.constant 1 : i32
          %sub3A_2414 = arith.subi %div3A_2393, %sub3A_2413 : i32
          %select_n3A_2415 = arith.select %and3A_2412, %sub3A_2414, %div3A_2393 : i32
          %jit3A_2416 = arith.constant 16 : i32
          %div3A_2417 = arith.divsi %mul3A_2381, %jit3A_2416 : i32
          %sign3A_2418 = arith.constant 0 : i32
          %sign3A_2419 = arith.cmpi sgt, %mul3A_2381, %sign3A_2418 : i32
          %sign3A_2420 = arith.extui %sign3A_2419 : i1 to i32
          %sign3A_2421 = arith.constant 0 : i32
          %sign3A_2422 = arith.cmpi slt, %mul3A_2381, %sign3A_2421 : i32
          %sign3A_2423 = arith.extui %sign3A_2422 : i1 to i32
          %sign3A_2424 = arith.subi %sign3A_2420, %sign3A_2423 : i32
          %sign3A_2425 = arith.constant 0 : i32
          %sign3A_2426 = arith.cmpi sgt, %jit3A_2416, %sign3A_2425 : i32
          %sign3A_2427 = arith.extui %sign3A_2426 : i1 to i32
          %sign3A_2428 = arith.constant 0 : i32
          %sign3A_2429 = arith.cmpi slt, %jit3A_2416, %sign3A_2428 : i32
          %sign3A_2430 = arith.extui %sign3A_2429 : i1 to i32
          %sign3A_2431 = arith.subi %sign3A_2427, %sign3A_2430 : i32
          %ne3A_2432 = arith.cmpi ne, %sign3A_2424, %sign3A_2431 : i32
          %rem3A_2433 = arith.remsi %mul3A_2381, %jit3A_2416 : i32
          %ne3A_2434 = arith.constant 0 : i32
          %ne3A_2435 = arith.cmpi ne, %rem3A_2433, %ne3A_2434 : i32
          %and3A_2436 = arith.andi %ne3A_2432, %ne3A_2435 : i1
          %sub3A_2437 = arith.constant 1 : i32
          %sub3A_2438 = arith.subi %div3A_2417, %sub3A_2437 : i32
          %select_n3A_2439 = arith.select %and3A_2436, %sub3A_2438, %div3A_2417 : i32
          %parallel_loop3A = arith.constant 1 : i32
          scf.for %parallel_loop3A_2440 = %select_n3A_2415 to %select_n3A_2439 step %parallel_loop3A  : i32 {
            %parallel_loop3A_2441 = arith.constant 16 : i32
            %parallel_loop3A_2442 = arith.muli %parallel_loop3A_2440, %parallel_loop3A_2441 : i32
            %parallel_loop3A_2443 = arith.index_cast %parallel_loop3A_2442 : i32 to index
            %parallel_loop3A_2444 = tpu.vector_load %arg5[%parallel_loop3A_2443] {strides = array<i32>} : memref<40000xf32, #tpu.memory_space<vmem>>, vector<16xf32>,
            %parallel_loop3A_2445 = arith.index_cast %mul3A_2312 : i32 to index
            %parallel_loop3A_2446 = tpu.vector_load %arg12[%parallel_loop3A_2445] {strides = array<i32>} : memref<256xf32, #tpu.memory_space<vmem>>, vector<16xf32>,
            tpu.vector_store %arg12[%parallel_loop3A_2445], %parallel_loop3A_2444 {add = true, strides = array<i32>} : memref<256xf32, #tpu.memory_space<vmem>>, vector<16xf32>,
          } {sc.loop_unroll_factor = 8 : i64, sc.parallel_access}
        } else {
        }
        %lt3A_2386 = arith.cmpi slt, %mul3A_2381, %sub3A_2314 : i32
        %ge3A_2387 = arith.cmpi sge, %mul3A_2381, %add3A_2355 : i32
        %and3A_2388 = arith.andi %lt3A_2386, %ge3A_2387 : i1
        %convert_element_type3A_2389 = arith.extui %and3A_2388 : i1 to i32
        %cond3A_2390 = arith.constant 0 : i32
        %cond3A_2391 = arith.cmpi ne, %convert_element_type3A_2389, %cond3A_2390 : i32
        scf.if %cond3A_2391 {
          %add3A_2392 = vector.broadcast %mul3A_2381 : i32 to vector<16xi32>
          %add3A_2393 = arith.addi %add3A_2392, %iota3A : vector<16xi32>
          %lt3A_2394 = vector.broadcast %sub3A_2314 : i32 to vector<16xi32>
          %lt3A_2395 = arith.cmpi slt, %add3A_2393, %lt3A_2394 : vector<16xi32>
          %get3A_2396 = arith.index_cast %mul3A_2381 : i32 to index
          %get3A_2397 = tpu.vector_load %arg5[%get3A_2396] {strides = array<i32>} : memref<40000xf32, #tpu.memory_space<vmem>>, vector<16xf32>,
          %jit3A_2398 = arith.constant 0.000000e+00 : f32
          %broadcast_in_dim3A_2399 = vector.broadcast %jit3A_2398 : f32 to vector<16xf32>
          %select_n3A_2400 = arith.select %lt3A_2395, %get3A_2397, %broadcast_in_dim3A_2399 : vector<16xi1>, vector<16xf32>
          %swap3A_2401 = arith.index_cast %mul3A_2312 : i32 to index
          %swap3A_2402 = tpu.vector_load %arg12[%swap3A_2401] {strides = array<i32>} : memref<256xf32, #tpu.memory_space<vmem>>, vector<16xf32>,
          tpu.vector_store %arg12[%swap3A_2401], %select_n3A_2400 {add = true, strides = array<i32>} : memref<256xf32, #tpu.memory_space<vmem>>, vector<16xf32>,
        } else {
        }
        scf.yield %min3A_2310 : i32
      }
      %add3A_2273 = arith.constant 2 : i32
      %add3A_2274 = arith.addi %while3A_2258, %add3A_2273 : i32
      %lt3A_2275 = arith.cmpi slt, %add3A_2274, %select_n3A_2022 : i32
      %convert_element_type3A_2276 = arith.extui %lt3A_2275 : i1 to i32
      %cond3A_2277 = arith.constant 0 : i32
      %cond3A_2278 = arith.cmpi ne, %convert_element_type3A_2276, %cond3A_2277 : i32
      scf.if %cond3A_2278 {
        %add3A_2293 = arith.constant 2 : i32
        %add3A_2294 = arith.addi %while3A_2258, %add3A_2293 : i32
        %mul3A_2295 = arith.constant 40000 : i32
        %mul3A_2296 = arith.muli %add3A_2294, %mul3A_2295 : i32
        %add3A_2297 = arith.addi %mul3A_1961, %mul3A_2296 : i32
        %min3A_2298 = arith.constant 6360000 : i32
        %min3A_2299 = arith.minsi %add3A_2297, %min3A_2298 : i32
        %dma_start3A_2300 = tpu.memref_slice %arg2[%min3A_2299] : memref<6400000xf32, #tpu.memory_space<hbm>> -> memref<40000xf32, #tpu.memory_space<hbm>>
        %dma_start3A_2301 = tpu.memref_slice %arg2[%min3A_2299] : memref<6400000xf32, #tpu.memory_space<hbm>> -> memref<40000xf32, #tpu.memory_space<hbm>>
        tpu.enqueue_dma source(%dma_start3A_2301 : memref<40000xf32, #tpu.memory_space<hbm>>) target(%arg5 : memref<40000xf32, #tpu.memory_space<vmem>>) target_semaphore(%arg14 : memref<!tpu.dma_semaphore, #tpu.memory_space<semaphore_mem>>)
      } else {
      }
      %add3A_2279 = arith.constant 1 : i32
      %add3A_2280 = arith.addi %while3A_2258, %add3A_2279 : i32
      %lt3A_2281 = arith.cmpi slt, %add3A_2280, %select_n3A_2022 : i32
      %convert_element_type3A_2282 = arith.extui %lt3A_2281 : i1 to i32
      %cond3A_2283 = arith.constant 0 : i32
      %cond3A_2284 = arith.cmpi ne, %convert_element_type3A_2282, %cond3A_2283 : i32
      scf.if %cond3A_2284 {
        %dma_wait3A_2293 = arith.constant 0 : i32
        %dma_wait3A_2294 = tpu.memref_slice %arg2[%dma_wait3A_2293] : memref<6400000xf32, #tpu.memory_space<hbm>> -> memref<40000xf32, #tpu.memory_space<hbm>>
        %dma_wait3A_2295 = arith.constant 0 : i32
        %dma_wait3A_2296 = tpu.memref_slice %arg2[%dma_wait3A_2295] : memref<6400000xf32, #tpu.memory_space<hbm>> -> memref<40000xf32, #tpu.memory_space<hbm>>
        tpu.wait_dma2 semaphore(%arg15 : memref<!tpu.dma_semaphore, #tpu.memory_space<semaphore_mem>>) src(%dma_wait3A_2296 : memref<40000xf32, #tpu.memory_space<hbm>>) dst(%arg6 : memref<40000xf32, #tpu.memory_space<vmem>>)
        %add3A_2297 = arith.constant 1 : i32
        %add3A_2298 = arith.addi %while3A_2258, %add3A_2297 : i32
        %mul3A_2299 = arith.constant 40000 : i32
        %mul3A_2300 = arith.muli %add3A_2298, %mul3A_2299 : i32
        %add3A_2301 = arith.addi %mul3A_1961, %mul3A_2300 : i32
        %min3A_2302 = arith.constant 6360000 : i32
        %min3A_2303 = arith.minsi %add3A_2301, %min3A_2302 : i32
        %add3A_2304 = arith.constant 40000 : i32
        %add3A_2305 = arith.addi %add3A_2301, %add3A_2304 : i32
        %min3A_2306 = arith.minsi %add3A_2305, %add3A_1808 : i32
        %max3A_2307 = arith.maxsi %add3A_1520, %add3A_2301 : i32
        %while3A_2308 = scf.while (%while3A_2309 = %max3A_2307) : (i32) -> i32 {
          %lt3A_2310 = arith.cmpi slt, %while3A_2309, %min3A_2306 : i32
          scf.condition(%lt3A_2310) %while3A_2309 : i32
        } do {
        ^bb0(%while3A_2309: i32):
          %le3A = vector.broadcast %while3A_2309 : i32 to vector<16xi32>
          %le3A_2310 = arith.cmpi sle, %add3A_1935, %le3A : vector<16xi32>
          %all_reduce_population_count3A_2311 = tpu.all_reduce %le3A_2310 {dim = 0 : i64, kind = #tpu.reduction_kind<sum>} : vector<16xi1> -> vector<16xi32>
          %slice3A_2312 = vector.extract_strided_slice %all_reduce_population_count3A_2311 {offsets = [0], sizes = [1], strides = [1]} : vector<16xi32> to vector<1xi32>
          %squeeze3A_2313 = vector.extract %slice3A_2312[0] : i32 from vector<1xi32>
          %gt3A_2314 = vector.broadcast %while3A_2309 : i32 to vector<16xi32>
          %gt3A_2315 = arith.cmpi sgt, %add3A_1935, %gt3A_2314 : vector<16xi32>
          %jit3A_2316 = arith.constant 6400000 : i32
          %broadcast_in_dim3A_2317 = vector.broadcast %jit3A_2316 : i32 to vector<16xi32>
          %select_n3A_2318 = arith.select %gt3A_2315, %add3A_1935, %broadcast_in_dim3A_2317 : vector<16xi1>, vector<16xi32>
          %reduce_min3A = arith.constant true
          %reduce_min3A_2319 = vector.broadcast %reduce_min3A : i1 to vector<16xi1>
          %reduce_min3A_2320 = arith.constant -2147483648 : i32
          %reduce_min3A_2321 = vector.broadcast %reduce_min3A_2320 : i32 to vector<16xi32>
          %reduce_min3A_2322 = arith.xori %select_n3A_2318, %reduce_min3A_2321 : vector<16xi32>
          %reduce_min3A_2323 = tpu.scan <min>, %reduce_min3A_2322 masked %reduce_min3A_2319 : vector<16xi32>, vector<16xi1> -> vector<16xi32>
          %reduce_min3A_2324 = arith.xori %reduce_min3A_2323, %reduce_min3A_2321 : vector<16xi32>
          %reduce_min3A_2325 = vector.extract %reduce_min3A_2324[15] : i32 from vector<16xi32>
          %min3A_2326 = arith.minsi %reduce_min3A_2325, %min3A_2306 : i32
          %mul3A_2327 = arith.constant 16 : i32
          %mul3A_2328 = arith.muli %squeeze3A_2313, %mul3A_2327 : i32
          %sub3A_2329 = arith.subi %while3A_2309, %min3A_2303 : i32
          %sub3A_2330 = arith.subi %min3A_2326, %min3A_2303 : i32
          %jit3A_2331 = arith.constant 16 : i32
          %div3A_2332 = arith.divsi %sub3A_2329, %jit3A_2331 : i32
          %sign3A_2333 = arith.constant 0 : i32
          %sign3A_2334 = arith.cmpi sgt, %sub3A_2329, %sign3A_2333 : i32
          %sign3A_2335 = arith.extui %sign3A_2334 : i1 to i32
          %sign3A_2336 = arith.constant 0 : i32
          %sign3A_2337 = arith.cmpi slt, %sub3A_2329, %sign3A_2336 : i32
          %sign3A_2338 = arith.extui %sign3A_2337 : i1 to i32
          %sign3A_2339 = arith.subi %sign3A_2335, %sign3A_2338 : i32
          %sign3A_2340 = arith.constant 0 : i32
          %sign3A_2341 = arith.cmpi sgt, %jit3A_2331, %sign3A_2340 : i32
          %sign3A_2342 = arith.extui %sign3A_2341 : i1 to i32
          %sign3A_2343 = arith.constant 0 : i32
          %sign3A_2344 = arith.cmpi slt, %jit3A_2331, %sign3A_2343 : i32
          %sign3A_2345 = arith.extui %sign3A_2344 : i1 to i32
          %sign3A_2346 = arith.subi %sign3A_2342, %sign3A_2345 : i32
          %ne3A_2347 = arith.cmpi ne, %sign3A_2339, %sign3A_2346 : i32
          %rem3A_2348 = arith.remsi %sub3A_2329, %jit3A_2331 : i32
          %ne3A_2349 = arith.constant 0 : i32
          %ne3A_2350 = arith.cmpi ne, %rem3A_2348, %ne3A_2349 : i32
          %and3A_2351 = arith.andi %ne3A_2347, %ne3A_2350 : i1
          %sub3A_2352 = arith.constant 1 : i32
          %sub3A_2353 = arith.subi %div3A_2332, %sub3A_2352 : i32
          %select_n3A_2354 = arith.select %and3A_2351, %sub3A_2353, %div3A_2332 : i32
          %mul3A_2355 = arith.constant 16 : i32
          %mul3A_2356 = arith.muli %select_n3A_2354, %mul3A_2355 : i32
          %add3A_2357 = vector.broadcast %mul3A_2356 : i32 to vector<16xi32>
          %add3A_2358 = arith.addi %add3A_2357, %iota3A : vector<16xi32>
          %ge3A = vector.broadcast %sub3A_2329 : i32 to vector<16xi32>
          %ge3A_2359 = arith.cmpi sge, %add3A_2358, %ge3A : vector<16xi32>
          %lt3A_2360 = vector.broadcast %sub3A_2330 : i32 to vector<16xi32>
          %lt3A_2361 = arith.cmpi slt, %add3A_2358, %lt3A_2360 : vector<16xi32>
          %and3A_2362 = arith.andi %ge3A_2359, %lt3A_2361 : vector<16xi1>
          %get3A_2363 = arith.index_cast %mul3A_2356 : i32 to index
          %get3A_2364 = tpu.vector_load %arg6[%get3A_2363] {strides = array<i32>} : memref<40000xf32, #tpu.memory_space<vmem>>, vector<16xf32>,
          %jit3A_2365 = arith.constant 0.000000e+00 : f32
          %broadcast_in_dim3A_2366 = vector.broadcast %jit3A_2365 : f32 to vector<16xf32>
          %select_n3A_2367 = arith.select %and3A_2362, %get3A_2364, %broadcast_in_dim3A_2366 : vector<16xi1>, vector<16xf32>
          %swap3A_2368 = arith.index_cast %mul3A_2328 : i32 to index
          %swap3A_2369 = tpu.vector_load %arg12[%swap3A_2368] {strides = array<i32>} : memref<256xf32, #tpu.memory_space<vmem>>, vector<16xf32>,
          tpu.vector_store %arg12[%swap3A_2368], %select_n3A_2367 {add = true, strides = array<i32>} : memref<256xf32, #tpu.memory_space<vmem>>, vector<16xf32>,
          %add3A_2370 = arith.constant 16 : i32
          %add3A_2371 = arith.addi %mul3A_2356, %add3A_2370 : i32
          %jit3A_2372 = arith.constant 16 : i32
          %div3A_2373 = arith.divsi %sub3A_2330, %jit3A_2372 : i32
          %sign3A_2374 = arith.constant 0 : i32
          %sign3A_2375 = arith.cmpi sgt, %sub3A_2330, %sign3A_2374 : i32
          %sign3A_2376 = arith.extui %sign3A_2375 : i1 to i32
          %sign3A_2377 = arith.constant 0 : i32
          %sign3A_2378 = arith.cmpi slt, %sub3A_2330, %sign3A_2377 : i32
          %sign3A_2379 = arith.extui %sign3A_2378 : i1 to i32
          %sign3A_2380 = arith.subi %sign3A_2376, %sign3A_2379 : i32
          %sign3A_2381 = arith.constant 0 : i32
          %sign3A_2382 = arith.cmpi sgt, %jit3A_2372, %sign3A_2381 : i32
          %sign3A_2383 = arith.extui %sign3A_2382 : i1 to i32
          %sign3A_2384 = arith.constant 0 : i32
          %sign3A_2385 = arith.cmpi slt, %jit3A_2372, %sign3A_2384 : i32
          %sign3A_2386 = arith.extui %sign3A_2385 : i1 to i32
          %sign3A_2387 = arith.subi %sign3A_2383, %sign3A_2386 : i32
          %ne3A_2388 = arith.cmpi ne, %sign3A_2380, %sign3A_2387 : i32
          %rem3A_2389 = arith.remsi %sub3A_2330, %jit3A_2372 : i32
          %ne3A_2390 = arith.constant 0 : i32
          %ne3A_2391 = arith.cmpi ne, %rem3A_2389, %ne3A_2390 : i32
          %and3A_2392 = arith.andi %ne3A_2388, %ne3A_2391 : i1
          %sub3A_2393 = arith.constant 1 : i32
          %sub3A_2394 = arith.subi %div3A_2373, %sub3A_2393 : i32
          %select_n3A_2395 = arith.select %and3A_2392, %sub3A_2394, %div3A_2373 : i32
          %mul3A_2396 = arith.constant 16 : i32
          %mul3A_2397 = arith.muli %select_n3A_2395, %mul3A_2396 : i32
          %lt3A_2398 = arith.cmpi slt, %add3A_2371, %mul3A_2397 : i32
          %convert_element_type3A_2399 = arith.extui %lt3A_2398 : i1 to i32
          %cond3A_2400 = arith.constant 0 : i32
          %cond3A_2401 = arith.cmpi ne, %convert_element_type3A_2399, %cond3A_2400 : i32
          scf.if %cond3A_2401 {
            %jit3A_2408 = arith.constant 16 : i32
            %div3A_2409 = arith.divsi %add3A_2371, %jit3A_2408 : i32
            %sign3A_2410 = arith.constant 0 : i32
            %sign3A_2411 = arith.cmpi sgt, %add3A_2371, %sign3A_2410 : i32
            %sign3A_2412 = arith.extui %sign3A_2411 : i1 to i32
            %sign3A_2413 = arith.constant 0 : i32
            %sign3A_2414 = arith.cmpi slt, %add3A_2371, %sign3A_2413 : i32
            %sign3A_2415 = arith.extui %sign3A_2414 : i1 to i32
            %sign3A_2416 = arith.subi %sign3A_2412, %sign3A_2415 : i32
            %sign3A_2417 = arith.constant 0 : i32
            %sign3A_2418 = arith.cmpi sgt, %jit3A_2408, %sign3A_2417 : i32
            %sign3A_2419 = arith.extui %sign3A_2418 : i1 to i32
            %sign3A_2420 = arith.constant 0 : i32
            %sign3A_2421 = arith.cmpi slt, %jit3A_2408, %sign3A_2420 : i32
            %sign3A_2422 = arith.extui %sign3A_2421 : i1 to i32
            %sign3A_2423 = arith.subi %sign3A_2419, %sign3A_2422 : i32
            %ne3A_2424 = arith.cmpi ne, %sign3A_2416, %sign3A_2423 : i32
            %rem3A_2425 = arith.remsi %add3A_2371, %jit3A_2408 : i32
            %ne3A_2426 = arith.constant 0 : i32
            %ne3A_2427 = arith.cmpi ne, %rem3A_2425, %ne3A_2426 : i32
            %and3A_2428 = arith.andi %ne3A_2424, %ne3A_2427 : i1
            %sub3A_2429 = arith.constant 1 : i32
            %sub3A_2430 = arith.subi %div3A_2409, %sub3A_2429 : i32
            %select_n3A_2431 = arith.select %and3A_2428, %sub3A_2430, %div3A_2409 : i32
            %jit3A_2432 = arith.constant 16 : i32
            %div3A_2433 = arith.divsi %mul3A_2397, %jit3A_2432 : i32
            %sign3A_2434 = arith.constant 0 : i32
            %sign3A_2435 = arith.cmpi sgt, %mul3A_2397, %sign3A_2434 : i32
            %sign3A_2436 = arith.extui %sign3A_2435 : i1 to i32
            %sign3A_2437 = arith.constant 0 : i32
            %sign3A_2438 = arith.cmpi slt, %mul3A_2397, %sign3A_2437 : i32
            %sign3A_2439 = arith.extui %sign3A_2438 : i1 to i32
            %sign3A_2440 = arith.subi %sign3A_2436, %sign3A_2439 : i32
            %sign3A_2441 = arith.constant 0 : i32
            %sign3A_2442 = arith.cmpi sgt, %jit3A_2432, %sign3A_2441 : i32
            %sign3A_2443 = arith.extui %sign3A_2442 : i1 to i32
            %sign3A_2444 = arith.constant 0 : i32
            %sign3A_2445 = arith.cmpi slt, %jit3A_2432, %sign3A_2444 : i32
            %sign3A_2446 = arith.extui %sign3A_2445 : i1 to i32
            %sign3A_2447 = arith.subi %sign3A_2443, %sign3A_2446 : i32
            %ne3A_2448 = arith.cmpi ne, %sign3A_2440, %sign3A_2447 : i32
            %rem3A_2449 = arith.remsi %mul3A_2397, %jit3A_2432 : i32
            %ne3A_2450 = arith.constant 0 : i32
            %ne3A_2451 = arith.cmpi ne, %rem3A_2449, %ne3A_2450 : i32
            %and3A_2452 = arith.andi %ne3A_2448, %ne3A_2451 : i1
            %sub3A_2453 = arith.constant 1 : i32
            %sub3A_2454 = arith.subi %div3A_2433, %sub3A_2453 : i32
            %select_n3A_2455 = arith.select %and3A_2452, %sub3A_2454, %div3A_2433 : i32
            %parallel_loop3A = arith.constant 1 : i32
            scf.for %parallel_loop3A_2456 = %select_n3A_2431 to %select_n3A_2455 step %parallel_loop3A  : i32 {
              %parallel_loop3A_2457 = arith.constant 16 : i32
              %parallel_loop3A_2458 = arith.muli %parallel_loop3A_2456, %parallel_loop3A_2457 : i32
              %parallel_loop3A_2459 = arith.index_cast %parallel_loop3A_2458 : i32 to index
              %parallel_loop3A_2460 = tpu.vector_load %arg6[%parallel_loop3A_2459] {strides = array<i32>} : memref<40000xf32, #tpu.memory_space<vmem>>, vector<16xf32>,
              %parallel_loop3A_2461 = arith.index_cast %mul3A_2328 : i32 to index
              %parallel_loop3A_2462 = tpu.vector_load %arg12[%parallel_loop3A_2461] {strides = array<i32>} : memref<256xf32, #tpu.memory_space<vmem>>, vector<16xf32>,
              tpu.vector_store %arg12[%parallel_loop3A_2461], %parallel_loop3A_2460 {add = true, strides = array<i32>} : memref<256xf32, #tpu.memory_space<vmem>>, vector<16xf32>,
            } {sc.loop_unroll_factor = 8 : i64, sc.parallel_access}
          } else {
          }
          %lt3A_2402 = arith.cmpi slt, %mul3A_2397, %sub3A_2330 : i32
          %ge3A_2403 = arith.cmpi sge, %mul3A_2397, %add3A_2371 : i32
          %and3A_2404 = arith.andi %lt3A_2402, %ge3A_2403 : i1
          %convert_element_type3A_2405 = arith.extui %and3A_2404 : i1 to i32
          %cond3A_2406 = arith.constant 0 : i32
          %cond3A_2407 = arith.cmpi ne, %convert_element_type3A_2405, %cond3A_2406 : i32
          scf.if %cond3A_2407 {
            %add3A_2408 = vector.broadcast %mul3A_2397 : i32 to vector<16xi32>
            %add3A_2409 = arith.addi %add3A_2408, %iota3A : vector<16xi32>
            %lt3A_2410 = vector.broadcast %sub3A_2330 : i32 to vector<16xi32>
            %lt3A_2411 = arith.cmpi slt, %add3A_2409, %lt3A_2410 : vector<16xi32>
            %get3A_2412 = arith.index_cast %mul3A_2397 : i32 to index
            %get3A_2413 = tpu.vector_load %arg6[%get3A_2412] {strides = array<i32>} : memref<40000xf32, #tpu.memory_space<vmem>>, vector<16xf32>,
            %jit3A_2414 = arith.constant 0.000000e+00 : f32
            %broadcast_in_dim3A_2415 = vector.broadcast %jit3A_2414 : f32 to vector<16xf32>
            %select_n3A_2416 = arith.select %lt3A_2411, %get3A_2413, %broadcast_in_dim3A_2415 : vector<16xi1>, vector<16xf32>
            %swap3A_2417 = arith.index_cast %mul3A_2328 : i32 to index
            %swap3A_2418 = tpu.vector_load %arg12[%swap3A_2417] {strides = array<i32>} : memref<256xf32, #tpu.memory_space<vmem>>, vector<16xf32>,
            tpu.vector_store %arg12[%swap3A_2417], %select_n3A_2416 {add = true, strides = array<i32>} : memref<256xf32, #tpu.memory_space<vmem>>, vector<16xf32>,
          } else {
          }
          scf.yield %min3A_2326 : i32
        }
      } else {
      }
      %add3A_2285 = arith.constant 3 : i32
      %add3A_2286 = arith.addi %while3A_2258, %add3A_2285 : i32
      %lt3A_2287 = arith.cmpi slt, %add3A_2286, %select_n3A_2022 : i32
      %convert_element_type3A_2288 = arith.extui %lt3A_2287 : i1 to i32
      %cond3A_2289 = arith.constant 0 : i32
      %cond3A_2290 = arith.cmpi ne, %convert_element_type3A_2288, %cond3A_2289 : i32
      scf.if %cond3A_2290 {
        %add3A_2293 = arith.constant 3 : i32
        %add3A_2294 = arith.addi %while3A_2258, %add3A_2293 : i32
        %mul3A_2295 = arith.constant 40000 : i32
        %mul3A_2296 = arith.muli %add3A_2294, %mul3A_2295 : i32
        %add3A_2297 = arith.addi %mul3A_1961, %mul3A_2296 : i32
        %min3A_2298 = arith.constant 6360000 : i32
        %min3A_2299 = arith.minsi %add3A_2297, %min3A_2298 : i32
        %dma_start3A_2300 = tpu.memref_slice %arg2[%min3A_2299] : memref<6400000xf32, #tpu.memory_space<hbm>> -> memref<40000xf32, #tpu.memory_space<hbm>>
        %dma_start3A_2301 = tpu.memref_slice %arg2[%min3A_2299] : memref<6400000xf32, #tpu.memory_space<hbm>> -> memref<40000xf32, #tpu.memory_space<hbm>>
        tpu.enqueue_dma source(%dma_start3A_2301 : memref<40000xf32, #tpu.memory_space<hbm>>) target(%arg6 : memref<40000xf32, #tpu.memory_space<vmem>>) target_semaphore(%arg15 : memref<!tpu.dma_semaphore, #tpu.memory_space<semaphore_mem>>)
      } else {
      }
      %add3A_2291 = arith.constant 2 : i32
      %add3A_2292 = arith.addi %while3A_2258, %add3A_2291 : i32
      scf.yield %add3A_2292 : i32
    }
    %get3A_2032 = arith.constant 0 : index
    %get3A_2033 = tpu.vector_load %arg12[%get3A_2032] {strides = array<i32>} : memref<256xf32, #tpu.memory_space<vmem>>, vector<16xf32>,
    %reduce_sum3A_2034 = arith.constant true
    %reduce_sum3A_2035 = vector.broadcast %reduce_sum3A_2034 : i1 to vector<16xi1>
    %reduce_sum3A_2036 = tpu.scan <sum>, %get3A_2033 masked %reduce_sum3A_2035 : vector<16xf32>, vector<16xi1> -> vector<16xf32>
    %reduce_sum3A_2037 = vector.extract %reduce_sum3A_2036[15] : f32 from vector<16xf32>
    %eq3A_2038 = arith.constant 0 : i32
    %eq3A_2039 = vector.broadcast %eq3A_2038 : i32 to vector<16xi32>
    %eq3A_2040 = arith.cmpi eq, %iota3A, %eq3A_2039 : vector<16xi32>
    %jit3A_2041 = arith.constant 0.000000e+00 : f32
    %broadcast_in_dim3A_2042 = vector.broadcast %reduce_sum3A_2037 : f32 to vector<16xf32>
    %broadcast_in_dim3A_2043 = vector.broadcast %jit3A_2041 : f32 to vector<16xf32>
    %select_n3A_2044 = arith.select %eq3A_2040, %broadcast_in_dim3A_2042, %broadcast_in_dim3A_2043 : vector<16xi1>, vector<16xf32>
    %add3A_2045 = arith.addf %broadcast_in_dim3A_1, %select_n3A_2044 : vector<16xf32>
    %get3A_2046 = arith.constant 16 : index
    %get3A_2047 = tpu.vector_load %arg12[%get3A_2046] {strides = array<i32>} : memref<256xf32, #tpu.memory_space<vmem>>, vector<16xf32>,
    %reduce_sum3A_2048 = arith.constant true
    %reduce_sum3A_2049 = vector.broadcast %reduce_sum3A_2048 : i1 to vector<16xi1>
    %reduce_sum3A_2050 = tpu.scan <sum>, %get3A_2047 masked %reduce_sum3A_2049 : vector<16xf32>, vector<16xi1> -> vector<16xf32>
    %reduce_sum3A_2051 = vector.extract %reduce_sum3A_2050[15] : f32 from vector<16xf32>
    %eq3A_2052 = arith.constant 1 : i32
    %eq3A_2053 = vector.broadcast %eq3A_2052 : i32 to vector<16xi32>
    %eq3A_2054 = arith.cmpi eq, %iota3A, %eq3A_2053 : vector<16xi32>
    %jit3A_2055 = arith.constant 0.000000e+00 : f32
    %broadcast_in_dim3A_2056 = vector.broadcast %reduce_sum3A_2051 : f32 to vector<16xf32>
    %broadcast_in_dim3A_2057 = vector.broadcast %jit3A_2055 : f32 to vector<16xf32>
    %select_n3A_2058 = arith.select %eq3A_2054, %broadcast_in_dim3A_2056, %broadcast_in_dim3A_2057 : vector<16xi1>, vector<16xf32>
    %add3A_2059 = arith.addf %add3A_2045, %select_n3A_2058 : vector<16xf32>
    %get3A_2060 = arith.constant 32 : index
    %get3A_2061 = tpu.vector_load %arg12[%get3A_2060] {strides = array<i32>} : memref<256xf32, #tpu.memory_space<vmem>>, vector<16xf32>,
    %reduce_sum3A_2062 = arith.constant true
    %reduce_sum3A_2063 = vector.broadcast %reduce_sum3A_2062 : i1 to vector<16xi1>
    %reduce_sum3A_2064 = tpu.scan <sum>, %get3A_2061 masked %reduce_sum3A_2063 : vector<16xf32>, vector<16xi1> -> vector<16xf32>
    %reduce_sum3A_2065 = vector.extract %reduce_sum3A_2064[15] : f32 from vector<16xf32>
    %eq3A_2066 = arith.constant 2 : i32
    %eq3A_2067 = vector.broadcast %eq3A_2066 : i32 to vector<16xi32>
    %eq3A_2068 = arith.cmpi eq, %iota3A, %eq3A_2067 : vector<16xi32>
    %jit3A_2069 = arith.constant 0.000000e+00 : f32
    %broadcast_in_dim3A_2070 = vector.broadcast %reduce_sum3A_2065 : f32 to vector<16xf32>
    %broadcast_in_dim3A_2071 = vector.broadcast %jit3A_2069 : f32 to vector<16xf32>
    %select_n3A_2072 = arith.select %eq3A_2068, %broadcast_in_dim3A_2070, %broadcast_in_dim3A_2071 : vector<16xi1>, vector<16xf32>
    %add3A_2073 = arith.addf %add3A_2059, %select_n3A_2072 : vector<16xf32>
    %get3A_2074 = arith.constant 48 : index
    %get3A_2075 = tpu.vector_load %arg12[%get3A_2074] {strides = array<i32>} : memref<256xf32, #tpu.memory_space<vmem>>, vector<16xf32>,
    %reduce_sum3A_2076 = arith.constant true
    %reduce_sum3A_2077 = vector.broadcast %reduce_sum3A_2076 : i1 to vector<16xi1>
    %reduce_sum3A_2078 = tpu.scan <sum>, %get3A_2075 masked %reduce_sum3A_2077 : vector<16xf32>, vector<16xi1> -> vector<16xf32>
    %reduce_sum3A_2079 = vector.extract %reduce_sum3A_2078[15] : f32 from vector<16xf32>
    %eq3A_2080 = arith.constant 3 : i32
    %eq3A_2081 = vector.broadcast %eq3A_2080 : i32 to vector<16xi32>
    %eq3A_2082 = arith.cmpi eq, %iota3A, %eq3A_2081 : vector<16xi32>
    %jit3A_2083 = arith.constant 0.000000e+00 : f32
    %broadcast_in_dim3A_2084 = vector.broadcast %reduce_sum3A_2079 : f32 to vector<16xf32>
    %broadcast_in_dim3A_2085 = vector.broadcast %jit3A_2083 : f32 to vector<16xf32>
    %select_n3A_2086 = arith.select %eq3A_2082, %broadcast_in_dim3A_2084, %broadcast_in_dim3A_2085 : vector<16xi1>, vector<16xf32>
    %add3A_2087 = arith.addf %add3A_2073, %select_n3A_2086 : vector<16xf32>
    %get3A_2088 = arith.constant 64 : index
    %get3A_2089 = tpu.vector_load %arg12[%get3A_2088] {strides = array<i32>} : memref<256xf32, #tpu.memory_space<vmem>>, vector<16xf32>,
    %reduce_sum3A_2090 = arith.constant true
    %reduce_sum3A_2091 = vector.broadcast %reduce_sum3A_2090 : i1 to vector<16xi1>
    %reduce_sum3A_2092 = tpu.scan <sum>, %get3A_2089 masked %reduce_sum3A_2091 : vector<16xf32>, vector<16xi1> -> vector<16xf32>
    %reduce_sum3A_2093 = vector.extract %reduce_sum3A_2092[15] : f32 from vector<16xf32>
    %eq3A_2094 = arith.constant 4 : i32
    %eq3A_2095 = vector.broadcast %eq3A_2094 : i32 to vector<16xi32>
    %eq3A_2096 = arith.cmpi eq, %iota3A, %eq3A_2095 : vector<16xi32>
    %jit3A_2097 = arith.constant 0.000000e+00 : f32
    %broadcast_in_dim3A_2098 = vector.broadcast %reduce_sum3A_2093 : f32 to vector<16xf32>
    %broadcast_in_dim3A_2099 = vector.broadcast %jit3A_2097 : f32 to vector<16xf32>
    %select_n3A_2100 = arith.select %eq3A_2096, %broadcast_in_dim3A_2098, %broadcast_in_dim3A_2099 : vector<16xi1>, vector<16xf32>
    %add3A_2101 = arith.addf %add3A_2087, %select_n3A_2100 : vector<16xf32>
    %get3A_2102 = arith.constant 80 : index
    %get3A_2103 = tpu.vector_load %arg12[%get3A_2102] {strides = array<i32>} : memref<256xf32, #tpu.memory_space<vmem>>, vector<16xf32>,
    %reduce_sum3A_2104 = arith.constant true
    %reduce_sum3A_2105 = vector.broadcast %reduce_sum3A_2104 : i1 to vector<16xi1>
    %reduce_sum3A_2106 = tpu.scan <sum>, %get3A_2103 masked %reduce_sum3A_2105 : vector<16xf32>, vector<16xi1> -> vector<16xf32>
    %reduce_sum3A_2107 = vector.extract %reduce_sum3A_2106[15] : f32 from vector<16xf32>
    %eq3A_2108 = arith.constant 5 : i32
    %eq3A_2109 = vector.broadcast %eq3A_2108 : i32 to vector<16xi32>
    %eq3A_2110 = arith.cmpi eq, %iota3A, %eq3A_2109 : vector<16xi32>
    %jit3A_2111 = arith.constant 0.000000e+00 : f32
    %broadcast_in_dim3A_2112 = vector.broadcast %reduce_sum3A_2107 : f32 to vector<16xf32>
    %broadcast_in_dim3A_2113 = vector.broadcast %jit3A_2111 : f32 to vector<16xf32>
    %select_n3A_2114 = arith.select %eq3A_2110, %broadcast_in_dim3A_2112, %broadcast_in_dim3A_2113 : vector<16xi1>, vector<16xf32>
    %add3A_2115 = arith.addf %add3A_2101, %select_n3A_2114 : vector<16xf32>
    %get3A_2116 = arith.constant 96 : index
    %get3A_2117 = tpu.vector_load %arg12[%get3A_2116] {strides = array<i32>} : memref<256xf32, #tpu.memory_space<vmem>>, vector<16xf32>,
    %reduce_sum3A_2118 = arith.constant true
    %reduce_sum3A_2119 = vector.broadcast %reduce_sum3A_2118 : i1 to vector<16xi1>
    %reduce_sum3A_2120 = tpu.scan <sum>, %get3A_2117 masked %reduce_sum3A_2119 : vector<16xf32>, vector<16xi1> -> vector<16xf32>
    %reduce_sum3A_2121 = vector.extract %reduce_sum3A_2120[15] : f32 from vector<16xf32>
    %eq3A_2122 = arith.constant 6 : i32
    %eq3A_2123 = vector.broadcast %eq3A_2122 : i32 to vector<16xi32>
    %eq3A_2124 = arith.cmpi eq, %iota3A, %eq3A_2123 : vector<16xi32>
    %jit3A_2125 = arith.constant 0.000000e+00 : f32
    %broadcast_in_dim3A_2126 = vector.broadcast %reduce_sum3A_2121 : f32 to vector<16xf32>
    %broadcast_in_dim3A_2127 = vector.broadcast %jit3A_2125 : f32 to vector<16xf32>
    %select_n3A_2128 = arith.select %eq3A_2124, %broadcast_in_dim3A_2126, %broadcast_in_dim3A_2127 : vector<16xi1>, vector<16xf32>
    %add3A_2129 = arith.addf %add3A_2115, %select_n3A_2128 : vector<16xf32>
    %get3A_2130 = arith.constant 112 : index
    %get3A_2131 = tpu.vector_load %arg12[%get3A_2130] {strides = array<i32>} : memref<256xf32, #tpu.memory_space<vmem>>, vector<16xf32>,
    %reduce_sum3A_2132 = arith.constant true
    %reduce_sum3A_2133 = vector.broadcast %reduce_sum3A_2132 : i1 to vector<16xi1>
    %reduce_sum3A_2134 = tpu.scan <sum>, %get3A_2131 masked %reduce_sum3A_2133 : vector<16xf32>, vector<16xi1> -> vector<16xf32>
    %reduce_sum3A_2135 = vector.extract %reduce_sum3A_2134[15] : f32 from vector<16xf32>
    %eq3A_2136 = arith.constant 7 : i32
    %eq3A_2137 = vector.broadcast %eq3A_2136 : i32 to vector<16xi32>
    %eq3A_2138 = arith.cmpi eq, %iota3A, %eq3A_2137 : vector<16xi32>
    %jit3A_2139 = arith.constant 0.000000e+00 : f32
    %broadcast_in_dim3A_2140 = vector.broadcast %reduce_sum3A_2135 : f32 to vector<16xf32>
    %broadcast_in_dim3A_2141 = vector.broadcast %jit3A_2139 : f32 to vector<16xf32>
    %select_n3A_2142 = arith.select %eq3A_2138, %broadcast_in_dim3A_2140, %broadcast_in_dim3A_2141 : vector<16xi1>, vector<16xf32>
    %add3A_2143 = arith.addf %add3A_2129, %select_n3A_2142 : vector<16xf32>
    %get3A_2144 = arith.constant 128 : index
    %get3A_2145 = tpu.vector_load %arg12[%get3A_2144] {strides = array<i32>} : memref<256xf32, #tpu.memory_space<vmem>>, vector<16xf32>,
    %reduce_sum3A_2146 = arith.constant true
    %reduce_sum3A_2147 = vector.broadcast %reduce_sum3A_2146 : i1 to vector<16xi1>
    %reduce_sum3A_2148 = tpu.scan <sum>, %get3A_2145 masked %reduce_sum3A_2147 : vector<16xf32>, vector<16xi1> -> vector<16xf32>
    %reduce_sum3A_2149 = vector.extract %reduce_sum3A_2148[15] : f32 from vector<16xf32>
    %eq3A_2150 = arith.constant 8 : i32
    %eq3A_2151 = vector.broadcast %eq3A_2150 : i32 to vector<16xi32>
    %eq3A_2152 = arith.cmpi eq, %iota3A, %eq3A_2151 : vector<16xi32>
    %jit3A_2153 = arith.constant 0.000000e+00 : f32
    %broadcast_in_dim3A_2154 = vector.broadcast %reduce_sum3A_2149 : f32 to vector<16xf32>
    %broadcast_in_dim3A_2155 = vector.broadcast %jit3A_2153 : f32 to vector<16xf32>
    %select_n3A_2156 = arith.select %eq3A_2152, %broadcast_in_dim3A_2154, %broadcast_in_dim3A_2155 : vector<16xi1>, vector<16xf32>
    %add3A_2157 = arith.addf %add3A_2143, %select_n3A_2156 : vector<16xf32>
    %get3A_2158 = arith.constant 144 : index
    %get3A_2159 = tpu.vector_load %arg12[%get3A_2158] {strides = array<i32>} : memref<256xf32, #tpu.memory_space<vmem>>, vector<16xf32>,
    %reduce_sum3A_2160 = arith.constant true
    %reduce_sum3A_2161 = vector.broadcast %reduce_sum3A_2160 : i1 to vector<16xi1>
    %reduce_sum3A_2162 = tpu.scan <sum>, %get3A_2159 masked %reduce_sum3A_2161 : vector<16xf32>, vector<16xi1> -> vector<16xf32>
    %reduce_sum3A_2163 = vector.extract %reduce_sum3A_2162[15] : f32 from vector<16xf32>
    %eq3A_2164 = arith.constant 9 : i32
    %eq3A_2165 = vector.broadcast %eq3A_2164 : i32 to vector<16xi32>
    %eq3A_2166 = arith.cmpi eq, %iota3A, %eq3A_2165 : vector<16xi32>
    %jit3A_2167 = arith.constant 0.000000e+00 : f32
    %broadcast_in_dim3A_2168 = vector.broadcast %reduce_sum3A_2163 : f32 to vector<16xf32>
    %broadcast_in_dim3A_2169 = vector.broadcast %jit3A_2167 : f32 to vector<16xf32>
    %select_n3A_2170 = arith.select %eq3A_2166, %broadcast_in_dim3A_2168, %broadcast_in_dim3A_2169 : vector<16xi1>, vector<16xf32>
    %add3A_2171 = arith.addf %add3A_2157, %select_n3A_2170 : vector<16xf32>
    %get3A_2172 = arith.constant 160 : index
    %get3A_2173 = tpu.vector_load %arg12[%get3A_2172] {strides = array<i32>} : memref<256xf32, #tpu.memory_space<vmem>>, vector<16xf32>,
    %reduce_sum3A_2174 = arith.constant true
    %reduce_sum3A_2175 = vector.broadcast %reduce_sum3A_2174 : i1 to vector<16xi1>
    %reduce_sum3A_2176 = tpu.scan <sum>, %get3A_2173 masked %reduce_sum3A_2175 : vector<16xf32>, vector<16xi1> -> vector<16xf32>
    %reduce_sum3A_2177 = vector.extract %reduce_sum3A_2176[15] : f32 from vector<16xf32>
    %eq3A_2178 = arith.constant 10 : i32
    %eq3A_2179 = vector.broadcast %eq3A_2178 : i32 to vector<16xi32>
    %eq3A_2180 = arith.cmpi eq, %iota3A, %eq3A_2179 : vector<16xi32>
    %jit3A_2181 = arith.constant 0.000000e+00 : f32
    %broadcast_in_dim3A_2182 = vector.broadcast %reduce_sum3A_2177 : f32 to vector<16xf32>
    %broadcast_in_dim3A_2183 = vector.broadcast %jit3A_2181 : f32 to vector<16xf32>
    %select_n3A_2184 = arith.select %eq3A_2180, %broadcast_in_dim3A_2182, %broadcast_in_dim3A_2183 : vector<16xi1>, vector<16xf32>
    %add3A_2185 = arith.addf %add3A_2171, %select_n3A_2184 : vector<16xf32>
    %get3A_2186 = arith.constant 176 : index
    %get3A_2187 = tpu.vector_load %arg12[%get3A_2186] {strides = array<i32>} : memref<256xf32, #tpu.memory_space<vmem>>, vector<16xf32>,
    %reduce_sum3A_2188 = arith.constant true
    %reduce_sum3A_2189 = vector.broadcast %reduce_sum3A_2188 : i1 to vector<16xi1>
    %reduce_sum3A_2190 = tpu.scan <sum>, %get3A_2187 masked %reduce_sum3A_2189 : vector<16xf32>, vector<16xi1> -> vector<16xf32>
    %reduce_sum3A_2191 = vector.extract %reduce_sum3A_2190[15] : f32 from vector<16xf32>
    %eq3A_2192 = arith.constant 11 : i32
    %eq3A_2193 = vector.broadcast %eq3A_2192 : i32 to vector<16xi32>
    %eq3A_2194 = arith.cmpi eq, %iota3A, %eq3A_2193 : vector<16xi32>
    %jit3A_2195 = arith.constant 0.000000e+00 : f32
    %broadcast_in_dim3A_2196 = vector.broadcast %reduce_sum3A_2191 : f32 to vector<16xf32>
    %broadcast_in_dim3A_2197 = vector.broadcast %jit3A_2195 : f32 to vector<16xf32>
    %select_n3A_2198 = arith.select %eq3A_2194, %broadcast_in_dim3A_2196, %broadcast_in_dim3A_2197 : vector<16xi1>, vector<16xf32>
    %add3A_2199 = arith.addf %add3A_2185, %select_n3A_2198 : vector<16xf32>
    %get3A_2200 = arith.constant 192 : index
    %get3A_2201 = tpu.vector_load %arg12[%get3A_2200] {strides = array<i32>} : memref<256xf32, #tpu.memory_space<vmem>>, vector<16xf32>,
    %reduce_sum3A_2202 = arith.constant true
    %reduce_sum3A_2203 = vector.broadcast %reduce_sum3A_2202 : i1 to vector<16xi1>
    %reduce_sum3A_2204 = tpu.scan <sum>, %get3A_2201 masked %reduce_sum3A_2203 : vector<16xf32>, vector<16xi1> -> vector<16xf32>
    %reduce_sum3A_2205 = vector.extract %reduce_sum3A_2204[15] : f32 from vector<16xf32>
    %eq3A_2206 = arith.constant 12 : i32
    %eq3A_2207 = vector.broadcast %eq3A_2206 : i32 to vector<16xi32>
    %eq3A_2208 = arith.cmpi eq, %iota3A, %eq3A_2207 : vector<16xi32>
    %jit3A_2209 = arith.constant 0.000000e+00 : f32
    %broadcast_in_dim3A_2210 = vector.broadcast %reduce_sum3A_2205 : f32 to vector<16xf32>
    %broadcast_in_dim3A_2211 = vector.broadcast %jit3A_2209 : f32 to vector<16xf32>
    %select_n3A_2212 = arith.select %eq3A_2208, %broadcast_in_dim3A_2210, %broadcast_in_dim3A_2211 : vector<16xi1>, vector<16xf32>
    %add3A_2213 = arith.addf %add3A_2199, %select_n3A_2212 : vector<16xf32>
    %get3A_2214 = arith.constant 208 : index
    %get3A_2215 = tpu.vector_load %arg12[%get3A_2214] {strides = array<i32>} : memref<256xf32, #tpu.memory_space<vmem>>, vector<16xf32>,
    %reduce_sum3A_2216 = arith.constant true
    %reduce_sum3A_2217 = vector.broadcast %reduce_sum3A_2216 : i1 to vector<16xi1>
    %reduce_sum3A_2218 = tpu.scan <sum>, %get3A_2215 masked %reduce_sum3A_2217 : vector<16xf32>, vector<16xi1> -> vector<16xf32>
    %reduce_sum3A_2219 = vector.extract %reduce_sum3A_2218[15] : f32 from vector<16xf32>
    %eq3A_2220 = arith.constant 13 : i32
    %eq3A_2221 = vector.broadcast %eq3A_2220 : i32 to vector<16xi32>
    %eq3A_2222 = arith.cmpi eq, %iota3A, %eq3A_2221 : vector<16xi32>
    %jit3A_2223 = arith.constant 0.000000e+00 : f32
    %broadcast_in_dim3A_2224 = vector.broadcast %reduce_sum3A_2219 : f32 to vector<16xf32>
    %broadcast_in_dim3A_2225 = vector.broadcast %jit3A_2223 : f32 to vector<16xf32>
    %select_n3A_2226 = arith.select %eq3A_2222, %broadcast_in_dim3A_2224, %broadcast_in_dim3A_2225 : vector<16xi1>, vector<16xf32>
    %add3A_2227 = arith.addf %add3A_2213, %select_n3A_2226 : vector<16xf32>
    %get3A_2228 = arith.constant 224 : index
    %get3A_2229 = tpu.vector_load %arg12[%get3A_2228] {strides = array<i32>} : memref<256xf32, #tpu.memory_space<vmem>>, vector<16xf32>,
    %reduce_sum3A_2230 = arith.constant true
    %reduce_sum3A_2231 = vector.broadcast %reduce_sum3A_2230 : i1 to vector<16xi1>
    %reduce_sum3A_2232 = tpu.scan <sum>, %get3A_2229 masked %reduce_sum3A_2231 : vector<16xf32>, vector<16xi1> -> vector<16xf32>
    %reduce_sum3A_2233 = vector.extract %reduce_sum3A_2232[15] : f32 from vector<16xf32>
    %eq3A_2234 = arith.constant 14 : i32
    %eq3A_2235 = vector.broadcast %eq3A_2234 : i32 to vector<16xi32>
    %eq3A_2236 = arith.cmpi eq, %iota3A, %eq3A_2235 : vector<16xi32>
    %jit3A_2237 = arith.constant 0.000000e+00 : f32
    %broadcast_in_dim3A_2238 = vector.broadcast %reduce_sum3A_2233 : f32 to vector<16xf32>
    %broadcast_in_dim3A_2239 = vector.broadcast %jit3A_2237 : f32 to vector<16xf32>
    %select_n3A_2240 = arith.select %eq3A_2236, %broadcast_in_dim3A_2238, %broadcast_in_dim3A_2239 : vector<16xi1>, vector<16xf32>
    %add3A_2241 = arith.addf %add3A_2227, %select_n3A_2240 : vector<16xf32>
    %get3A_2242 = arith.constant 240 : index
    %get3A_2243 = tpu.vector_load %arg12[%get3A_2242] {strides = array<i32>} : memref<256xf32, #tpu.memory_space<vmem>>, vector<16xf32>,
    %reduce_sum3A_2244 = arith.constant true
    %reduce_sum3A_2245 = vector.broadcast %reduce_sum3A_2244 : i1 to vector<16xi1>
    %reduce_sum3A_2246 = tpu.scan <sum>, %get3A_2243 masked %reduce_sum3A_2245 : vector<16xf32>, vector<16xi1> -> vector<16xf32>
    %reduce_sum3A_2247 = vector.extract %reduce_sum3A_2246[15] : f32 from vector<16xf32>
    %eq3A_2248 = arith.constant 15 : i32
    %eq3A_2249 = vector.broadcast %eq3A_2248 : i32 to vector<16xi32>
    %eq3A_2250 = arith.cmpi eq, %iota3A, %eq3A_2249 : vector<16xi32>
    %jit3A_2251 = arith.constant 0.000000e+00 : f32
    %broadcast_in_dim3A_2252 = vector.broadcast %reduce_sum3A_2247 : f32 to vector<16xf32>
    %broadcast_in_dim3A_2253 = vector.broadcast %jit3A_2251 : f32 to vector<16xf32>
    %select_n3A_2254 = arith.select %eq3A_2250, %broadcast_in_dim3A_2252, %broadcast_in_dim3A_2253 : vector<16xi1>, vector<16xf32>
    %add3A_2255 = arith.addf %add3A_2241, %select_n3A_2254 : vector<16xf32>
    %swap3A_2256 = arith.constant 0 : index
    %swap3A_2257 = tpu.vector_load %arg13[%swap3A_2256] {strides = array<i32>} : memref<16xf32, #tpu.memory_space<vmem>>, vector<16xf32>,
    tpu.vector_store %arg13[%swap3A_2256], %add3A_2255 {strides = array<i32>} : memref<16xf32, #tpu.memory_space<vmem>>, vector<16xf32>,
    "tpu.region"() ({
      %run_scoped3A = tpu.sem_alloc : memref<!tpu.dma_semaphore, #tpu.memory_space<semaphore_mem>>
      %dma_start3A_2258 = arith.constant 0 : i32
      %dma_start3A_2259 = tpu.memref_slice %arg4[%add3A, %dma_start3A_2258] : memref<32x16xf32, #tpu.memory_space<hbm>> -> memref<1x16xf32, #tpu.memory_space<hbm>>
      %dma_start3A_2260 = tpu.memref_squeeze %dma_start3A_2259 : memref<1x16xf32, #tpu.memory_space<hbm>> -> memref<16xf32, #tpu.memory_space<hbm>>
      %dma_start3A_2261 = arith.constant 0 : i32
      %dma_start3A_2262 = tpu.memref_slice %arg4[%add3A, %dma_start3A_2261] : memref<32x16xf32, #tpu.memory_space<hbm>> -> memref<1x16xf32, #tpu.memory_space<hbm>>
      %dma_start3A_2263 = tpu.memref_squeeze %dma_start3A_2262 : memref<1x16xf32, #tpu.memory_space<hbm>> -> memref<16xf32, #tpu.memory_space<hbm>>
      tpu.enqueue_dma source(%arg13 : memref<16xf32, #tpu.memory_space<vmem>>) target(%dma_start3A_2263 : memref<16xf32, #tpu.memory_space<hbm>>) target_semaphore(%run_scoped3A : memref<!tpu.dma_semaphore, #tpu.memory_space<semaphore_mem>>)
      %dma_wait3A_2264 = arith.constant 0 : i32
      %dma_wait3A_2265 = tpu.memref_slice %arg4[%add3A, %dma_wait3A_2264] : memref<32x16xf32, #tpu.memory_space<hbm>> -> memref<1x16xf32, #tpu.memory_space<hbm>>
      %dma_wait3A_2266 = tpu.memref_squeeze %dma_wait3A_2265 : memref<1x16xf32, #tpu.memory_space<hbm>> -> memref<16xf32, #tpu.memory_space<hbm>>
      %dma_wait3A_2267 = arith.constant 0 : i32
      %dma_wait3A_2268 = tpu.memref_slice %arg4[%add3A, %dma_wait3A_2267] : memref<32x16xf32, #tpu.memory_space<hbm>> -> memref<1x16xf32, #tpu.memory_space<hbm>>
      %dma_wait3A_2269 = tpu.memref_squeeze %dma_wait3A_2268 : memref<1x16xf32, #tpu.memory_space<hbm>> -> memref<16xf32, #tpu.memory_space<hbm>>
      tpu.wait_dma2 semaphore(%run_scoped3A : memref<!tpu.dma_semaphore, #tpu.memory_space<semaphore_mem>>) src(%arg13 : memref<16xf32, #tpu.memory_space<vmem>>) dst(%dma_wait3A_2269 : memref<16xf32, #tpu.memory_space<hbm>>)
      tpu.yield
    }) : () -> ()
    return
  }
}

</mosaic_0001>

<sc_bundles>
// kernel: kernel.3.cloned.1.call-start
scs
__scs_entry_jumppad:
0x0: {  	(pc) =	sbr.rel $0x88, $3  }
0x1: {  	(tag) =	ssettag $0x0;
	lr =	simm.s32 $0x1  }
0x2: {  	[smem:$0x3F9F] =	sst lr;
	_ =	strace $0xD0000000  }
0x3: {  	_ = 	snop  }
0x4: {  	_ = 	snop  }
0x5: {  	_ = 	snop  }
0x6: {  	_ = 	snop  }
0x7: {  	_ = 	snop  }
__scs_overlays_trampoline_lowered:
0x8: {  	[smem:$0x3FAE] =	sst s0  }
0x9: {  	[smem:$0x3FAF] =	sst s1  }
0xa: {  	[smem:$0x3FB0] =	sst s2  }
0xb: {  	[smem:$0x3FB1] =	sst s3  }
0xc: {  	[smem:$0x3FB2] =	sst s4  }
0xd: {  	[smem:$0x3FB3] =	sst s5  }
0xe: {  	[smem:$0x3FB4] =	sst s6  }
0xf: {  	[smem:$0x3FB5] =	sst s7  }
0x10: {  	[smem:$0x3FB6] =	sst s8  }
0x11: {  	[smem:$0x3FB7] =	sst s9;
	s0 =	simm.s32 @!p0 $0x0  }
0x12: {  	s1 =	sld [smem:$0x3F9D];
	s0 =	simm.s32 @p0 $0x1  }
0x13: {  	[smem:$0x3FB8] =	sst s0;
	s0 =	simm.s32 @!p1 $0x0  }
0x14: {  	s2 =	sld [smem:$0x3F9C];
	s0 =	simm.s32 @p1 $0x1  }
0x15: {  	[smem:$0x3FB9] =	sst s0;
	s0 =	simm.s32 @!p2 $0x0  }
0x16: {  	s3 =	sld [smem:$0x3FDB];
	s0 =	simm.s32 @p2 $0x1  }
0x17: {  	s4 =	simm.s32 $0x1BF5;
	[smem:$0x3FBB] =	sst s0  }
0x18: {  	s0 =	sld [smem:$0x3F9E];
	_ =	swait.ge [sflag:s4], $0x0  }
0x19: {  	s7 =	sld [smem:$0x3F9F]  }
0x1a: {  	s8 =	sadd.s32 $0xFFFFE003, lr  }
0x1b: {  	s9 =	sadd.s32 $0xFFFFFEF7, lr;
	s5 =	simm.s32 $0xFFFFFFFF;
	p2 =	slt.u32 s8, $0xFFFFF086  }
0x1c: {  	p1 =	slt.u32 s9, $0xF7A;
	s5 =	simm.s32 @!p2 $0x0  }
0x1d: {  	s5 =	simm.s32 @p1 $0x1;
	p0 =	seq.s32 s7, s2  }
0x1e: {  	s7 =	smul.u32 @!p0 $0xF7A, s2;
	p2 =	seq.s32 @!p0 s5, $0x0  }
0x1f: {  	s9 =	smul.u32 $0xF7A, s1;
	s8 =	simm.s32 @!p0 $0x1BF5;
	p2 =	por !p2, p0  }
0x20: {  	[sflag:s8] =	ssyncset.s32 @!p0 $0xFFFFF086;
	s6 =	sadd.s32 @!p0 s3, s7;
	s7 =	simm.s32 @!p0 $0x108  }
0x21: {  	s3 =	sadd.s32 s3, s9;
	s6 =	sadd.s32 @!p0 $0x88, s6;
	s7 =	simm.s32 @p2 $0x1082  }
0x22: {  	[simem:s7], [sflag:s8] =	dma.local @!p0 [hbm:s6], $0xF7A  }
0x23: {  	s9 =	sor.u32 $0xD0000000, s2;
	s6 =	simm.s32 $0x108;
	_ =	swait.ge @!p0 [sflag:s8], $0x0  }
0x24: {  	s3 =	sadd.s32 $0x88, s3;
	s6 =	simm.s32 @!p1 $0x1082;
	[sflag:s4] =	ssyncset.s32 $0xFFFFF086  }
0x25: {  	[simem:s6], [sflag:s4] =	dma.local [hbm:s3], $0xF7A  }
0x26: {  	[smem:$0x3F9F] =	sst s1;
	(tag) =	ssettag s2;
	_ =	strace s9  }
0x27: {  	s1 =	sld [smem:$0x3FAF]  }
0x28: {  	s2 =	sld [smem:$0x3FB0]  }
0x29: {  	s4 =	sld [smem:$0x3FB2]  }
0x2a: {  	p0 =	seq.s32 s5, $0x0;
	s5 =	sld [smem:$0x3FB3]  }
0x2b: {  	s6 =	sld [smem:$0x3FB4]  }
0x2c: {  	s7 =	sld [smem:$0x3FB5]  }
0x2d: {  	s3 =	simm.s32 $0x108;
	s8 =	sld [smem:$0x3FB6]  }
0x2e: {  	s3 =	simm.s32 @!p0 $0x1082;
	s9 =	sld [smem:$0x3FB7]  }
0x2f: {  	lr =	sadd.s32 s0, s3;
	s0 =	sld [smem:$0x3FAE]  }
0x30: {  	s3 =	sld [smem:$0x3FB1]  }
0x31: {  	[smem:$0x3FBA] =	sst s10  }
0x32: {  	s10 =	sld [smem:$0x3FB8];
	_ =	sdelay $0x3  }
0x33: {  	p0 =	seq.s32 s10, $0x1;
	s10 =	sld [smem:$0x3FBA];
	_ =	sdelay $0x3  }
0x34: {  	[smem:$0x3FBA] =	sst s10  }
0x35: {  	s10 =	sld [smem:$0x3FB9];
	_ =	sdelay $0x3  }
0x36: {  	p1 =	seq.s32 s10, $0x1;
	s10 =	sld [smem:$0x3FBA];
	_ =	sdelay $0x3  }
0x37: {  	[smem:$0x3FBA] =	sst s10  }
0x38: {  	s10 =	sld [smem:$0x3FBB]  }
0x39: {  	_ = 	snop;
	(pc) =	sbr.ind lr, $3  }
0x3a: {  	_ = 	snop  }
0x3b: {  	_ = 	snop  }
0x3c: {  	p2 =	seq.s32 s10, $0x1;
	s10 =	sld [smem:$0x3FBA]  }
0x3d: {  	_ =	shalt  }
0x3e: {  	_ =	shalt  }
0x3f: {  	_ =	shalt  }
0x40: {  	_ =	shalt  }
0x41: {  	_ =	shalt  }
0x42: {  	_ =	shalt  }
0x43: {  	_ =	shalt  }
0x44: {  	_ =	shalt  }
0x45: {  	_ =	shalt  }
0x46: {  	_ =	shalt  }
0x47: {  	_ =	shalt  }
0x48: {  	_ =	shalt  }
0x49: {  	_ =	shalt  }
0x4a: {  	_ =	shalt  }
0x4b: {  	_ =	shalt  }
0x4c: {  	_ =	shalt  }
0x4d: {  	_ =	shalt  }
0x4e: {  	_ =	shalt  }
0x4f: {  	_ =	shalt  }
0x50: {  	_ =	shalt  }
0x51: {  	_ =	shalt  }
0x52: {  	_ =	shalt  }
0x53: {  	_ =	shalt  }
0x54: {  	_ =	shalt  }
0x55: {  	_ =	shalt  }
0x56: {  	_ =	shalt  }
0x57: {  	_ =	shalt  }
0x58: {  	_ =	shalt  }
0x59: {  	_ =	shalt  }
0x5a: {  	_ =	shalt  }
0x5b: {  	_ =	shalt  }
0x5c: {  	_ =	shalt  }
0x5d: {  	_ =	shalt  }
0x5e: {  	_ =	shalt  }
0x5f: {  	_ =	shalt  }
0x60: {  	_ =	shalt  }
0x61: {  	_ =	shalt  }
0x62: {  	_ =	shalt  }
0x63: {  	_ =	shalt  }
0x64: {  	_ =	shalt  }
0x65: {  	_ =	shalt  }
0x66: {  	_ =	shalt  }
0x67: {  	_ =	shalt  }
0x68: {  	_ =	shalt  }
0x69: {  	_ =	shalt  }
0x6a: {  	_ =	shalt  }
0x6b: {  	_ =	shalt  }
0x6c: {  	_ =	shalt  }
0x6d: {  	_ =	shalt  }
0x6e: {  	_ =	shalt  }
0x6f: {  	_ =	shalt  }
0x70: {  	_ =	shalt  }
0x71: {  	_ =	shalt  }
0x72: {  	_ =	shalt  }
0x73: {  	_ =	shalt  }
0x74: {  	_ =	shalt  }
0x75: {  	_ =	shalt  }
0x76: {  	_ =	shalt  }
0x77: {  	_ =	shalt  }
0x78: {  	_ =	shalt  }
0x79: {  	_ =	shalt  }
0x7a: {  	_ =	shalt  }
0x7b: {  	_ =	shalt  }
0x7c: {  	_ =	shalt  }
0x7d: {  	_ =	shalt  }
0x7e: {  	_ =	shalt  }
0x7f: {  	_ =	shalt  }
0x80: {  	_ =	shalt  }
0x81: {  	_ =	shalt  }
0x82: {  	_ =	shalt  }
0x83: {  	_ =	shalt  }
0x84: {  	_ =	shalt  }
0x85: {  	_ =	shalt  }
0x86: {  	_ =	shalt  }
0x87: {  	_ =	shalt  }
.Lfunc_end0:
.L_simem_size_0:
called_computation_lowered:
.L_overlay_start_0:
0x88: {  	s2 =	sld [smem:$0x3FD9]  }
0x89: {  	s3 =	sld [smem:$0x3FFE];
	_ =	sdelay $0x1  }
0x8a: {  	s1 =	srdreg.scid  }
0x8b: {  	s0 =	sand.u32 $0x1, s1  }
0x8c: {  	s17 =	sshll.u32 s0, $0xA;
	s2 =	sadd.s32 s3, s2  }
0x8d: {  	s2 =	sadd.s32 s2, s17  }
0x8e: {  	[smem:$0x3FC6] =	sst s2  }
0x8f: {  	_ = 	snop  }
0x90: {  	s2 =	sld [smem:$0x3FC9]  }
0x91: {  	s18 =	sld [smem:$0x3FC8];
	(tm) =	ssettm $0x1  }
0x92: {  	s4 =	sld [smem:$0x3FFB];
	_ =	sdelay $0x3  }
0x93: {  	_ =	strace s4  }
0x94: {  	s4 =	sld [smem:$0x3FFC];
	_ =	sdelay $0x3  }
0x95: {  	_ =	strace s4  }
0x96: {  	s4 =	sld [smem:$0x3FFD];
	_ =	sdelay $0x3  }
0x97: {  	_ =	strace s4  }
0x98: {  	_ =	strace $0x8FFFFFFF  }
0x99: {  	s19 =	sld [smem:$0x3FDB];
	_ =	sdelay $0x1  }
0x9a: {  	s5 =	simm.s32 $_scs_section_size  }
0x9b: {  	s6 =	simm.s32 $_size__tile_overlayer_lowered;
	s7 =	simm.s32 $_tile_overlayer_lowered  }
0x9c: {  	s22 =	simm.s32 $0x1BFF;
	s21 =	sshll.u32 s7, $0x1;
	s4 =	sadd.s32 s5, s19  }
0x9d: {  	s8 =	simm.s32 $0x0;
	s20 =	sshll.u32 s6, $0x1;
	s6 =	sadd.s32 s21, s4  }
0x9e: {  	[timem:s8], [sflag:s22] =	dma.local [hbm:s6], s20  }
0x9f: {  	_ =	swait.ge [sflag:s22], s20  }
0xa0: {  	s5 =	ssub.s32 $0x0, s20;
	[sflag:s22] =	ssyncset.done $0x0  }
0xa1: {  	[sflag:s22] =	ssyncadd.s32 s5;
	_ =	sdelay $0x1  }
0xa2: {  	s23 =	simm.s32 $0x1B8B  }
0xa3: {  	_ =	swait.ge [sflag:s23], $0x1  }
0xa4: {  	[sflag:s23] =	ssyncset.done $0x0  }
0xa5: {  	s25 =	simm.s32 $0x1B8E;
	s24 =	sld [smem:$0x3FFE];
	[sflag:s23] =	ssyncadd.s32 $0xFFFFFFFF  }
0xa6: {  	s26 =	simm.s32 $execute0_lowered;
	[smem:$0x3FD2] =	sst s25  }
0xa7: {  	s6 =	sshll.u32 s26, $0x1;
	_ =	strace $0x80000046;
	[dreg:$0x1] =	wrdreg $0xFFFFFFFF  }
0xa8: {  	s28 =	simm.s32 $_size_execute0_lowered;
	s4 =	sadd.s32 s4, s6;
	[dreg:$0x0] =	wrdreg $0x0  }
0xa9: {  	s6 =	sshll.u32 s28, $0x1;
	[dreg:$0x2] =	wrdreg s4  }
0xaa: {  	[dreg:$0x3] =	wrdreg s6  }
0xab: {  	[dreg:$0x4] =	wrdreg $0xC0  }
0xac: {  	_ =	task [dreg:s8], $0x5FFFF  }
0xad: {  	[dreg:$0x1] =	wrdreg $0xFFFFFFFF  }
0xae: {  	[dreg:$0x0] =	wrdreg $0x60  }
0xaf: {  	[dreg:$0x2] =	wrdreg s2  }
0xb0: {  	[dreg:$0x3] =	wrdreg s18  }
0xb1: {  	[dreg:$0x4] =	wrdreg s24  }
0xb2: {  	[dreg:$0x5] =	wrdreg $0x9  }
0xb3: {  	_ =	task.clear_ibuf [dreg:s8], $0x6FFFF;
	_ =	strace $0x90000046  }
0xb4: {  	s29 =	simm.s32 $0x9;
	_ =	strace $0x80000048  }
0xb5: {  	_ =	swait.ge [sflag:s29], $0x1  }
0xb6: {  	[sflag:s29] =	ssyncadd.s32 $0xFFFFFFFF  }
0xb7: {  	_ =	strace $0x90000048  }
0xb8: {  	_ =	sfence  }
0xb9: {  	s30 =	sld [smem:$0x0];
	_ =	sdelay $0x2  }
0xba: {  	s31 =	sshll.u32 s1, $0xD;
	s1 =	sshrl.u32 s1, $0x2  }
0xbb: {  	s3 =	sand.u32 $0x4000, s31;
	s1 =	sadd.s32 s1, s30  }
0xbc: {  	s0 =	sor.u32 s3, s0;
	s1 =	sshll.u32 s1, $0x11  }
0xbd: {  	s0 =	sor.u32 s1, s0  }
0xbe: {  	s0 =	sadd.s32 $0x8F2B, s0  }
0xbf: {  	[sflag:s0] =	ssyncadd.remote.s32 $0x1  }
0xc0: {  	_ =	sfence.sel $0xFFFF  }
0xc1: {  	[dreg:$0x0] =	wrdreg $0xFFFFFFFF;
	(pc) =	sbr.abs _section_cstart, $3  }
0xc2: {  	[dreg:$0x1] =	wrdreg $0xFFFFFFFF  }
0xc3: {  	_ =	task.clear_ibuf [dreg:s8], $0x2FFFF;
	_ =	strace $0x9FFFFFFF  }
0xc4: {  	(tm) =	ssettm $0x7FFFFFFF  }
0xc5: {  	_ =	shalt  }
tec
execute0_lowered:
.L_overlay_start_1:
0x0: {  	(tag) =	ssettag $0x1  }
0x1: {  	s1 =	rddreg [dreg:$0x0]  }
0x2: {  	s3 =	rddreg [dreg:$0x1];
	s2 =	srdreg.scid  }
0x3: {  	s0 =	rddreg [dreg:$0x2];
	s4 =	stileid.u32;
	s2 =	sand.u32 $0x1, s2  }
0x4: {  	s23 =	simm.s32 $0x0;
	s4 =	sshll.u32 s4, $0x5;
	s5 =	sshll.u32 s2, $0x4  }
0x5: {  	s7 =	simm.s32 $0x80;
	s9 =	simm.s32 $0x13E00;
	v0 =	vlaneseq.u32;
	v21 =	vimm.s32 $0x0;
	vm0 =	vmmov $0x7fff;
	s4 =	sor.u32 s5, s4  }
0x6: {  	s29 =	simm.s32 $0x3;
	vm7 =	vcmask $0x1714;
	vm8 =	vcmask $0x1B18;
	[smem:$0x7FF] =	sst s23;
	s6 =	sor.u32 $0x1, s4;
	v1 =	vmov s4  }
0x7: {  	vm9 =	vcmask $0x1F1C;
	vm10 =	vcmask $0x2320;
	s2 =	ssub.s32 $0x2, s2;
	_ =	strace $0x80000047;
	s8 =	sor.u32 $0x2, s4;
	[tilespmem:$0x1FF70] =	vst v1;
	v1 =	vmov s6  }
0x8: {  	vm11 =	vcmask $0x2724;
	vm12 =	vcmask $0x2B28;
	s26 =	sshrl.u32 s2, $0x1;
	s0 =	sadd.s32 s4, s0;
	s10 =	sor.u32 $0x3, s4;
	[tilespmem:$0x1FF80] =	vst v1;
	v1 =	vmov s8  }
0x9: {  	vm13 =	vcmask $0x2F2C;
	vm14 =	vcmask $0x3330;
	s2 =	ssub.s32 s2, s26;
	s28 =	sadd.s32 $0x10, s4;
	s11 =	sor.u32 $0x4, s4;
	[tilespmem:$0x1FF90] =	vst v1;
	v1 =	vmov s10  }
0xa: {  	vm15 =	vcmask $0x3734;
	vm1 =	vcmask $0x3B38;
	s12 =	sor.u32 $0x5, s4;
	s13 =	sor.u32 $0x6, s4;
	s14 =	sor.u32 $0x7, s4;
	[tilespmem:$0x1FFA0] =	vst v1;
	v1 =	vmov s11  }
.Ltmp0:
0xb: {  	v20 =	vmul.u32 $0x1388, v0;
	s15 =	sor.u32 $0x8, s4;
	s16 =	sor.u32 $0x9, s4;
	v2 =	vor.u32 s4, v0;
	[tilespmem:$0x1FFB0] =	vst v1;
	v1 =	vmov s12;
	(pc) =	sbr.rel .LBB2_1-.Ltmp0, $4  }
0xc: {  	s17 =	sor.u32 $0xA, s4;
	s18 =	sor.u32 $0xB, s4;
	s19 =	sor.u32 $0xC, s4;
	v3 =	vmov s28;
	v11 =	vmov s15;
	[tilespmem:$0x1FFC0] =	vst v1;
	v1 =	vmov s13  }
0xd: {  	s20 =	sor.u32 $0xD, s4;
	s21 =	sor.u32 $0xE, s4;
	s0 =	sadd.s32 $0x400, s0;
	v12 =	vmov s16;
	v13 =	vmov s17;
	[tilespmem:$0x1FFD0] =	vst v1;
	v1 =	vmov s14  }
0xe: {  	s22 =	sor.u32 $0xF, s4;
	s30 =	smax.u32 s2, $0x1;
	v14 =	vmov s18;
	v15 =	vmov s19;
	[dreg:$0x4] =	wrdreg s0;
	[tilespmem:$0x1FFE0] =	vst v1;
	v1 =	vadd.s32 $0x1, v0  }
0xf: {  	s31 =	simm.s32 $0x0;
	s26 =	simm.s32 $0x1;
	v16 =	vmov s20;
	v17 =	vmov s21;
	v18 =	vmov s22;
	[dreg:$0x5] =	wrdreg s30;
	[tilespmem:$0x1FFF0] =	vst v1  }
.LBB2_34:
0x10: {  	v1 =	vld [tilespmem:$0x15B80];
	_ =	sdelay $0x1  }
0x11: {  	v4 =	vld [tilespmem:$0x15B90];
	_ =	sdelay $0x2  }
0x12: {  	v5 =	vld [tilespmem:$0x15BA0];
	(xrf2) =	vadd.scan.msk.f32 $0xffff, v1;
	_ =	sdelay $0x1  }
0x13: {  	(xrf2) =	vadd.scan.msk.f32 $0xffff, v4  }
0x14: {  	v1 =	vld [tilespmem:$0x15BB0];
	_ =	sdelay $0x1  }
0x15: {  	v4 =	vld [tilespmem:$0x15BC0];
	(xrf2) =	vadd.scan.msk.f32 $0xffff, v5  }
0x16: {  	v5 =	vld [tilespmem:$0x15BD0];
	_ =	sdelay $0x1  }
0x17: {  	(xrf2) =	vadd.scan.msk.f32 $0xffff, v1;
	v1 =	vld [tilespmem:$0x15BE0];
	_ =	sdelay $0x1  }
0x18: {  	(xrf2) =	vadd.scan.msk.f32 $0xffff, v4;
	v4 =	vld [tilespmem:$0x15BF0];
	v6, _, _ =	vpop (xrf2)  }
0x19: {  	(xrf2) =	vadd.scan.msk.f32 $0xffff, v5;
	v5 =	vbroadcast v6, $0xF  }
0x1a: {  	vm2 =	vmmov $0x1;
	v7, _, _ =	vpop (xrf2)  }
0x1b: {  	(xrf2) =	vadd.scan.msk.f32 $0xffff, v1;
	v1 =	vnsel vm2, $0x0, v5;
	v5 =	vbroadcast v7, $0xF  }
0x1c: {  	vm2 =	vcmask $0x704  }
0x1d: {  	v8, _, _ =	vpop (xrf2);
	(xrf2) =	vadd.scan.msk.f32 $0xffff, v4;
	v4 =	vnsel vm2, $0x0, v5  }
0x1e: {  	v1 =	vadd.f32 $0.0e+00, v1;
	_ =	sdelay $0x1  }
0x1f: {  	v5 =	vbroadcast v8, $0xF;
	v1 =	vadd.f32 v4, v1;
	v4, _, _ =	vpop (xrf2)  }
0x20: {  	vm2 =	vcmask $0xB08;
	v4 =	vbroadcast v4, $0xF  }
0x21: {  	v54 =	vld [tilespmem:$0x15C00];
	v5 =	vnsel vm2, $0x0, v5;
	vm2 =	vcmask $0xF0C  }
0x22: {  	v55 =	vld [tilespmem:$0x15C10];
	v4 =	vnsel vm2, $0x0, v4  }
0x23: {  	v1 =	vadd.f32 v5, v1  }
0x24: {  	v5, _, _ =	vpop (xrf2)  }
0x25: {  	v5 =	vbroadcast v5, $0xF;
	v1 =	vadd.f32 v4, v1;
	v4, _, _ =	vpop (xrf2)  }
0x26: {  	v8 =	vld [tilespmem:$0x15C20];
	(xrf2) =	vadd.scan.msk.f32 $0xffff, v54;
	vm2 =	vcmask $0x1310;
	v4 =	vbroadcast v4, $0xF  }
0x27: {  	(xrf2) =	vadd.scan.msk.f32 $0xffff, v55;
	v5 =	vnsel vm2, $0x0, v5  }
0x28: {  	v56 =	vld [tilespmem:$0x15C30];
	v4 =	vnsel vm7, $0x0, v4  }
0x29: {  	v57 =	vld [tilespmem:$0x15C40];
	v1 =	vadd.f32 v5, v1  }
0x2a: {  	v5, _, _ =	vpop (xrf2)  }
0x2b: {  	(xrf2) =	vadd.scan.msk.f32 $0xffff, v8;
	v8 =	vld [tilespmem:$0x15C50];
	v5 =	vbroadcast v5, $0xF;
	v1 =	vadd.f32 v4, v1;
	v4, _, _ =	vpop (xrf2)  }
0x2c: {  	v4 =	vbroadcast v4, $0xF  }
0x2d: {  	v58 =	vld [tilespmem:$0x15C60];
	(xrf2) =	vadd.scan.msk.f32 $0xffff, v56;
	v5 =	vnsel vm8, $0x0, v5  }
0x2e: {  	(xrf2) =	vadd.scan.msk.f32 $0xffff, v57;
	v4 =	vnsel vm9, $0x0, v4  }
0x2f: {  	v1 =	vadd.f32 v5, v1  }
0x30: {  	v5, _, _ =	vpop (xrf2);
	(xrf2) =	vadd.scan.msk.f32 $0xffff, v8  }
0x31: {  	v1 =	vadd.f32 v4, v1;
	v4, _, _ =	vpop (xrf2)  }
0x32: {  	v5 =	vbroadcast v5, $0xF;
	(xrf2) =	vadd.scan.msk.f32 $0xffff, v58;
	v4 =	vbroadcast v4, $0xF  }
0x33: {  	v59 =	vld [tilespmem:$0x15C70]  }
0x34: {  	v5 =	vnsel vm10, $0x0, v5;
	v4 =	vnsel vm11, $0x0, v4  }
0x35: {  	v1 =	vadd.f32 v5, v1;
	v60, _, _ =	vpop (xrf2)  }
0x36: {  	v5 =	vbroadcast v60, $0xF  }
0x37: {  	v1 =	vadd.f32 v4, v1;
	v4, _, _ =	vpop (xrf2)  }
0x38: {  	(xrf2) =	vadd.scan.msk.f32 $0xffff, v59;
	v5 =	vnsel vm12, $0x0, v5;
	v4 =	vbroadcast v4, $0xF;
	v61, _, _ =	vpop (xrf2)  }
0x39: {  	v1 =	vadd.f32 v5, v1;
	v5 =	vbroadcast v61, $0xF  }
0x3a: {  	v62, _, _ =	vpop (xrf2);
	v4 =	vnsel vm13, $0x0, v4  }
0x3b: {  	v1 =	vadd.f32 v4, v1;
	v4 =	vnsel vm14, $0x0, v5;
	v5 =	vbroadcast v62, $0xF  }
0x3c: {  	v63, _, _ =	vpop (xrf2)  }
0x3d: {  	v1 =	vadd.f32 v4, v1;
	v4 =	vnsel vm15, $0x0, v5;
	v5 =	vbroadcast v63, $0xF;
	_ =	sdelay $0x1  }
0x3e: {  	v1 =	vadd.f32 v4, v1;
	v4 =	vnsel vm1, $0x0, v5;
	_ =	sdelay $0x2  }
0x3f: {  	v1 =	vadd.f32 v4, v1;
	v4, _, _ =	vpop (xrf2)  }
0x40: {  	v4 =	vsel vm0, $0x0, v4  }
0x41: {  	v1 =	vadd.f32 v1, v4  }
0x42: {  	s23 =	simm.s32 $0x0  }
0x43: {  	s0 =	rddreg [dreg:$0x4];
	s2 =	simm.s32 $0x15C80;
	s28 =	simm.s32 $0x4;
	[tilespmem:$0x15C80] =	vst v1  }
0x44: {  	[hbm4b:s0+s23] =	stream.linear.scatter [tilespmem:s2], [sflag:$0x4], $0x80, $0x38;
	[tilespmem:$0x15D00] =	vst v63  }
0x45: {  	_ =	swait.ge [sflag:s28], $0x80  }
0x46: {  	s31 =	sadd.s32 $0x1, s31;
	s30 =	rddreg [dreg:$0x5]  }
0x47: {  	p0 =	sne.s32 s31, s30  }
.Ltmp1:
0x48: {  	_ = 	snop;
	(pc) =	sbr.rel @!p0 .LBB2_35-.Ltmp1, $3  }
0x49: {  	_ =	sdelay $0x1  }
0x4a: {  	[sflag:s28] =	ssyncset.done $0x0  }
0x4b: {  	[sflag:s28] =	ssyncadd.s32 $0xFFFFFF80  }
.LBB2_1:
0x4c: {  	v4 =	vimm.f32 $0.0e+00  }
0x4d: {  	[tilespmem:$0x15B80] =	vst v4  }
0x4e: {  	[tilespmem:$0x15B90] =	vst v4  }
0x4f: {  	[tilespmem:$0x15BA0] =	vst v4  }
0x50: {  	[tilespmem:$0x15BB0] =	vst v4  }
0x51: {  	[tilespmem:$0x15BC0] =	vst v4  }
0x52: {  	[tilespmem:$0x15BD0] =	vst v4  }
0x53: {  	[tilespmem:$0x15BE0] =	vst v4  }
0x54: {  	[tilespmem:$0x15BF0] =	vst v4  }
0x55: {  	[tilespmem:$0x15C00] =	vst v4  }
0x56: {  	[tilespmem:$0x15C10] =	vst v4  }
0x57: {  	v1 =	vmov s23;
	[tilespmem:$0x15C20] =	vst v4  }
0x58: {  	[tilespmem:$0x15C30] =	vst v4;
	v1 =	vmul.u32 $0x1388, v1  }
0x59: {  	[tilespmem:$0x15C40] =	vst v4  }
0x5a: {  	[tilespmem:$0x15C50] =	vst v4;
	v1 =	vbroadcast v1, $0x0  }
0x5b: {  	[tilespmem:$0x15C60] =	vst v4  }
0x5c: {  	s0 =	simm.s32 $0x10;
	s2 =	simm.s32 $0x13900;
	[tilespmem:$0x15C70] =	vst v4;
	v1 =	vadd.s32 v20, v1  }
.LBB2_2:
0x5d: {  	v4 =	vmov s0;
	p0 =	sne.s32 s0, $0x4F0;
	s0 =	sadd.s32 $0x10, s0;
	[tilespmem:s2+$0x0] =	vst v1  }
.Ltmp2:
0x5e: {  	v1 =	vmul.u32 $0x1388, v4;
	(pc) =	sbr.rel @p0 .LBB2_2-.Ltmp2, $3  }
0x5f: {  	_ = 	snop  }
0x60: {  	v1 =	vbroadcast v1, $0x0;
	_ =	sdelay $0x1  }
0x61: {  	s2 =	sadd.s32 $0x10, s2;
	v1 =	vadd.s32 v20, v1  }
0x62: {  	[tilespmem:s2+$0x0] =	vst v1;
	s0 =	simm.s32 $0x13900  }
0x63: {  	[tilespmem:s9], [sflag:$0x3] =	stream.indirect.gather [hbm4b:s3+s7], $0x1, s0, s7, $0xb8;
	[tilespmem:$0x15D00] =	vst v63  }
0x64: {  	s10 =	simm.s32 $0x13980;
	s11 =	simm.s32 $0x13E80  }
0x65: {  	[tilespmem:s11], [sflag:$0x3] =	stream.indirect.gather [hbm4b:s3+s7], $0x1, s10, s7, $0xb8;
	[tilespmem:$0x15D00] =	vst v63  }
0x66: {  	s12 =	simm.s32 $0x13A00;
	s13 =	simm.s32 $0x13F00  }
0x67: {  	[tilespmem:s13], [sflag:$0x3] =	stream.indirect.gather [hbm4b:s3+s7], $0x1, s12, s7, $0xb8;
	[tilespmem:$0x15D00] =	vst v63  }
0x68: {  	s14 =	simm.s32 $0x13A80;
	s15 =	simm.s32 $0x13F80  }
0x69: {  	[tilespmem:s15], [sflag:$0x3] =	stream.indirect.gather [hbm4b:s3+s7], $0x1, s14, s7, $0xb8;
	[tilespmem:$0x15D00] =	vst v63  }
0x6a: {  	s16 =	simm.s32 $0x13B00;
	s17 =	simm.s32 $0x14000  }
0x6b: {  	[tilespmem:s17], [sflag:$0x3] =	stream.indirect.gather [hbm4b:s3+s7], $0x1, s16, s7, $0xb8;
	[tilespmem:$0x15D00] =	vst v63  }
0x6c: {  	s18 =	simm.s32 $0x13B80;
	s19 =	simm.s32 $0x14080  }
0x6d: {  	[tilespmem:s19], [sflag:$0x3] =	stream.indirect.gather [hbm4b:s3+s7], $0x1, s18, s7, $0xb8;
	[tilespmem:$0x15D00] =	vst v63  }
0x6e: {  	s20 =	simm.s32 $0x13C00;
	s21 =	simm.s32 $0x14100  }
0x6f: {  	[tilespmem:s21], [sflag:$0x3] =	stream.indirect.gather [hbm4b:s3+s7], $0x1, s20, s7, $0xb8;
	[tilespmem:$0x15D00] =	vst v63  }
0x70: {  	s22 =	simm.s32 $0x13C80;
	s23 =	simm.s32 $0x14180  }
0x71: {  	[tilespmem:s23], [sflag:$0x3] =	stream.indirect.gather [hbm4b:s3+s7], $0x1, s22, s7, $0xb8;
	[tilespmem:$0x15D00] =	vst v63  }
0x72: {  	s24 =	simm.s32 $0x13D00;
	s25 =	simm.s32 $0x14200  }
0x73: {  	[tilespmem:s25], [sflag:$0x3] =	stream.indirect.gather [hbm4b:s3+s7], $0x1, s24, s7, $0xb8;
	[tilespmem:$0x15D00] =	vst v63  }
0x74: {  	s28 =	simm.s32 $0x13D80;
	s30 =	simm.s32 $0x14280  }
0x75: {  	[tilespmem:s30], [sflag:$0x3] =	stream.indirect.gather [hbm4b:s3+s7], $0x1, s28, s7, $0xb8;
	[tilespmem:$0x15D00] =	vst v63  }
0x76: {  	_ =	swait.ge [sflag:s29], $0x80  }
0x77: {  	[sflag:s29] =	ssyncset.done $0x0  }
0x78: {  	[sflag:s29] =	ssyncadd.s32 $0xFFFFFF80  }
0x79: {  	_ =	swait.ge [sflag:s29], $0x80  }
0x7a: {  	[sflag:s29] =	ssyncset.done $0x0  }
0x7b: {  	[sflag:s29] =	ssyncadd.s32 $0xFFFFFF80  }
0x7c: {  	_ =	swait.ge [sflag:s29], $0x80  }
0x7d: {  	[sflag:s29] =	ssyncset.done $0x0  }
0x7e: {  	[sflag:s29] =	ssyncadd.s32 $0xFFFFFF80  }
0x7f: {  	_ =	swait.ge [sflag:s29], $0x80  }
0x80: {  	[sflag:s29] =	ssyncset.done $0x0  }
0x81: {  	[sflag:s29] =	ssyncadd.s32 $0xFFFFFF80  }
0x82: {  	_ =	swait.ge [sflag:s29], $0x80  }
0x83: {  	[sflag:s29] =	ssyncset.done $0x0  }
0x84: {  	[sflag:s29] =	ssyncadd.s32 $0xFFFFFF80  }
0x85: {  	_ =	swait.ge [sflag:s29], $0x80  }
0x86: {  	[sflag:s29] =	ssyncset.done $0x0  }
0x87: {  	v19 =	vimm.s32 $0x0;
	v22 =	vimm.s32 $0x500;
	[sflag:s29] =	ssyncadd.s32 $0xFFFFFF80  }
0x88: {  	v1 =	vadd.s32 v19, v22;
	_ =	swait.ge [sflag:s29], $0x80  }
0x89: {  	v4 =	vand.u32 $0x1, v1;
	[sflag:s29] =	ssyncset.done $0x0  }
0x8a: {  	v5 =	vshrl.u32 v1, $0x1F;
	vm2 =	vlt.s32 v1, $0x1;
	vm3 =	veq.s32 v4, $0x1;
	[sflag:s29] =	ssyncadd.s32 $0xFFFFFF80  }
0x8b: {  	v1 =	vadd.s32 v5, v1;
	vm2 =	vmand vm2, vm3;
	_ =	swait.ge [sflag:s29], $0x80  }
0x8c: {  	v1 =	vshra.s32 v1, $0x1;
	v4 =	vsel vm2, $0xFFFFFFFF, v21;
	[sflag:s29] =	ssyncset.done $0x0  }
0x8d: {  	v25 =	vadd.s32 v4, v1;
	[sflag:s29] =	ssyncadd.s32 $0xFFFFFF80  }
0x8e: {  	vm2 =	vlt.s32 v25, $0x4FF;
	_ =	swait.ge [sflag:s29], $0x80  }
0x8f: {  	v4 =	vnsel vm2, $0x4FF, v25;
	[sflag:s29] =	ssyncset.done $0x0  }
0x90: {  	[sflag:s29] =	ssyncadd.s32 $0xFFFFFF80  }
0x91: {  	_ =	swait.ge [sflag:s29], $0x80  }
0x92: {  	[sflag:s29] =	ssyncset.done $0x0  }
0x93: {  	[sflag:s29] =	ssyncadd.s32 $0xFFFFFF80  }
0x94: {  	v5 =	vld.idx.msk [tilespmem:v4+s9+$0x0], $0xffff;
	_ =	sdelay $0x3  }
0x95: {  	v23 =	vimm.s32 $0x0;
	v24 =	vimm.s32 $0x500;
	s0 =	simm.s32 $0xA;
	v6 =	vadd.s32 $0x1, v25;
	v1 =	vmovc v25  }
.LBB2_4:
0x96: {  	p0 =	sne.s32 s0, $0x1;
	s0 =	sadd.s32 $0xFFFFFFFF, s0;
	vm2 =	vlt.s32 v5, v2;
	v4 =	vld.idx.msk [tilespmem:v4+s9+$0x0], $0xffff  }
0x97: {  	v19 =	vsel vm2, v6, v19;
	v22 =	vsel vm2, v22, v25  }
0x98: {  	v5 =	vadd.s32 v19, v22  }
0x99: {  	v6 =	vshrl.u32 v5, $0x1F;
	v7 =	vand.u32 $0x1, v5  }
0x9a: {  	vm2 =	vlt.s32 v5, $0x1;
	vm3 =	veq.s32 v7, $0x1  }
0x9b: {  	v5 =	vadd.s32 v6, v5;
	v6 =	vadd.s32 $0x1, v1;
	vm2 =	vmand vm2, vm3  }
0x9c: {  	v5 =	vshra.s32 v5, $0x1;
	v7 =	vsel vm2, $0xFFFFFFFF, v21;
	vm2 =	vlt.s32 v4, v3  }
0x9d: {  	v25 =	vadd.s32 v7, v5;
	v23 =	vsel vm2, v6, v23;
	v24 =	vsel vm2, v24, v1  }
0x9e: {  	vm2 =	vlt.s32 v25, $0x4FF;
	v1 =	vadd.s32 v23, v24  }
0x9f: {  	v4 =	vnsel vm2, $0x4FF, v25;
	v5 =	vshrl.u32 v1, $0x1F;
	v6 =	vand.u32 $0x1, v1  }
0xa0: {  	vm2 =	vlt.s32 v1, $0x1;
	v5 =	vadd.s32 v5, v1;
	vm3 =	veq.s32 v6, $0x1  }
0xa1: {  	vm2 =	vmand vm2, vm3  }
0xa2: {  	v1 =	vshra.s32 v5, $0x1;
	v5 =	vsel vm2, $0xFFFFFFFF, v21  }
0xa3: {  	v1 =	vadd.s32 v5, v1  }
0xa4: {  	v5 =	vld.idx.msk [tilespmem:v4+s9+$0x0], $0xffff;
	vm2 =	vlt.s32 v1, $0x4FF  }
.Ltmp3:
0xa5: {  	v4 =	vnsel vm2, $0x4FF, v1;
	(pc) =	sbr.rel @p0 .LBB2_4-.Ltmp3, $2  }
0xa6: {  	_ =	sdelay $0x2  }
0xa7: {  	v6 =	vadd.s32 $0x1, v25  }
0xa8: {  	_ =	sdelay $0x3  }
0xa9: {  	v4 =	vld.idx.msk [tilespmem:v4+s9+$0x0], $0xffff;
	_ =	sdelay $0x2  }
0xaa: {  	vm2 =	vlt.s32 v5, v2  }
0xab: {  	v5 =	vsel vm2, v6, v19  }
0xac: {  	v1 =	vadd.s32 $0x1, v1;
	vm3 =	vgt.s32 v5, $0x1;
	vm2 =	vlt.s32 v4, v3  }
0xad: {  	v4 =	vnsel vm3, $0x1, v5;
	v5 =	vmul.u32 $0x1388, v5;
	v1 =	vsel vm2, v1, v23  }
0xae: {  	v25 =	vmul.u32 $0x1388, v4;
	vm2 =	vgt.s32 v1, $0x1  }
0xaf: {  	vm3 =	vlt.s32 v5, $0x61A800;
	v4 =	vnsel vm2, $0x1, v1  }
0xb0: {  	v24 =	vadd.s32 $0xFFFFEC78, v25;
	v5 =	vnsel vm3, $0x61A800, v5;
	v1 =	vmul.u32 $0x1388, v1  }
0xb1: {  	v26 =	vsub.s32 v5, v24  }
0xb2: {  	v22 =	vmul.u32 $0x1388, v4;
	vm2 =	vgt.s32 v26, $0x0;
	vm3 =	vlt.s32 v1, $0x61A800  }
0xb3: {  	v4 =	vshra.s32 v26, $0x1F;
	v55 =	vand.u32 $0x8, v26;
	v56 =	vmul.u32 $0x3, v26  }
0xb4: {  	v59 =	vmul.u32 $0x5, v26;
	v60 =	vshll.u32 v26, $0x2;
	v63 =	vmul.u32 $0x9, v26  }
0xb5: {  	v36 =	vshll.u32 v26, $0x3;
	v39 =	vmul.u32 $0xA, v26;
	v40 =	vmul.u32 $0xB, v26  }
0xb6: {  	v42 =	vmul.u32 $0xC, v26;
	v44 =	vmul.u32 $0xD, v26;
	v46 =	vmul.u32 $0xE, v26  }
0xb7: {  	v47 =	vmul.u32 $0xF, v26;
	v19 =	vadd.s32 $0xFFFFEC78, v22;
	v54 =	vsel vm2, $0x1, v21  }
0xb8: {  	v7 =	vshrl.u32 v4, $0x1C;
	vm5 =	vne.s32 v55, $0x0;
	v1 =	vnsel vm3, $0x61A800, v1  }
0xb9: {  	v10 =	vld [tilespmem:$0x1FFF0];
	v4 =	vadd.s32 v54, v4;
	v7 =	vadd.s32 v7, v26;
	v23 =	vsub.s32 v1, v19  }
0xba: {  	v8 =	vand.u32 $0x8, v56;
	v28 =	vand.u32 $0x8, v59;
	v37 =	vshra.s32 v63, $0x1F  }
0xbb: {  	v32 =	vand.u32 $0x8, v63;
	v41 =	vshra.s32 v40, $0x1F;
	v34 =	vand.u32 $0x8, v40  }
0xbc: {  	v45 =	vshra.s32 v44, $0x1F;
	v48 =	vshra.s32 v47, $0x1F;
	vm4 =	vne.s32 v4, $0x1  }
0xbd: {  	v4 =	vshra.s32 v7, $0x4;
	v31 =	vshrl.u32 v37, $0x1C;
	v33 =	vshrl.u32 v41, $0x1C  }
0xbe: {  	v35 =	vshrl.u32 v45, $0x1C;
	v49 =	vshrl.u32 v48, $0x1C;
	v50 =	vmul.u32 v10, v23  }
0xbf: {  	vm3 =	vmand vm5, vm4;
	v4 =	vadd.s32 v24, v4;
	vm4 =	vne.s32 v5, v24  }
0xc0: {  	v5 =	vshra.s32 v56, $0x1F;
	vm5 =	vne.s32 v8, $0x0;
	v8 =	vshra.s32 v59, $0x1F  }
0xc1: {  	v1 =	vsel vm3, $0xFFFFFFFF, v21;
	v27 =	vsel vm4, $0x1, v21;
	v57 =	vshrl.u32 v5, $0x1C  }
0xc2: {  	v9 =	vshrl.u32 v8, $0x1C;
	v52 =	vshra.s32 v50, $0x1F;
	v1 =	vadd.s32 v1, v4  }
0xc3: {  	v4 =	vshll.u32 v26, $0x1;
	v5 =	vor.u32 v27, v5;
	v6 =	vadd.s32 v57, v56  }
0xc4: {  	v8 =	vor.u32 v27, v8;
	v7 =	vadd.s32 v9, v59;
	v9 =	vmul.u32 $0x6, v26  }
0xc5: {  	vm3 =	vlt.s32 v1, $0x61A7FF;
	v4 =	vshra.s32 v4, $0x4;
	vm4 =	vne.s32 v5, $0x1  }
0xc6: {  	v5 =	vshra.s32 v6, $0x4;
	v6 =	vshra.s32 v60, $0x4;
	v7 =	vshra.s32 v7, $0x4  }
0xc7: {  	v4 =	vadd.s32 v24, v4;
	vm4 =	vmand vm5, vm4;
	v5 =	vadd.s32 v24, v5  }
0xc8: {  	v1 =	vnsel vm3, $0x61A7FF, v1;
	v6 =	vadd.s32 v24, v6;
	v7 =	vadd.s32 v24, v7  }
0xc9: {  	v9 =	vshra.s32 v9, $0x4;
	vm5 =	vlt.s32 v4, $0x61A7FF;
	v58 =	vsel vm4, $0xFFFFFFFF, v21  }
0xca: {  	vm4 =	vne.s32 v8, $0x1;
	v4 =	vnsel vm5, $0x61A7FF, v4;
	vm5 =	vne.s32 v28, $0x0  }
0xcb: {  	v9 =	vadd.s32 v24, v9;
	v5 =	vadd.s32 v58, v5;
	vm4 =	vmand vm5, vm4  }
0xcc: {  	vm3 =	vlt.s32 v5, $0x61A7FF;
	v8 =	vsel vm4, $0xFFFFFFFF, v21;
	vm4 =	vlt.s32 v6, $0x61A7FF  }
0xcd: {  	v7 =	vadd.s32 v8, v7;
	v8 =	vmul.u32 $0x7, v26;
	v6 =	vnsel vm4, $0x61A7FF, v6  }
0xce: {  	v5 =	vnsel vm3, $0x61A7FF, v5;
	vm3 =	vlt.s32 v7, $0x61A7FF;
	[tilespmem:$0x14330] =	vst v6;
	v6 =	vor.u32 v27, v48  }
0xcf: {  	v7 =	vnsel vm3, $0x61A7FF, v7;
	v61 =	vshra.s32 v8, $0x1F;
	v30 =	vand.u32 $0x8, v8  }
0xd0: {  	v29 =	vshrl.u32 v61, $0x1C;
	v28 =	vor.u32 v27, v61;
	vm4 =	vne.s32 v30, $0x0  }
0xd1: {  	v30 =	vor.u32 v27, v37;
	[tilespmem:$0x14340] =	vst v7;
	v7 =	vadd.s32 v49, v47;
	v8 =	vadd.s32 v29, v8  }
0xd2: {  	vm3 =	vne.s32 v28, $0x1;
	v29 =	vshra.s32 v36, $0x4;
	v28 =	vadd.s32 v31, v63  }
0xd3: {  	v31 =	vshra.s32 v39, $0x4;
	v36 =	vand.u32 $0x8, v44;
	v51 =	vshra.s32 v7, $0x4  }
0xd4: {  	v7 =	vshrl.u32 v52, $0x1C;
	v8 =	vshra.s32 v8, $0x4;
	vm3 =	vmand vm4, vm3  }
0xd5: {  	vm4 =	vne.s32 v32, $0x0;
	v29 =	vadd.s32 v24, v29;
	v28 =	vshra.s32 v28, $0x4  }
0xd6: {  	v31 =	vadd.s32 v24, v31;
	v32 =	vor.u32 v27, v41;
	vm5 =	vne.s32 v36, $0x0  }
0xd7: {  	v7 =	vadd.s32 v7, v50;
	v62 =	vsel vm3, $0xFFFFFFFF, v21;
	v8 =	vadd.s32 v24, v8  }
0xd8: {  	vm3 =	vlt.s32 v9, $0x61A7FF;
	v28 =	vadd.s32 v24, v28;
	v8 =	vadd.s32 v62, v8  }
0xd9: {  	v7 =	vshra.s32 v7, $0x4;
	v9 =	vnsel vm3, $0x61A7FF, v9;
	vm3 =	vlt.s32 v8, $0x61A7FF  }
0xda: {  	v7 =	vadd.s32 v19, v7;
	[tilespmem:$0x14350] =	vst v9;
	v9 =	vand.u32 $0x8, v47;
	v8 =	vnsel vm3, $0x61A7FF, v8  }
0xdb: {  	vm3 =	vne.s32 v30, $0x1;
	v30 =	vadd.s32 v33, v40;
	v33 =	vadd.s32 v35, v44  }
0xdc: {  	vm3 =	vmand vm4, vm3;
	vm4 =	vne.s32 v34, $0x0;
	v30 =	vshra.s32 v30, $0x4  }
0xdd: {  	[tilespmem:$0x14300] =	vst v1;
	v34 =	vor.u32 v27, v45;
	v1 =	vshra.s32 v33, $0x4;
	v38 =	vsel vm3, $0xFFFFFFFF, v21  }
0xde: {  	vm3 =	vlt.s32 v29, $0x61A7FF;
	v30 =	vadd.s32 v24, v30;
	v28 =	vadd.s32 v38, v28  }
0xdf: {  	v1 =	vadd.s32 v24, v1;
	v29 =	vnsel vm3, $0x61A7FF, v29;
	vm3 =	vlt.s32 v28, $0x61A7FF  }
0xe0: {  	v28 =	vnsel vm3, $0x61A7FF, v28;
	vm3 =	vne.s32 v32, $0x1;
	v32 =	vshra.s32 v42, $0x4  }
0xe1: {  	vm3 =	vmand vm4, vm3;
	vm4 =	vlt.s32 v31, $0x61A7FF;
	v32 =	vadd.s32 v24, v32  }
0xe2: {  	v43 =	vsel vm3, $0xFFFFFFFF, v21;
	v31 =	vnsel vm4, $0x61A7FF, v31;
	vm4 =	vne.s32 v34, $0x1  }
0xe3: {  	[tilespmem:$0x14310] =	vst v4;
	v30 =	vadd.s32 v43, v30;
	vm4 =	vmand vm5, vm4;
	vm5 =	vne.s32 v9, $0x0  }
0xe4: {  	[tilespmem:$0x14320] =	vst v5;
	v9 =	vand.u32 $0x8, v50;
	vm3 =	vlt.s32 v30, $0x61A7FF;
	v4 =	vsel vm4, $0xFFFFFFFF, v21  }
0xe5: {  	[tilespmem:$0x14360] =	vst v8;
	vm4 =	vne.s32 v6, $0x1;
	v6 =	vadd.s32 v24, v51;
	v30 =	vnsel vm3, $0x61A7FF, v30  }
0xe6: {  	[tilespmem:$0x14370] =	vst v29;
	vm3 =	vlt.s32 v32, $0x61A7FF;
	v1 =	vadd.s32 v4, v1;
	v4 =	vshra.s32 v46, $0x4  }
0xe7: {  	[tilespmem:$0x14380] =	vst v28;
	vm4 =	vmand vm5, vm4;
	vm5 =	vne.s32 v9, $0x0;
	v5 =	vnsel vm3, $0x61A7FF, v32  }
0xe8: {  	[tilespmem:$0x14390] =	vst v31;
	vm3 =	vlt.s32 v1, $0x61A7FF;
	v8 =	vsel vm4, $0xFFFFFFFF, v21;
	vm4 =	vlt.s32 v50, $0x1  }
0xe9: {  	v4 =	vadd.s32 v24, v4;
	[tilespmem:$0x143A0] =	vst v30;
	v1 =	vnsel vm3, $0x61A7FF, v1;
	vm4 =	vmand vm4, vm5  }
0xea: {  	vm3 =	vlt.s32 v4, $0x61A7FF;
	[tilespmem:$0x143B0] =	vst v5;
	v5 =	vadd.s32 v8, v6;
	v53 =	vsel vm4, $0xFFFFFFFF, v21  }
0xeb: {  	[tilespmem:$0x143C0] =	vst v1;
	v1 =	vnsel vm3, $0x61A7FF, v4;
	vm3 =	vlt.s32 v5, $0x61A7FF;
	v4 =	vadd.s32 v53, v7  }
0xec: {  	[tilespmem:$0x143D0] =	vst v1;
	v1 =	vnsel vm3, $0x61A7FF, v5;
	vm3 =	vlt.s32 v4, $0x61A7FF  }
0xed: {  	[tilespmem:$0x143E0] =	vst v1;
	v1 =	vnsel vm3, $0x61A7FF, v4  }
0xee: {  	s0 =	simm.s32 $0x14300;
	s2 =	simm.s32 $0x14400;
	[tilespmem:$0x143F0] =	vst v1  }
0xef: {  	[tilespmem:s2], [sflag:$0x3] =	stream.indirect.gather [hbm4b:s3+s7], $0x1, s0, s7, $0xb8;
	[tilespmem:$0x15D00] =	vst v63  }
0xf0: {  	s28 =	simm.s32 $0x14380;
	s30 =	simm.s32 $0x14480  }
0xf1: {  	[tilespmem:s30], [sflag:$0x3] =	stream.indirect.gather [hbm4b:s3+s7], $0x1, s28, s7, $0xb8;
	[tilespmem:$0x15D00] =	vst v63  }
0xf2: {  	_ =	swait.ge [sflag:s29], $0x80  }
0xf3: {  	[sflag:s29] =	ssyncset.done $0x0  }
0xf4: {  	[sflag:s29] =	ssyncadd.s32 $0xFFFFFF80  }
0xf5: {  	_ =	swait.ge [sflag:s29], $0x80  }
0xf6: {  	[sflag:s29] =	ssyncset.done $0x0  }
0xf7: {  	[sflag:s29] =	ssyncadd.s32 $0xFFFFFF80  }
0xf8: {  	v1 =	vld [tilespmem:$0x14400]  }
0xf9: {  	v4 =	vld [tilespmem:$0x14410]  }
0xfa: {  	v5 =	vld [tilespmem:$0x14420]  }
0xfb: {  	v54 =	vld [tilespmem:$0x14430]  }
0xfc: {  	v55 =	vld [tilespmem:$0x14440]  }
0xfd: {  	v8 =	vld [tilespmem:$0x14450]  }
0xfe: {  	vm3 =	vlt.s32 v1, v2;
	vm4 =	vlt.s32 v4, v2;
	v1 =	vld [tilespmem:$0x14460]  }
0xff: {  	v4 =	vsel vm3, $0x1, v21;
	v9 =	vsel vm4, $0x1, v21;
	vm3 =	vlt.s32 v5, v2;
	v5 =	vld [tilespmem:$0x14470]  }
0x100: {  	v56 =	vld [tilespmem:$0x14480];
	v4 =	vadd.s32 v4, v9;
	v9 =	vsel vm3, $0x1, v21;
	vm3 =	vlt.s32 v54, v2  }
0x101: {  	v57 =	vld [tilespmem:$0x14490];
	v4 =	vadd.s32 v9, v4;
	v9 =	vsel vm3, $0x1, v21;
	vm3 =	vlt.s32 v55, v2  }
0x102: {  	v4 =	vadd.s32 v9, v4;
	v9 =	vsel vm3, $0x1, v21;
	vm3 =	vlt.s32 v8, v2;
	v8 =	vld [tilespmem:$0x144A0]  }
0x103: {  	v4 =	vadd.s32 v9, v4;
	v9 =	vsel vm3, $0x1, v21;
	vm3 =	vlt.s32 v1, v2;
	v1 =	vld [tilespmem:$0x144B0]  }
0x104: {  	v4 =	vadd.s32 v9, v4;
	v9 =	vsel vm3, $0x1, v21;
	vm3 =	vlt.s32 v5, v2;
	v5 =	vld [tilespmem:$0x144C0]  }
0x105: {  	v58 =	vld [tilespmem:$0x144D0];
	v4 =	vadd.s32 v9, v4;
	v9 =	vsel vm3, $0x1, v21;
	vm3 =	vlt.s32 v56, v2  }
0x106: {  	v59 =	vld [tilespmem:$0x144E0];
	v4 =	vadd.s32 v9, v4;
	v9 =	vsel vm3, $0x1, v21;
	vm3 =	vlt.s32 v57, v2  }
0x107: {  	v4 =	vadd.s32 v9, v4;
	v9 =	vsel vm3, $0x1, v21;
	vm3 =	vlt.s32 v8, v2  }
0x108: {  	v4 =	vadd.s32 v9, v4;
	v8 =	vsel vm3, $0x1, v21;
	vm3 =	vlt.s32 v1, v2  }
0x109: {  	v1 =	vadd.s32 v8, v4;
	v4 =	vsel vm3, $0x1, v21;
	vm3 =	vlt.s32 v5, v2  }
0x10a: {  	v1 =	vadd.s32 v4, v1;
	v4 =	vsel vm3, $0x1, v21;
	vm3 =	vlt.s32 v58, v2  }
0x10b: {  	v1 =	vadd.s32 v4, v1;
	v4 =	vsel vm3, $0x1, v21;
	vm3 =	vlt.s32 v59, v2  }
0x10c: {  	v1 =	vadd.s32 v4, v1;
	v4 =	vsel vm3, $0x1, v21  }
0x10d: {  	v1 =	vadd.s32 v4, v1  }
0x10e: {  	v4 =	vmul.u32 v26, v1;
	_ =	sdelay $0x1  }
0x10f: {  	v5 =	vshra.s32 v4, $0x1F  }
0x110: {  	v60 =	vand.u32 $0x8, v4;
	v5 =	vshrl.u32 v5, $0x1C  }
0x111: {  	vm3 =	vlt.s32 v4, $0x1;
	vm4 =	vne.s32 v60, $0x0;
	v5 =	vadd.s32 v5, v4  }
0x112: {  	vm3 =	vmand vm3, vm4;
	v4 =	vshra.s32 v5, $0x4  }
0x113: {  	v5 =	vsel vm3, $0xFFFFFFFF, v21;
	v4 =	vadd.s32 v4, v25  }
0x114: {  	vm3 =	vne.s32 v1, $0x0;
	v1 =	vadd.s32 v5, v4  }
0x115: {  	vm2 =	vmand vm2, vm3;
	v1 =	vadd.s32 $0xFFFFEC79, v1  }
0x116: {  	v1 =	vsel vm2, v1, v24  }
0x117: {  	v4 =	vshra.s32 v1, $0x1F;
	v5 =	vand.u32 $0x7, v1  }
0x118: {  	vm2 =	vlt.s32 v1, $0x1;
	v4 =	vshrl.u32 v4, $0x1D;
	vm3 =	vne.s32 v5, $0x0  }
0x119: {  	v1 =	vadd.s32 v4, v1;
	vm2 =	vmand vm2, vm3  }
0x11a: {  	v1 =	vshrl.u32 v1, $0x3;
	v4 =	vsel vm2, $0xFFFFFFFF, v21  }
0x11b: {  	v1 =	vadd.s32 v4, v1  }
0x11c: {  	v1 =	vshll.u32 v1, $0x3  }
0x11d: {  	vm2 =	vlt.s32 v1, $0x61A6B0  }
0x11e: {  	v1 =	vnsel vm2, $0x61A6B0, v1  }
0x11f: {  	(v2sf) =	vpush v1, $0x0  }
0x120: {  	(v2sf) =	vpush v1, $0x1  }
0x121: {  	(v2sf) =	vpush v1, $0x2;
	_ =	sdelay $0x7  }
0x122: {  	(v2sf) =	vpush v1, $0x3;
	_ =	sdelay $0x4  }
0x123: {  	s16 =	spop (v2sf);
	(v2sf) =	vpush v1, $0x4  }
0x124: {  	s6 =	spop (v2sf);
	(v2sf) =	vpush v1, $0x5  }
0x125: {  	s10 =	spop (v2sf);
	(v2sf) =	vpush v1, $0x6  }
0x126: {  	s4 =	sshrl.u32 s16, $0x3  }
0x127: {  	s24 =	simm.s32 $0x0;
	s5 =	simm.s32 $0x14500;
	s0 =	sadd.s32 s3, s4  }
0x128: {  	v4 =	vld [tilespmem:$0x144F0];
	[tilespmem:s5], [sflag:$0x3] =	stream.linear.gather [hbm4b:s0+s24], $0x150, $0x38  }
0x129: {  	s0 =	sshrl.u32 s6, $0x3  }
0x12a: {  	s8 =	simm.s32 $0x14650;
	s0 =	sadd.s32 s3, s0  }
0x12b: {  	[tilespmem:s8], [sflag:$0x3] =	stream.linear.gather [hbm4b:s0+s24], $0x150, $0x38;
	[tilespmem:$0x15D00] =	vst v63  }
0x12c: {  	(v2sf) =	vpush v1, $0x7;
	s0 =	sshrl.u32 s10, $0x3  }
0x12d: {  	s11 =	simm.s32 $0x147A0;
	s12 =	spop (v2sf);
	s0 =	sadd.s32 s3, s0  }
0x12e: {  	[tilespmem:s11], [sflag:$0x3] =	stream.linear.gather [hbm4b:s0+s24], $0x150, $0x38;
	[tilespmem:$0x15D00] =	vst v63  }
0x12f: {  	s0 =	sshrl.u32 s12, $0x3  }
0x130: {  	s13 =	simm.s32 $0x148F0;
	s0 =	sadd.s32 s3, s0  }
0x131: {  	[tilespmem:s13], [sflag:$0x3] =	stream.linear.gather [hbm4b:s0+s24], $0x150, $0x38;
	[tilespmem:$0x15D00] =	vst v63  }
0x132: {  	vm2 =	vlt.s32 v4, v3;
	s14 =	spop (v2sf);
	(v2sf) =	vpush v1, $0x8  }
0x133: {  	vm2 =	vmand vm2, vm0;
	s17 =	spop (v2sf);
	(v2sf) =	vpush v1, $0x9  }
0x134: {  	v4 =	vmpcnt.ones.xlane vm2;
	s19 =	spop (v2sf);
	(v2sf) =	vpush v1, $0xA  }
0x135: {  	s0 =	sshrl.u32 s14, $0x3  }
0x136: {  	s15 =	simm.s32 $0x14A40;
	v5 =	vmul.u32 v23, v4;
	s0 =	sadd.s32 s3, s0  }
0x137: {  	[tilespmem:s15], [sflag:$0x3] =	stream.linear.gather [hbm4b:s0+s24], $0x150, $0x38;
	[tilespmem:$0x15D00] =	vst v63  }
0x138: {  	v61 =	vshra.s32 v5, $0x1F;
	s0 =	sshrl.u32 s17, $0x3  }
0x139: {  	s18 =	simm.s32 $0x14B90;
	v62 =	vand.u32 $0x8, v5;
	v6 =	vshrl.u32 v61, $0x1C;
	(v2sf) =	vpush v1, $0xB;
	s0 =	sadd.s32 s3, s0  }
0x13a: {  	vm2 =	vlt.s32 v5, $0x1;
	vm3 =	vne.s32 v62, $0x0;
	v6 =	vadd.s32 v6, v5;
	[tilespmem:s18], [sflag:$0x3] =	stream.linear.gather [hbm4b:s0+s24], $0x150, $0x38;
	[tilespmem:$0x15D00] =	vst v63  }
0x13b: {  	vm2 =	vmand vm2, vm3;
	v5 =	vshra.s32 v6, $0x4;
	s21 =	spop (v2sf);
	(v2sf) =	vpush v1, $0xC;
	s0 =	sshrl.u32 s19, $0x3  }
0x13c: {  	s20 =	simm.s32 $0x14CE0;
	vm3 =	vne.s32 v4, $0x0;
	v4 =	vsel vm2, $0xFFFFFFFF, v21;
	v5 =	vadd.s32 v5, v22;
	s0 =	sadd.s32 s3, s0  }
0x13d: {  	vm2 =	vgt.s32 v23, $0x0;
	v4 =	vadd.s32 v4, v5;
	[tilespmem:s20], [sflag:$0x3] =	stream.linear.gather [hbm4b:s0+s24], $0x150, $0x38;
	[tilespmem:$0x15D00] =	vst v63  }
0x13e: {  	vm2 =	vmand vm2, vm3;
	v4 =	vadd.s32 $0xFFFFEC79, v4;
	s0 =	sshrl.u32 s21, $0x3  }
0x13f: {  	s22 =	simm.s32 $0x14E30;
	v4 =	vsel vm2, v4, v19;
	s0 =	sadd.s32 s3, s0  }
0x140: {  	v5 =	vshra.s32 v4, $0x1F;
	[tilespmem:s22], [sflag:$0x3] =	stream.linear.gather [hbm4b:s0+s24], $0x150, $0x38;
	[tilespmem:$0x15D00] =	vst v63  }
0x141: {  	v63 =	vand.u32 $0x7, v4;
	vm2 =	vlt.s32 v4, $0x1;
	s23 =	spop (v2sf);
	(v2sf) =	vpush v1, $0xD  }
0x142: {  	v5 =	vshrl.u32 v5, $0x1D;
	vm3 =	vne.s32 v63, $0x0;
	s28 =	spop (v2sf);
	(v2sf) =	vpush v1, $0xE  }
0x143: {  	s25 =	simm.s32 $0x14F80;
	v4 =	vadd.s32 v5, v4;
	vm2 =	vmand vm2, vm3;
	[dreg:$0xc] =	wrdreg s21;
	s21 =	spop (v2sf);
	(v2sf) =	vpush v1, $0xF  }
0x144: {  	s30 =	simm.s32 $0x150D0;
	[dreg:$0x6] =	wrdreg s6;
	v4 =	vshrl.u32 v4, $0x3;
	v5 =	vsel vm2, $0xFFFFFFFF, v21;
	s0 =	sshrl.u32 s23, $0x3  }
0x145: {  	[dreg:$0x7] =	wrdreg s10;
	s5 =	simm.s32 $0x15220;
	s0 =	sadd.s32 s3, s0;
	v1 =	vadd.s32 v5, v4  }
0x146: {  	[tilespmem:s25], [sflag:$0x3] =	stream.linear.gather [hbm4b:s0+s24], $0x150, $0x38;
	v1 =	vshll.u32 v1, $0x3;
	[tilespmem:$0x15D00] =	vst v63  }
0x147: {  	[dreg:$0x8] =	wrdreg s12;
	s8 =	simm.s32 $0x15370;
	s0 =	sshrl.u32 s28, $0x3;
	vm2 =	vlt.s32 v1, $0x61A6B0  }
0x148: {  	s4 =	sshrl.u32 s21, $0x3;
	s22 =	spop (v2sf);
	s0 =	sadd.s32 s3, s0;
	v1 =	vnsel vm2, $0x61A6B0, v1  }
0x149: {  	[tilespmem:s30], [sflag:$0x3] =	stream.linear.gather [hbm4b:s0+s24], $0x150, $0x38;
	(v2sf) =	vpush v1, $0x0;
	[tilespmem:$0x15D00] =	vst v63  }
0x14a: {  	s6 =	sshrl.u32 s22, $0x3;
	s20 =	spop (v2sf);
	s0 =	sadd.s32 s3, s4  }
0x14b: {  	[tilespmem:s5], [sflag:$0x3] =	stream.linear.gather [hbm4b:s0+s24], $0x150, $0x38;
	[tilespmem:$0x15D00] =	vst v63  }
0x14c: {  	[dreg:$0x9] =	wrdreg s14;
	s10 =	sshrl.u32 s20, $0x3;
	s0 =	sadd.s32 s3, s6  }
0x14d: {  	[tilespmem:s8], [sflag:$0x3] =	stream.linear.gather [hbm4b:s0+s24], $0x150, $0x38;
	[tilespmem:$0x15D00] =	vst v63  }
0x14e: {  	s11 =	simm.s32 $0x154C0;
	[dreg:$0xa] =	wrdreg s17;
	s0 =	sadd.s32 s3, s10  }
0x14f: {  	[tilespmem:s11], [sflag:$0x3] =	stream.linear.gather [hbm4b:s0+s24], $0x150, $0x38;
	[tilespmem:$0x15D00] =	vst v63  }
0x150: {  	s14 =	simm.s32 $0x15610;
	[dreg:$0xb] =	wrdreg s19;
	s4 =	spop (v2sf)  }
0x151: {  	s18 =	simm.s32 $0x15760;
	s12 =	sshrl.u32 s4, $0x3;
	s13 =	spop (v2sf)  }
0x152: {  	s0 =	sadd.s32 s3, s12;
	s15 =	sshrl.u32 s13, $0x3;
	s17 =	spop (v2sf)  }
0x153: {  	[tilespmem:s14], [sflag:$0x3] =	stream.linear.gather [hbm4b:s0+s24], $0x150, $0x38;
	[tilespmem:$0x15D00] =	vst v63  }
0x154: {  	[dreg:$0xd] =	wrdreg s23;
	s0 =	sadd.s32 s3, s15;
	s19 =	sshrl.u32 s17, $0x3  }
0x155: {  	[tilespmem:s18], [sflag:$0x3] =	stream.linear.gather [hbm4b:s0+s24], $0x150, $0x38;
	[tilespmem:$0x15D00] =	vst v63  }
0x156: {  	s23 =	simm.s32 $0x158B0;
	[dreg:$0xe] =	wrdreg s28;
	s0 =	sadd.s32 s3, s19  }
0x157: {  	[tilespmem:s23], [sflag:$0x3] =	stream.linear.gather [hbm4b:s0+s24], $0x150, $0x38;
	[tilespmem:$0x15D00] =	vst v63  }
0x158: {  	[dreg:$0x11] =	wrdreg s4;
	s23 =	spop (v2sf)  }
0x159: {  	[dreg:$0x10] =	wrdreg s13;
	s25 =	sshrl.u32 s23, $0x3  }
0x15a: {  	s28 =	simm.s32 $0x15A00;
	[dreg:$0xf] =	wrdreg s17;
	s0 =	sadd.s32 s3, s25  }
0x15b: {  	[tilespmem:s28], [sflag:$0x3] =	stream.linear.gather [hbm4b:s0+s24], $0x150, $0x38;
	[tilespmem:$0x15D00] =	vst v63  }
0x15c: {  	_ =	swait.ge [sflag:s29], $0x150  }
0x15d: {  	[sflag:s29] =	ssyncset.done $0x0  }
0x15e: {  	[sflag:s29] =	ssyncadd.s32 $0xFFFFFEB0  }
0x15f: {  	_ =	swait.ge [sflag:s29], $0x150  }
0x160: {  	[sflag:s29] =	ssyncset.done $0x0  }
0x161: {  	[sflag:s29] =	ssyncadd.s32 $0xFFFFFEB0  }
0x162: {  	_ =	swait.ge [sflag:s29], $0x150  }
0x163: {  	[sflag:s29] =	ssyncset.done $0x0  }
0x164: {  	[sflag:s29] =	ssyncadd.s32 $0xFFFFFEB0  }
0x165: {  	_ =	swait.ge [sflag:s29], $0x150  }
0x166: {  	[sflag:s29] =	ssyncset.done $0x0  }
0x167: {  	[sflag:s29] =	ssyncadd.s32 $0xFFFFFEB0  }
0x168: {  	_ =	swait.ge [sflag:s29], $0x150  }
0x169: {  	[sflag:s29] =	ssyncset.done $0x0  }
0x16a: {  	[sflag:s29] =	ssyncadd.s32 $0xFFFFFEB0  }
0x16b: {  	_ =	swait.ge [sflag:s29], $0x150  }
0x16c: {  	[sflag:s29] =	ssyncset.done $0x0  }
0x16d: {  	[sflag:s29] =	ssyncadd.s32 $0xFFFFFEB0  }
0x16e: {  	_ =	swait.ge [sflag:s29], $0x150  }
0x16f: {  	[sflag:s29] =	ssyncset.done $0x0  }
0x170: {  	[sflag:s29] =	ssyncadd.s32 $0xFFFFFEB0  }
0x171: {  	_ =	swait.ge [sflag:s29], $0x150  }
0x172: {  	[sflag:s29] =	ssyncset.done $0x0  }
0x173: {  	[sflag:s29] =	ssyncadd.s32 $0xFFFFFEB0  }
0x174: {  	_ =	swait.ge [sflag:s29], $0x150  }
0x175: {  	[sflag:s29] =	ssyncset.done $0x0  }
0x176: {  	[sflag:s29] =	ssyncadd.s32 $0xFFFFFEB0  }
0x177: {  	_ =	swait.ge [sflag:s29], $0x150  }
0x178: {  	[sflag:s29] =	ssyncset.done $0x0  }
0x179: {  	[sflag:s29] =	ssyncadd.s32 $0xFFFFFEB0  }
0x17a: {  	_ =	swait.ge [sflag:s29], $0x150  }
0x17b: {  	[sflag:s29] =	ssyncset.done $0x0  }
0x17c: {  	[sflag:s29] =	ssyncadd.s32 $0xFFFFFEB0  }
0x17d: {  	_ =	swait.ge [sflag:s29], $0x150  }
0x17e: {  	[sflag:s29] =	ssyncset.done $0x0  }
0x17f: {  	[sflag:s29] =	ssyncadd.s32 $0xFFFFFEB0  }
0x180: {  	_ =	swait.ge [sflag:s29], $0x150  }
0x181: {  	[sflag:s29] =	ssyncset.done $0x0  }
0x182: {  	[sflag:s29] =	ssyncadd.s32 $0xFFFFFEB0  }
0x183: {  	_ =	swait.ge [sflag:s29], $0x150  }
0x184: {  	[sflag:s29] =	ssyncset.done $0x0  }
0x185: {  	[sflag:s29] =	ssyncadd.s32 $0xFFFFFEB0  }
0x186: {  	_ =	swait.ge [sflag:s29], $0x150  }
0x187: {  	[sflag:s29] =	ssyncset.done $0x0  }
0x188: {  	[sflag:s29] =	ssyncadd.s32 $0xFFFFFEB0  }
0x189: {  	_ =	swait.ge [sflag:s29], $0x150  }
0x18a: {  	[sflag:s29] =	ssyncset.done $0x0  }
0x18b: {  	[sflag:s29] =	ssyncadd.s32 $0xFFFFFEB0  }
0x18c: {  	_ =	swait.ge [sflag:s29], $0x150  }
0x18d: {  	[sflag:s29] =	ssyncset.done $0x0  }
0x18e: {  	[sflag:s29] =	ssyncadd.s32 $0xFFFFFEB0  }
0x18f: {  	v1 =	vld [tilespmem:$0x14500];
	_ =	sdelay $0x4  }
0x190: {  	[tilespmem:$0x1F4F0] =	vst v1;
	v1 =	vld [tilespmem:$0x14510];
	_ =	sdelay $0x4  }
0x191: {  	[tilespmem:$0x1F500] =	vst v1;
	v1 =	vld [tilespmem:$0x14520];
	_ =	sdelay $0x4  }
0x192: {  	[tilespmem:$0x1F510] =	vst v1;
	v1 =	vld [tilespmem:$0x14530];
	_ =	sdelay $0x4  }
0x193: {  	[tilespmem:$0x1F520] =	vst v1;
	v1 =	vld [tilespmem:$0x14540];
	_ =	sdelay $0x4  }
0x194: {  	[tilespmem:$0x1F530] =	vst v1;
	v1 =	vld [tilespmem:$0x14550];
	_ =	sdelay $0x4  }
0x195: {  	[tilespmem:$0x1F540] =	vst v1;
	v1 =	vld [tilespmem:$0x14560];
	_ =	sdelay $0x4  }
0x196: {  	[tilespmem:$0x1F550] =	vst v1;
	v1 =	vld [tilespmem:$0x14570];
	_ =	sdelay $0x4  }
0x197: {  	[tilespmem:$0x1F560] =	vst v1;
	v1 =	vld [tilespmem:$0x14580];
	_ =	sdelay $0x4  }
0x198: {  	[tilespmem:$0x1F570] =	vst v1;
	v1 =	vld [tilespmem:$0x14590];
	_ =	sdelay $0x4  }
0x199: {  	[tilespmem:$0x1F580] =	vst v1;
	v1 =	vld [tilespmem:$0x145A0];
	_ =	sdelay $0x4  }
0x19a: {  	[tilespmem:$0x1F590] =	vst v1;
	v1 =	vld [tilespmem:$0x145B0];
	_ =	sdelay $0x4  }
0x19b: {  	[tilespmem:$0x1F5A0] =	vst v1;
	v1 =	vld [tilespmem:$0x145C0];
	_ =	sdelay $0x4  }
0x19c: {  	[tilespmem:$0x1F5B0] =	vst v1;
	v1 =	vld [tilespmem:$0x145D0];
	_ =	sdelay $0x4  }
0x19d: {  	[tilespmem:$0x1F5C0] =	vst v1;
	v1 =	vld [tilespmem:$0x145E0];
	_ =	sdelay $0x4  }
0x19e: {  	[tilespmem:$0x1F5D0] =	vst v1;
	v1 =	vld [tilespmem:$0x145F0];
	_ =	sdelay $0x4  }
0x19f: {  	[tilespmem:$0x1F5E0] =	vst v1;
	v1 =	vld [tilespmem:$0x14600];
	_ =	sdelay $0x4  }
0x1a0: {  	[tilespmem:$0x1F5F0] =	vst v1;
	v1 =	vld [tilespmem:$0x14610];
	_ =	sdelay $0x4  }
0x1a1: {  	[tilespmem:$0x1F600] =	vst v1;
	v1 =	vld [tilespmem:$0x14620];
	_ =	sdelay $0x4  }
0x1a2: {  	[tilespmem:$0x1F610] =	vst v1;
	v1 =	vld [tilespmem:$0x14630];
	_ =	sdelay $0x4  }
0x1a3: {  	[tilespmem:$0x1F620] =	vst v1;
	v1 =	vld [tilespmem:$0x14640];
	_ =	sdelay $0x4  }
0x1a4: {  	[tilespmem:$0x1F630] =	vst v1;
	v1 =	vld [tilespmem:$0x14650];
	_ =	sdelay $0x4  }
0x1a5: {  	[tilespmem:$0x1F640] =	vst v1;
	v1 =	vld [tilespmem:$0x14660];
	_ =	sdelay $0x4  }
0x1a6: {  	[tilespmem:$0x1F650] =	vst v1;
	v1 =	vld [tilespmem:$0x14670];
	_ =	sdelay $0x4  }
0x1a7: {  	[tilespmem:$0x1F660] =	vst v1;
	v1 =	vld [tilespmem:$0x14680];
	_ =	sdelay $0x4  }
0x1a8: {  	[tilespmem:$0x1F670] =	vst v1;
	v1 =	vld [tilespmem:$0x14690];
	_ =	sdelay $0x4  }
0x1a9: {  	[tilespmem:$0x1F680] =	vst v1;
	v1 =	vld [tilespmem:$0x146A0];
	_ =	sdelay $0x4  }
0x1aa: {  	[tilespmem:$0x1F690] =	vst v1;
	v1 =	vld [tilespmem:$0x146B0];
	_ =	sdelay $0x4  }
0x1ab: {  	[tilespmem:$0x1F6A0] =	vst v1;
	v1 =	vld [tilespmem:$0x146C0];
	_ =	sdelay $0x4  }
0x1ac: {  	[tilespmem:$0x1F6B0] =	vst v1;
	v1 =	vld [tilespmem:$0x146D0];
	_ =	sdelay $0x4  }
0x1ad: {  	[tilespmem:$0x1F6C0] =	vst v1;
	v1 =	vld [tilespmem:$0x146E0];
	_ =	sdelay $0x4  }
0x1ae: {  	[tilespmem:$0x1F6D0] =	vst v1;
	v1 =	vld [tilespmem:$0x146F0];
	_ =	sdelay $0x4  }
0x1af: {  	[tilespmem:$0x1F6E0] =	vst v1;
	v1 =	vld [tilespmem:$0x14700];
	_ =	sdelay $0x4  }
0x1b0: {  	[tilespmem:$0x1F6F0] =	vst v1;
	v1 =	vld [tilespmem:$0x14710];
	_ =	sdelay $0x4  }
0x1b1: {  	[tilespmem:$0x1F700] =	vst v1;
	v1 =	vld [tilespmem:$0x14720];
	_ =	sdelay $0x4  }
0x1b2: {  	[tilespmem:$0x1F710] =	vst v1;
	v1 =	vld [tilespmem:$0x14730];
	_ =	sdelay $0x4  }
0x1b3: {  	[tilespmem:$0x1F720] =	vst v1;
	v1 =	vld [tilespmem:$0x14740];
	_ =	sdelay $0x4  }
0x1b4: {  	[tilespmem:$0x1F730] =	vst v1;
	v1 =	vld [tilespmem:$0x14750];
	_ =	sdelay $0x4  }
0x1b5: {  	[tilespmem:$0x1F740] =	vst v1;
	v1 =	vld [tilespmem:$0x14760];
	_ =	sdelay $0x4  }
0x1b6: {  	[tilespmem:$0x1F750] =	vst v1;
	v1 =	vld [tilespmem:$0x14770];
	_ =	sdelay $0x4  }
0x1b7: {  	[tilespmem:$0x1F760] =	vst v1;
	v1 =	vld [tilespmem:$0x14780];
	_ =	sdelay $0x4  }
0x1b8: {  	[tilespmem:$0x1F770] =	vst v1;
	v1 =	vld [tilespmem:$0x14790];
	_ =	sdelay $0x4  }
0x1b9: {  	[tilespmem:$0x1F780] =	vst v1;
	v1 =	vld [tilespmem:$0x147A0];
	_ =	sdelay $0x4  }
0x1ba: {  	[tilespmem:$0x1F790] =	vst v1;
	v1 =	vld [tilespmem:$0x147B0];
	_ =	sdelay $0x4  }
0x1bb: {  	[tilespmem:$0x1F7A0] =	vst v1;
	v1 =	vld [tilespmem:$0x147C0];
	_ =	sdelay $0x4  }
0x1bc: {  	[tilespmem:$0x1F7B0] =	vst v1;
	v1 =	vld [tilespmem:$0x147D0];
	_ =	sdelay $0x4  }
0x1bd: {  	[tilespmem:$0x1F7C0] =	vst v1;
	v1 =	vld [tilespmem:$0x147E0];
	_ =	sdelay $0x4  }
0x1be: {  	[tilespmem:$0x1F7D0] =	vst v1;
	v1 =	vld [tilespmem:$0x147F0];
	_ =	sdelay $0x4  }
0x1bf: {  	[tilespmem:$0x1F7E0] =	vst v1;
	v1 =	vld [tilespmem:$0x14800];
	_ =	sdelay $0x4  }
0x1c0: {  	[tilespmem:$0x1F7F0] =	vst v1;
	v1 =	vld [tilespmem:$0x14810];
	_ =	sdelay $0x4  }
0x1c1: {  	[tilespmem:$0x1F800] =	vst v1;
	v1 =	vld [tilespmem:$0x14820];
	_ =	sdelay $0x4  }
0x1c2: {  	[tilespmem:$0x1F810] =	vst v1;
	v1 =	vld [tilespmem:$0x14830];
	_ =	sdelay $0x4  }
0x1c3: {  	[tilespmem:$0x1F820] =	vst v1;
	v1 =	vld [tilespmem:$0x14840];
	_ =	sdelay $0x4  }
0x1c4: {  	[tilespmem:$0x1F830] =	vst v1;
	v1 =	vld [tilespmem:$0x14850];
	_ =	sdelay $0x4  }
0x1c5: {  	[tilespmem:$0x1F840] =	vst v1;
	v1 =	vld [tilespmem:$0x14860];
	_ =	sdelay $0x4  }
0x1c6: {  	[tilespmem:$0x1F850] =	vst v1;
	v1 =	vld [tilespmem:$0x14870];
	_ =	sdelay $0x4  }
0x1c7: {  	[tilespmem:$0x1F860] =	vst v1;
	v1 =	vld [tilespmem:$0x14880];
	_ =	sdelay $0x4  }
0x1c8: {  	[tilespmem:$0x1F870] =	vst v1;
	v1 =	vld [tilespmem:$0x14890];
	_ =	sdelay $0x4  }
0x1c9: {  	[tilespmem:$0x1F880] =	vst v1;
	v1 =	vld [tilespmem:$0x148A0];
	_ =	sdelay $0x4  }
0x1ca: {  	[tilespmem:$0x1F890] =	vst v1;
	v1 =	vld [tilespmem:$0x148B0];
	_ =	sdelay $0x4  }
0x1cb: {  	[tilespmem:$0x1F8A0] =	vst v1;
	v1 =	vld [tilespmem:$0x148C0];
	_ =	sdelay $0x4  }
0x1cc: {  	[tilespmem:$0x1F8B0] =	vst v1;
	v1 =	vld [tilespmem:$0x148D0];
	_ =	sdelay $0x4  }
0x1cd: {  	[tilespmem:$0x1F8C0] =	vst v1;
	v1 =	vld [tilespmem:$0x148E0];
	_ =	sdelay $0x4  }
0x1ce: {  	[tilespmem:$0x1F8D0] =	vst v1;
	v1 =	vld [tilespmem:$0x148F0];
	_ =	sdelay $0x4  }
0x1cf: {  	[tilespmem:$0x1F8E0] =	vst v1;
	v1 =	vld [tilespmem:$0x14900];
	_ =	sdelay $0x4  }
0x1d0: {  	[tilespmem:$0x1F8F0] =	vst v1;
	v1 =	vld [tilespmem:$0x14910];
	_ =	sdelay $0x4  }
0x1d1: {  	[tilespmem:$0x1F900] =	vst v1;
	v1 =	vld [tilespmem:$0x14920];
	_ =	sdelay $0x4  }
0x1d2: {  	[tilespmem:$0x1F910] =	vst v1;
	v1 =	vld [tilespmem:$0x14930];
	_ =	sdelay $0x4  }
0x1d3: {  	[tilespmem:$0x1F920] =	vst v1;
	v1 =	vld [tilespmem:$0x14940];
	_ =	sdelay $0x4  }
0x1d4: {  	[tilespmem:$0x1F930] =	vst v1;
	v1 =	vld [tilespmem:$0x14950];
	_ =	sdelay $0x4  }
0x1d5: {  	[tilespmem:$0x1F940] =	vst v1;
	v1 =	vld [tilespmem:$0x14960];
	_ =	sdelay $0x4  }
0x1d6: {  	[tilespmem:$0x1F950] =	vst v1;
	v1 =	vld [tilespmem:$0x14970];
	_ =	sdelay $0x4  }
0x1d7: {  	[tilespmem:$0x1F960] =	vst v1;
	v1 =	vld [tilespmem:$0x14980];
	_ =	sdelay $0x4  }
0x1d8: {  	[tilespmem:$0x1F970] =	vst v1;
	v1 =	vld [tilespmem:$0x14990];
	_ =	sdelay $0x4  }
0x1d9: {  	[tilespmem:$0x1F980] =	vst v1;
	v1 =	vld [tilespmem:$0x149A0];
	_ =	sdelay $0x4  }
0x1da: {  	[tilespmem:$0x1F990] =	vst v1;
	v1 =	vld [tilespmem:$0x149B0];
	_ =	sdelay $0x4  }
0x1db: {  	[tilespmem:$0x1F9A0] =	vst v1;
	v1 =	vld [tilespmem:$0x149C0];
	_ =	sdelay $0x4  }
0x1dc: {  	[tilespmem:$0x1F9B0] =	vst v1;
	v1 =	vld [tilespmem:$0x149D0];
	_ =	sdelay $0x4  }
0x1dd: {  	[tilespmem:$0x1F9C0] =	vst v1;
	v1 =	vld [tilespmem:$0x149E0];
	_ =	sdelay $0x4  }
0x1de: {  	[tilespmem:$0x1F9D0] =	vst v1;
	v1 =	vld [tilespmem:$0x149F0];
	_ =	sdelay $0x4  }
0x1df: {  	[tilespmem:$0x1F9E0] =	vst v1;
	v1 =	vld [tilespmem:$0x14A00];
	_ =	sdelay $0x4  }
0x1e0: {  	[tilespmem:$0x1F9F0] =	vst v1;
	v1 =	vld [tilespmem:$0x14A10];
	_ =	sdelay $0x4  }
0x1e1: {  	[tilespmem:$0x1FA00] =	vst v1;
	v1 =	vld [tilespmem:$0x14A20];
	_ =	sdelay $0x4  }
0x1e2: {  	[tilespmem:$0x1FA10] =	vst v1;
	v1 =	vld [tilespmem:$0x14A30];
	_ =	sdelay $0x4  }
0x1e3: {  	[tilespmem:$0x1FA20] =	vst v1;
	v1 =	vld [tilespmem:$0x14A40];
	_ =	sdelay $0x4  }
0x1e4: {  	[tilespmem:$0x1FA30] =	vst v1;
	v1 =	vld [tilespmem:$0x14A50];
	_ =	sdelay $0x4  }
0x1e5: {  	[tilespmem:$0x1FA40] =	vst v1;
	v1 =	vld [tilespmem:$0x14A60];
	_ =	sdelay $0x4  }
0x1e6: {  	[tilespmem:$0x1FA50] =	vst v1;
	v1 =	vld [tilespmem:$0x14A70];
	_ =	sdelay $0x4  }
0x1e7: {  	[tilespmem:$0x1FA60] =	vst v1;
	v1 =	vld [tilespmem:$0x14A80];
	_ =	sdelay $0x4  }
0x1e8: {  	[tilespmem:$0x1FA70] =	vst v1;
	v1 =	vld [tilespmem:$0x14A90];
	_ =	sdelay $0x4  }
0x1e9: {  	[tilespmem:$0x1FA80] =	vst v1;
	v1 =	vld [tilespmem:$0x14AA0];
	_ =	sdelay $0x4  }
0x1ea: {  	[tilespmem:$0x1FA90] =	vst v1;
	v1 =	vld [tilespmem:$0x14AB0];
	_ =	sdelay $0x4  }
0x1eb: {  	[tilespmem:$0x1FAA0] =	vst v1;
	v1 =	vld [tilespmem:$0x14AC0];
	_ =	sdelay $0x4  }
0x1ec: {  	[tilespmem:$0x1FAB0] =	vst v1;
	v1 =	vld [tilespmem:$0x14AD0];
	_ =	sdelay $0x4  }
0x1ed: {  	[tilespmem:$0x1FAC0] =	vst v1;
	v1 =	vld [tilespmem:$0x14AE0];
	_ =	sdelay $0x4  }
0x1ee: {  	[tilespmem:$0x1FAD0] =	vst v1;
	v1 =	vld [tilespmem:$0x14AF0];
	_ =	sdelay $0x4  }
0x1ef: {  	[tilespmem:$0x1FAE0] =	vst v1;
	v1 =	vld [tilespmem:$0x14B00];
	_ =	sdelay $0x4  }
0x1f0: {  	[tilespmem:$0x1FAF0] =	vst v1;
	v1 =	vld [tilespmem:$0x14B10];
	_ =	sdelay $0x4  }
0x1f1: {  	[tilespmem:$0x1FB00] =	vst v1;
	v1 =	vld [tilespmem:$0x14B20];
	_ =	sdelay $0x4  }
0x1f2: {  	[tilespmem:$0x1FB10] =	vst v1;
	v1 =	vld [tilespmem:$0x14B30];
	_ =	sdelay $0x4  }
0x1f3: {  	[tilespmem:$0x1FB20] =	vst v1;
	v1 =	vld [tilespmem:$0x14B40];
	_ =	sdelay $0x4  }
0x1f4: {  	[tilespmem:$0x1FB30] =	vst v1;
	v1 =	vld [tilespmem:$0x14B50];
	_ =	sdelay $0x4  }
0x1f5: {  	[tilespmem:$0x1FB40] =	vst v1;
	v1 =	vld [tilespmem:$0x14B60];
	_ =	sdelay $0x4  }
0x1f6: {  	[tilespmem:$0x1FB50] =	vst v1;
	v1 =	vld [tilespmem:$0x14B70];
	_ =	sdelay $0x4  }
0x1f7: {  	[tilespmem:$0x1FB60] =	vst v1;
	v1 =	vld [tilespmem:$0x14B80];
	_ =	sdelay $0x4  }
0x1f8: {  	[tilespmem:$0x1FB70] =	vst v1;
	v1 =	vld [tilespmem:$0x14B90];
	_ =	sdelay $0x4  }
0x1f9: {  	[tilespmem:$0x1FB80] =	vst v1;
	v1 =	vld [tilespmem:$0x14BA0];
	_ =	sdelay $0x4  }
0x1fa: {  	[tilespmem:$0x1FB90] =	vst v1;
	v1 =	vld [tilespmem:$0x14BB0];
	_ =	sdelay $0x4  }
0x1fb: {  	[tilespmem:$0x1FBA0] =	vst v1;
	v1 =	vld [tilespmem:$0x14BC0];
	_ =	sdelay $0x4  }
0x1fc: {  	[tilespmem:$0x1FBB0] =	vst v1;
	v1 =	vld [tilespmem:$0x14BD0];
	_ =	sdelay $0x4  }
0x1fd: {  	[tilespmem:$0x1FBC0] =	vst v1;
	v1 =	vld [tilespmem:$0x14BE0];
	_ =	sdelay $0x4  }
0x1fe: {  	[tilespmem:$0x1FBD0] =	vst v1;
	v1 =	vld [tilespmem:$0x14BF0];
	_ =	sdelay $0x4  }
0x1ff: {  	[tilespmem:$0x1FBE0] =	vst v1;
	v1 =	vld [tilespmem:$0x14C00];
	_ =	sdelay $0x4  }
0x200: {  	[tilespmem:$0x1FBF0] =	vst v1;
	v1 =	vld [tilespmem:$0x14C10];
	_ =	sdelay $0x4  }
0x201: {  	[tilespmem:$0x1FC00] =	vst v1;
	v1 =	vld [tilespmem:$0x14C20];
	_ =	sdelay $0x4  }
0x202: {  	[tilespmem:$0x1FC10] =	vst v1;
	v1 =	vld [tilespmem:$0x14C30];
	_ =	sdelay $0x4  }
0x203: {  	[tilespmem:$0x1FC20] =	vst v1;
	v1 =	vld [tilespmem:$0x14C40];
	_ =	sdelay $0x4  }
0x204: {  	[tilespmem:$0x1FC30] =	vst v1;
	v1 =	vld [tilespmem:$0x14C50];
	_ =	sdelay $0x4  }
0x205: {  	[tilespmem:$0x1FC40] =	vst v1;
	v1 =	vld [tilespmem:$0x14C60];
	_ =	sdelay $0x4  }
0x206: {  	[tilespmem:$0x1FC50] =	vst v1;
	v1 =	vld [tilespmem:$0x14C70];
	_ =	sdelay $0x4  }
0x207: {  	[tilespmem:$0x1FC60] =	vst v1;
	v1 =	vld [tilespmem:$0x14C80];
	_ =	sdelay $0x4  }
0x208: {  	[tilespmem:$0x1FC70] =	vst v1;
	v1 =	vld [tilespmem:$0x14C90];
	_ =	sdelay $0x4  }
0x209: {  	[tilespmem:$0x1FC80] =	vst v1;
	v1 =	vld [tilespmem:$0x14CA0];
	_ =	sdelay $0x4  }
0x20a: {  	[tilespmem:$0x1FC90] =	vst v1;
	v1 =	vld [tilespmem:$0x14CB0];
	_ =	sdelay $0x4  }
0x20b: {  	[tilespmem:$0x1FCA0] =	vst v1;
	v1 =	vld [tilespmem:$0x14CC0];
	_ =	sdelay $0x4  }
0x20c: {  	[tilespmem:$0x1FCB0] =	vst v1;
	v1 =	vld [tilespmem:$0x14CD0];
	_ =	sdelay $0x4  }
0x20d: {  	[tilespmem:$0x1FCC0] =	vst v1;
	v1 =	vld [tilespmem:$0x14CE0];
	_ =	sdelay $0x4  }
0x20e: {  	[tilespmem:$0x1FCD0] =	vst v1;
	v1 =	vld [tilespmem:$0x14CF0];
	_ =	sdelay $0x4  }
0x20f: {  	[tilespmem:$0x1FCE0] =	vst v1;
	v1 =	vld [tilespmem:$0x14D00];
	_ =	sdelay $0x4  }
0x210: {  	[tilespmem:$0x1FCF0] =	vst v1;
	v1 =	vld [tilespmem:$0x14D10];
	_ =	sdelay $0x4  }
0x211: {  	[tilespmem:$0x1FD00] =	vst v1;
	v1 =	vld [tilespmem:$0x14D20];
	_ =	sdelay $0x4  }
0x212: {  	[tilespmem:$0x1FD10] =	vst v1;
	v1 =	vld [tilespmem:$0x14D30];
	_ =	sdelay $0x4  }
0x213: {  	[tilespmem:$0x1FD20] =	vst v1;
	v1 =	vld [tilespmem:$0x14D40];
	_ =	sdelay $0x4  }
0x214: {  	[tilespmem:$0x1FD30] =	vst v1;
	v1 =	vld [tilespmem:$0x14D50];
	_ =	sdelay $0x4  }
0x215: {  	[tilespmem:$0x1FD40] =	vst v1;
	v1 =	vld [tilespmem:$0x14D60];
	_ =	sdelay $0x4  }
0x216: {  	[tilespmem:$0x1FD50] =	vst v1;
	v1 =	vld [tilespmem:$0x14D70];
	_ =	sdelay $0x4  }
0x217: {  	[tilespmem:$0x1FD60] =	vst v1;
	v1 =	vld [tilespmem:$0x14D80];
	_ =	sdelay $0x4  }
0x218: {  	[tilespmem:$0x1FD70] =	vst v1;
	v1 =	vld [tilespmem:$0x14D90];
	_ =	sdelay $0x4  }
0x219: {  	[tilespmem:$0x1FD80] =	vst v1;
	v1 =	vld [tilespmem:$0x14DA0];
	_ =	sdelay $0x4  }
0x21a: {  	[tilespmem:$0x1FD90] =	vst v1;
	v1 =	vld [tilespmem:$0x14DB0];
	_ =	sdelay $0x4  }
0x21b: {  	[tilespmem:$0x1FDA0] =	vst v1;
	v1 =	vld [tilespmem:$0x14DC0];
	_ =	sdelay $0x4  }
0x21c: {  	[tilespmem:$0x1FDB0] =	vst v1;
	v1 =	vld [tilespmem:$0x14DD0];
	_ =	sdelay $0x4  }
0x21d: {  	[tilespmem:$0x1FDC0] =	vst v1;
	v1 =	vld [tilespmem:$0x14DE0];
	_ =	sdelay $0x4  }
0x21e: {  	[tilespmem:$0x1FDD0] =	vst v1;
	v1 =	vld [tilespmem:$0x14DF0];
	_ =	sdelay $0x4  }
0x21f: {  	[tilespmem:$0x1FDE0] =	vst v1;
	v1 =	vld [tilespmem:$0x14E00];
	_ =	sdelay $0x4  }
0x220: {  	[tilespmem:$0x1FDF0] =	vst v1;
	v1 =	vld [tilespmem:$0x14E10];
	_ =	sdelay $0x4  }
0x221: {  	[tilespmem:$0x1FE00] =	vst v1;
	v1 =	vld [tilespmem:$0x14E20];
	_ =	sdelay $0x4  }
0x222: {  	[tilespmem:$0x1FE10] =	vst v1;
	v1 =	vld [tilespmem:$0x14E30];
	_ =	sdelay $0x4  }
0x223: {  	[tilespmem:$0x1FE20] =	vst v1;
	v1 =	vld [tilespmem:$0x14E40];
	_ =	sdelay $0x4  }
0x224: {  	[tilespmem:$0x1FE30] =	vst v1;
	v1 =	vld [tilespmem:$0x14E50];
	_ =	sdelay $0x4  }
0x225: {  	[tilespmem:$0x1FE40] =	vst v1;
	v1 =	vld [tilespmem:$0x14E60];
	_ =	sdelay $0x4  }
0x226: {  	[tilespmem:$0x1FE50] =	vst v1;
	v1 =	vld [tilespmem:$0x14E70];
	_ =	sdelay $0x4  }
0x227: {  	[tilespmem:$0x1FE60] =	vst v1;
	v1 =	vld [tilespmem:$0x14E80];
	_ =	sdelay $0x4  }
0x228: {  	[tilespmem:$0x1FE70] =	vst v1;
	v1 =	vld [tilespmem:$0x14E90];
	_ =	sdelay $0x4  }
0x229: {  	[tilespmem:$0x1FE80] =	vst v1;
	v1 =	vld [tilespmem:$0x14EA0];
	_ =	sdelay $0x4  }
0x22a: {  	[tilespmem:$0x1FE90] =	vst v1;
	v1 =	vld [tilespmem:$0x14EB0];
	_ =	sdelay $0x4  }
0x22b: {  	[tilespmem:$0x1FEA0] =	vst v1;
	v1 =	vld [tilespmem:$0x14EC0];
	_ =	sdelay $0x4  }
0x22c: {  	[tilespmem:$0x1FEB0] =	vst v1;
	v1 =	vld [tilespmem:$0x14ED0];
	_ =	sdelay $0x4  }
0x22d: {  	[tilespmem:$0x1FEC0] =	vst v1;
	v1 =	vld [tilespmem:$0x14EE0];
	_ =	sdelay $0x4  }
0x22e: {  	[tilespmem:$0x1FED0] =	vst v1;
	v1 =	vld [tilespmem:$0x14EF0];
	_ =	sdelay $0x4  }
0x22f: {  	[tilespmem:$0x1FEE0] =	vst v1;
	v1 =	vld [tilespmem:$0x14F00];
	_ =	sdelay $0x4  }
0x230: {  	[tilespmem:$0x1FEF0] =	vst v1;
	v1 =	vld [tilespmem:$0x14F10];
	_ =	sdelay $0x4  }
0x231: {  	[tilespmem:$0x1FF00] =	vst v1;
	v1 =	vld [tilespmem:$0x14F20];
	_ =	sdelay $0x4  }
0x232: {  	[tilespmem:$0x1FF10] =	vst v1;
	v1 =	vld [tilespmem:$0x14F30];
	_ =	sdelay $0x4  }
0x233: {  	[tilespmem:$0x1FF20] =	vst v1;
	v1 =	vld [tilespmem:$0x14F40];
	_ =	sdelay $0x4  }
0x234: {  	[tilespmem:$0x1FF30] =	vst v1;
	v1 =	vld [tilespmem:$0x14F50];
	_ =	sdelay $0x4  }
0x235: {  	[tilespmem:$0x1FF40] =	vst v1;
	v1 =	vld [tilespmem:$0x14F60];
	_ =	sdelay $0x4  }
0x236: {  	[tilespmem:$0x1FF50] =	vst v1;
	v1 =	vld [tilespmem:$0x14F70];
	_ =	sdelay $0x2  }
0x237: {  	s30 =	sand.u32 $0x1F0, s24  }
0x238: {  	v61 =	vld [tilespmem:s30+$0x14F80]  }
0x239: {  	v22 =	vimm.s32 $0x0;
	s0 =	simm.s32 $0x10;
	[tilespmem:$0x1FF60] =	vst v1  }
.LBB2_6:
0x23a: {  	p0 =	sne.s32 s0, $0x140  }
.Ltmp4:
0x23b: {  	_ = 	snop;
	(pc) =	sbr.rel @p0 .LBB2_6-.Ltmp4, $4  }
0x23c: {  	_ = 	snop  }
0x23d: {  	s2 =	sand.u32 $0x1F0, s0;
	s0 =	sadd.s32 $0x10, s0;
	vm2 =	vlt.s32 v61, v11  }
0x23e: {  	v61 =	vld [tilespmem:s2+$0x14F80];
	v1 =	vsel vm2, $0x1, v21  }
0x23f: {  	v22 =	vadd.s32 v1, v22  }
0x240: {  	v1 =	vld [tilespmem:$0x150D0];
	_ =	sdelay $0x4  }
0x241: {  	[tilespmem:$0x1EEB0] =	vst v1;
	v1 =	vld [tilespmem:$0x150E0];
	_ =	sdelay $0x4  }
0x242: {  	[tilespmem:$0x1EEC0] =	vst v1;
	v1 =	vld [tilespmem:$0x150F0];
	_ =	sdelay $0x4  }
0x243: {  	[tilespmem:$0x1EED0] =	vst v1;
	v1 =	vld [tilespmem:$0x15100];
	_ =	sdelay $0x4  }
0x244: {  	[tilespmem:$0x1EEE0] =	vst v1;
	v1 =	vld [tilespmem:$0x15110];
	_ =	sdelay $0x4  }
0x245: {  	[tilespmem:$0x1EEF0] =	vst v1;
	v1 =	vld [tilespmem:$0x15120];
	_ =	sdelay $0x4  }
0x246: {  	[tilespmem:$0x1EF00] =	vst v1;
	v1 =	vld [tilespmem:$0x15130];
	_ =	sdelay $0x4  }
0x247: {  	[tilespmem:$0x1EF10] =	vst v1;
	v1 =	vld [tilespmem:$0x15140];
	_ =	sdelay $0x4  }
0x248: {  	[tilespmem:$0x1EF20] =	vst v1;
	v1 =	vld [tilespmem:$0x15150];
	_ =	sdelay $0x4  }
0x249: {  	[tilespmem:$0x1EF30] =	vst v1;
	v1 =	vld [tilespmem:$0x15160];
	_ =	sdelay $0x4  }
0x24a: {  	[tilespmem:$0x1EF40] =	vst v1;
	v1 =	vld [tilespmem:$0x15170];
	_ =	sdelay $0x4  }
0x24b: {  	[tilespmem:$0x1EF50] =	vst v1;
	v1 =	vld [tilespmem:$0x15180];
	_ =	sdelay $0x4  }
0x24c: {  	[tilespmem:$0x1EF60] =	vst v1;
	v1 =	vld [tilespmem:$0x15190];
	_ =	sdelay $0x4  }
0x24d: {  	[tilespmem:$0x1EF70] =	vst v1;
	v1 =	vld [tilespmem:$0x151A0];
	_ =	sdelay $0x4  }
0x24e: {  	[tilespmem:$0x1EF80] =	vst v1;
	v1 =	vld [tilespmem:$0x151B0];
	_ =	sdelay $0x4  }
0x24f: {  	[tilespmem:$0x1EF90] =	vst v1;
	v1 =	vld [tilespmem:$0x151C0];
	_ =	sdelay $0x4  }
0x250: {  	[tilespmem:$0x1EFA0] =	vst v1;
	v1 =	vld [tilespmem:$0x151D0];
	_ =	sdelay $0x4  }
0x251: {  	[tilespmem:$0x1EFB0] =	vst v1;
	v1 =	vld [tilespmem:$0x151E0];
	_ =	sdelay $0x4  }
0x252: {  	[tilespmem:$0x1EFC0] =	vst v1;
	v1 =	vld [tilespmem:$0x151F0];
	_ =	sdelay $0x4  }
0x253: {  	[tilespmem:$0x1EFD0] =	vst v1;
	v1 =	vld [tilespmem:$0x15200];
	_ =	sdelay $0x4  }
0x254: {  	[tilespmem:$0x1EFE0] =	vst v1;
	v1 =	vld [tilespmem:$0x15210];
	_ =	sdelay $0x4  }
0x255: {  	[tilespmem:$0x1EFF0] =	vst v1;
	v1 =	vld [tilespmem:$0x15220];
	_ =	sdelay $0x4  }
0x256: {  	[tilespmem:$0x1F000] =	vst v1;
	v1 =	vld [tilespmem:$0x15230];
	_ =	sdelay $0x4  }
0x257: {  	[tilespmem:$0x1F010] =	vst v1;
	v1 =	vld [tilespmem:$0x15240];
	_ =	sdelay $0x4  }
0x258: {  	[tilespmem:$0x1F020] =	vst v1;
	v1 =	vld [tilespmem:$0x15250];
	_ =	sdelay $0x4  }
0x259: {  	[tilespmem:$0x1F030] =	vst v1;
	v1 =	vld [tilespmem:$0x15260];
	_ =	sdelay $0x4  }
0x25a: {  	[tilespmem:$0x1F040] =	vst v1;
	v1 =	vld [tilespmem:$0x15270];
	_ =	sdelay $0x4  }
0x25b: {  	[tilespmem:$0x1F050] =	vst v1;
	v1 =	vld [tilespmem:$0x15280];
	_ =	sdelay $0x4  }
0x25c: {  	[tilespmem:$0x1F060] =	vst v1;
	v1 =	vld [tilespmem:$0x15290];
	_ =	sdelay $0x4  }
0x25d: {  	[tilespmem:$0x1F070] =	vst v1;
	v1 =	vld [tilespmem:$0x152A0];
	_ =	sdelay $0x4  }
0x25e: {  	[tilespmem:$0x1F080] =	vst v1;
	v1 =	vld [tilespmem:$0x152B0];
	_ =	sdelay $0x4  }
0x25f: {  	[tilespmem:$0x1F090] =	vst v1;
	v1 =	vld [tilespmem:$0x152C0];
	_ =	sdelay $0x4  }
0x260: {  	[tilespmem:$0x1F0A0] =	vst v1;
	v1 =	vld [tilespmem:$0x152D0];
	_ =	sdelay $0x4  }
0x261: {  	[tilespmem:$0x1F0B0] =	vst v1;
	v1 =	vld [tilespmem:$0x152E0];
	_ =	sdelay $0x4  }
0x262: {  	[tilespmem:$0x1F0C0] =	vst v1;
	v1 =	vld [tilespmem:$0x152F0];
	_ =	sdelay $0x4  }
0x263: {  	[tilespmem:$0x1F0D0] =	vst v1;
	v1 =	vld [tilespmem:$0x15300];
	_ =	sdelay $0x4  }
0x264: {  	[tilespmem:$0x1F0E0] =	vst v1;
	v1 =	vld [tilespmem:$0x15310];
	_ =	sdelay $0x4  }
0x265: {  	[tilespmem:$0x1F0F0] =	vst v1;
	v1 =	vld [tilespmem:$0x15320];
	_ =	sdelay $0x4  }
0x266: {  	[tilespmem:$0x1F100] =	vst v1;
	v1 =	vld [tilespmem:$0x15330];
	_ =	sdelay $0x4  }
0x267: {  	[tilespmem:$0x1F110] =	vst v1;
	v1 =	vld [tilespmem:$0x15340];
	_ =	sdelay $0x4  }
0x268: {  	[tilespmem:$0x1F120] =	vst v1;
	v1 =	vld [tilespmem:$0x15350];
	_ =	sdelay $0x4  }
0x269: {  	[tilespmem:$0x1F130] =	vst v1;
	v1 =	vld [tilespmem:$0x15360];
	_ =	sdelay $0x4  }
0x26a: {  	[tilespmem:$0x1F140] =	vst v1;
	v1 =	vld [tilespmem:$0x15370];
	_ =	sdelay $0x4  }
0x26b: {  	[tilespmem:$0x1F150] =	vst v1;
	v1 =	vld [tilespmem:$0x15380];
	_ =	sdelay $0x4  }
0x26c: {  	[tilespmem:$0x1F160] =	vst v1;
	v1 =	vld [tilespmem:$0x15390];
	_ =	sdelay $0x4  }
0x26d: {  	[tilespmem:$0x1F170] =	vst v1;
	v1 =	vld [tilespmem:$0x153A0];
	_ =	sdelay $0x4  }
0x26e: {  	[tilespmem:$0x1F180] =	vst v1;
	v1 =	vld [tilespmem:$0x153B0];
	_ =	sdelay $0x4  }
0x26f: {  	[tilespmem:$0x1F190] =	vst v1;
	v1 =	vld [tilespmem:$0x153C0];
	_ =	sdelay $0x4  }
0x270: {  	[tilespmem:$0x1F1A0] =	vst v1;
	v1 =	vld [tilespmem:$0x153D0];
	_ =	sdelay $0x4  }
0x271: {  	[tilespmem:$0x1F1B0] =	vst v1;
	v1 =	vld [tilespmem:$0x153E0];
	_ =	sdelay $0x4  }
0x272: {  	[tilespmem:$0x1F1C0] =	vst v1;
	v1 =	vld [tilespmem:$0x153F0];
	_ =	sdelay $0x4  }
0x273: {  	[tilespmem:$0x1F1D0] =	vst v1;
	v1 =	vld [tilespmem:$0x15400];
	_ =	sdelay $0x4  }
0x274: {  	[tilespmem:$0x1F1E0] =	vst v1;
	v1 =	vld [tilespmem:$0x15410];
	_ =	sdelay $0x4  }
0x275: {  	[tilespmem:$0x1F1F0] =	vst v1;
	v1 =	vld [tilespmem:$0x15420];
	_ =	sdelay $0x4  }
0x276: {  	[tilespmem:$0x1F200] =	vst v1;
	v1 =	vld [tilespmem:$0x15430];
	_ =	sdelay $0x4  }
0x277: {  	[tilespmem:$0x1F210] =	vst v1;
	v1 =	vld [tilespmem:$0x15440];
	_ =	sdelay $0x4  }
0x278: {  	[tilespmem:$0x1F220] =	vst v1;
	v1 =	vld [tilespmem:$0x15450];
	_ =	sdelay $0x4  }
0x279: {  	[tilespmem:$0x1F230] =	vst v1;
	v1 =	vld [tilespmem:$0x15460];
	_ =	sdelay $0x4  }
0x27a: {  	[tilespmem:$0x1F240] =	vst v1;
	v1 =	vld [tilespmem:$0x15470];
	_ =	sdelay $0x4  }
0x27b: {  	[tilespmem:$0x1F250] =	vst v1;
	v1 =	vld [tilespmem:$0x15480];
	_ =	sdelay $0x4  }
0x27c: {  	[tilespmem:$0x1F260] =	vst v1;
	v1 =	vld [tilespmem:$0x15490];
	_ =	sdelay $0x4  }
0x27d: {  	[tilespmem:$0x1F270] =	vst v1;
	v1 =	vld [tilespmem:$0x154A0];
	_ =	sdelay $0x4  }
0x27e: {  	[tilespmem:$0x1F280] =	vst v1;
	v1 =	vld [tilespmem:$0x154B0];
	_ =	sdelay $0x4  }
0x27f: {  	[tilespmem:$0x1F290] =	vst v1;
	v1 =	vld [tilespmem:$0x154F0];
	_ =	sdelay $0x4  }
0x280: {  	[tilespmem:$0x1F2A0] =	vst v1;
	v1 =	vld [tilespmem:$0x15500];
	_ =	sdelay $0x4  }
0x281: {  	[tilespmem:$0x1F2B0] =	vst v1;
	v1 =	vld [tilespmem:$0x15510];
	_ =	sdelay $0x4  }
0x282: {  	[tilespmem:$0x1F2C0] =	vst v1;
	v1 =	vld [tilespmem:$0x15520];
	_ =	sdelay $0x4  }
0x283: {  	[tilespmem:$0x1F2D0] =	vst v1;
	v1 =	vld [tilespmem:$0x15530];
	_ =	sdelay $0x4  }
0x284: {  	[tilespmem:$0x1F2E0] =	vst v1;
	v1 =	vld [tilespmem:$0x15540];
	_ =	sdelay $0x4  }
0x285: {  	[tilespmem:$0x1F2F0] =	vst v1;
	v1 =	vld [tilespmem:$0x15550];
	_ =	sdelay $0x4  }
0x286: {  	[tilespmem:$0x1F300] =	vst v1;
	v1 =	vld [tilespmem:$0x15560];
	_ =	sdelay $0x4  }
0x287: {  	[tilespmem:$0x1F310] =	vst v1;
	v1 =	vld [tilespmem:$0x15570];
	_ =	sdelay $0x4  }
0x288: {  	[tilespmem:$0x1F320] =	vst v1;
	v1 =	vld [tilespmem:$0x15580];
	_ =	sdelay $0x4  }
0x289: {  	[tilespmem:$0x1F330] =	vst v1;
	v1 =	vld [tilespmem:$0x15590];
	_ =	sdelay $0x4  }
0x28a: {  	[tilespmem:$0x1F340] =	vst v1;
	v1 =	vld [tilespmem:$0x155A0];
	_ =	sdelay $0x4  }
0x28b: {  	[tilespmem:$0x1F350] =	vst v1;
	v1 =	vld [tilespmem:$0x155B0];
	_ =	sdelay $0x4  }
0x28c: {  	[tilespmem:$0x1F360] =	vst v1;
	v1 =	vld [tilespmem:$0x155C0];
	_ =	sdelay $0x4  }
0x28d: {  	[tilespmem:$0x1F370] =	vst v1;
	v1 =	vld [tilespmem:$0x155D0];
	_ =	sdelay $0x4  }
0x28e: {  	[tilespmem:$0x1F380] =	vst v1;
	v1 =	vld [tilespmem:$0x155E0];
	_ =	sdelay $0x4  }
0x28f: {  	[tilespmem:$0x1F390] =	vst v1;
	v1 =	vld [tilespmem:$0x155F0];
	_ =	sdelay $0x4  }
0x290: {  	[tilespmem:$0x1F3A0] =	vst v1;
	v1 =	vld [tilespmem:$0x15600];
	_ =	sdelay $0x4  }
0x291: {  	[tilespmem:$0x1F3B0] =	vst v1;
	v1 =	vld [tilespmem:$0x15660];
	_ =	sdelay $0x4  }
0x292: {  	[tilespmem:$0x1F3C0] =	vst v1;
	v1 =	vld [tilespmem:$0x15670];
	_ =	sdelay $0x4  }
0x293: {  	[tilespmem:$0x1F3D0] =	vst v1;
	v1 =	vld [tilespmem:$0x15680];
	_ =	sdelay $0x4  }
0x294: {  	[tilespmem:$0x1F3E0] =	vst v1;
	v1 =	vld [tilespmem:$0x15690];
	_ =	sdelay $0x4  }
0x295: {  	[tilespmem:$0x1F3F0] =	vst v1;
	v1 =	vld [tilespmem:$0x156A0];
	_ =	sdelay $0x3  }
0x296: {  	v53 =	vld [tilespmem:$0x154C0]  }
0x297: {  	[tilespmem:$0x1F400] =	vst v1;
	v1 =	vld [tilespmem:$0x156B0]  }
0x298: {  	v54 =	vld [tilespmem:$0x154D0]  }
0x299: {  	v55 =	vld [tilespmem:$0x154E0]  }
0x29a: {  	v58 =	vld [tilespmem:$0x15610]  }
0x29b: {  	v59 =	vld [tilespmem:$0x15620]  }
0x29c: {  	[tilespmem:$0x1F410] =	vst v1;
	v1 =	vld [tilespmem:$0x156C0]  }
0x29d: {  	v57 =	vld [tilespmem:$0x15630]  }
0x29e: {  	v56 =	vld [tilespmem:$0x15640]  }
0x29f: {  	v52 =	vld [tilespmem:$0x15650]  }
0x2a0: {  	v42 =	vld [tilespmem:$0x15760]  }
0x2a1: {  	[tilespmem:$0x1F420] =	vst v1;
	v1 =	vld [tilespmem:$0x156D0]  }
0x2a2: {  	v43 =	vld [tilespmem:$0x15770]  }
0x2a3: {  	v41 =	vld [tilespmem:$0x15780]  }
0x2a4: {  	v40 =	vld [tilespmem:$0x15790]  }
0x2a5: {  	v38 =	vld [tilespmem:$0x157A0]  }
0x2a6: {  	[tilespmem:$0x1F430] =	vst v1;
	v1 =	vld [tilespmem:$0x156E0]  }
0x2a7: {  	v37 =	vld [tilespmem:$0x157B0]  }
0x2a8: {  	v35 =	vld [tilespmem:$0x157C0]  }
0x2a9: {  	v34 =	vld [tilespmem:$0x157D0]  }
0x2aa: {  	v32 =	vld [tilespmem:$0x157E0]  }
0x2ab: {  	[tilespmem:$0x1F440] =	vst v1;
	v1 =	vld [tilespmem:$0x156F0]  }
0x2ac: {  	v31 =	vld [tilespmem:$0x157F0]  }
0x2ad: {  	v29 =	vld [tilespmem:$0x15800]  }
0x2ae: {  	v28 =	vld [tilespmem:$0x15810]  }
0x2af: {  	v26 =	vld [tilespmem:$0x15820]  }
0x2b0: {  	[tilespmem:$0x1F450] =	vst v1;
	v1 =	vld [tilespmem:$0x15700]  }
0x2b1: {  	v25 =	vld [tilespmem:$0x15830]  }
0x2b2: {  	v24 =	vld [tilespmem:$0x15840]  }
0x2b3: {  	v23 =	vld [tilespmem:$0x15850]  }
0x2b4: {  	v19 =	vld [tilespmem:$0x15860]  }
0x2b5: {  	[tilespmem:$0x1F460] =	vst v1;
	v1 =	vld [tilespmem:$0x15710]  }
0x2b6: {  	v63 =	vld [tilespmem:$0x15870]  }
0x2b7: {  	v62 =	vld [tilespmem:$0x15880]  }
0x2b8: {  	v60 =	vld [tilespmem:$0x15890]  }
0x2b9: {  	v8 =	vld [tilespmem:$0x158B0]  }
0x2ba: {  	[tilespmem:$0x1F470] =	vst v1;
	v1 =	vld [tilespmem:$0x15720]  }
0x2bb: {  	v51 =	vld [tilespmem:$0x158C0]  }
0x2bc: {  	v9 =	vld [tilespmem:$0x158D0]  }
0x2bd: {  	v7 =	vld [tilespmem:$0x158E0]  }
0x2be: {  	v6 =	vld [tilespmem:$0x158F0]  }
0x2bf: {  	[tilespmem:$0x1F480] =	vst v1;
	v1 =	vld [tilespmem:$0x15730]  }
0x2c0: {  	v5 =	vld [tilespmem:$0x15900]  }
0x2c1: {  	v4 =	vld [tilespmem:$0x15910]  }
0x2c2: {  	v50 =	vld [tilespmem:$0x15930]  }
0x2c3: {  	v49 =	vld [tilespmem:$0x15940]  }
0x2c4: {  	[tilespmem:$0x1F490] =	vst v1;
	v1 =	vld [tilespmem:$0x15740]  }
0x2c5: {  	v48 =	vld [tilespmem:$0x15950]  }
0x2c6: {  	v47 =	vld [tilespmem:$0x15960]  }
0x2c7: {  	v46 =	vld [tilespmem:$0x15970]  }
0x2c8: {  	v45 =	vld [tilespmem:$0x15980]  }
0x2c9: {  	[tilespmem:$0x1F4A0] =	vst v1;
	v1 =	vld [tilespmem:$0x15750]  }
0x2ca: {  	v44 =	vld [tilespmem:$0x15990]  }
0x2cb: {  	v39 =	vld [tilespmem:$0x159A0]  }
0x2cc: {  	v10 =	vld [tilespmem:$0x159F0]  }
0x2cd: {  	v36 =	vld [tilespmem:$0x159B0]  }
0x2ce: {  	[tilespmem:$0x1F4B0] =	vst v1;
	v1 =	vld [tilespmem:$0x158A0]  }
0x2cf: {  	v33 =	vld [tilespmem:$0x159C0];
	vm2 =	vlt.s32 v61, v11  }
0x2d0: {  	v30 =	vld [tilespmem:$0x159D0];
	s0 =	simm.s32 $0x0;
	v61 =	vsel vm2, $0x1, v21  }
0x2d1: {  	v27 =	vld [tilespmem:$0x159E0];
	s2 =	sand.u32 $0x1F0, s0;
	[tilespmem:$0x1F4D0] =	vst v10;
	v10 =	vadd.s32 v61, v22  }
0x2d2: {  	v22 =	vld [tilespmem:s2+$0x15A00];
	[tilespmem:$0x1F4E0] =	vst v10  }
0x2d3: {  	s0 =	simm.s32 $0x10;
	v61 =	vimm.s32 $0x0;
	[tilespmem:$0x1F4C0] =	vst v1;
	v1 =	vld [tilespmem:$0x15920]  }
.LBB2_8:
0x2d4: {  	p0 =	sne.s32 s0, $0x140  }
.Ltmp5:
0x2d5: {  	_ = 	snop;
	(pc) =	sbr.rel @p0 .LBB2_8-.Ltmp5, $4  }
0x2d6: {  	_ = 	snop  }
0x2d7: {  	s2 =	sand.u32 $0x1F0, s0;
	s0 =	sadd.s32 $0x10, s0;
	vm2 =	vlt.s32 v22, v3  }
0x2d8: {  	v22 =	vld [tilespmem:s2+$0x15A00];
	v10 =	vsel vm2, $0x1, v21  }
0x2d9: {  	v61 =	vadd.s32 v10, v61  }
0x2da: {  	vm2 =	vlt.s32 v8, v18  }
0x2db: {  	vm3 =	vlt.s32 v51, v18;
	vm4 =	vlt.s32 v9, v18;
	vm5 =	vlt.s32 v54, v15  }
0x2dc: {  	vm6 =	vlt.s32 v55, v15;
	v8 =	vsel vm2, $0x1, v21;
	v9 =	vsel vm3, $0x1, v21  }
0x2dd: {  	vm2 =	vlt.s32 v7, v18;
	v51 =	vsel vm4, $0x1, v21;
	v8 =	vadd.s32 v9, v8  }
0x2de: {  	vm3 =	vlt.s32 v6, v18;
	vm4 =	vlt.s32 v43, v17;
	v7 =	vadd.s32 v51, v8  }
0x2df: {  	v51 =	vsel vm2, $0x1, v21;
	vm2 =	vlt.s32 v5, v18;
	v5 =	vsel vm3, $0x1, v21  }
0x2e0: {  	vm3 =	vlt.s32 v4, v18;
	v6 =	vadd.s32 v51, v7;
	v4 =	vsel vm2, $0x1, v21  }
0x2e1: {  	vm2 =	vlt.s32 v1, v18;
	v1 =	vsel vm3, $0x1, v21;
	v5 =	vadd.s32 v5, v6  }
0x2e2: {  	vm3 =	vlt.s32 v50, v18;
	v51 =	vsel vm4, $0x1, v21;
	v4 =	vadd.s32 v4, v5  }
0x2e3: {  	vm4 =	vlt.s32 v40, v17;
	v1 =	vadd.s32 v1, v4;
	v4 =	vsel vm2, $0x1, v21  }
0x2e4: {  	vm2 =	vlt.s32 v49, v18;
	v1 =	vadd.s32 v4, v1;
	v4 =	vsel vm3, $0x1, v21  }
0x2e5: {  	vm3 =	vlt.s32 v42, v17;
	v42 =	vsel vm4, $0x1, v21;
	vm4 =	vlt.s32 v37, v17  }
0x2e6: {  	v1 =	vadd.s32 v4, v1;
	v4 =	vsel vm2, $0x1, v21;
	vm2 =	vlt.s32 v48, v18  }
0x2e7: {  	v5 =	vsel vm3, $0x1, v21;
	vm3 =	vlt.s32 v47, v18;
	v43 =	vsel vm4, $0x1, v21  }
0x2e8: {  	v1 =	vadd.s32 v4, v1;
	v4 =	vsel vm2, $0x1, v21;
	vm2 =	vlt.s32 v41, v17  }
0x2e9: {  	v1 =	vadd.s32 v4, v1;
	v4 =	vadd.s32 v51, v5;
	v5 =	vsel vm2, $0x1, v21  }
0x2ea: {  	vm4 =	vlt.s32 v34, v17;
	v4 =	vadd.s32 v5, v4;
	v5 =	vsel vm3, $0x1, v21  }
0x2eb: {  	vm2 =	vlt.s32 v38, v17;
	vm3 =	vlt.s32 v46, v18;
	v1 =	vadd.s32 v5, v1  }
0x2ec: {  	v4 =	vadd.s32 v42, v4;
	v5 =	vsel vm2, $0x1, v21;
	vm2 =	vlt.s32 v35, v17  }
0x2ed: {  	v4 =	vadd.s32 v5, v4;
	v5 =	vsel vm3, $0x1, v21;
	vm3 =	vlt.s32 v45, v18  }
0x2ee: {  	v45 =	vsel vm4, $0x1, v21;
	vm4 =	vlt.s32 v31, v17;
	v1 =	vadd.s32 v5, v1  }
0x2ef: {  	v4 =	vadd.s32 v43, v4;
	v5 =	vsel vm2, $0x1, v21;
	vm2 =	vlt.s32 v32, v17  }
0x2f0: {  	v46 =	vsel vm4, $0x1, v21;
	vm4 =	vlt.s32 v28, v17;
	v4 =	vadd.s32 v5, v4  }
0x2f1: {  	v5 =	vsel vm3, $0x1, v21;
	vm3 =	vlt.s32 v44, v18;
	v47 =	vsel vm4, $0x1, v21  }
0x2f2: {  	vm4 =	vlt.s32 v25, v17;
	v1 =	vadd.s32 v5, v1;
	v4 =	vadd.s32 v45, v4  }
0x2f3: {  	v5 =	vsel vm2, $0x1, v21;
	vm2 =	vlt.s32 v29, v17;
	v48 =	vsel vm4, $0x1, v21  }
0x2f4: {  	vm4 =	vlt.s32 v23, v17;
	v4 =	vadd.s32 v5, v4;
	v5 =	vsel vm3, $0x1, v21  }
0x2f5: {  	vm3 =	vlt.s32 v39, v18;
	v49 =	vsel vm4, $0x1, v21;
	vm4 =	vlt.s32 v63, v17  }
0x2f6: {  	v1 =	vadd.s32 v5, v1;
	v4 =	vadd.s32 v46, v4;
	v5 =	vsel vm2, $0x1, v21  }
0x2f7: {  	vm2 =	vlt.s32 v26, v17;
	v50 =	vsel vm4, $0x1, v21;
	vm4 =	vlt.s32 v60, v17  }
0x2f8: {  	v4 =	vadd.s32 v5, v4;
	v5 =	vsel vm3, $0x1, v21;
	vm3 =	vlt.s32 v36, v18  }
0x2f9: {  	v51 =	vsel vm4, $0x1, v21;
	vm4 =	vlt.s32 v53, v15;
	v1 =	vadd.s32 v5, v1  }
0x2fa: {  	v4 =	vadd.s32 v47, v4;
	v5 =	vsel vm2, $0x1, v21;
	vm2 =	vlt.s32 v24, v17  }
0x2fb: {  	v4 =	vadd.s32 v5, v4;
	v5 =	vsel vm3, $0x1, v21;
	vm3 =	vlt.s32 v33, v18  }
0x2fc: {  	v1 =	vadd.s32 v5, v1;
	v4 =	vadd.s32 v48, v4;
	v5 =	vsel vm2, $0x1, v21  }
0x2fd: {  	v53 =	vsel vm5, $0x1, v21;
	v4 =	vadd.s32 v5, v4;
	v5 =	vsel vm3, $0x1, v21  }
0x2fe: {  	vm2 =	vlt.s32 v19, v17;
	vm3 =	vlt.s32 v30, v18;
	v1 =	vadd.s32 v5, v1  }
0x2ff: {  	v4 =	vadd.s32 v49, v4;
	v5 =	vsel vm2, $0x1, v21;
	vm2 =	vlt.s32 v62, v17  }
0x300: {  	v4 =	vadd.s32 v5, v4;
	v5 =	vsel vm3, $0x1, v21;
	vm3 =	vlt.s32 v27, v18  }
0x301: {  	v1 =	vadd.s32 v5, v1;
	v4 =	vadd.s32 v50, v4;
	v5 =	vsel vm2, $0x1, v21  }
0x302: {  	vm2 =	vlt.s32 v58, v16;
	v4 =	vadd.s32 v5, v4;
	v5 =	vsel vm3, $0x1, v21  }
0x303: {  	vm3 =	vlt.s32 v59, v16;
	v33 =	vadd.s32 v5, v1;
	v34 =	vadd.s32 v51, v4  }
0x304: {  	v1 =	vsel vm2, $0x1, v21;
	v4 =	vsel vm3, $0x1, v21;
	v5 =	vsel vm4, $0x1, v21  }
0x305: {  	v1 =	vadd.s32 v4, v1;
	v4 =	vadd.s32 v53, v5;
	v5 =	vsel vm6, $0x1, v21  }
0x306: {  	v4 =	vadd.s32 v5, v4;
	v5 =	vld [tilespmem:$0x1F2A0];
	_ =	sdelay $0x4  }
0x307: {  	vm3 =	vlt.s32 v5, v15;
	v5 =	vld [tilespmem:$0x1F150];
	_ =	sdelay $0x3  }
0x308: {  	vm2 =	vlt.s32 v57, v16;
	v57 =	vld [tilespmem:$0x1F170]  }
0x309: {  	vm4 =	vlt.s32 v5, v14;
	v5 =	vld [tilespmem:$0x1F160];
	_ =	sdelay $0x1  }
0x30a: {  	v37 =	vld [tilespmem:$0x1F3E0]  }
0x30b: {  	v62 =	vld [tilespmem:$0x1F180];
	v54 =	vsel vm3, $0x1, v21  }
0x30c: {  	v25 =	vld [tilespmem:$0x1F3C0];
	v4 =	vadd.s32 v54, v4;
	v55 =	vsel vm4, $0x1, v21  }
0x30d: {  	v27 =	vld [tilespmem:$0x1F190];
	vm4 =	vlt.s32 v57, v14;
	vm5 =	vlt.s32 v5, v14;
	v5 =	vsel vm2, $0x1, v21  }
0x30e: {  	v30 =	vld [tilespmem:$0x1F3D0];
	vm2 =	vlt.s32 v56, v16;
	v8 =	vsel vm5, $0x1, v21;
	v1 =	vadd.s32 v5, v1  }
0x30f: {  	v32 =	vld [tilespmem:$0x1F1A0];
	v58 =	vsel vm2, $0x1, v21;
	vm2 =	vlt.s32 v52, v16;
	v5 =	vadd.s32 v8, v55  }
0x310: {  	v56 =	vld [tilespmem:$0x1F2B0];
	v8 =	vsel vm4, $0x1, v21;
	v1 =	vadd.s32 v58, v1;
	vm4 =	vlt.s32 v62, v14  }
0x311: {  	v42 =	vld [tilespmem:$0x1F3F0];
	v63 =	vsel vm2, $0x1, v21;
	vm2 =	vlt.s32 v25, v16;
	v5 =	vadd.s32 v8, v5  }
0x312: {  	v39 =	vld [tilespmem:$0x1F1B0];
	v8 =	vsel vm4, $0x1, v21;
	v1 =	vadd.s32 v63, v1;
	vm4 =	vlt.s32 v27, v14  }
0x313: {  	v60 =	vld [tilespmem:$0x1F2C0];
	v28 =	vsel vm2, $0x1, v21;
	vm2 =	vlt.s32 v30, v16;
	v5 =	vadd.s32 v8, v5  }
0x314: {  	v44 =	vld [tilespmem:$0x1F1C0];
	v8 =	vsel vm4, $0x1, v21;
	v1 =	vadd.s32 v28, v1;
	vm4 =	vlt.s32 v32, v14  }
0x315: {  	v47 =	vld [tilespmem:$0x1F400];
	v35 =	vsel vm2, $0x1, v21;
	vm2 =	vlt.s32 v37, v16;
	vm3 =	vlt.s32 v56, v15  }
0x316: {  	v26 =	vld [tilespmem:$0x1F2D0];
	v5 =	vadd.s32 v8, v5;
	v8 =	vsel vm4, $0x1, v21;
	v1 =	vadd.s32 v35, v1  }
0x317: {  	v49 =	vld [tilespmem:$0x1F1D0];
	vm4 =	vlt.s32 v39, v14;
	v40 =	vsel vm2, $0x1, v21;
	vm2 =	vlt.s32 v42, v16  }
0x318: {  	v52 =	vld [tilespmem:$0x1F410];
	v59 =	vsel vm3, $0x1, v21;
	vm3 =	vlt.s32 v60, v15;
	v5 =	vadd.s32 v8, v5  }
0x319: {  	v31 =	vld [tilespmem:$0x1F2E0];
	v8 =	vsel vm4, $0x1, v21;
	v1 =	vadd.s32 v40, v1;
	vm4 =	vlt.s32 v44, v14  }
0x31a: {  	v54 =	vld [tilespmem:$0x1F1E0];
	v45 =	vsel vm2, $0x1, v21;
	vm2 =	vlt.s32 v47, v16;
	v4 =	vadd.s32 v59, v4  }
0x31b: {  	v57 =	vld [tilespmem:$0x1F420];
	v24 =	vsel vm3, $0x1, v21;
	vm3 =	vlt.s32 v26, v15;
	v5 =	vadd.s32 v8, v5  }
0x31c: {  	v38 =	vld [tilespmem:$0x1F2F0];
	v8 =	vsel vm4, $0x1, v21;
	v1 =	vadd.s32 v45, v1;
	vm4 =	vlt.s32 v49, v14  }
0x31d: {  	v43 =	vld [tilespmem:$0x1F300];
	v50 =	vsel vm2, $0x1, v21;
	vm2 =	vlt.s32 v52, v16;
	v4 =	vadd.s32 v24, v4  }
0x31e: {  	v63 =	vld [tilespmem:$0x1F430];
	v29 =	vsel vm3, $0x1, v21;
	vm3 =	vlt.s32 v31, v15;
	v5 =	vadd.s32 v8, v5  }
0x31f: {  	v48 =	vld [tilespmem:$0x1F310];
	v8 =	vsel vm4, $0x1, v21;
	v1 =	vadd.s32 v50, v1;
	vm4 =	vlt.s32 v54, v14  }
0x320: {  	v28 =	vld [tilespmem:$0x1F440];
	v55 =	vsel vm2, $0x1, v21;
	vm2 =	vlt.s32 v57, v16;
	v4 =	vadd.s32 v29, v4  }
0x321: {  	v53 =	vld [tilespmem:$0x1F320];
	v36 =	vsel vm3, $0x1, v21;
	vm3 =	vlt.s32 v38, v15;
	v5 =	vadd.s32 v8, v5  }
0x322: {  	v35 =	vld [tilespmem:$0x1F450];
	v8 =	vsel vm4, $0x1, v21;
	v1 =	vadd.s32 v55, v1;
	v60 =	vsel vm2, $0x1, v21  }
0x323: {  	v59 =	vld [tilespmem:$0x1F1F0];
	vm2 =	vlt.s32 v63, v16;
	v4 =	vadd.s32 v36, v4;
	v41 =	vsel vm3, $0x1, v21  }
0x324: {  	v58 =	vld [tilespmem:$0x1F330];
	vm3 =	vlt.s32 v43, v15;
	v5 =	vadd.s32 v8, v5;
	v1 =	vadd.s32 v60, v1  }
0x325: {  	v24 =	vld [tilespmem:$0x1F340];
	v26 =	vsel vm2, $0x1, v21;
	vm2 =	vlt.s32 v28, v16;
	v4 =	vadd.s32 v41, v4  }
0x326: {  	v29 =	vld [tilespmem:$0x1F350];
	v46 =	vsel vm3, $0x1, v21;
	vm3 =	vlt.s32 v48, v15;
	v31 =	vsel vm2, $0x1, v21  }
0x327: {  	v36 =	vld [tilespmem:$0x1F360];
	vm2 =	vlt.s32 v35, v16;
	v4 =	vadd.s32 v46, v4;
	v51 =	vsel vm3, $0x1, v21  }
0x328: {  	v41 =	vld [tilespmem:$0x1F370];
	vm3 =	vlt.s32 v53, v15;
	vm4 =	vlt.s32 v59, v14;
	v4 =	vadd.s32 v51, v4  }
0x329: {  	v46 =	vld [tilespmem:$0x1F380];
	v56 =	vsel vm3, $0x1, v21;
	vm3 =	vlt.s32 v58, v15;
	v8 =	vsel vm4, $0x1, v21  }
0x32a: {  	v51 =	vld [tilespmem:$0x1F390];
	v4 =	vadd.s32 v56, v4;
	v62 =	vsel vm3, $0x1, v21;
	vm3 =	vlt.s32 v24, v15  }
0x32b: {  	v56 =	vld [tilespmem:$0x1F3A0];
	v4 =	vadd.s32 v62, v4;
	v27 =	vsel vm3, $0x1, v21;
	vm3 =	vlt.s32 v29, v15  }
0x32c: {  	v62 =	vld [tilespmem:$0x1F3B0];
	v4 =	vadd.s32 v27, v4;
	v32 =	vsel vm3, $0x1, v21;
	vm3 =	vlt.s32 v36, v15  }
0x32d: {  	v25 =	vld [tilespmem:$0x1F200];
	v4 =	vadd.s32 v32, v4;
	v39 =	vsel vm3, $0x1, v21;
	vm3 =	vlt.s32 v41, v15  }
0x32e: {  	v40 =	vld [tilespmem:$0x1F460];
	v4 =	vadd.s32 v39, v4;
	v44 =	vsel vm3, $0x1, v21;
	vm3 =	vlt.s32 v46, v15  }
0x32f: {  	v45 =	vld [tilespmem:$0x1F470];
	v4 =	vadd.s32 v44, v4;
	v49 =	vsel vm3, $0x1, v21;
	vm3 =	vlt.s32 v51, v15  }
0x330: {  	v50 =	vld [tilespmem:$0x1F480];
	v4 =	vadd.s32 v49, v4;
	v54 =	vsel vm3, $0x1, v21;
	vm3 =	vlt.s32 v56, v15  }
0x331: {  	v55 =	vld [tilespmem:$0x1F490];
	v4 =	vadd.s32 v54, v4;
	v59 =	vsel vm3, $0x1, v21;
	vm3 =	vlt.s32 v62, v15  }
0x332: {  	v60 =	vld [tilespmem:$0x1F4A0];
	vm4 =	vlt.s32 v25, v14;
	v4 =	vadd.s32 v59, v4;
	v25 =	vsel vm3, $0x1, v21  }
0x333: {  	v38 =	vsel vm2, $0x1, v21;
	vm2 =	vlt.s32 v40, v16;
	v35 =	vadd.s32 v25, v4;
	v4 =	vld [tilespmem:$0x1F280]  }
0x334: {  	v30 =	vld [tilespmem:$0x1F210];
	v1 =	vadd.s32 v26, v1;
	v43 =	vsel vm2, $0x1, v21;
	vm2 =	vlt.s32 v45, v16  }
0x335: {  	v37 =	vld [tilespmem:$0x1F220];
	v1 =	vadd.s32 v31, v1;
	v48 =	vsel vm2, $0x1, v21;
	vm2 =	vlt.s32 v50, v16  }
0x336: {  	v42 =	vld [tilespmem:$0x1F230];
	v1 =	vadd.s32 v38, v1;
	v53 =	vsel vm2, $0x1, v21;
	vm2 =	vlt.s32 v55, v16  }
0x337: {  	v47 =	vld [tilespmem:$0x1F240];
	v5 =	vadd.s32 v8, v5;
	v58 =	vsel vm2, $0x1, v21;
	vm2 =	vlt.s32 v60, v16  }
0x338: {  	v8 =	vsel vm4, $0x1, v21;
	v24 =	vsel vm2, $0x1, v21;
	vm2 =	vlt.s32 v4, v14;
	v4 =	vld [tilespmem:$0x1F000]  }
0x339: {  	v52 =	vld [tilespmem:$0x1F250];
	vm4 =	vlt.s32 v30, v14;
	v1 =	vadd.s32 v43, v1;
	v5 =	vadd.s32 v8, v5  }
0x33a: {  	v57 =	vld [tilespmem:$0x1F260];
	v8 =	vsel vm4, $0x1, v21;
	vm4 =	vlt.s32 v37, v14;
	v1 =	vadd.s32 v48, v1  }
0x33b: {  	v63 =	vld [tilespmem:$0x1F270];
	v5 =	vadd.s32 v8, v5;
	v8 =	vsel vm4, $0x1, v21;
	vm4 =	vlt.s32 v42, v14  }
0x33c: {  	v1 =	vadd.s32 v53, v1;
	v5 =	vadd.s32 v8, v5;
	v8 =	vsel vm4, $0x1, v21  }
0x33d: {  	vm4 =	vlt.s32 v47, v14;
	v1 =	vadd.s32 v58, v1;
	vm3 =	vlt.s32 v4, v13;
	v4 =	vld [tilespmem:$0x1F010]  }
0x33e: {  	v5 =	vadd.s32 v8, v5;
	v8 =	vsel vm4, $0x1, v21;
	vm4 =	vlt.s32 v52, v14  }
0x33f: {  	v5 =	vadd.s32 v8, v5;
	v8 =	vsel vm4, $0x1, v21;
	vm4 =	vlt.s32 v57, v14  }
0x340: {  	v5 =	vadd.s32 v8, v5;
	v8 =	vsel vm4, $0x1, v21;
	vm4 =	vlt.s32 v63, v14  }
0x341: {  	v36 =	vadd.s32 v24, v1;
	v5 =	vadd.s32 v8, v5;
	v8 =	vsel vm4, $0x1, v21  }
0x342: {  	v1 =	vadd.s32 v8, v5;
	vm4 =	vlt.s32 v4, v13;
	v4 =	vsel vm2, $0x1, v21  }
0x343: {  	v37 =	vadd.s32 v4, v1;
	v4 =	vld [tilespmem:$0x1F020];
	_ =	sdelay $0x4  }
0x344: {  	vm2 =	vlt.s32 v4, v13;
	v4 =	vld [tilespmem:$0x1EEB0];
	_ =	sdelay $0x4  }
0x345: {  	v5 =	vsel vm3, $0x1, v21;
	vm3 =	vlt.s32 v4, v12;
	v4 =	vld [tilespmem:$0x1EEC0];
	_ =	sdelay $0x4  }
0x346: {  	v26 =	vsel vm4, $0x1, v21;
	vm4 =	vlt.s32 v4, v12;
	v4 =	vld [tilespmem:$0x1EED0];
	_ =	sdelay $0x3  }
0x347: {  	v1 =	vadd.s32 v26, v5;
	v5 =	vsel vm3, $0x1, v21  }
0x348: {  	v27 =	vsel vm4, $0x1, v21;
	vm5 =	vlt.s32 v4, v12;
	v4 =	vsel vm2, $0x1, v21  }
0x349: {  	v1 =	vadd.s32 v4, v1;
	v4 =	vadd.s32 v27, v5;
	v5 =	vsel vm5, $0x1, v21  }
0x34a: {  	v4 =	vadd.s32 v5, v4;
	v5 =	vld [tilespmem:$0x1F030];
	_ =	sdelay $0x1  }
0x34b: {  	v31 =	vld [tilespmem:$0x1EEF0]  }
0x34c: {  	v38 =	vld [tilespmem:$0x1FE40]  }
0x34d: {  	v30 =	vld [tilespmem:$0x1F040]  }
0x34e: {  	vm2 =	vlt.s32 v5, v13;
	v5 =	vld [tilespmem:$0x1EEE0]  }
0x34f: {  	v42 =	vld [tilespmem:$0x1EF00]  }
0x350: {  	v32 =	vld [tilespmem:$0x1FFE0]  }
0x351: {  	v47 =	vld [tilespmem:$0x1EF10]  }
0x352: {  	v52 =	vld [tilespmem:$0x1EF20]  }
0x353: {  	vm3 =	vlt.s32 v5, v12;
	v5 =	vld [tilespmem:$0x1FE20]  }
0x354: {  	v57 =	vld [tilespmem:$0x1EF30];
	v28 =	vsel vm3, $0x1, v21;
	vm3 =	vlt.s32 v31, v12  }
0x355: {  	v63 =	vld [tilespmem:$0x1EF40];
	v4 =	vadd.s32 v28, v4;
	v40 =	vsel vm3, $0x1, v21;
	vm3 =	vlt.s32 v42, v12  }
0x356: {  	v28 =	vld [tilespmem:$0x1EF50];
	v4 =	vadd.s32 v40, v4;
	v45 =	vsel vm3, $0x1, v21;
	vm3 =	vlt.s32 v47, v12  }
0x357: {  	v43 =	vld [tilespmem:$0x1FE50];
	v4 =	vadd.s32 v45, v4;
	v50 =	vsel vm3, $0x1, v21  }
0x358: {  	vm3 =	vlt.s32 v52, v12;
	vm4 =	vlt.s32 v5, v32;
	v5 =	vld [tilespmem:$0x1FE30];
	v4 =	vadd.s32 v50, v4  }
0x359: {  	v48 =	vld [tilespmem:$0x1FE60];
	v55 =	vsel vm3, $0x1, v21;
	vm3 =	vlt.s32 v57, v12;
	v29 =	vsel vm4, $0x1, v21  }
0x35a: {  	v41 =	vld [tilespmem:$0x1F050];
	v4 =	vadd.s32 v55, v4;
	v60 =	vsel vm3, $0x1, v21;
	vm3 =	vlt.s32 v63, v12  }
0x35b: {  	v53 =	vld [tilespmem:$0x1FE70];
	v4 =	vadd.s32 v60, v4;
	v26 =	vsel vm3, $0x1, v21;
	vm3 =	vlt.s32 v28, v12  }
0x35c: {  	v46 =	vld [tilespmem:$0x1F060];
	vm4 =	vlt.s32 v38, v32;
	v4 =	vadd.s32 v26, v4;
	v31 =	vsel vm3, $0x1, v21  }
0x35d: {  	v58 =	vld [tilespmem:$0x1FE80];
	v4 =	vadd.s32 v31, v4;
	vm5 =	vlt.s32 v5, v32;
	v5 =	vsel vm2, $0x1, v21  }
0x35e: {  	v51 =	vld [tilespmem:$0x1F070];
	vm2 =	vlt.s32 v30, v13;
	v8 =	vsel vm5, $0x1, v21;
	v1 =	vadd.s32 v5, v1  }
0x35f: {  	v24 =	vld [tilespmem:$0x1FE90];
	v39 =	vsel vm2, $0x1, v21;
	vm2 =	vlt.s32 v41, v13;
	v5 =	vadd.s32 v8, v29  }
0x360: {  	v56 =	vld [tilespmem:$0x1F080];
	v8 =	vsel vm4, $0x1, v21;
	v1 =	vadd.s32 v39, v1;
	vm4 =	vlt.s32 v43, v32  }
0x361: {  	v62 =	vld [tilespmem:$0x1F090];
	v44 =	vsel vm2, $0x1, v21;
	vm2 =	vlt.s32 v46, v13;
	v5 =	vadd.s32 v8, v5  }
0x362: {  	v27 =	vld [tilespmem:$0x1F0A0];
	v8 =	vsel vm4, $0x1, v21;
	v1 =	vadd.s32 v44, v1;
	vm4 =	vlt.s32 v48, v32  }
0x363: {  	v40 =	vld [tilespmem:$0x1FEB0];
	v49 =	vsel vm2, $0x1, v21;
	vm2 =	vlt.s32 v51, v13;
	v5 =	vadd.s32 v8, v5  }
0x364: {  	v38 =	vld [tilespmem:$0x1F0B0];
	v8 =	vsel vm4, $0x1, v21;
	v1 =	vadd.s32 v49, v1;
	vm4 =	vlt.s32 v53, v32  }
0x365: {  	v29 =	vld [tilespmem:$0x1FEA0];
	v54 =	vsel vm2, $0x1, v21;
	vm2 =	vlt.s32 v56, v13;
	v5 =	vadd.s32 v8, v5  }
0x366: {  	v39 =	vld [tilespmem:$0x1EF60];
	v8 =	vsel vm4, $0x1, v21;
	v1 =	vadd.s32 v54, v1;
	vm4 =	vlt.s32 v58, v32  }
0x367: {  	v45 =	vld [tilespmem:$0x1FEC0];
	v59 =	vsel vm2, $0x1, v21;
	vm2 =	vlt.s32 v62, v13;
	v5 =	vadd.s32 v8, v5  }
0x368: {  	v43 =	vld [tilespmem:$0x1F0C0];
	v8 =	vsel vm4, $0x1, v21;
	v1 =	vadd.s32 v59, v1;
	vm4 =	vlt.s32 v24, v32  }
0x369: {  	v44 =	vld [tilespmem:$0x1EF70];
	v25 =	vsel vm2, $0x1, v21;
	vm2 =	vlt.s32 v27, v13;
	v5 =	vadd.s32 v8, v5  }
0x36a: {  	v50 =	vld [tilespmem:$0x1FED0];
	v8 =	vsel vm4, $0x1, v21;
	v1 =	vadd.s32 v25, v1;
	vm4 =	vlt.s32 v29, v32  }
0x36b: {  	v48 =	vld [tilespmem:$0x1F0D0];
	v30 =	vsel vm2, $0x1, v21;
	vm2 =	vlt.s32 v38, v13;
	vm3 =	vlt.s32 v39, v12  }
0x36c: {  	v49 =	vld [tilespmem:$0x1EF80];
	v5 =	vadd.s32 v8, v5;
	v8 =	vsel vm4, $0x1, v21;
	v1 =	vadd.s32 v30, v1  }
0x36d: {  	v55 =	vld [tilespmem:$0x1FEE0];
	vm4 =	vlt.s32 v40, v32;
	v41 =	vsel vm2, $0x1, v21;
	v42 =	vsel vm3, $0x1, v21  }
0x36e: {  	v53 =	vld [tilespmem:$0x1F0E0];
	vm2 =	vlt.s32 v43, v13;
	vm3 =	vlt.s32 v44, v12;
	v5 =	vadd.s32 v8, v5  }
0x36f: {  	v54 =	vld [tilespmem:$0x1EF90];
	v8 =	vsel vm4, $0x1, v21;
	v1 =	vadd.s32 v41, v1;
	v4 =	vadd.s32 v42, v4  }
0x370: {  	v60 =	vld [tilespmem:$0x1FEF0];
	vm4 =	vlt.s32 v45, v32;
	v46 =	vsel vm2, $0x1, v21;
	v47 =	vsel vm3, $0x1, v21  }
0x371: {  	v58 =	vld [tilespmem:$0x1F0F0];
	vm2 =	vlt.s32 v48, v13;
	vm3 =	vlt.s32 v49, v12;
	v5 =	vadd.s32 v8, v5  }
0x372: {  	v59 =	vld [tilespmem:$0x1EFA0];
	v8 =	vsel vm4, $0x1, v21;
	v1 =	vadd.s32 v46, v1;
	v4 =	vadd.s32 v47, v4  }
0x373: {  	v25 =	vld [tilespmem:$0x1EFB0];
	vm4 =	vlt.s32 v50, v32;
	v51 =	vsel vm2, $0x1, v21;
	v52 =	vsel vm3, $0x1, v21  }
0x374: {  	v30 =	vld [tilespmem:$0x1EFC0];
	vm2 =	vlt.s32 v53, v13;
	vm3 =	vlt.s32 v54, v12;
	v5 =	vadd.s32 v8, v5  }
0x375: {  	v41 =	vld [tilespmem:$0x1EFD0];
	v8 =	vsel vm4, $0x1, v21;
	v4 =	vadd.s32 v52, v4;
	vm4 =	vlt.s32 v55, v32  }
0x376: {  	v46 =	vld [tilespmem:$0x1EFE0];
	v56 =	vsel vm2, $0x1, v21;
	v57 =	vsel vm3, $0x1, v21;
	vm2 =	vlt.s32 v58, v13  }
0x377: {  	v26 =	vld [tilespmem:$0x1FF00];
	vm3 =	vlt.s32 v59, v12;
	v5 =	vadd.s32 v8, v5;
	v8 =	vsel vm4, $0x1, v21  }
0x378: {  	v24 =	vld [tilespmem:$0x1F100];
	v4 =	vadd.s32 v57, v4;
	v63 =	vsel vm3, $0x1, v21;
	vm3 =	vlt.s32 v25, v12  }
0x379: {  	v31 =	vld [tilespmem:$0x1FF10];
	v4 =	vadd.s32 v63, v4;
	v28 =	vsel vm3, $0x1, v21;
	vm3 =	vlt.s32 v30, v12  }
0x37a: {  	v29 =	vld [tilespmem:$0x1F110];
	v4 =	vadd.s32 v28, v4;
	v39 =	vsel vm3, $0x1, v21;
	vm3 =	vlt.s32 v41, v12  }
0x37b: {  	v40 =	vld [tilespmem:$0x1F120];
	v4 =	vadd.s32 v39, v4;
	v44 =	vsel vm3, $0x1, v21;
	vm3 =	vlt.s32 v46, v12  }
0x37c: {  	v45 =	vld [tilespmem:$0x1F130];
	vm4 =	vlt.s32 v60, v32;
	v4 =	vadd.s32 v44, v4;
	v49 =	vsel vm3, $0x1, v21  }
0x37d: {  	v62 =	vsel vm2, $0x1, v21;
	vm2 =	vlt.s32 v24, v13;
	v23 =	vadd.s32 v49, v4;
	v4 =	vld [tilespmem:$0x1FF40]  }
0x37e: {  	v5 =	vadd.s32 v8, v5;
	v8 =	vsel vm4, $0x1, v21;
	vm4 =	vlt.s32 v26, v32  }
0x37f: {  	v27 =	vsel vm2, $0x1, v21;
	vm2 =	vlt.s32 v29, v13;
	v5 =	vadd.s32 v8, v5  }
0x380: {  	v8 =	vsel vm4, $0x1, v21;
	v38 =	vsel vm2, $0x1, v21;
	vm2 =	vlt.s32 v40, v13  }
0x381: {  	vm4 =	vlt.s32 v31, v32;
	v31 =	vld [tilespmem:$0x1FFD0];
	v43 =	vsel vm2, $0x1, v21;
	vm2 =	vlt.s32 v45, v13  }
0x382: {  	v48 =	vsel vm2, $0x1, v21;
	vm2 =	vlt.s32 v4, v32;
	v4 =	vld [tilespmem:$0x1FCD0];
	_ =	sdelay $0x1  }
0x383: {  	v42 =	vld [tilespmem:$0x1FF20]  }
0x384: {  	v47 =	vld [tilespmem:$0x1FF30];
	v1 =	vadd.s32 v51, v1  }
0x385: {  	v1 =	vadd.s32 v56, v1  }
0x386: {  	v1 =	vadd.s32 v62, v1;
	vm3 =	vlt.s32 v4, v31;
	v4 =	vld [tilespmem:$0x1FCE0]  }
0x387: {  	v1 =	vadd.s32 v27, v1;
	v5 =	vadd.s32 v8, v5  }
0x388: {  	v8 =	vsel vm4, $0x1, v21;
	v1 =	vadd.s32 v38, v1;
	vm4 =	vlt.s32 v42, v32  }
0x389: {  	v5 =	vadd.s32 v8, v5;
	v8 =	vsel vm4, $0x1, v21;
	vm4 =	vlt.s32 v47, v32  }
0x38a: {  	v1 =	vadd.s32 v43, v1;
	v5 =	vadd.s32 v8, v5;
	v8 =	vsel vm4, $0x1, v21  }
0x38b: {  	v19 =	vadd.s32 v48, v1;
	v1 =	vadd.s32 v8, v5;
	vm4 =	vlt.s32 v4, v31  }
0x38c: {  	v5 =	vsel vm3, $0x1, v21;
	v4 =	vsel vm2, $0x1, v21;
	v50 =	vsel vm4, $0x1, v21  }
0x38d: {  	v1 =	vadd.s32 v4, v1;
	v4 =	vadd.s32 v50, v5;
	v5 =	vld [tilespmem:$0x1FCF0];
	_ =	sdelay $0x4  }
0x38e: {  	vm2 =	vlt.s32 v5, v31;
	v5 =	vld [tilespmem:$0x1FF50];
	_ =	sdelay $0x4  }
0x38f: {  	vm3 =	vlt.s32 v5, v32;
	v5 =	vld [tilespmem:$0x1FD00];
	_ =	sdelay $0x4  }
0x390: {  	vm4 =	vlt.s32 v5, v31;
	v5 =	vsel vm2, $0x1, v21  }
0x391: {  	v4 =	vadd.s32 v5, v4;
	v5 =	vsel vm3, $0x1, v21;
	v51 =	vsel vm4, $0x1, v21  }
0x392: {  	v24 =	vadd.s32 v5, v1;
	v1 =	vadd.s32 v51, v4;
	v4 =	vld [tilespmem:$0x1FD10];
	_ =	sdelay $0x3  }
0x393: {  	v30 =	vld [tilespmem:$0x1FFC0]  }
0x394: {  	vm2 =	vlt.s32 v4, v31;
	v4 =	vld [tilespmem:$0x1FB80];
	_ =	sdelay $0x4  }
0x395: {  	vm3 =	vlt.s32 v4, v30;
	v4 =	vld [tilespmem:$0x1FB90];
	_ =	sdelay $0x4  }
0x396: {  	vm4 =	vlt.s32 v4, v30;
	v4 =	vld [tilespmem:$0x1FBA0];
	_ =	sdelay $0x3  }
0x397: {  	v5 =	vsel vm3, $0x1, v21  }
0x398: {  	v52 =	vsel vm4, $0x1, v21;
	vm5 =	vlt.s32 v4, v30;
	v4 =	vsel vm2, $0x1, v21  }
0x399: {  	v1 =	vadd.s32 v4, v1;
	v4 =	vadd.s32 v52, v5;
	v5 =	vsel vm5, $0x1, v21  }
0x39a: {  	v4 =	vadd.s32 v5, v4;
	v5 =	vld [tilespmem:$0x1FBB0];
	_ =	sdelay $0x3  }
0x39b: {  	v53 =	vld [tilespmem:$0x1FD20]  }
0x39c: {  	vm3 =	vlt.s32 v5, v30;
	v5 =	vld [tilespmem:$0x1FBC0];
	_ =	sdelay $0x3  }
0x39d: {  	vm2 =	vlt.s32 v53, v31  }
0x39e: {  	v54 =	vsel vm3, $0x1, v21;
	vm4 =	vlt.s32 v5, v30;
	v5 =	vsel vm2, $0x1, v21  }
0x39f: {  	v4 =	vadd.s32 v54, v4;
	v1 =	vadd.s32 v5, v1;
	v5 =	vsel vm4, $0x1, v21  }
0x3a0: {  	v4 =	vadd.s32 v5, v4;
	v5 =	vld [tilespmem:$0x1FD30];
	_ =	sdelay $0x2  }
0x3a1: {  	v10 =	vld [tilespmem:$0x1FFB0]  }
0x3a2: {  	v9 =	vld [tilespmem:$0x1FFA0]  }
0x3a3: {  	vm2 =	vlt.s32 v5, v31;
	v5 =	vld [tilespmem:$0x1FBD0]  }
0x3a4: {  	v58 =	vld [tilespmem:$0x1FBE0]  }
0x3a5: {  	v59 =	vld [tilespmem:$0x1FA50]  }
0x3a6: {  	v25 =	vld [tilespmem:$0x1FBF0]  }
0x3a7: {  	v38 =	vld [tilespmem:$0x1FC00]  }
0x3a8: {  	vm3 =	vlt.s32 v5, v30;
	v5 =	vld [tilespmem:$0x1FA30]  }
0x3a9: {  	v57 =	vld [tilespmem:$0x1FD40]  }
0x3aa: {  	v43 =	vld [tilespmem:$0x1FC10];
	v55 =	vsel vm3, $0x1, v21;
	vm3 =	vlt.s32 v58, v30  }
0x3ab: {  	v48 =	vld [tilespmem:$0x1FC20];
	v4 =	vadd.s32 v55, v4;
	v62 =	vsel vm3, $0x1, v21  }
0x3ac: {  	v53 =	vld [tilespmem:$0x1FC30];
	vm3 =	vlt.s32 v25, v30;
	v4 =	vadd.s32 v62, v4  }
0x3ad: {  	v28 =	vsel vm3, $0x1, v21;
	vm3 =	vlt.s32 v38, v30;
	vm4 =	vlt.s32 v5, v10;
	v5 =	vld [tilespmem:$0x1FA40]  }
0x3ae: {  	v63 =	vld [tilespmem:$0x1FD50];
	v4 =	vadd.s32 v28, v4;
	v41 =	vsel vm3, $0x1, v21  }
0x3af: {  	v26 =	vld [tilespmem:$0x1FA60];
	vm3 =	vlt.s32 v43, v30;
	v4 =	vadd.s32 v41, v4  }
0x3b0: {  	v29 =	vld [tilespmem:$0x1FD60];
	v46 =	vsel vm3, $0x1, v21;
	vm3 =	vlt.s32 v48, v30;
	v56 =	vsel vm4, $0x1, v21  }
0x3b1: {  	v39 =	vld [tilespmem:$0x1FA70];
	vm4 =	vlt.s32 v59, v10;
	v4 =	vadd.s32 v46, v4;
	v51 =	vsel vm3, $0x1, v21  }
0x3b2: {  	v58 =	vld [tilespmem:$0x1FC40];
	vm3 =	vlt.s32 v53, v30;
	v4 =	vadd.s32 v51, v4;
	vm5 =	vlt.s32 v5, v10  }
0x3b3: {  	v42 =	vld [tilespmem:$0x1FD70];
	v5 =	vsel vm2, $0x1, v21;
	vm2 =	vlt.s32 v57, v31;
	v8 =	vsel vm5, $0x1, v21  }
0x3b4: {  	v44 =	vld [tilespmem:$0x1FA80];
	v1 =	vadd.s32 v5, v1;
	v60 =	vsel vm2, $0x1, v21;
	vm2 =	vlt.s32 v63, v31  }
0x3b5: {  	v25 =	vld [tilespmem:$0x1FC50];
	v5 =	vadd.s32 v8, v56;
	v8 =	vsel vm4, $0x1, v21;
	v1 =	vadd.s32 v60, v1  }
0x3b6: {  	v47 =	vld [tilespmem:$0x1FD80];
	vm4 =	vlt.s32 v26, v10;
	v27 =	vsel vm2, $0x1, v21;
	vm2 =	vlt.s32 v29, v31  }
0x3b7: {  	v49 =	vld [tilespmem:$0x1FA90];
	v56 =	vsel vm3, $0x1, v21;
	vm3 =	vlt.s32 v58, v30;
	v5 =	vadd.s32 v8, v5  }
0x3b8: {  	v38 =	vld [tilespmem:$0x1FC60];
	v8 =	vsel vm4, $0x1, v21;
	v1 =	vadd.s32 v27, v1;
	vm4 =	vlt.s32 v39, v10  }
0x3b9: {  	v52 =	vld [tilespmem:$0x1FD90];
	v40 =	vsel vm2, $0x1, v21;
	vm2 =	vlt.s32 v42, v31;
	v4 =	vadd.s32 v56, v4  }
0x3ba: {  	v43 =	vld [tilespmem:$0x1FC70];
	v62 =	vsel vm3, $0x1, v21;
	vm3 =	vlt.s32 v25, v30;
	v5 =	vadd.s32 v8, v5  }
0x3bb: {  	v57 =	vld [tilespmem:$0x1FDA0];
	v8 =	vsel vm4, $0x1, v21;
	v1 =	vadd.s32 v40, v1;
	vm4 =	vlt.s32 v44, v10  }
0x3bc: {  	v48 =	vld [tilespmem:$0x1FC80];
	v45 =	vsel vm2, $0x1, v21;
	vm2 =	vlt.s32 v47, v31;
	v4 =	vadd.s32 v62, v4  }
0x3bd: {  	v53 =	vld [tilespmem:$0x1FC90];
	v28 =	vsel vm3, $0x1, v21;
	vm3 =	vlt.s32 v38, v30;
	v5 =	vadd.s32 v8, v5  }
0x3be: {  	v58 =	vld [tilespmem:$0x1FCA0];
	v8 =	vsel vm4, $0x1, v21;
	v50 =	vsel vm2, $0x1, v21;
	vm2 =	vlt.s32 v52, v31  }
0x3bf: {  	v63 =	vld [tilespmem:$0x1FDB0];
	v4 =	vadd.s32 v28, v4;
	v41 =	vsel vm3, $0x1, v21;
	vm3 =	vlt.s32 v43, v30  }
0x3c0: {  	v29 =	vld [tilespmem:$0x1FDC0];
	v55 =	vsel vm2, $0x1, v21;
	vm2 =	vlt.s32 v57, v31;
	v4 =	vadd.s32 v41, v4  }
0x3c1: {  	v42 =	vld [tilespmem:$0x1FDD0];
	v46 =	vsel vm3, $0x1, v21;
	vm3 =	vlt.s32 v48, v30;
	v60 =	vsel vm2, $0x1, v21  }
0x3c2: {  	v47 =	vld [tilespmem:$0x1FDE0];
	v4 =	vadd.s32 v46, v4;
	v51 =	vsel vm3, $0x1, v21;
	vm3 =	vlt.s32 v53, v30  }
0x3c3: {  	v52 =	vld [tilespmem:$0x1FDF0];
	v4 =	vadd.s32 v51, v4;
	v56 =	vsel vm3, $0x1, v21;
	vm3 =	vlt.s32 v58, v30  }
0x3c4: {  	v57 =	vld [tilespmem:$0x1FE00];
	vm2 =	vlt.s32 v63, v31;
	v4 =	vadd.s32 v56, v4;
	v62 =	vsel vm3, $0x1, v21  }
0x3c5: {  	v27 =	vsel vm2, $0x1, v21;
	vm2 =	vlt.s32 v29, v31;
	v63 =	vadd.s32 v62, v4;
	v4 =	vld [tilespmem:$0x1FB20]  }
0x3c6: {  	v54 =	vld [tilespmem:$0x1FAA0];
	v1 =	vadd.s32 v45, v1;
	v40 =	vsel vm2, $0x1, v21;
	vm2 =	vlt.s32 v42, v31  }
0x3c7: {  	v59 =	vld [tilespmem:$0x1FAB0];
	vm4 =	vlt.s32 v49, v10;
	v45 =	vsel vm2, $0x1, v21;
	vm2 =	vlt.s32 v47, v31  }
0x3c8: {  	v26 =	vld [tilespmem:$0x1FAC0];
	v1 =	vadd.s32 v50, v1;
	v50 =	vsel vm2, $0x1, v21;
	vm2 =	vlt.s32 v52, v31  }
0x3c9: {  	v39 =	vld [tilespmem:$0x1FAD0];
	v1 =	vadd.s32 v55, v1;
	v55 =	vsel vm2, $0x1, v21;
	vm2 =	vlt.s32 v57, v31  }
0x3ca: {  	v1 =	vadd.s32 v60, v1;
	v60 =	vsel vm2, $0x1, v21;
	vm2 =	vlt.s32 v4, v10;
	v4 =	vld [tilespmem:$0x1F8E0]  }
0x3cb: {  	v44 =	vld [tilespmem:$0x1FAE0];
	v5 =	vadd.s32 v8, v5;
	v8 =	vsel vm4, $0x1, v21;
	vm4 =	vlt.s32 v54, v10  }
0x3cc: {  	v49 =	vld [tilespmem:$0x1FAF0];
	v5 =	vadd.s32 v8, v5;
	v8 =	vsel vm4, $0x1, v21;
	vm4 =	vlt.s32 v59, v10  }
0x3cd: {  	v54 =	vld [tilespmem:$0x1FB00];
	v5 =	vadd.s32 v8, v5;
	v8 =	vsel vm4, $0x1, v21;
	vm4 =	vlt.s32 v26, v10  }
0x3ce: {  	v59 =	vld [tilespmem:$0x1FB10];
	v5 =	vadd.s32 v8, v5;
	v8 =	vsel vm4, $0x1, v21;
	v1 =	vadd.s32 v27, v1  }
0x3cf: {  	vm4 =	vlt.s32 v39, v10;
	v5 =	vadd.s32 v8, v5;
	vm3 =	vlt.s32 v4, v9;
	v4 =	vld [tilespmem:$0x1F8F0]  }
0x3d0: {  	v8 =	vsel vm4, $0x1, v21;
	v1 =	vadd.s32 v40, v1;
	vm4 =	vlt.s32 v44, v10  }
0x3d1: {  	v5 =	vadd.s32 v8, v5;
	v8 =	vsel vm4, $0x1, v21;
	vm4 =	vlt.s32 v49, v10  }
0x3d2: {  	v5 =	vadd.s32 v8, v5;
	v8 =	vsel vm4, $0x1, v21;
	vm4 =	vlt.s32 v54, v10  }
0x3d3: {  	v5 =	vadd.s32 v8, v5;
	v8 =	vsel vm4, $0x1, v21;
	vm4 =	vlt.s32 v59, v10  }
0x3d4: {  	v5 =	vadd.s32 v8, v5;
	v8 =	vsel vm4, $0x1, v21;
	vm4 =	vlt.s32 v4, v9;
	v4 =	vld [tilespmem:$0x1F900]  }
0x3d5: {  	v1 =	vadd.s32 v45, v1  }
0x3d6: {  	v1 =	vadd.s32 v50, v1  }
0x3d7: {  	v1 =	vadd.s32 v55, v1  }
0x3d8: {  	v25 =	vadd.s32 v60, v1;
	v1 =	vadd.s32 v8, v5  }
0x3d9: {  	v5 =	vsel vm4, $0x1, v21;
	vm5 =	vlt.s32 v4, v9;
	v4 =	vsel vm3, $0x1, v21  }
0x3da: {  	v4 =	vadd.s32 v5, v4;
	v5 =	vsel vm2, $0x1, v21  }
0x3db: {  	v1 =	vadd.s32 v5, v1;
	v5 =	vld [tilespmem:$0x1F910];
	_ =	sdelay $0x4  }
0x3dc: {  	vm2 =	vlt.s32 v5, v9;
	v5 =	vld [tilespmem:$0x1FB30];
	_ =	sdelay $0x4  }
0x3dd: {  	vm3 =	vlt.s32 v5, v10;
	v5 =	vld [tilespmem:$0x1F920];
	_ =	sdelay $0x3  }
0x3de: {  	v27 =	vsel vm5, $0x1, v21  }
0x3df: {  	v4 =	vadd.s32 v27, v4;
	vm4 =	vlt.s32 v5, v9;
	v5 =	vsel vm2, $0x1, v21  }
0x3e0: {  	v4 =	vadd.s32 v5, v4;
	v5 =	vsel vm3, $0x1, v21  }
0x3e1: {  	v1 =	vadd.s32 v5, v1;
	v5 =	vld [tilespmem:$0x1F930];
	_ =	sdelay $0x4  }
0x3e2: {  	vm2 =	vlt.s32 v5, v9;
	v5 =	vld [tilespmem:$0x1FB40];
	_ =	sdelay $0x4  }
0x3e3: {  	vm3 =	vlt.s32 v5, v10;
	v5 =	vld [tilespmem:$0x1F940];
	_ =	sdelay $0x3  }
0x3e4: {  	v28 =	vsel vm4, $0x1, v21  }
0x3e5: {  	v4 =	vadd.s32 v28, v4;
	vm4 =	vlt.s32 v5, v9;
	v5 =	vsel vm2, $0x1, v21  }
0x3e6: {  	v4 =	vadd.s32 v5, v4;
	v5 =	vsel vm3, $0x1, v21  }
0x3e7: {  	v1 =	vadd.s32 v5, v1;
	v5 =	vld [tilespmem:$0x1F950];
	_ =	sdelay $0x4  }
0x3e8: {  	vm2 =	vlt.s32 v5, v9;
	v5 =	vld [tilespmem:$0x1FB50];
	_ =	sdelay $0x4  }
0x3e9: {  	vm3 =	vlt.s32 v5, v10;
	v5 =	vld [tilespmem:$0x1F960];
	_ =	sdelay $0x3  }
0x3ea: {  	v29 =	vsel vm4, $0x1, v21  }
0x3eb: {  	v4 =	vadd.s32 v29, v4;
	vm4 =	vlt.s32 v5, v9;
	v5 =	vsel vm2, $0x1, v21  }
0x3ec: {  	v4 =	vadd.s32 v5, v4;
	v5 =	vsel vm3, $0x1, v21  }
0x3ed: {  	v1 =	vadd.s32 v5, v1;
	v5 =	vld [tilespmem:$0x1F970];
	_ =	sdelay $0x4  }
0x3ee: {  	vm2 =	vlt.s32 v5, v9;
	v5 =	vld [tilespmem:$0x1FB60];
	_ =	sdelay $0x4  }
0x3ef: {  	vm3 =	vlt.s32 v5, v10;
	v5 =	vld [tilespmem:$0x1F980];
	_ =	sdelay $0x3  }
0x3f0: {  	v38 =	vsel vm4, $0x1, v21  }
0x3f1: {  	v4 =	vadd.s32 v38, v4;
	vm4 =	vlt.s32 v5, v9;
	v5 =	vsel vm2, $0x1, v21  }
0x3f2: {  	v4 =	vadd.s32 v5, v4;
	v5 =	vsel vm3, $0x1, v21;
	v39 =	vsel vm4, $0x1, v21  }
0x3f3: {  	v40 =	vadd.s32 v5, v1;
	v1 =	vadd.s32 v39, v4;
	v4 =	vld [tilespmem:$0x1F990];
	_ =	sdelay $0x3  }
0x3f4: {  	v8 =	vld [tilespmem:$0x1FF90]  }
0x3f5: {  	vm2 =	vlt.s32 v4, v9;
	v4 =	vld [tilespmem:$0x1F790];
	_ =	sdelay $0x4  }
0x3f6: {  	vm3 =	vlt.s32 v4, v8;
	v4 =	vld [tilespmem:$0x1F7A0];
	_ =	sdelay $0x4  }
0x3f7: {  	vm4 =	vlt.s32 v4, v8;
	v4 =	vld [tilespmem:$0x1F7B0];
	_ =	sdelay $0x3  }
0x3f8: {  	v5 =	vsel vm3, $0x1, v21  }
0x3f9: {  	v41 =	vsel vm4, $0x1, v21;
	vm5 =	vlt.s32 v4, v8;
	v4 =	vsel vm2, $0x1, v21  }
0x3fa: {  	v1 =	vadd.s32 v4, v1;
	v4 =	vadd.s32 v41, v5;
	v5 =	vsel vm5, $0x1, v21  }
0x3fb: {  	v4 =	vadd.s32 v5, v4;
	v5 =	vld [tilespmem:$0x1F7C0];
	_ =	sdelay $0x3  }
0x3fc: {  	v42 =	vld [tilespmem:$0x1F9A0]  }
0x3fd: {  	vm3 =	vlt.s32 v5, v8;
	v5 =	vld [tilespmem:$0x1F7D0];
	_ =	sdelay $0x3  }
0x3fe: {  	vm2 =	vlt.s32 v42, v9  }
0x3ff: {  	v43 =	vsel vm3, $0x1, v21;
	vm4 =	vlt.s32 v5, v8;
	v5 =	vsel vm2, $0x1, v21  }
0x400: {  	v4 =	vadd.s32 v43, v4;
	v1 =	vadd.s32 v5, v1;
	v5 =	vsel vm4, $0x1, v21  }
0x401: {  	v4 =	vadd.s32 v5, v4;
	v5 =	vld [tilespmem:$0x1F7E0];
	_ =	sdelay $0x3  }
0x402: {  	v44 =	vld [tilespmem:$0x1F9B0]  }
0x403: {  	vm3 =	vlt.s32 v5, v8;
	v5 =	vld [tilespmem:$0x1F7F0];
	_ =	sdelay $0x3  }
0x404: {  	vm2 =	vlt.s32 v44, v9  }
0x405: {  	v45 =	vsel vm3, $0x1, v21;
	vm4 =	vlt.s32 v5, v8;
	v5 =	vsel vm2, $0x1, v21  }
0x406: {  	v4 =	vadd.s32 v45, v4;
	v1 =	vadd.s32 v5, v1;
	v5 =	vsel vm4, $0x1, v21  }
0x407: {  	v4 =	vadd.s32 v5, v4;
	v5 =	vld [tilespmem:$0x1F800];
	_ =	sdelay $0x3  }
0x408: {  	v46 =	vld [tilespmem:$0x1F9C0]  }
0x409: {  	vm3 =	vlt.s32 v5, v8;
	v5 =	vld [tilespmem:$0x1F810];
	_ =	sdelay $0x3  }
0x40a: {  	vm2 =	vlt.s32 v46, v9  }
0x40b: {  	v47 =	vsel vm3, $0x1, v21;
	vm4 =	vlt.s32 v5, v8;
	v5 =	vsel vm2, $0x1, v21  }
0x40c: {  	v4 =	vadd.s32 v47, v4;
	v1 =	vadd.s32 v5, v1;
	v5 =	vsel vm4, $0x1, v21  }
0x40d: {  	v4 =	vadd.s32 v5, v4;
	v5 =	vld [tilespmem:$0x1F820];
	_ =	sdelay $0x3  }
0x40e: {  	v48 =	vld [tilespmem:$0x1F9D0]  }
0x40f: {  	vm3 =	vlt.s32 v5, v8;
	v5 =	vld [tilespmem:$0x1F830];
	_ =	sdelay $0x3  }
0x410: {  	vm2 =	vlt.s32 v48, v9  }
0x411: {  	v49 =	vsel vm3, $0x1, v21;
	vm4 =	vlt.s32 v5, v8;
	v5 =	vsel vm2, $0x1, v21  }
0x412: {  	v4 =	vadd.s32 v49, v4;
	v1 =	vadd.s32 v5, v1;
	v5 =	vsel vm4, $0x1, v21  }
0x413: {  	v4 =	vadd.s32 v5, v4;
	v5 =	vld [tilespmem:$0x1F840];
	_ =	sdelay $0x3  }
0x414: {  	v50 =	vld [tilespmem:$0x1F9E0]  }
0x415: {  	vm3 =	vlt.s32 v5, v8;
	v5 =	vld [tilespmem:$0x1F850];
	_ =	sdelay $0x3  }
0x416: {  	vm2 =	vlt.s32 v50, v9  }
0x417: {  	v51 =	vsel vm3, $0x1, v21;
	vm4 =	vlt.s32 v5, v8;
	v5 =	vsel vm2, $0x1, v21  }
0x418: {  	v4 =	vadd.s32 v51, v4;
	v1 =	vadd.s32 v5, v1;
	v5 =	vsel vm4, $0x1, v21  }
0x419: {  	v4 =	vadd.s32 v5, v4;
	v5 =	vld [tilespmem:$0x1F860];
	_ =	sdelay $0x3  }
0x41a: {  	v52 =	vld [tilespmem:$0x1F9F0]  }
0x41b: {  	vm3 =	vlt.s32 v5, v8;
	v5 =	vld [tilespmem:$0x1F870];
	_ =	sdelay $0x3  }
0x41c: {  	vm2 =	vlt.s32 v52, v9  }
0x41d: {  	v53 =	vsel vm3, $0x1, v21;
	vm4 =	vlt.s32 v5, v8;
	v5 =	vsel vm2, $0x1, v21  }
0x41e: {  	v4 =	vadd.s32 v53, v4;
	v1 =	vadd.s32 v5, v1;
	v5 =	vsel vm4, $0x1, v21  }
0x41f: {  	v4 =	vadd.s32 v5, v4;
	v5 =	vld [tilespmem:$0x1F880];
	_ =	sdelay $0x3  }
0x420: {  	v54 =	vld [tilespmem:$0x1FA00]  }
0x421: {  	vm3 =	vlt.s32 v5, v8;
	v5 =	vld [tilespmem:$0x1F890];
	_ =	sdelay $0x3  }
0x422: {  	vm2 =	vlt.s32 v54, v9  }
0x423: {  	v55 =	vsel vm3, $0x1, v21;
	vm4 =	vlt.s32 v5, v8;
	v5 =	vsel vm2, $0x1, v21  }
0x424: {  	v4 =	vadd.s32 v55, v4;
	v1 =	vadd.s32 v5, v1;
	v5 =	vsel vm4, $0x1, v21  }
0x425: {  	v4 =	vadd.s32 v5, v4;
	v5 =	vld [tilespmem:$0x1F8A0];
	_ =	sdelay $0x3  }
0x426: {  	v56 =	vld [tilespmem:$0x1FA10]  }
0x427: {  	vm3 =	vlt.s32 v5, v8;
	v5 =	vld [tilespmem:$0x1F8B0];
	_ =	sdelay $0x3  }
0x428: {  	vm2 =	vlt.s32 v56, v9  }
0x429: {  	v57 =	vsel vm3, $0x1, v21;
	vm4 =	vlt.s32 v5, v8;
	v5 =	vsel vm2, $0x1, v21  }
0x42a: {  	v60 =	vld [tilespmem:$0x1FF80];
	v58 =	vadd.s32 v5, v1;
	v1 =	vadd.s32 v57, v4;
	v4 =	vsel vm4, $0x1, v21  }
0x42b: {  	v59 =	vadd.s32 v4, v1;
	v1 =	vld [tilespmem:$0x1F640];
	_ =	sdelay $0x4  }
0x42c: {  	vm2 =	vlt.s32 v1, v60;
	v1 =	vld [tilespmem:$0x1F650];
	_ =	sdelay $0x4  }
0x42d: {  	vm3 =	vlt.s32 v1, v60;
	v1 =	vld [tilespmem:$0x1F660];
	_ =	sdelay $0x4  }
0x42e: {  	v4 =	vsel vm3, $0x1, v21;
	vm4 =	vlt.s32 v1, v60;
	v1 =	vsel vm2, $0x1, v21  }
0x42f: {  	v1 =	vadd.s32 v4, v1;
	v4 =	vld [tilespmem:$0x1F670];
	_ =	sdelay $0x4  }
0x430: {  	vm2 =	vlt.s32 v4, v60;
	v4 =	vsel vm4, $0x1, v21  }
0x431: {  	v1 =	vadd.s32 v4, v1;
	v4 =	vld [tilespmem:$0x1F680];
	_ =	sdelay $0x4  }
0x432: {  	vm3 =	vlt.s32 v4, v60;
	v4 =	vsel vm2, $0x1, v21  }
0x433: {  	v1 =	vadd.s32 v4, v1;
	v4 =	vld [tilespmem:$0x1F690];
	_ =	sdelay $0x4  }
0x434: {  	vm2 =	vlt.s32 v4, v60;
	v4 =	vsel vm3, $0x1, v21  }
0x435: {  	v1 =	vadd.s32 v4, v1;
	v4 =	vld [tilespmem:$0x1F6A0];
	_ =	sdelay $0x4  }
0x436: {  	vm3 =	vlt.s32 v4, v60;
	v4 =	vsel vm2, $0x1, v21  }
0x437: {  	v1 =	vadd.s32 v4, v1;
	v4 =	vld [tilespmem:$0x1F6B0];
	_ =	sdelay $0x4  }
0x438: {  	vm2 =	vlt.s32 v4, v60;
	v4 =	vsel vm3, $0x1, v21  }
0x439: {  	v1 =	vadd.s32 v4, v1;
	v4 =	vld [tilespmem:$0x1F6C0];
	_ =	sdelay $0x4  }
0x43a: {  	vm3 =	vlt.s32 v4, v60;
	v4 =	vsel vm2, $0x1, v21  }
0x43b: {  	v1 =	vadd.s32 v4, v1;
	v4 =	vld [tilespmem:$0x1F6D0];
	_ =	sdelay $0x4  }
0x43c: {  	vm2 =	vlt.s32 v4, v60;
	v4 =	vsel vm3, $0x1, v21  }
0x43d: {  	v1 =	vadd.s32 v4, v1;
	v4 =	vld [tilespmem:$0x1F6E0];
	_ =	sdelay $0x4  }
0x43e: {  	vm3 =	vlt.s32 v4, v60;
	v4 =	vsel vm2, $0x1, v21  }
0x43f: {  	v1 =	vadd.s32 v4, v1;
	v4 =	vld [tilespmem:$0x1F6F0];
	_ =	sdelay $0x4  }
0x440: {  	vm2 =	vlt.s32 v4, v60;
	v4 =	vsel vm3, $0x1, v21  }
0x441: {  	v1 =	vadd.s32 v4, v1;
	v4 =	vld [tilespmem:$0x1F700];
	_ =	sdelay $0x4  }
0x442: {  	vm3 =	vlt.s32 v4, v60;
	v4 =	vsel vm2, $0x1, v21  }
0x443: {  	v1 =	vadd.s32 v4, v1;
	v4 =	vld [tilespmem:$0x1F710];
	_ =	sdelay $0x4  }
0x444: {  	vm2 =	vlt.s32 v4, v60;
	v4 =	vsel vm3, $0x1, v21  }
0x445: {  	v1 =	vadd.s32 v4, v1;
	v4 =	vld [tilespmem:$0x1F720];
	_ =	sdelay $0x4  }
0x446: {  	vm3 =	vlt.s32 v4, v60;
	v4 =	vsel vm2, $0x1, v21  }
0x447: {  	v1 =	vadd.s32 v4, v1;
	v4 =	vld [tilespmem:$0x1F730];
	_ =	sdelay $0x4  }
0x448: {  	vm2 =	vlt.s32 v4, v60;
	v4 =	vsel vm3, $0x1, v21  }
0x449: {  	v1 =	vadd.s32 v4, v1;
	v4 =	vld [tilespmem:$0x1F740];
	_ =	sdelay $0x4  }
0x44a: {  	vm3 =	vlt.s32 v4, v60;
	v4 =	vsel vm2, $0x1, v21  }
0x44b: {  	v1 =	vadd.s32 v4, v1;
	v4 =	vld [tilespmem:$0x1F750];
	_ =	sdelay $0x4  }
0x44c: {  	vm2 =	vlt.s32 v4, v60;
	v4 =	vsel vm3, $0x1, v21  }
0x44d: {  	v1 =	vadd.s32 v4, v1;
	v4 =	vld [tilespmem:$0x1F760];
	_ =	sdelay $0x4  }
0x44e: {  	vm3 =	vlt.s32 v4, v60;
	v4 =	vsel vm2, $0x1, v21  }
0x44f: {  	v1 =	vadd.s32 v4, v1;
	v4 =	vld [tilespmem:$0x1F770];
	_ =	sdelay $0x4  }
0x450: {  	vm4 =	vlt.s32 v4, v60;
	v4 =	vsel vm3, $0x1, v21  }
0x451: {  	v1 =	vadd.s32 v4, v1;
	v4 =	vld [tilespmem:$0x1FE10];
	_ =	sdelay $0x4  }
0x452: {  	v62 =	vld [tilespmem:$0x1FF70];
	vm2 =	vlt.s32 v4, v31;
	v4 =	vsel vm4, $0x1, v21  }
0x453: {  	v1 =	vadd.s32 v4, v1;
	v4 =	vld [tilespmem:$0x1F4F0];
	_ =	sdelay $0x4  }
0x454: {  	vm3 =	vlt.s32 v4, v62;
	v4 =	vld [tilespmem:$0x1F500]  }
0x455: {  	v5 =	vld [tilespmem:$0x1F510];
	_ =	sdelay $0x3  }
0x456: {  	vm4 =	vlt.s32 v4, v62  }
0x457: {  	v4 =	vsel vm3, $0x1, v21;
	vm3 =	vlt.s32 v5, v62;
	v5 =	vsel vm4, $0x1, v21  }
0x458: {  	v4 =	vadd.s32 v5, v4;
	v5 =	vld [tilespmem:$0x1F520];
	_ =	sdelay $0x4  }
0x459: {  	vm4 =	vlt.s32 v5, v62;
	v5 =	vsel vm3, $0x1, v21  }
0x45a: {  	v4 =	vadd.s32 v5, v4;
	v5 =	vld [tilespmem:$0x1F530];
	_ =	sdelay $0x4  }
0x45b: {  	vm3 =	vlt.s32 v5, v62;
	v5 =	vsel vm4, $0x1, v21  }
0x45c: {  	v4 =	vadd.s32 v5, v4;
	v5 =	vld [tilespmem:$0x1F540];
	_ =	sdelay $0x4  }
0x45d: {  	vm4 =	vlt.s32 v5, v62;
	v5 =	vsel vm3, $0x1, v21  }
0x45e: {  	v4 =	vadd.s32 v5, v4;
	v5 =	vld [tilespmem:$0x1F550];
	_ =	sdelay $0x4  }
0x45f: {  	vm3 =	vlt.s32 v5, v62;
	v5 =	vsel vm4, $0x1, v21  }
0x460: {  	v4 =	vadd.s32 v5, v4;
	v5 =	vld [tilespmem:$0x1F560];
	_ =	sdelay $0x4  }
0x461: {  	vm4 =	vlt.s32 v5, v62;
	v5 =	vsel vm3, $0x1, v21  }
0x462: {  	v4 =	vadd.s32 v5, v4;
	v5 =	vld [tilespmem:$0x1F570];
	_ =	sdelay $0x4  }
0x463: {  	vm3 =	vlt.s32 v5, v62;
	v5 =	vsel vm4, $0x1, v21  }
0x464: {  	v4 =	vadd.s32 v5, v4;
	v5 =	vld [tilespmem:$0x1F580];
	_ =	sdelay $0x4  }
0x465: {  	vm4 =	vlt.s32 v5, v62;
	v5 =	vsel vm3, $0x1, v21  }
0x466: {  	v4 =	vadd.s32 v5, v4;
	v5 =	vld [tilespmem:$0x1F590];
	_ =	sdelay $0x4  }
0x467: {  	vm3 =	vlt.s32 v5, v62;
	v5 =	vsel vm4, $0x1, v21  }
0x468: {  	v4 =	vadd.s32 v5, v4;
	v5 =	vld [tilespmem:$0x1F5A0];
	_ =	sdelay $0x4  }
0x469: {  	vm4 =	vlt.s32 v5, v62;
	v5 =	vsel vm3, $0x1, v21  }
0x46a: {  	v4 =	vadd.s32 v5, v4;
	v5 =	vld [tilespmem:$0x1F5B0];
	_ =	sdelay $0x4  }
0x46b: {  	vm3 =	vlt.s32 v5, v62;
	v5 =	vsel vm4, $0x1, v21  }
0x46c: {  	v4 =	vadd.s32 v5, v4;
	v5 =	vld [tilespmem:$0x1F5C0];
	_ =	sdelay $0x4  }
0x46d: {  	vm4 =	vlt.s32 v5, v62;
	v5 =	vsel vm3, $0x1, v21  }
0x46e: {  	v4 =	vadd.s32 v5, v4;
	v5 =	vld [tilespmem:$0x1F5D0];
	_ =	sdelay $0x4  }
0x46f: {  	vm3 =	vlt.s32 v5, v62;
	v5 =	vsel vm4, $0x1, v21  }
0x470: {  	v4 =	vadd.s32 v5, v4;
	v5 =	vld [tilespmem:$0x1F5E0];
	_ =	sdelay $0x4  }
0x471: {  	vm4 =	vlt.s32 v5, v62;
	v5 =	vsel vm3, $0x1, v21  }
0x472: {  	v4 =	vadd.s32 v5, v4;
	v5 =	vld [tilespmem:$0x1F5F0];
	_ =	sdelay $0x4  }
0x473: {  	vm3 =	vlt.s32 v5, v62;
	v5 =	vsel vm4, $0x1, v21  }
0x474: {  	v4 =	vadd.s32 v5, v4;
	v5 =	vld [tilespmem:$0x1F600];
	_ =	sdelay $0x4  }
0x475: {  	vm4 =	vlt.s32 v5, v62;
	v5 =	vsel vm3, $0x1, v21  }
0x476: {  	v4 =	vadd.s32 v5, v4;
	v5 =	vld [tilespmem:$0x1F610];
	_ =	sdelay $0x4  }
0x477: {  	vm3 =	vlt.s32 v5, v62;
	v5 =	vsel vm4, $0x1, v21  }
0x478: {  	v4 =	vadd.s32 v5, v4;
	v5 =	vld [tilespmem:$0x1F620];
	_ =	sdelay $0x4  }
0x479: {  	vm4 =	vlt.s32 v5, v62;
	v5 =	vsel vm3, $0x1, v21  }
0x47a: {  	v4 =	vadd.s32 v5, v4;
	v5 =	vld [tilespmem:$0x1F630];
	_ =	sdelay $0x4  }
0x47b: {  	vm3 =	vlt.s32 v5, v62;
	v5 =	vsel vm4, $0x1, v21  }
0x47c: {  	v4 =	vadd.s32 v5, v4;
	v5 =	vld [tilespmem:$0x1F780];
	_ =	sdelay $0x4  }
0x47d: {  	vm4 =	vlt.s32 v5, v60;
	v5 =	vsel vm3, $0x1, v21  }
0x47e: {  	v4 =	vadd.s32 v5, v4;
	v5 =	vld [tilespmem:$0x1F8C0];
	_ =	sdelay $0x4  }
0x47f: {  	vm3 =	vlt.s32 v5, v8;
	v5 =	vsel vm4, $0x1, v21  }
0x480: {  	(xrf0) =	vadd.scan.msk.s32 $0xffff, v4;
	v4 =	vld [tilespmem:$0x1F8D0];
	v1 =	vadd.s32 v5, v1  }
0x481: {  	(xrf0) =	vadd.scan.msk.s32 $0xffff, v1;
	v1 =	vld [tilespmem:$0x1FA20];
	_ =	sdelay $0x3  }
0x482: {  	vm4 =	vlt.s32 v4, v8;
	v4 =	vsel vm3, $0x1, v21  }
0x483: {  	v4 =	vadd.s32 v4, v59;
	vm3 =	vlt.s32 v1, v9;
	v1 =	vsel vm4, $0x1, v21  }
0x484: {  	v1 =	vadd.s32 v1, v4;
	v4 =	vld [tilespmem:$0x1FB70];
	_ =	sdelay $0x4  }
0x485: {  	vm4 =	vlt.s32 v4, v10;
	v4 =	vsel vm3, $0x1, v21  }
0x486: {  	(xrf0) =	vadd.scan.msk.s32 $0xffff, v1;
	v1 =	vld [tilespmem:$0x1FCB0];
	v4 =	vadd.s32 v4, v58  }
0x487: {  	(xrf0) =	vadd.scan.msk.s32 $0xffff, v4;
	v4 =	vld [tilespmem:$0x1FCC0];
	_ =	sdelay $0x4  }
0x488: {  	vm3 =	vlt.s32 v1, v30;
	v1 =	vsel vm4, $0x1, v21;
	vm4 =	vlt.s32 v4, v30  }
0x489: {  	v5 =	vsel vm4, $0x1, v21  }
0x48a: {  	v4 =	vsel vm3, $0x1, v21  }
0x48b: {  	v4 =	vadd.s32 v4, v63  }
0x48c: {  	v63 =	vld [tilespmem:$0x1FF60];
	v4 =	vadd.s32 v5, v4;
	v5, _, _ =	vpop (xrf0)  }
0x48d: {  	(v2sf) =	vpush v5, $0xF;
	v5 =	vld [tilespmem:$0x1F140];
	_ =	sdelay $0x2  }
0x48e: {  	v1 =	vadd.s32 v1, v40  }
0x48f: {  	(xrf0) =	vadd.scan.msk.s32 $0xffff, v1;
	v1 =	vsel vm2, $0x1, v21;
	vm2 =	vlt.s32 v63, v32  }
0x490: {  	vm3 =	vlt.s32 v5, v13;
	v5 =	vsel vm2, $0x1, v21  }
0x491: {  	v1 =	vadd.s32 v1, v25;
	(xrf0) =	vadd.scan.msk.s32 $0xffff, v4;
	v5 =	vadd.s32 v5, v24  }
0x492: {  	v4, _, _ =	vpop (xrf0);
	(xrf0) =	vadd.scan.msk.s32 $0xffff, v1;
	v1 =	vld [tilespmem:$0x1EFF0]  }
0x493: {  	(v2sf) =	vpush v4, $0xF;
	v4 =	vld [tilespmem:$0x1F290]  }
0x494: {  	(xrf0) =	vadd.scan.msk.s32 $0xffff, v5;
	v5, _, _ =	vpop (xrf0)  }
0x495: {  	(v2sf) =	vpush v5, $0xF;
	v5 =	vld [tilespmem:$0x1F4E0];
	_ =	sdelay $0x1  }
0x496: {  	vm2 =	vlt.s32 v1, v12  }
0x497: {  	v1 =	vsel vm3, $0x1, v21;
	vm3 =	vlt.s32 v4, v14;
	v4 =	vsel vm2, $0x1, v21  }
0x498: {  	v4 =	vadd.s32 v4, v23  }
0x499: {  	(xrf0) =	vadd.scan.msk.s32 $0xffff, v5;
	v5, _, _ =	vpop (xrf0)  }
0x49a: {  	v1 =	vadd.s32 v1, v19;
	(v2sf) =	vpush v5, $0xF;
	v5 =	vld [tilespmem:$0x1F4C0];
	(xrf0) =	vadd.scan.msk.s32 $0xffff, v4  }
0x49b: {  	v4, _, _ =	vpop (xrf0);
	(xrf0) =	vadd.scan.msk.s32 $0xffff, v1;
	v1 =	vld [tilespmem:$0x1F4B0]  }
0x49c: {  	(v2sf) =	vpush v4, $0xF;
	v4 =	vld [tilespmem:$0x1F4D0];
	_ =	sdelay $0x2  }
0x49d: {  	vm2 =	vlt.s32 v5, v17;
	v5 =	vsel vm3, $0x1, v21  }
0x49e: {  	v5 =	vadd.s32 v5, v37;
	vm3 =	vlt.s32 v1, v16  }
0x49f: {  	v1 =	vsel vm2, $0x1, v21;
	vm2 =	vlt.s32 v4, v18;
	v4 =	vsel vm3, $0x1, v21  }
0x4a0: {  	v4 =	vadd.s32 v4, v36  }
0x4a1: {  	(xrf0) =	vadd.scan.msk.s32 $0xffff, v5;
	v1 =	vadd.s32 v1, v34;
	v5, _, _ =	vpop (xrf0)  }
0x4a2: {  	(xrf0) =	vadd.scan.msk.s32 $0xffff, v35;
	(v2sf) =	vpush v5, $0xF;
	v5, _, _ =	vpop (xrf0)  }
0x4a3: {  	vm3 =	vlt.s32 v22, v3;
	(xrf0) =	vadd.scan.msk.s32 $0xffff, v4;
	(v2sf) =	vpush v5, $0xF;
	v5 =	vsel vm2, $0x1, v21;
	v4, _, _ =	vpop (xrf0)  }
0x4a4: {  	(xrf0) =	vadd.scan.msk.s32 $0xffff, v1;
	v5 =	vadd.s32 v5, v33;
	(v2sf) =	vpush v4, $0xF;
	v4 =	vsel vm3, $0x1, v21;
	v1, _, _ =	vpop (xrf0)  }
0x4a5: {  	v4 =	vadd.s32 v4, v61;
	(v2sf) =	vpush v1, $0xF;
	(xrf0) =	vadd.scan.msk.s32 $0xffff, v5;
	v1, _, _ =	vpop (xrf0)  }
0x4a6: {  	(v2sf) =	vpush v1, $0xF;
	(xrf0) =	vadd.scan.msk.s32 $0xffff, v4;
	v1, _, _ =	vpop (xrf0)  }
0x4a7: {  	(v2sf) =	vpush v1, $0xF;
	v1, _, _ =	vpop (xrf0)  }
0x4a8: {  	(v2sf) =	vpush v1, $0xF;
	v1, _, _ =	vpop (xrf0)  }
0x4a9: {  	(v2sf) =	vpush v1, $0xF;
	v1, _, _ =	vpop (xrf0)  }
0x4aa: {  	(v2sf) =	vpush v1, $0xF;
	v1, _, _ =	vpop (xrf0)  }
0x4ab: {  	(v2sf) =	vpush v1, $0xF;
	v1, _, _ =	vpop (xrf0)  }
0x4ac: {  	s24 =	spop (v2sf);
	(v2sf) =	vpush v1, $0xF;
	v1, _, _ =	vpop (xrf0)  }
0x4ad: {  	s14 =	spop (v2sf);
	(v2sf) =	vpush v1, $0xF  }
0x4ae: {  	s15 =	spop (v2sf)  }
0x4af: {  	s17 =	spop (v2sf)  }
0x4b0: {  	s13 =	spop (v2sf)  }
0x4b1: {  	s12 =	spop (v2sf)  }
0x4b2: {  	s11 =	spop (v2sf)  }
0x4b3: {  	s10 =	spop (v2sf)  }
0x4b4: {  	s8 =	spop (v2sf)  }
0x4b5: {  	s0 =	spop (v2sf)  }
0x4b6: {  	s2 =	spop (v2sf)  }
0x4b7: {  	s30 =	spop (v2sf)  }
0x4b8: {  	s4 =	spop (v2sf)  }
0x4b9: {  	s6 =	spop (v2sf)  }
0x4ba: {  	s5 =	spop (v2sf)  }
0x4bb: {  	s28 =	spop (v2sf)  }
0x4bc: {  	s16 =	sadd.s32 s16, s24;
	s18 =	spop (v2sf)  }
0x4bd: {  	s19 =	sand.u32 $0xF, s16;
	s23 =	sadd.s32 s23, s18  }
0x4be: {  	p0 =	slt.s32 s16, $0x1;
	s25 =	sshra.s32 s16, $0x1F;
	s24 =	sadd.s32 $0xF, s23  }
0x4bf: {  	p1 =	sne.s32 s19, $0x0;
	s25 =	sshrl.u32 s25, $0x1C;
	s18 =	sand.u32 $0xF, s24  }
0x4c0: {  	s19 =	sshra.s32 s24, $0x1F;
	p6 =	slt.s32 s24, $0x1;
	p2 =	sne.s32 s18, $0x0  }
0x4c1: {  	p0 =	por !p0, !p1;
	s19 =	sshrl.u32 s19, $0x1C;
	p1 =	por !p6, !p2  }
0x4c2: {  	s19 =	sadd.s32 s19, s24;
	s24 =	simm.s32 $0x1;
	p1 =	por !p1, !p1  }
0x4c3: {  	p0 =	por !p0, !p0;
	s19 =	sshrl.u32 s19, $0x4;
	s24 =	simm.s32 @!p1 $0x0  }
0x4c4: {  	s18 =	sadd.s32 s25, s16;
	s25 =	simm.s32 $0x1;
	s19 =	ssub.s32 s19, s24  }
0x4c5: {  	s18 =	sshrl.u32 s18, $0x4;
	s25 =	simm.s32 @!p0 $0x0;
	s19 =	sshll.u32 s19, $0x4  }
0x4c6: {  	s18 =	ssub.s32 s18, s25;
	p0 =	slt.s32 s19, $0x61A800  }
0x4c7: {  	s24 =	sshll.u32 s18, $0x4;
	s19 =	simm.s32 @!p0 $0x61A800  }
0x4c8: {  	s18 =	ssub.s32 s19, s24  }
0x4c9: {  	s18 =	sadd.s32 $0x9C3F, s18  }
0x4ca: {  	s19 =	smulhi.u32 $0x68DB8BAD, s18;
	s18 =	sshra.s32 s18, $0x1F  }
0x4cb: {  	s25 =	smul.u32 $0x68DB8BAD, s18;
	_ =	sdelay $0x1  }
0x4cc: {  	s19 =	sadd.s32 s25, s19  }
0x4cd: {  	s25 =	sshrl.u32 s19, $0x1F;
	s19 =	sshra.s32 s19, $0xE  }
0x4ce: {  	s19 =	sadd.s32 s25, s19  }
0x4cf: {  	s25 =	sadd.s32 s18, s19  }
0x4d0: {  	p0 =	slt.s32 s25, $0x1  }
.Ltmp6:
0x4d1: {  	_ = 	snop;
	(pc) =	sbr.rel @p0 .LBB2_34-.Ltmp6, $1  }
0x4d2: {  	_ =	sdelay $0x3  }
0x4d3: {  	s18 =	rddreg [dreg:$0x6]  }
0x4d4: {  	s19 =	rddreg [dreg:$0x7]  }
0x4d5: {  	s14 =	sadd.s32 s18, s14;
	s15 =	sadd.s32 s19, s15;
	s19 =	rddreg [dreg:$0x8]  }
0x4d6: {  	vm2 =	vcmask $0x300;
	v1 =	vmov s14;
	v4 =	vmov s15;
	s15 =	rddreg [dreg:$0x9]  }
0x4d7: {  	s17 =	sadd.s32 s19, s17;
	s19 =	rddreg [dreg:$0xc];
	s13 =	sadd.s32 s15, s13;
	v1 =	vnsel vm2, $0x0, v1;
	vm2 =	vcmask $0x704  }
0x4d8: {  	v5 =	vmov s17;
	s17 =	rddreg [dreg:$0xa];
	s10 =	sadd.s32 s19, s10;
	s19 =	sadd.s32 s22, s30;
	v4 =	vnsel vm2, $0x0, v4;
	vm2 =	vcmask $0xB08  }
0x4d9: {  	s12 =	sadd.s32 s17, s12;
	v6 =	vmov s13;
	v61 =	vmov s19;
	v5 =	vnsel vm2, $0x0, v5  }
0x4da: {  	s18 =	rddreg [dreg:$0xb];
	v1 =	vadd.s32 v1, v4;
	vm2 =	vcmask $0xF0C;
	v59 =	vmov s12  }
0x4db: {  	s11 =	sadd.s32 s18, s11;
	v4 =	vnsel vm2, $0x0, v6;
	v1 =	vadd.s32 v5, v1;
	vm2 =	vcmask $0x1310  }
0x4dc: {  	p0 =	slt.s32 s24, $0x610BC0;
	s13 =	rddreg [dreg:$0xd];
	v5 =	vmov s11;
	v6 =	vnsel vm2, $0x0, v59;
	v1 =	vadd.s32 v4, v1  }
0x4dd: {  	s15 =	rddreg [dreg:$0xe];
	s12 =	smov.u32 s24;
	s8 =	sadd.s32 s13, s8;
	v4 =	vmov s10;
	v5 =	vnsel vm7, $0x0, v5;
	v1 =	vadd.s32 v6, v1  }
0x4de: {  	s2 =	sadd.s32 s21, s2;
	s0 =	sadd.s32 s15, s0;
	s12 =	simm.s32 @!p0 $0x610BC0;
	v60 =	vmov s8;
	v4 =	vnsel vm8, $0x0, v4;
	v1 =	vadd.s32 v5, v1  }
0x4df: {  	s20 =	sadd.s32 s20, s4;
	s21 =	rddreg [dreg:$0x11];
	s14 =	sshrl.u32 s12, $0x3;
	v6 =	vnsel vm9, $0x0, v60;
	v5 =	vmov s0;
	v1 =	vadd.s32 v4, v1  }
0x4e0: {  	s18 =	simm.s32 $0x0;
	p0 =	seq.s32 s25, $0x1;
	s17 =	sadd.s32 s1, s14;
	v4 =	vmov s2;
	v5 =	vnsel vm10, $0x0, v5;
	v1 =	vadd.s32 v6, v1  }
0x4e1: {  	vm2 =	vcmask $0x3B00;
	[tilespmem:s18], [sflag:$0x1] =	stream.linear.gather [hbm4b:s17+s18], $0x9C40, $0x38;
	v4 =	vnsel vm11, $0x0, v4;
	v1 =	vadd.s32 v5, v1;
	[tilespmem:$0x15D00] =	vst v63  }
0x4e2: {  	s4 =	sadd.s32 s21, s6;
	s22 =	rddreg [dreg:$0x10];
	s0 =	sadd.s32 @!p0 $0x9C40, s24;
	v6 =	vnsel vm12, $0x0, v61;
	v5 =	vmov s20;
	v1 =	vadd.s32 v4, v1  }
0x4e3: {  	s30 =	rddreg [dreg:$0xf];
	p1 =	slt.s32 @!p0 s0, $0x610BC0;
	s2 =	sadd.s32 s22, s5;
	v4 =	vmov s4;
	v5 =	vnsel vm13, $0x0, v5;
	v1 =	vadd.s32 v6, v1  }
0x4e4: {  	p1 =	por !p1, p0;
	v62 =	vmov s2;
	s4 =	sadd.s32 s30, s28;
	v4 =	vnsel vm14, $0x0, v4;
	v1 =	vadd.s32 v5, v1  }
.Ltmp7:
0x4e5: {  	s0 =	simm.s32 @p1 $0x610BC0;
	v63 =	vmov s4;
	v5 =	vnsel vm15, $0x0, v62;
	v1 =	vadd.s32 v4, v1;
	(pc) =	sbr.rel .LBB2_11-.Ltmp7, $4  }
0x4e6: {  	s0 =	sshrl.u32 @!p0 s0, $0x3;
	v6 =	vnsel vm1, $0x0, v63;
	v4 =	vmov s23;
	v1 =	vadd.s32 v5, v1  }
0x4e7: {  	s2 =	simm.s32 @!p0 $0x0;
	s0 =	sadd.s32 @!p0 s1, s0;
	s4 =	simm.s32 @!p0 $0x9C80;
	v4 =	vsel vm2, $0x0, v4;
	v1 =	vadd.s32 v6, v1  }
0x4e8: {  	[tilespmem:s4], [sflag:$0x2] =	stream.linear.gather @!p0 [hbm4b:s0+s2], $0x9C40, $0x38;
	v19 =	vadd.s32 v4, v1;
	[tilespmem:$0x15D00] =	vst v63  }
0x4e9: {  	s0 =	simm.s32 $0x0;
	v22 =	vxor.u32 $0x80000000, v19  }
.LBB2_33:
0x4ea: {  	s0 =	sadd.s32 $0x3, s0  }
0x4eb: {  	p0 =	sge.s32 s0, s25  }
0x4ec: {  	s0 =	smul.u32 @!p0 $0x9C40, s0;
	_ =	sdelay $0x1  }
0x4ed: {  	s0 =	sadd.s32 @!p0 s24, s0  }
0x4ee: {  	p1 =	slt.s32 @!p0 s0, $0x610BC0  }
0x4ef: {  	p1 =	por !p1, p0  }
0x4f0: {  	s0 =	simm.s32 @p1 $0x610BC0  }
0x4f1: {  	s0 =	sshrl.u32 @!p0 s0, $0x3  }
0x4f2: {  	s4 =	simm.s32 @!p0 $0x0;
	s5 =	simm.s32 @!p0 $0x9C80;
	s0 =	sadd.s32 @!p0 s1, s0  }
0x4f3: {  	[tilespmem:s5], [sflag:$0x2] =	stream.linear.gather @!p0 [hbm4b:s0+s4], $0x9C40, $0x38;
	[tilespmem:$0x15D00] =	vst v63  }
0x4f4: {  	p0 =	slt.s32 s2, s25  }
.Ltmp8:
0x4f5: {  	_ = 	snop;
	(pc) =	sbr.rel @!p0 .LBB2_34-.Ltmp8, $2  }
0x4f6: {  	_ =	sdelay $0x2  }
0x4f7: {  	s0 =	smov.u32 s2  }
.LBB2_11:
0x4f8: {  	s2 =	smul.u32 $0x9C40, s0;
	_ =	sdelay $0x1  }
0x4f9: {  	s2 =	sadd.s32 s24, s2  }
0x4fa: {  	s8 =	smov.u32 s23;
	s4 =	sadd.s32 $0x9C40, s2  }
0x4fb: {  	p1 =	sgt.s32 s16, s2;
	s10 =	smov.u32 s2;
	p0 =	slt.s32 s4, s23  }
0x4fc: {  	s10 =	smov.u32 @p1 s16;
	s8 =	smov.u32 @p0 s4  }
0x4fd: {  	p0 =	sge.s32 s10, s8  }
.Ltmp9:
0x4fe: {  	_ = 	snop;
	(pc) =	sbr.rel @p0 .LBB2_22-.Ltmp9, $4  }
0x4ff: {  	_ = 	snop  }
0x500: {  	_ =	swait.ge [sflag:s26], $0x9C40  }
0x501: {  	[sflag:s26] =	ssyncset.done $0x0  }
0x502: {  	[sflag:s26] =	ssyncadd.s32 $0xFFFF63C0  }
.Ltmp10:
0x503: {  	(pc) =	sbr.rel .LBB2_13-.Ltmp10, $3  }
0x504: {  	_ =	sdelay $0x1  }
0x505: {  	p0 =	slt.s32 s2, $0x610BC0  }
0x506: {  	s2 =	simm.s32 @!p0 $0x610BC0  }
.LBB2_21:
0x507: {  	p1 =	sge.s32 s13, s11  }
0x508: {  	p2 =	slt.s32 @!p1 s13, s14  }
0x509: {  	p1 =	por p2, p1  }
0x50a: {  	v1 =	vld @!p1 [tilespmem:s13+$0x0];
	_ =	sdelay $0x1  }
.Ltmp11:
0x50b: {  	v4 =	vlaneseq.u32 @!p1;
	(pc) =	sbr.rel @!p0 .LBB2_22-.Ltmp11, $4  }
0x50c: {  	v5 =	vmov s11;
	v4 =	vor.u32 @!p1 s13, v4  }
0x50d: {  	vm2 =	vlt.s32 @!p1 v4, v5  }
0x50e: {  	v1 =	vnsel @!p1 vm2, $0x0, v1  }
0x50f: {  	[tilespmem:s12+$0x15B80] =	vst.add.f32.msk @!p1 $0xffff, v1  }
.LBB2_13:
0x510: {  	vm2 =	vgt.s32 v19, s10  }
0x511: {  	v1 =	vnsel vm2, $0x8061A800, v22  }
0x512: {  	(xrf0) =	vmin.scan.msk.u32 $0xffff, v1  }
0x513: {  	vm2 =	vle.s32 v19, s10  }
0x514: {  	v1 =	vmpcnt.ones.xlane vm2;
	_ =	sdelay $0x3  }
0x515: {  	(v2sf) =	vpush v1, $0x0;
	v1, _, _ =	vpop (xrf0)  }
0x516: {  	(v2sf) =	vpush v1, $0xF;
	_ =	sdelay $0xb  }
0x517: {  	s6 =	ssub.s32 s10, s2  }
0x518: {  	p0 =	sne.s32 s10, s2;
	s11 =	simm.s32 $0x1;
	s13 =	sand.u32 $0xF, s10  }
0x519: {  	s12 =	sshra.s32 s6, $0x1F;
	s11 =	simm.s32 @!p0 $0x0;
	s4 =	spop (v2sf)  }
0x51a: {  	s10 =	smov.u32 s8;
	p2 =	sne.s32 s13, $0x0;
	s5 =	spop (v2sf)  }
0x51b: {  	s13 =	simm.s32 $0x1;
	s11 =	sor.u32 s11, s12;
	s5 =	sxor.u32 $0x80000000, s5  }
0x51c: {  	s12 =	sshrl.u32 s12, $0x1C;
	p1 =	sne.s32 s11, $0x1;
	p0 =	slt.s32 s5, s8  }
0x51d: {  	s20 =	sadd.s32 s12, s6;
	s12 =	simm.s32 $0x1;
	s10 =	smov.u32 @p0 s5  }
0x51e: {  	p1 =	por !p2, !p1;
	s11 =	ssub.s32 s10, s2;
	p2 =	sne.s32 s10, s2  }
0x51f: {  	p1 =	por !p1, !p1;
	s14 =	sshra.s32 s11, $0x1F;
	s13 =	simm.s32 @!p2 $0x0  }
0x520: {  	s12 =	simm.s32 @!p1 $0x0;
	s22 =	sand.u32 $0xF, s10;
	s21 =	sor.u32 s13, s14  }
0x521: {  	s5 =	sshrl.u32 s20, $0x4;
	p6 =	sne.s32 s22, $0x0;
	p5 =	sne.s32 s21, $0x1  }
0x522: {  	s5 =	ssub.s32 s5, s12;
	s28 =	sshrl.u32 s14, $0x1C;
	p1 =	por !p6, !p5  }
0x523: {  	s13 =	simm.s32 $0x1;
	s12 =	sadd.s32 s28, s11;
	p1 =	por !p1, !p1  }
0x524: {  	s12 =	sshrl.u32 s12, $0x4;
	s13 =	simm.s32 @!p1 $0x0  }
0x525: {  	s5 =	sshll.u32 s5, $0x4;
	s30 =	ssub.s32 s12, s13  }
0x526: {  	v1 =	vld [tilespmem:s5+$0x0];
	s14 =	sadd.s32 $0x10, s5;
	s13 =	sshll.u32 s30, $0x4  }
0x527: {  	p1 =	sge.s32 s14, s13  }
.Ltmp12:
0x528: {  	v4 =	vor.u32 s5, v0;
	(pc) =	sbr.rel @p1 .LBB2_21-.Ltmp12, $4  }
0x529: {  	vm2 =	vge.s32 v4, s6;
	vm3 =	vlt.s32 v4, s11  }
0x52a: {  	s4 =	sshll.u32 s4, $0x6;
	vm2 =	vmand vm2, vm3  }
0x52b: {  	v1 =	vnsel vm2, $0x0, v1;
	s12 =	sshra.s32 s4, $0x2  }
0x52c: {  	[tilespmem:s12+$0x15B80] =	vst.add.f32.msk $0xffff, v1  }
0x52d: {  	s18 =	sshra.s32 s14, $0x4;
	s4 =	sshra.s32 s13, $0x4  }
0x52e: {  	s5 =	ssub.s32 s4, s18  }
0x52f: {  	s6 =	sshrl.u32 s5, $0x1D  }
0x530: {  	s6 =	sadd.s32 s6, s5  }
0x531: {  	s6 =	sand.u32 $0xFFFFFFF8, s6  }
0x532: {  	p1 =	slt.s32 s6, $0x1  }
.Ltmp13:
0x533: {  	_ = 	snop;
	(pc) =	sbr.rel @p1 .LBB2_18-.Ltmp13, $2  }
0x534: {  	_ =	sdelay $0x2  }
0x535: {  	s15 =	sadd.s32 s18, s6  }
0x536: {  	s17 =	sshll.u32 s18, $0x6  }
0x537: {  	s17 =	sshra.s32 s17, $0x2  }
0x538: {  	s17 =	sadd.s32 $0x40, s17  }
0x539: {  	v4 =	vld [tilespmem:s17+$0xFFFFFFF0]  }
0x53a: {  	v5 =	vld [tilespmem:s17+$0x0]  }
0x53b: {  	v6 =	vld [tilespmem:s17+$0xFFFFFFC0]  }
0x53c: {  	v7 =	vld [tilespmem:s17+$0x30]  }
0x53d: {  	v1 =	vld [tilespmem:s17+$0xFFFFFFD0]  }
0x53e: {  	v8 =	vld [tilespmem:s17+$0x20]  }
0x53f: {  	v9 =	vld [tilespmem:s17+$0x10]  }
0x540: {  	v63 =	vld [tilespmem:s17+$0xFFFFFFE0]  }
0x541: {  	s18 =	sadd.s32 $0x8, s18;
	[tilespmem:s12+$0x15B80] =	vst.add.f32.msk $0xffff, v6  }
0x542: {  	p1 =	slt.s32 s18, s15;
	[tilespmem:s12+$0x15B80] =	vst.add.f32.msk $0xffff, v7  }
.Ltmp14:
0x543: {  	[tilespmem:s12+$0x15B80] =	vst.add.f32.msk $0xffff, v8;
	(pc) =	sbr.rel @!p1 .LBB2_17-.Ltmp14, $4  }
0x544: {  	[tilespmem:s12+$0x15B80] =	vst.add.f32.msk $0xffff, v9  }
0x545: {  	[tilespmem:s12+$0x15B80] =	vst.add.f32.msk $0xffff, v5  }
0x546: {  	[tilespmem:s12+$0x15B80] =	vst.add.f32.msk $0xffff, v4  }
0x547: {  	[tilespmem:s12+$0x15B80] =	vst.add.f32.msk $0xffff, v63  }
.LBB2_16:
0x548: {  	s18 =	sadd.s32 $0x8, s18;
	[tilespmem:s12+$0x15B80] =	vst.add.f32.msk $0xffff, v1;
	s17 =	sadd.s32 $0x80, s17  }
0x549: {  	v4 =	vld [tilespmem:s17+$0xFFFFFFF0];
	p1 =	slt.s32 s18, s15  }
0x54a: {  	v5 =	vld [tilespmem:s17+$0x0]  }
0x54b: {  	v6 =	vld [tilespmem:s17+$0xFFFFFFC0]  }
0x54c: {  	v7 =	vld [tilespmem:s17+$0x30]  }
0x54d: {  	v1 =	vld [tilespmem:s17+$0xFFFFFFD0]  }
0x54e: {  	v8 =	vld [tilespmem:s17+$0x20]  }
0x54f: {  	v9 =	vld [tilespmem:s17+$0x10]  }
0x550: {  	[tilespmem:s12+$0x15B80] =	vst.add.f32.msk $0xffff, v6  }
0x551: {  	[tilespmem:s12+$0x15B80] =	vst.add.f32.msk $0xffff, v7  }
0x552: {  	v6 =	vld [tilespmem:s17+$0xFFFFFFE0]  }
.Ltmp15:
0x553: {  	[tilespmem:s12+$0x15B80] =	vst.add.f32.msk $0xffff, v8;
	(pc) =	sbr.rel @p1 .LBB2_16-.Ltmp15, $4  }
0x554: {  	[tilespmem:s12+$0x15B80] =	vst.add.f32.msk $0xffff, v9  }
0x555: {  	[tilespmem:s12+$0x15B80] =	vst.add.f32.msk $0xffff, v5  }
0x556: {  	[tilespmem:s12+$0x15B80] =	vst.add.f32.msk $0xffff, v4  }
0x557: {  	[tilespmem:s12+$0x15B80] =	vst.add.f32.msk $0xffff, v6  }
.LBB2_17:
0x558: {  	[tilespmem:s12+$0x15B80] =	vst.add.f32.msk $0xffff, v1  }
.LBB2_18:
0x559: {  	p1 =	sge.s32 s15, s4  }
.Ltmp16:
0x55a: {  	_ = 	snop;
	(pc) =	sbr.rel @p1 .LBB2_21-.Ltmp16, $1  }
0x55b: {  	_ =	sdelay $0x3  }
0x55c: {  	s5 =	ssub.s32 s5, s6  }
0x55d: {  	s4 =	sshll.u32 s4, $0x6;
	s6 =	sshll.u32 s5, $0x6  }
0x55e: {  	s4 =	ssub.s32 s4, s6  }
0x55f: {  	s4 =	sshra.s32 s4, $0x2  }
.LBB2_20:
0x560: {  	v1 =	vld [tilespmem:s4+$0x0];
	p1 =	sne.s32 s5, $0x1  }
.Ltmp17:
0x561: {  	_ = 	snop;
	(pc) =	sbr.rel @p1 .LBB2_20-.Ltmp17, $2  }
0x562: {  	_ =	sdelay $0x2  }
0x563: {  	s4 =	sadd.s32 $0x10, s4;
	s5 =	sadd.s32 $0xFFFFFFFF, s5;
	[tilespmem:s12+$0x15B80] =	vst.add.f32.msk $0xffff, v1  }
.Ltmp18:
0x564: {  	_ = 	snop;
	(pc) =	sbr.rel .LBB2_21-.Ltmp18, $1  }
0x565: {  	_ =	sdelay $0x3  }
.LBB2_22:
0x566: {  	s2 =	sadd.s32 $0x2, s0  }
0x567: {  	p1 =	sge.s32 s2, s25  }
0x568: {  	s4 =	smul.u32 @!p1 $0x9C40, s2;
	_ =	sdelay $0x1  }
0x569: {  	s4 =	sadd.s32 @!p1 s24, s4  }
0x56a: {  	p0 =	slt.s32 @!p1 s4, $0x610BC0  }
0x56b: {  	p0 =	por !p0, p1  }
0x56c: {  	s5 =	sor.u32 $0x1, s0;
	s4 =	simm.s32 @p0 $0x610BC0  }
0x56d: {  	p0 =	sge.s32 s5, s25;
	s4 =	sshrl.u32 @!p1 s4, $0x3  }
0x56e: {  	s6 =	simm.s32 @!p1 $0x0;
	s5 =	smul.u32 @!p0 $0x9C40, s5;
	s4 =	sadd.s32 @!p1 s1, s4  }
0x56f: {  	[tilespmem:s6], [sflag:$0x1] =	stream.linear.gather @!p1 [hbm4b:s4+s6], $0x9C40, $0x38;
	[tilespmem:$0x15D00] =	vst v63  }
0x570: {  	s8 =	sadd.s32 @!p0 s24, s5  }
0x571: {  	s10 =	sadd.s32 @!p0 $0x9C40, s8  }
0x572: {  	p2 =	sgt.s32 @!p0 s16, s8;
	p1 =	slt.s32 @!p0 s10, s23  }
0x573: {  	s11 =	smov.u32 s16;
	p2 =	por !p2, p0;
	p1 =	por !p1, p0  }
0x574: {  	s11 =	smov.u32 @p2 s8;
	s10 =	smov.u32 @p1 s23  }
0x575: {  	p1 =	sge.s32 @!p0 s11, s10  }
0x576: {  	p1 =	por p0, p1  }
.Ltmp19:
0x577: {  	_ = 	snop;
	(pc) =	sbr.rel @p1 .LBB2_33-.Ltmp19, $4  }
0x578: {  	s4 =	simm.s32 @!p0 $0x2  }
0x579: {  	_ =	swait.ge @!p0 [sflag:s4], $0x9C40  }
0x57a: {  	[sflag:s4] =	ssyncset.done @!p0 $0x0  }
0x57b: {  	[sflag:s4] =	ssyncadd.s32 @!p0 $0xFFFF63C0  }
.Ltmp20:
0x57c: {  	(pc) =	sbr.rel .LBB2_24-.Ltmp20, $4  }
0x57d: {  	_ = 	snop  }
0x57e: {  	p1 =	slt.s32 @!p0 s8, $0x610BC0  }
0x57f: {  	p0 =	por !p1, p0  }
0x580: {  	s8 =	simm.s32 @p0 $0x610BC0  }
.LBB2_32:
0x581: {  	p1 =	sge.s32 s14, s12  }
0x582: {  	p2 =	slt.s32 @!p1 s14, s15  }
0x583: {  	p1 =	por p2, p1  }
0x584: {  	v1 =	vld @!p1 [tilespmem:s14+$0x9C80];
	_ =	sdelay $0x1  }
.Ltmp21:
0x585: {  	v4 =	vlaneseq.u32 @!p1;
	(pc) =	sbr.rel @!p0 .LBB2_33-.Ltmp21, $4  }
0x586: {  	v5 =	vmov s12;
	v4 =	vor.u32 @!p1 s14, v4  }
0x587: {  	vm2 =	vlt.s32 @!p1 v4, v5  }
0x588: {  	v1 =	vnsel @!p1 vm2, $0x0, v1  }
0x589: {  	[tilespmem:s13+$0x15B80] =	vst.add.f32.msk @!p1 $0xffff, v1  }
.LBB2_24:
0x58a: {  	vm2 =	vgt.s32 v19, s11  }
0x58b: {  	v1 =	vnsel vm2, $0x8061A800, v22  }
0x58c: {  	(xrf0) =	vmin.scan.msk.u32 $0xffff, v1  }
0x58d: {  	vm2 =	vle.s32 v19, s11  }
0x58e: {  	v1 =	vmpcnt.ones.xlane vm2;
	_ =	sdelay $0x3  }
0x58f: {  	(v2sf) =	vpush v1, $0x0;
	v1, _, _ =	vpop (xrf0)  }
0x590: {  	(v2sf) =	vpush v1, $0xF;
	_ =	sdelay $0xb  }
0x591: {  	s6 =	ssub.s32 s11, s8  }
0x592: {  	p0 =	sne.s32 s11, s8;
	s12 =	simm.s32 $0x1;
	s14 =	sand.u32 $0xF, s11  }
0x593: {  	s13 =	sshra.s32 s6, $0x1F;
	s12 =	simm.s32 @!p0 $0x0;
	s4 =	spop (v2sf)  }
0x594: {  	s11 =	smov.u32 s10;
	p2 =	sne.s32 s14, $0x0;
	s5 =	spop (v2sf)  }
0x595: {  	s14 =	simm.s32 $0x1;
	s12 =	sor.u32 s12, s13;
	s5 =	sxor.u32 $0x80000000, s5  }
0x596: {  	s13 =	sshrl.u32 s13, $0x1C;
	p1 =	sne.s32 s12, $0x1;
	p0 =	slt.s32 s5, s10  }
0x597: {  	s20 =	sadd.s32 s13, s6;
	s13 =	simm.s32 $0x1;
	s11 =	smov.u32 @p0 s5  }
0x598: {  	p1 =	por !p2, !p1;
	s12 =	ssub.s32 s11, s8;
	p2 =	sne.s32 s11, s8  }
0x599: {  	p1 =	por !p1, !p1;
	s15 =	sshra.s32 s12, $0x1F;
	s14 =	simm.s32 @!p2 $0x0  }
0x59a: {  	s13 =	simm.s32 @!p1 $0x0;
	s22 =	sand.u32 $0xF, s11;
	s21 =	sor.u32 s14, s15  }
0x59b: {  	s5 =	sshrl.u32 s20, $0x4;
	p6 =	sne.s32 s22, $0x0;
	p5 =	sne.s32 s21, $0x1  }
0x59c: {  	s5 =	ssub.s32 s5, s13;
	s28 =	sshrl.u32 s15, $0x1C;
	p1 =	por !p6, !p5  }
0x59d: {  	s14 =	simm.s32 $0x1;
	s13 =	sadd.s32 s28, s12;
	p1 =	por !p1, !p1  }
0x59e: {  	s13 =	sshrl.u32 s13, $0x4;
	s14 =	simm.s32 @!p1 $0x0  }
0x59f: {  	s5 =	sshll.u32 s5, $0x4;
	s30 =	ssub.s32 s13, s14  }
0x5a0: {  	v1 =	vld [tilespmem:s5+$0x9C80];
	s15 =	sadd.s32 $0x10, s5;
	s14 =	sshll.u32 s30, $0x4  }
0x5a1: {  	p1 =	sge.s32 s15, s14  }
.Ltmp22:
0x5a2: {  	v4 =	vor.u32 s5, v0;
	(pc) =	sbr.rel @p1 .LBB2_32-.Ltmp22, $4  }
0x5a3: {  	vm2 =	vge.s32 v4, s6;
	vm3 =	vlt.s32 v4, s12  }
0x5a4: {  	s4 =	sshll.u32 s4, $0x6;
	vm2 =	vmand vm2, vm3  }
0x5a5: {  	v1 =	vnsel vm2, $0x0, v1;
	s13 =	sshra.s32 s4, $0x2  }
0x5a6: {  	[tilespmem:s13+$0x15B80] =	vst.add.f32.msk $0xffff, v1  }
0x5a7: {  	s19 =	sshra.s32 s15, $0x4;
	s4 =	sshra.s32 s14, $0x4  }
0x5a8: {  	s5 =	ssub.s32 s4, s19  }
0x5a9: {  	s6 =	sshrl.u32 s5, $0x1D  }
0x5aa: {  	s6 =	sadd.s32 s6, s5  }
0x5ab: {  	s6 =	sand.u32 $0xFFFFFFF8, s6  }
0x5ac: {  	p1 =	slt.s32 s6, $0x1  }
.Ltmp23:
0x5ad: {  	_ = 	snop;
	(pc) =	sbr.rel @p1 .LBB2_29-.Ltmp23, $2  }
0x5ae: {  	_ =	sdelay $0x2  }
0x5af: {  	s17 =	sadd.s32 s19, s6  }
0x5b0: {  	s18 =	sshll.u32 s19, $0x6  }
0x5b1: {  	s18 =	sshra.s32 s18, $0x2  }
0x5b2: {  	s18 =	sadd.s32 $0x9CC0, s18  }
0x5b3: {  	v4 =	vld [tilespmem:s18+$0xFFFFFFF0]  }
0x5b4: {  	v5 =	vld [tilespmem:s18+$0x0]  }
0x5b5: {  	v6 =	vld [tilespmem:s18+$0xFFFFFFC0]  }
0x5b6: {  	v7 =	vld [tilespmem:s18+$0x30]  }
0x5b7: {  	v1 =	vld [tilespmem:s18+$0xFFFFFFD0]  }
0x5b8: {  	v8 =	vld [tilespmem:s18+$0x20]  }
0x5b9: {  	v9 =	vld [tilespmem:s18+$0x10]  }
0x5ba: {  	v63 =	vld [tilespmem:s18+$0xFFFFFFE0]  }
0x5bb: {  	s19 =	sadd.s32 $0x8, s19;
	[tilespmem:s13+$0x15B80] =	vst.add.f32.msk $0xffff, v6  }
0x5bc: {  	p1 =	slt.s32 s19, s17;
	[tilespmem:s13+$0x15B80] =	vst.add.f32.msk $0xffff, v7  }
.Ltmp24:
0x5bd: {  	[tilespmem:s13+$0x15B80] =	vst.add.f32.msk $0xffff, v8;
	(pc) =	sbr.rel @!p1 .LBB2_28-.Ltmp24, $4  }
0x5be: {  	[tilespmem:s13+$0x15B80] =	vst.add.f32.msk $0xffff, v9  }
0x5bf: {  	[tilespmem:s13+$0x15B80] =	vst.add.f32.msk $0xffff, v5  }
0x5c0: {  	[tilespmem:s13+$0x15B80] =	vst.add.f32.msk $0xffff, v4  }
0x5c1: {  	[tilespmem:s13+$0x15B80] =	vst.add.f32.msk $0xffff, v63  }
.LBB2_27:
0x5c2: {  	s19 =	sadd.s32 $0x8, s19;
	[tilespmem:s13+$0x15B80] =	vst.add.f32.msk $0xffff, v1;
	s18 =	sadd.s32 $0x80, s18  }
0x5c3: {  	v4 =	vld [tilespmem:s18+$0xFFFFFFF0];
	p1 =	slt.s32 s19, s17  }
0x5c4: {  	v5 =	vld [tilespmem:s18+$0x0]  }
0x5c5: {  	v6 =	vld [tilespmem:s18+$0xFFFFFFC0]  }
0x5c6: {  	v7 =	vld [tilespmem:s18+$0x30]  }
0x5c7: {  	v1 =	vld [tilespmem:s18+$0xFFFFFFD0]  }
0x5c8: {  	v8 =	vld [tilespmem:s18+$0x20]  }
0x5c9: {  	v9 =	vld [tilespmem:s18+$0x10]  }
0x5ca: {  	[tilespmem:s13+$0x15B80] =	vst.add.f32.msk $0xffff, v6  }
0x5cb: {  	[tilespmem:s13+$0x15B80] =	vst.add.f32.msk $0xffff, v7  }
0x5cc: {  	v6 =	vld [tilespmem:s18+$0xFFFFFFE0]  }
.Ltmp25:
0x5cd: {  	[tilespmem:s13+$0x15B80] =	vst.add.f32.msk $0xffff, v8;
	(pc) =	sbr.rel @p1 .LBB2_27-.Ltmp25, $4  }
0x5ce: {  	[tilespmem:s13+$0x15B80] =	vst.add.f32.msk $0xffff, v9  }
0x5cf: {  	[tilespmem:s13+$0x15B80] =	vst.add.f32.msk $0xffff, v5  }
0x5d0: {  	[tilespmem:s13+$0x15B80] =	vst.add.f32.msk $0xffff, v4  }
0x5d1: {  	[tilespmem:s13+$0x15B80] =	vst.add.f32.msk $0xffff, v6  }
.LBB2_28:
0x5d2: {  	[tilespmem:s13+$0x15B80] =	vst.add.f32.msk $0xffff, v1  }
.LBB2_29:
0x5d3: {  	p1 =	sge.s32 s17, s4  }
.Ltmp26:
0x5d4: {  	_ = 	snop;
	(pc) =	sbr.rel @p1 .LBB2_32-.Ltmp26, $1  }
0x5d5: {  	_ =	sdelay $0x3  }
0x5d6: {  	s5 =	ssub.s32 s5, s6  }
0x5d7: {  	s4 =	sshll.u32 s4, $0x6;
	s6 =	sshll.u32 s5, $0x6  }
0x5d8: {  	s4 =	ssub.s32 s4, s6  }
0x5d9: {  	s4 =	sshra.s32 s4, $0x2  }
0x5da: {  	s4 =	sadd.s32 $0x9C80, s4  }
.LBB2_31:
0x5db: {  	v1 =	vld [tilespmem:s4+$0x0];
	p1 =	sne.s32 s5, $0x1  }
.Ltmp27:
0x5dc: {  	_ = 	snop;
	(pc) =	sbr.rel @p1 .LBB2_31-.Ltmp27, $2  }
0x5dd: {  	_ =	sdelay $0x2  }
0x5de: {  	s4 =	sadd.s32 $0x10, s4;
	s5 =	sadd.s32 $0xFFFFFFFF, s5;
	[tilespmem:s13+$0x15B80] =	vst.add.f32.msk $0xffff, v1  }
.Ltmp28:
0x5df: {  	_ = 	snop;
	(pc) =	sbr.rel .LBB2_32-.Ltmp28, $1  }
0x5e0: {  	_ =	sdelay $0x3  }
.LBB2_35:
0x5e1: {  	_ =	sfence.sel $0x180000  }
0x5e2: {  	[bflag:$0x0] =	sbarrier.arrive $0xFFFF  }
0x5e3: {  	_ =	strace $0x90000047  }
0x5e4: {  	s0 =	stileid.u32;
	[bflag:$0x2] =	sbarrier.arrive $0xFFFF  }
0x5e5: {  	p0 =	sne.s32 s0, $0x0;
	s0 =	rddreg [dreg:$0x3]  }
0x5e6: {  	s0 =	sadd.s32 @!p0 $0x100000, s0  }
0x5e7: {  	[sflag:s0] =	ssyncadd.tile.s32 @!p0 $0x1;
	_ =	shalt  }
.Lfunc_end2:
_tile_overlayer_lowered:
.L_overlay_start_2:
0x5e8: {  	(tag) =	ssettag $0x2  }
0x5e9: {  	s0 =	rddreg [dreg:$0x0];
	s2 =	stileid.u32  }
0x5ea: {  	s1 =	rddreg [dreg:$0x1];
	p0 =	sne.s32 s2, $0x0  }
0x5eb: {  	s3 =	rddreg [dreg:$0x2];
	[bflag:$0x3] =	sbarrier.arrive $0xFFFF;
	s2 =	simm.s32 @!p0 $0x1C04  }
0x5ec: {  	[timem:s3], [sflag:s2] =	dma.local @!p0 [hbm:s0], s1  }
0x5ed: {  	s0 =	simm.s32 @!p0 $0x4  }
0x5ee: {  	_ =	swait.ge @!p0 [sflag:s0], s1  }
0x5ef: {  	s1 =	ssub.s32 @!p0 $0x0, s1;
	[sflag:s0] =	ssyncset.done @!p0 $0x0  }
0x5f0: {  	[sflag:s0] =	ssyncadd.s32 @!p0 s1  }
0x5f1: {  	[bflag:$0x3] =	sbarrier.arrive $0xFFFF  }
0x5f2: {  	_ =	shalt  }

</sc_bundles>
